<compile_context>
chip_gen: v7x
topology: tpu7x:2x2x1
jax: 0.10.2.dev20260603
libtpu: 0.0.44.dev20260713+nightly
codegen_flags: <defaults>
</compile_context>

<pallas_src>
import functools

import jax
import jax.numpy as jnp
from jax import lax
from jax.experimental import pallas as pl
from jax.experimental.pallas import tpu as pltpu
from jax.experimental.pallas import tpu_sc as plsc

EMBED = 32
TOKENS = 131072
BATCH = 8
FLAT = TOKENS * EMBED

NC = 2
NS = 16
NW = NC * NS
ELEMS_PER_W = FLAT // NW
CHUNK_ELEMS = 16384
HALF = CHUNK_ELEMS // 2
NCHUNK = ELEMS_PER_W // CHUNK_ELEMS
NITER = NCHUNK * BATCH
NTOK_BUF = 4
PREF = 2


def _body(tok_hbm, pos_hbm, out_hbm, *refs):
    pos_v = refs[0:2]
    tok_v = refs[2:2 + NTOK_BUF]
    sem_pos = refs[2 + NTOK_BUF:4 + NTOK_BUF]
    sem_in = refs[4 + NTOK_BUF:4 + 2 * NTOK_BUF]
    sem_out = refs[4 + 2 * NTOK_BUF:4 + 3 * NTOK_BUF]

    wid = lax.axis_index("s") * NC + lax.axis_index("c")
    wbase = wid * ELEMS_PER_W

    def pos_in(j):
        return [pltpu.async_copy(
            pos_hbm.at[pl.ds(wbase + j * CHUNK_ELEMS, CHUNK_ELEMS)],
            pos_v[j % 2], sem_pos[j % 2])]

    def tok_in(it):
        j, b = divmod(it, BATCH)
        off = b * FLAT + wbase + j * CHUNK_ELEMS
        p = it % NTOK_BUF
        return [pltpu.async_copy(
            tok_hbm.at[pl.ds(off, CHUNK_ELEMS)], tok_v[p], sem_in[p])]

    def tok_out(it):
        j, b = divmod(it, BATCH)
        off = b * FLAT + wbase + j * CHUNK_ELEMS
        p = it % NTOK_BUF
        return [pltpu.async_copy(
            tok_v[p], out_hbm.at[pl.ds(off, CHUNK_ELEMS)], sem_out[p])]

    def wait(descs):
        for d in descs:
            d.wait()

    pending_pos = pos_in(0)
    pending_in = {i: tok_in(i) for i in range(PREF)}
    pending_out = {}

    for it in range(NITER):
        j, b = divmod(it, BATCH)
        if b == 0:
            wait(pending_pos)
            if j + 1 < NCHUNK:
                pending_pos = pos_in(j + 1)
        nx = it + PREF
        if nx < NITER:
            if nx - NTOK_BUF in pending_out:
                wait(pending_out.pop(nx - NTOK_BUF))
            pending_in[nx] = tok_in(nx)
        wait(pending_in.pop(it))

        tok_buf = tok_v[it % NTOK_BUF]
        pos_buf = pos_v[j % 2]

        @plsc.parallel_loop(0, CHUNK_ELEMS, step=16, unroll=8)
        def _(i):
            plsc.addupdate(tok_buf.at[pl.ds(i, 16)], pos_buf[pl.ds(i, 16)])

        pending_out[it] = tok_out(it)

    for it in sorted(pending_out):
        wait(pending_out[it])


@functools.cache
def _posenc_sc():
    mesh = plsc.VectorSubcoreMesh(core_axis_name="c", subcore_axis_name="s")
    return pl.kernel(
        _body,
        out_type=jax.ShapeDtypeStruct((BATCH * FLAT,), jnp.float32),
        mesh=mesh,
        scratch_types=(
            [pltpu.VMEM((CHUNK_ELEMS,), jnp.float32) for _ in range(2)]
            + [pltpu.VMEM((CHUNK_ELEMS,), jnp.float32) for _ in range(NTOK_BUF)]
            + [pltpu.SemaphoreType.DMA for _ in range(2 + 2 * NTOK_BUF)]
        ),
    )


def _to_physical_tok(x):
    return (x.transpose(0, 2, 1)
             .reshape(BATCH, EMBED // 8, 8, TOKENS // 128, 128)
             .transpose(0, 1, 3, 2, 4)
             .reshape(BATCH * FLAT))


def _from_physical_tok(x):
    return (x.reshape(BATCH, EMBED // 8, TOKENS // 128, 8, 128)
             .transpose(0, 1, 3, 2, 4)
             .reshape(BATCH, EMBED, TOKENS)
             .transpose(0, 2, 1))


def _to_physical_pos(x):
    return (x.transpose(1, 0)
             .reshape(EMBED // 8, 8, TOKENS // 128, 128)
             .transpose(0, 2, 1, 3)
             .reshape(FLAT))


def kernel(encoded_tokens, position_embedding):
    tok_lin = _to_physical_tok(encoded_tokens)
    pos_lin = _to_physical_pos(position_embedding)
    out_lin = _posenc_sc()(tok_lin, pos_lin)
    return _from_physical_tok(out_lin)

# --- scband reference (transcript-rebuilt; emitter-appended) ---
"""Pipeline reference for scband-positional-encoder-38242388803627 (READ-ONLY COPY).

The authoritative reference and input builder live on the scoring server;
editing this copy changes nothing except your own understanding.
"""

import jax, jax.numpy as jnp
import numpy as np

EMBED_DIM = 32
NUM_TOKENS = 131072
BATCH = 8

def setup_inputs(seed: int = 0) -> dict:
    key = jax.random.key(seed)
    k1, k2 = jax.random.split(key)
    encoded_tokens = jax.random.normal(k1, (BATCH, NUM_TOKENS, EMBED_DIM), dtype=jnp.float32)
    # Keras Embedding default init: uniform(-0.05, 0.05)
    position_embedding = jax.random.uniform(k2, (NUM_TOKENS, EMBED_DIM), dtype=jnp.float32, minval=-0.05, maxval=0.05)
    return {"encoded_tokens": encoded_tokens, "position_embedding": position_embedding}

def reference(encoded_tokens, position_embedding):
    positions = jnp.arange(NUM_TOKENS)
    encoded_positions = jnp.take(position_embedding, positions, axis=0)  # [NUM_TOKENS, EMBED_DIM]
    return encoded_tokens + encoded_positions[None, :, :]

if __name__ == "__main__":
    import jax
    _d = setup_inputs()
    print(jax.jit(kernel)(*tuple(_d.values())))

</pallas_src>

<mosaic_0001>
#map = affine_map<(d0, d1) -> (0)>
module attributes {stable_mosaic.version = 14 : i64} {
  func.func @_body(%arg0: i32, %arg1: i32, %arg2: memref<33554432xf32, #tpu.memory_space<hbm>>, %arg3: memref<4194304xf32, #tpu.memory_space<hbm>>, %arg4: memref<33554432xf32, #tpu.memory_space<hbm>>, %arg5: memref<16384xf32, #tpu.memory_space<vmem>>, %arg6: memref<16384xf32, #tpu.memory_space<vmem>>, %arg7: memref<16384xf32, #tpu.memory_space<vmem>>, %arg8: memref<16384xf32, #tpu.memory_space<vmem>>, %arg9: memref<16384xf32, #tpu.memory_space<vmem>>, %arg10: memref<16384xf32, #tpu.memory_space<vmem>>, %arg11: memref<!tpu.dma_semaphore, #tpu.memory_space<semaphore_mem>>, %arg12: memref<!tpu.dma_semaphore, #tpu.memory_space<semaphore_mem>>, %arg13: memref<!tpu.dma_semaphore, #tpu.memory_space<semaphore_mem>>, %arg14: memref<!tpu.dma_semaphore, #tpu.memory_space<semaphore_mem>>, %arg15: memref<!tpu.dma_semaphore, #tpu.memory_space<semaphore_mem>>, %arg16: memref<!tpu.dma_semaphore, #tpu.memory_space<semaphore_mem>>, %arg17: memref<!tpu.dma_semaphore, #tpu.memory_space<semaphore_mem>>, %arg18: memref<!tpu.dma_semaphore, #tpu.memory_space<semaphore_mem>>, %arg19: memref<!tpu.dma_semaphore, #tpu.memory_space<semaphore_mem>>, %arg20: memref<!tpu.dma_semaphore, #tpu.memory_space<semaphore_mem>>) attributes {dimension_semantics = [#tpu.dimension_semantics<core_parallel>, #tpu.dimension_semantics<subcore_parallel>], iteration_bounds = array<i64: 2, 16>, scalar_prefetch = 0 : i64, scratch_operands = 16 : i64, tpu.core_type = #tpu.core_type<sc_vector_subcore>, window_params = [{transform_indices = #map}, {transform_indices = #map}, {transform_indices = #map}]} {
    %mul3A = arith.constant 2 : i32
    %mul3A_0 = arith.muli %arg1, %mul3A : i32
    %add3A = arith.addi %mul3A_0, %arg0 : i32
    %mul3A_1 = arith.constant 131072 : i32
    %mul3A_2 = arith.muli %add3A, %mul3A_1 : i32
    %add3A_3 = arith.constant 0 : i32
    %add3A_4 = arith.addi %mul3A_2, %add3A_3 : i32
    %dma_start3A = tpu.memref_slice %arg3[%add3A_4] : memref<4194304xf32, #tpu.memory_space<hbm>> -> memref<16384xf32, #tpu.memory_space<hbm>>
    %dma_start3A_5 = tpu.memref_slice %arg3[%add3A_4] : memref<4194304xf32, #tpu.memory_space<hbm>> -> memref<16384xf32, #tpu.memory_space<hbm>>
    tpu.enqueue_dma source(%dma_start3A_5 : memref<16384xf32, #tpu.memory_space<hbm>>) target(%arg5 : memref<16384xf32, #tpu.memory_space<vmem>>) target_semaphore(%arg11 : memref<!tpu.dma_semaphore, #tpu.memory_space<semaphore_mem>>)
    %add3A_6 = arith.constant 0 : i32
    %add3A_7 = arith.addi %add3A_6, %mul3A_2 : i32
    %add3A_8 = arith.constant 0 : i32
    %add3A_9 = arith.addi %add3A_7, %add3A_8 : i32
    %dma_start3A_10 = tpu.memref_slice %arg2[%add3A_9] : memref<33554432xf32, #tpu.memory_space<hbm>> -> memref<16384xf32, #tpu.memory_space<hbm>>
    %dma_start3A_11 = tpu.memref_slice %arg2[%add3A_9] : memref<33554432xf32, #tpu.memory_space<hbm>> -> memref<16384xf32, #tpu.memory_space<hbm>>
    tpu.enqueue_dma source(%dma_start3A_11 : memref<16384xf32, #tpu.memory_space<hbm>>) target(%arg7 : memref<16384xf32, #tpu.memory_space<vmem>>) target_semaphore(%arg13 : memref<!tpu.dma_semaphore, #tpu.memory_space<semaphore_mem>>)
    %add3A_12 = arith.constant 4194304 : i32
    %add3A_13 = arith.addi %add3A_12, %mul3A_2 : i32
    %add3A_14 = arith.constant 0 : i32
    %add3A_15 = arith.addi %add3A_13, %add3A_14 : i32
    %dma_start3A_16 = tpu.memref_slice %arg2[%add3A_15] : memref<33554432xf32, #tpu.memory_space<hbm>> -> memref<16384xf32, #tpu.memory_space<hbm>>
    %dma_start3A_17 = tpu.memref_slice %arg2[%add3A_15] : memref<33554432xf32, #tpu.memory_space<hbm>> -> memref<16384xf32, #tpu.memory_space<hbm>>
    tpu.enqueue_dma source(%dma_start3A_17 : memref<16384xf32, #tpu.memory_space<hbm>>) target(%arg8 : memref<16384xf32, #tpu.memory_space<vmem>>) target_semaphore(%arg14 : memref<!tpu.dma_semaphore, #tpu.memory_space<semaphore_mem>>)
    %dma_wait3A = tpu.memref_slice %arg3[%add3A_4] : memref<4194304xf32, #tpu.memory_space<hbm>> -> memref<16384xf32, #tpu.memory_space<hbm>>
    %dma_wait3A_18 = tpu.memref_slice %arg3[%add3A_4] : memref<4194304xf32, #tpu.memory_space<hbm>> -> memref<16384xf32, #tpu.memory_space<hbm>>
    tpu.wait_dma2 semaphore(%arg11 : memref<!tpu.dma_semaphore, #tpu.memory_space<semaphore_mem>>) src(%dma_wait3A_18 : memref<16384xf32, #tpu.memory_space<hbm>>) dst(%arg5 : memref<16384xf32, #tpu.memory_space<vmem>>)
    %add3A_19 = arith.constant 16384 : i32
    %add3A_20 = arith.addi %mul3A_2, %add3A_19 : i32
    %dma_start3A_21 = tpu.memref_slice %arg3[%add3A_20] : memref<4194304xf32, #tpu.memory_space<hbm>> -> memref<16384xf32, #tpu.memory_space<hbm>>
    %dma_start3A_22 = tpu.memref_slice %arg3[%add3A_20] : memref<4194304xf32, #tpu.memory_space<hbm>> -> memref<16384xf32, #tpu.memory_space<hbm>>
    tpu.enqueue_dma source(%dma_start3A_22 : memref<16384xf32, #tpu.memory_space<hbm>>) target(%arg6 : memref<16384xf32, #tpu.memory_space<vmem>>) target_semaphore(%arg12 : memref<!tpu.dma_semaphore, #tpu.memory_space<semaphore_mem>>)
    %add3A_23 = arith.constant 8388608 : i32
    %add3A_24 = arith.addi %add3A_23, %mul3A_2 : i32
    %add3A_25 = arith.constant 0 : i32
    %add3A_26 = arith.addi %add3A_24, %add3A_25 : i32
    %dma_start3A_27 = tpu.memref_slice %arg2[%add3A_26] : memref<33554432xf32, #tpu.memory_space<hbm>> -> memref<16384xf32, #tpu.memory_space<hbm>>
    %dma_start3A_28 = tpu.memref_slice %arg2[%add3A_26] : memref<33554432xf32, #tpu.memory_space<hbm>> -> memref<16384xf32, #tpu.memory_space<hbm>>
    tpu.enqueue_dma source(%dma_start3A_28 : memref<16384xf32, #tpu.memory_space<hbm>>) target(%arg9 : memref<16384xf32, #tpu.memory_space<vmem>>) target_semaphore(%arg15 : memref<!tpu.dma_semaphore, #tpu.memory_space<semaphore_mem>>)
    %dma_wait3A_29 = tpu.memref_slice %arg2[%add3A_9] : memref<33554432xf32, #tpu.memory_space<hbm>> -> memref<16384xf32, #tpu.memory_space<hbm>>
    %dma_wait3A_30 = tpu.memref_slice %arg2[%add3A_9] : memref<33554432xf32, #tpu.memory_space<hbm>> -> memref<16384xf32, #tpu.memory_space<hbm>>
    tpu.wait_dma2 semaphore(%arg13 : memref<!tpu.dma_semaphore, #tpu.memory_space<semaphore_mem>>) src(%dma_wait3A_30 : memref<16384xf32, #tpu.memory_space<hbm>>) dst(%arg7 : memref<16384xf32, #tpu.memory_space<vmem>>)
    %parallel_loop3A = arith.constant 0 : i32
    %parallel_loop3A_31 = arith.constant 16384 : i32
    %parallel_loop3A_32 = arith.constant 16 : i32
    scf.for %parallel_loop3A_1264 = %parallel_loop3A to %parallel_loop3A_31 step %parallel_loop3A_32  : i32 {
      %parallel_loop3A_1265 = arith.index_cast %parallel_loop3A_1264 : i32 to index
      %parallel_loop3A_1266 = tpu.vector_load %arg5[%parallel_loop3A_1265] {strides = array<i32>} : memref<16384xf32, #tpu.memory_space<vmem>>, vector<16xf32>,
      %parallel_loop3A_1267 = vector.shape_cast %parallel_loop3A_1266 : vector<16xf32> to vector<16xf32>
      %parallel_loop3A_1268 = arith.index_cast %parallel_loop3A_1264 : i32 to index
      %parallel_loop3A_1269 = tpu.vector_load %arg7[%parallel_loop3A_1268] {strides = array<i32>} : memref<16384xf32, #tpu.memory_space<vmem>>, vector<16xf32>,
      %parallel_loop3A_1270 = vector.shape_cast %parallel_loop3A_1269 : vector<16xf32> to vector<16xf32>
      %parallel_loop3A_1271 = vector.shape_cast %parallel_loop3A_1267 : vector<16xf32> to vector<16xf32>
      tpu.vector_store %arg7[%parallel_loop3A_1268], %parallel_loop3A_1271 {add = true, strides = array<i32>} : memref<16384xf32, #tpu.memory_space<vmem>>, vector<16xf32>,
    } {sc.loop_unroll_factor = 8 : i64, sc.parallel_access}
    %add3A_33 = arith.constant 0 : i32
    %add3A_34 = arith.addi %add3A_33, %mul3A_2 : i32
    %add3A_35 = arith.constant 0 : i32
    %add3A_36 = arith.addi %add3A_34, %add3A_35 : i32
    %dma_start3A_37 = tpu.memref_slice %arg4[%add3A_36] : memref<33554432xf32, #tpu.memory_space<hbm>> -> memref<16384xf32, #tpu.memory_space<hbm>>
    %dma_start3A_38 = tpu.memref_slice %arg4[%add3A_36] : memref<33554432xf32, #tpu.memory_space<hbm>> -> memref<16384xf32, #tpu.memory_space<hbm>>
    tpu.enqueue_dma source(%arg7 : memref<16384xf32, #tpu.memory_space<vmem>>) target(%dma_start3A_38 : memref<16384xf32, #tpu.memory_space<hbm>>) target_semaphore(%arg17 : memref<!tpu.dma_semaphore, #tpu.memory_space<semaphore_mem>>)
    %add3A_39 = arith.constant 12582912 : i32
    %add3A_40 = arith.addi %add3A_39, %mul3A_2 : i32
    %add3A_41 = arith.constant 0 : i32
    %add3A_42 = arith.addi %add3A_40, %add3A_41 : i32
    %dma_start3A_43 = tpu.memref_slice %arg2[%add3A_42] : memref<33554432xf32, #tpu.memory_space<hbm>> -> memref<16384xf32, #tpu.memory_space<hbm>>
    %dma_start3A_44 = tpu.memref_slice %arg2[%add3A_42] : memref<33554432xf32, #tpu.memory_space<hbm>> -> memref<16384xf32, #tpu.memory_space<hbm>>
    tpu.enqueue_dma source(%dma_start3A_44 : memref<16384xf32, #tpu.memory_space<hbm>>) target(%arg10 : memref<16384xf32, #tpu.memory_space<vmem>>) target_semaphore(%arg16 : memref<!tpu.dma_semaphore, #tpu.memory_space<semaphore_mem>>)
    %dma_wait3A_45 = tpu.memref_slice %arg2[%add3A_15] : memref<33554432xf32, #tpu.memory_space<hbm>> -> memref<16384xf32, #tpu.memory_space<hbm>>
    %dma_wait3A_46 = tpu.memref_slice %arg2[%add3A_15] : memref<33554432xf32, #tpu.memory_space<hbm>> -> memref<16384xf32, #tpu.memory_space<hbm>>
    tpu.wait_dma2 semaphore(%arg14 : memref<!tpu.dma_semaphore, #tpu.memory_space<semaphore_mem>>) src(%dma_wait3A_46 : memref<16384xf32, #tpu.memory_space<hbm>>) dst(%arg8 : memref<16384xf32, #tpu.memory_space<vmem>>)
    %parallel_loop3A_47 = arith.constant 0 : i32
    %parallel_loop3A_48 = arith.constant 16384 : i32
    %parallel_loop3A_49 = arith.constant 16 : i32
    scf.for %parallel_loop3A_1264 = %parallel_loop3A_47 to %parallel_loop3A_48 step %parallel_loop3A_49  : i32 {
      %parallel_loop3A_1265 = arith.index_cast %parallel_loop3A_1264 : i32 to index
      %parallel_loop3A_1266 = tpu.vector_load %arg5[%parallel_loop3A_1265] {strides = array<i32>} : memref<16384xf32, #tpu.memory_space<vmem>>, vector<16xf32>,
      %parallel_loop3A_1267 = vector.shape_cast %parallel_loop3A_1266 : vector<16xf32> to vector<16xf32>
      %parallel_loop3A_1268 = arith.index_cast %parallel_loop3A_1264 : i32 to index
      %parallel_loop3A_1269 = tpu.vector_load %arg8[%parallel_loop3A_1268] {strides = array<i32>} : memref<16384xf32, #tpu.memory_space<vmem>>, vector<16xf32>,
      %parallel_loop3A_1270 = vector.shape_cast %parallel_loop3A_1269 : vector<16xf32> to vector<16xf32>
      %parallel_loop3A_1271 = vector.shape_cast %parallel_loop3A_1267 : vector<16xf32> to vector<16xf32>
      tpu.vector_store %arg8[%parallel_loop3A_1268], %parallel_loop3A_1271 {add = true, strides = array<i32>} : memref<16384xf32, #tpu.memory_space<vmem>>, vector<16xf32>,
    } {sc.loop_unroll_factor = 8 : i64, sc.parallel_access}
    %add3A_50 = arith.constant 4194304 : i32
    %add3A_51 = arith.addi %add3A_50, %mul3A_2 : i32
    %add3A_52 = arith.constant 0 : i32
    %add3A_53 = arith.addi %add3A_51, %add3A_52 : i32
    %dma_start3A_54 = tpu.memref_slice %arg4[%add3A_53] : memref<33554432xf32, #tpu.memory_space<hbm>> -> memref<16384xf32, #tpu.memory_space<hbm>>
    %dma_start3A_55 = tpu.memref_slice %arg4[%add3A_53] : memref<33554432xf32, #tpu.memory_space<hbm>> -> memref<16384xf32, #tpu.memory_space<hbm>>
    tpu.enqueue_dma source(%arg8 : memref<16384xf32, #tpu.memory_space<vmem>>) target(%dma_start3A_55 : memref<16384xf32, #tpu.memory_space<hbm>>) target_semaphore(%arg18 : memref<!tpu.dma_semaphore, #tpu.memory_space<semaphore_mem>>)
    %dma_wait3A_56 = tpu.memref_slice %arg4[%add3A_36] : memref<33554432xf32, #tpu.memory_space<hbm>> -> memref<16384xf32, #tpu.memory_space<hbm>>
    %dma_wait3A_57 = tpu.memref_slice %arg4[%add3A_36] : memref<33554432xf32, #tpu.memory_space<hbm>> -> memref<16384xf32, #tpu.memory_space<hbm>>
    tpu.wait_dma2 semaphore(%arg17 : memref<!tpu.dma_semaphore, #tpu.memory_space<semaphore_mem>>) src(%arg7 : memref<16384xf32, #tpu.memory_space<vmem>>) dst(%dma_wait3A_57 : memref<16384xf32, #tpu.memory_space<hbm>>)
    %add3A_58 = arith.constant 16777216 : i32
    %add3A_59 = arith.addi %add3A_58, %mul3A_2 : i32
    %add3A_60 = arith.constant 0 : i32
    %add3A_61 = arith.addi %add3A_59, %add3A_60 : i32
    %dma_start3A_62 = tpu.memref_slice %arg2[%add3A_61] : memref<33554432xf32, #tpu.memory_space<hbm>> -> memref<16384xf32, #tpu.memory_space<hbm>>
    %dma_start3A_63 = tpu.memref_slice %arg2[%add3A_61] : memref<33554432xf32, #tpu.memory_space<hbm>> -> memref<16384xf32, #tpu.memory_space<hbm>>
    tpu.enqueue_dma source(%dma_start3A_63 : memref<16384xf32, #tpu.memory_space<hbm>>) target(%arg7 : memref<16384xf32, #tpu.memory_space<vmem>>) target_semaphore(%arg13 : memref<!tpu.dma_semaphore, #tpu.memory_space<semaphore_mem>>)
    %dma_wait3A_64 = tpu.memref_slice %arg2[%add3A_26] : memref<33554432xf32, #tpu.memory_space<hbm>> -> memref<16384xf32, #tpu.memory_space<hbm>>
    %dma_wait3A_65 = tpu.memref_slice %arg2[%add3A_26] : memref<33554432xf32, #tpu.memory_space<hbm>> -> memref<16384xf32, #tpu.memory_space<hbm>>
    tpu.wait_dma2 semaphore(%arg15 : memref<!tpu.dma_semaphore, #tpu.memory_space<semaphore_mem>>) src(%dma_wait3A_65 : memref<16384xf32, #tpu.memory_space<hbm>>) dst(%arg9 : memref<16384xf32, #tpu.memory_space<vmem>>)
    %parallel_loop3A_66 = arith.constant 0 : i32
    %parallel_loop3A_67 = arith.constant 16384 : i32
    %parallel_loop3A_68 = arith.constant 16 : i32
    scf.for %parallel_loop3A_1264 = %parallel_loop3A_66 to %parallel_loop3A_67 step %parallel_loop3A_68  : i32 {
      %parallel_loop3A_1265 = arith.index_cast %parallel_loop3A_1264 : i32 to index
      %parallel_loop3A_1266 = tpu.vector_load %arg5[%parallel_loop3A_1265] {strides = array<i32>} : memref<16384xf32, #tpu.memory_space<vmem>>, vector<16xf32>,
      %parallel_loop3A_1267 = vector.shape_cast %parallel_loop3A_1266 : vector<16xf32> to vector<16xf32>
      %parallel_loop3A_1268 = arith.index_cast %parallel_loop3A_1264 : i32 to index
      %parallel_loop3A_1269 = tpu.vector_load %arg9[%parallel_loop3A_1268] {strides = array<i32>} : memref<16384xf32, #tpu.memory_space<vmem>>, vector<16xf32>,
      %parallel_loop3A_1270 = vector.shape_cast %parallel_loop3A_1269 : vector<16xf32> to vector<16xf32>
      %parallel_loop3A_1271 = vector.shape_cast %parallel_loop3A_1267 : vector<16xf32> to vector<16xf32>
      tpu.vector_store %arg9[%parallel_loop3A_1268], %parallel_loop3A_1271 {add = true, strides = array<i32>} : memref<16384xf32, #tpu.memory_space<vmem>>, vector<16xf32>,
    } {sc.loop_unroll_factor = 8 : i64, sc.parallel_access}
    %add3A_69 = arith.constant 8388608 : i32
    %add3A_70 = arith.addi %add3A_69, %mul3A_2 : i32
    %add3A_71 = arith.constant 0 : i32
    %add3A_72 = arith.addi %add3A_70, %add3A_71 : i32
    %dma_start3A_73 = tpu.memref_slice %arg4[%add3A_72] : memref<33554432xf32, #tpu.memory_space<hbm>> -> memref<16384xf32, #tpu.memory_space<hbm>>
    %dma_start3A_74 = tpu.memref_slice %arg4[%add3A_72] : memref<33554432xf32, #tpu.memory_space<hbm>> -> memref<16384xf32, #tpu.memory_space<hbm>>
    tpu.enqueue_dma source(%arg9 : memref<16384xf32, #tpu.memory_space<vmem>>) target(%dma_start3A_74 : memref<16384xf32, #tpu.memory_space<hbm>>) target_semaphore(%arg19 : memref<!tpu.dma_semaphore, #tpu.memory_space<semaphore_mem>>)
    %dma_wait3A_75 = tpu.memref_slice %arg4[%add3A_53] : memref<33554432xf32, #tpu.memory_space<hbm>> -> memref<16384xf32, #tpu.memory_space<hbm>>
    %dma_wait3A_76 = tpu.memref_slice %arg4[%add3A_53] : memref<33554432xf32, #tpu.memory_space<hbm>> -> memref<16384xf32, #tpu.memory_space<hbm>>
    tpu.wait_dma2 semaphore(%arg18 : memref<!tpu.dma_semaphore, #tpu.memory_space<semaphore_mem>>) src(%arg8 : memref<16384xf32, #tpu.memory_space<vmem>>) dst(%dma_wait3A_76 : memref<16384xf32, #tpu.memory_space<hbm>>)
    %add3A_77 = arith.constant 20971520 : i32
    %add3A_78 = arith.addi %add3A_77, %mul3A_2 : i32
    %add3A_79 = arith.constant 0 : i32
    %add3A_80 = arith.addi %add3A_78, %add3A_79 : i32
    %dma_start3A_81 = tpu.memref_slice %arg2[%add3A_80] : memref<33554432xf32, #tpu.memory_space<hbm>> -> memref<16384xf32, #tpu.memory_space<hbm>>
    %dma_start3A_82 = tpu.memref_slice %arg2[%add3A_80] : memref<33554432xf32, #tpu.memory_space<hbm>> -> memref<16384xf32, #tpu.memory_space<hbm>>
    tpu.enqueue_dma source(%dma_start3A_82 : memref<16384xf32, #tpu.memory_space<hbm>>) target(%arg8 : memref<16384xf32, #tpu.memory_space<vmem>>) target_semaphore(%arg14 : memref<!tpu.dma_semaphore, #tpu.memory_space<semaphore_mem>>)
    %dma_wait3A_83 = tpu.memref_slice %arg2[%add3A_42] : memref<33554432xf32, #tpu.memory_space<hbm>> -> memref<16384xf32, #tpu.memory_space<hbm>>
    %dma_wait3A_84 = tpu.memref_slice %arg2[%add3A_42] : memref<33554432xf32, #tpu.memory_space<hbm>> -> memref<16384xf32, #tpu.memory_space<hbm>>
    tpu.wait_dma2 semaphore(%arg16 : memref<!tpu.dma_semaphore, #tpu.memory_space<semaphore_mem>>) src(%dma_wait3A_84 : memref<16384xf32, #tpu.memory_space<hbm>>) dst(%arg10 : memref<16384xf32, #tpu.memory_space<vmem>>)
    %parallel_loop3A_85 = arith.constant 0 : i32
    %parallel_loop3A_86 = arith.constant 16384 : i32
    %parallel_loop3A_87 = arith.constant 16 : i32
    scf.for %parallel_loop3A_1264 = %parallel_loop3A_85 to %parallel_loop3A_86 step %parallel_loop3A_87  : i32 {
      %parallel_loop3A_1265 = arith.index_cast %parallel_loop3A_1264 : i32 to index
      %parallel_loop3A_1266 = tpu.vector_load %arg5[%parallel_loop3A_1265] {strides = array<i32>} : memref<16384xf32, #tpu.memory_space<vmem>>, vector<16xf32>,
      %parallel_loop3A_1267 = vector.shape_cast %parallel_loop3A_1266 : vector<16xf32> to vector<16xf32>
      %parallel_loop3A_1268 = arith.index_cast %parallel_loop3A_1264 : i32 to index
      %parallel_loop3A_1269 = tpu.vector_load %arg10[%parallel_loop3A_1268] {strides = array<i32>} : memref<16384xf32, #tpu.memory_space<vmem>>, vector<16xf32>,
      %parallel_loop3A_1270 = vector.shape_cast %parallel_loop3A_1269 : vector<16xf32> to vector<16xf32>
      %parallel_loop3A_1271 = vector.shape_cast %parallel_loop3A_1267 : vector<16xf32> to vector<16xf32>
      tpu.vector_store %arg10[%parallel_loop3A_1268], %parallel_loop3A_1271 {add = true, strides = array<i32>} : memref<16384xf32, #tpu.memory_space<vmem>>, vector<16xf32>,
    } {sc.loop_unroll_factor = 8 : i64, sc.parallel_access}
    %add3A_88 = arith.constant 12582912 : i32
    %add3A_89 = arith.addi %add3A_88, %mul3A_2 : i32
    %add3A_90 = arith.constant 0 : i32
    %add3A_91 = arith.addi %add3A_89, %add3A_90 : i32
    %dma_start3A_92 = tpu.memref_slice %arg4[%add3A_91] : memref<33554432xf32, #tpu.memory_space<hbm>> -> memref<16384xf32, #tpu.memory_space<hbm>>
    %dma_start3A_93 = tpu.memref_slice %arg4[%add3A_91] : memref<33554432xf32, #tpu.memory_space<hbm>> -> memref<16384xf32, #tpu.memory_space<hbm>>
    tpu.enqueue_dma source(%arg10 : memref<16384xf32, #tpu.memory_space<vmem>>) target(%dma_start3A_93 : memref<16384xf32, #tpu.memory_space<hbm>>) target_semaphore(%arg20 : memref<!tpu.dma_semaphore, #tpu.memory_space<semaphore_mem>>)
    %dma_wait3A_94 = tpu.memref_slice %arg4[%add3A_72] : memref<33554432xf32, #tpu.memory_space<hbm>> -> memref<16384xf32, #tpu.memory_space<hbm>>
    %dma_wait3A_95 = tpu.memref_slice %arg4[%add3A_72] : memref<33554432xf32, #tpu.memory_space<hbm>> -> memref<16384xf32, #tpu.memory_space<hbm>>
    tpu.wait_dma2 semaphore(%arg19 : memref<!tpu.dma_semaphore, #tpu.memory_space<semaphore_mem>>) src(%arg9 : memref<16384xf32, #tpu.memory_space<vmem>>) dst(%dma_wait3A_95 : memref<16384xf32, #tpu.memory_space<hbm>>)
    %add3A_96 = arith.constant 25165824 : i32
    %add3A_97 = arith.addi %add3A_96, %mul3A_2 : i32
    %add3A_98 = arith.constant 0 : i32
    %add3A_99 = arith.addi %add3A_97, %add3A_98 : i32
    %dma_start3A_100 = tpu.memref_slice %arg2[%add3A_99] : memref<33554432xf32, #tpu.memory_space<hbm>> -> memref<16384xf32, #tpu.memory_space<hbm>>
    %dma_start3A_101 = tpu.memref_slice %arg2[%add3A_99] : memref<33554432xf32, #tpu.memory_space<hbm>> -> memref<16384xf32, #tpu.memory_space<hbm>>
    tpu.enqueue_dma source(%dma_start3A_101 : memref<16384xf32, #tpu.memory_space<hbm>>) target(%arg9 : memref<16384xf32, #tpu.memory_space<vmem>>) target_semaphore(%arg15 : memref<!tpu.dma_semaphore, #tpu.memory_space<semaphore_mem>>)
    %dma_wait3A_102 = tpu.memref_slice %arg2[%add3A_61] : memref<33554432xf32, #tpu.memory_space<hbm>> -> memref<16384xf32, #tpu.memory_space<hbm>>
    %dma_wait3A_103 = tpu.memref_slice %arg2[%add3A_61] : memref<33554432xf32, #tpu.memory_space<hbm>> -> memref<16384xf32, #tpu.memory_space<hbm>>
    tpu.wait_dma2 semaphore(%arg13 : memref<!tpu.dma_semaphore, #tpu.memory_space<semaphore_mem>>) src(%dma_wait3A_103 : memref<16384xf32, #tpu.memory_space<hbm>>) dst(%arg7 : memref<16384xf32, #tpu.memory_space<vmem>>)
    %parallel_loop3A_104 = arith.constant 0 : i32
    %parallel_loop3A_105 = arith.constant 16384 : i32
    %parallel_loop3A_106 = arith.constant 16 : i32
    scf.for %parallel_loop3A_1264 = %parallel_loop3A_104 to %parallel_loop3A_105 step %parallel_loop3A_106  : i32 {
      %parallel_loop3A_1265 = arith.index_cast %parallel_loop3A_1264 : i32 to index
      %parallel_loop3A_1266 = tpu.vector_load %arg5[%parallel_loop3A_1265] {strides = array<i32>} : memref<16384xf32, #tpu.memory_space<vmem>>, vector<16xf32>,
      %parallel_loop3A_1267 = vector.shape_cast %parallel_loop3A_1266 : vector<16xf32> to vector<16xf32>
      %parallel_loop3A_1268 = arith.index_cast %parallel_loop3A_1264 : i32 to index
      %parallel_loop3A_1269 = tpu.vector_load %arg7[%parallel_loop3A_1268] {strides = array<i32>} : memref<16384xf32, #tpu.memory_space<vmem>>, vector<16xf32>,
      %parallel_loop3A_1270 = vector.shape_cast %parallel_loop3A_1269 : vector<16xf32> to vector<16xf32>
      %parallel_loop3A_1271 = vector.shape_cast %parallel_loop3A_1267 : vector<16xf32> to vector<16xf32>
      tpu.vector_store %arg7[%parallel_loop3A_1268], %parallel_loop3A_1271 {add = true, strides = array<i32>} : memref<16384xf32, #tpu.memory_space<vmem>>, vector<16xf32>,
    } {sc.loop_unroll_factor = 8 : i64, sc.parallel_access}
    %add3A_107 = arith.constant 16777216 : i32
    %add3A_108 = arith.addi %add3A_107, %mul3A_2 : i32
    %add3A_109 = arith.constant 0 : i32
    %add3A_110 = arith.addi %add3A_108, %add3A_109 : i32
    %dma_start3A_111 = tpu.memref_slice %arg4[%add3A_110] : memref<33554432xf32, #tpu.memory_space<hbm>> -> memref<16384xf32, #tpu.memory_space<hbm>>
    %dma_start3A_112 = tpu.memref_slice %arg4[%add3A_110] : memref<33554432xf32, #tpu.memory_space<hbm>> -> memref<16384xf32, #tpu.memory_space<hbm>>
    tpu.enqueue_dma source(%arg7 : memref<16384xf32, #tpu.memory_space<vmem>>) target(%dma_start3A_112 : memref<16384xf32, #tpu.memory_space<hbm>>) target_semaphore(%arg17 : memref<!tpu.dma_semaphore, #tpu.memory_space<semaphore_mem>>)
    %dma_wait3A_113 = tpu.memref_slice %arg4[%add3A_91] : memref<33554432xf32, #tpu.memory_space<hbm>> -> memref<16384xf32, #tpu.memory_space<hbm>>
    %dma_wait3A_114 = tpu.memref_slice %arg4[%add3A_91] : memref<33554432xf32, #tpu.memory_space<hbm>> -> memref<16384xf32, #tpu.memory_space<hbm>>
    tpu.wait_dma2 semaphore(%arg20 : memref<!tpu.dma_semaphore, #tpu.memory_space<semaphore_mem>>) src(%arg10 : memref<16384xf32, #tpu.memory_space<vmem>>) dst(%dma_wait3A_114 : memref<16384xf32, #tpu.memory_space<hbm>>)
    %add3A_115 = arith.constant 29360128 : i32
    %add3A_116 = arith.addi %add3A_115, %mul3A_2 : i32
    %add3A_117 = arith.constant 0 : i32
    %add3A_118 = arith.addi %add3A_116, %add3A_117 : i32
    %dma_start3A_119 = tpu.memref_slice %arg2[%add3A_118] : memref<33554432xf32, #tpu.memory_space<hbm>> -> memref<16384xf32, #tpu.memory_space<hbm>>
    %dma_start3A_120 = tpu.memref_slice %arg2[%add3A_118] : memref<33554432xf32, #tpu.memory_space<hbm>> -> memref<16384xf32, #tpu.memory_space<hbm>>
    tpu.enqueue_dma source(%dma_start3A_120 : memref<16384xf32, #tpu.memory_space<hbm>>) target(%arg10 : memref<16384xf32, #tpu.memory_space<vmem>>) target_semaphore(%arg16 : memref<!tpu.dma_semaphore, #tpu.memory_space<semaphore_mem>>)
    %dma_wait3A_121 = tpu.memref_slice %arg2[%add3A_80] : memref<33554432xf32, #tpu.memory_space<hbm>> -> memref<16384xf32, #tpu.memory_space<hbm>>
    %dma_wait3A_122 = tpu.memref_slice %arg2[%add3A_80] : memref<33554432xf32, #tpu.memory_space<hbm>> -> memref<16384xf32, #tpu.memory_space<hbm>>
    tpu.wait_dma2 semaphore(%arg14 : memref<!tpu.dma_semaphore, #tpu.memory_space<semaphore_mem>>) src(%dma_wait3A_122 : memref<16384xf32, #tpu.memory_space<hbm>>) dst(%arg8 : memref<16384xf32, #tpu.memory_space<vmem>>)
    %parallel_loop3A_123 = arith.constant 0 : i32
    %parallel_loop3A_124 = arith.constant 16384 : i32
    %parallel_loop3A_125 = arith.constant 16 : i32
    scf.for %parallel_loop3A_1264 = %parallel_loop3A_123 to %parallel_loop3A_124 step %parallel_loop3A_125  : i32 {
      %parallel_loop3A_1265 = arith.index_cast %parallel_loop3A_1264 : i32 to index
      %parallel_loop3A_1266 = tpu.vector_load %arg5[%parallel_loop3A_1265] {strides = array<i32>} : memref<16384xf32, #tpu.memory_space<vmem>>, vector<16xf32>,
      %parallel_loop3A_1267 = vector.shape_cast %parallel_loop3A_1266 : vector<16xf32> to vector<16xf32>
      %parallel_loop3A_1268 = arith.index_cast %parallel_loop3A_1264 : i32 to index
      %parallel_loop3A_1269 = tpu.vector_load %arg8[%parallel_loop3A_1268] {strides = array<i32>} : memref<16384xf32, #tpu.memory_space<vmem>>, vector<16xf32>,
      %parallel_loop3A_1270 = vector.shape_cast %parallel_loop3A_1269 : vector<16xf32> to vector<16xf32>
      %parallel_loop3A_1271 = vector.shape_cast %parallel_loop3A_1267 : vector<16xf32> to vector<16xf32>
      tpu.vector_store %arg8[%parallel_loop3A_1268], %parallel_loop3A_1271 {add = true, strides = array<i32>} : memref<16384xf32, #tpu.memory_space<vmem>>, vector<16xf32>,
    } {sc.loop_unroll_factor = 8 : i64, sc.parallel_access}
    %add3A_126 = arith.constant 20971520 : i32
    %add3A_127 = arith.addi %add3A_126, %mul3A_2 : i32
    %add3A_128 = arith.constant 0 : i32
    %add3A_129 = arith.addi %add3A_127, %add3A_128 : i32
    %dma_start3A_130 = tpu.memref_slice %arg4[%add3A_129] : memref<33554432xf32, #tpu.memory_space<hbm>> -> memref<16384xf32, #tpu.memory_space<hbm>>
    %dma_start3A_131 = tpu.memref_slice %arg4[%add3A_129] : memref<33554432xf32, #tpu.memory_space<hbm>> -> memref<16384xf32, #tpu.memory_space<hbm>>
    tpu.enqueue_dma source(%arg8 : memref<16384xf32, #tpu.memory_space<vmem>>) target(%dma_start3A_131 : memref<16384xf32, #tpu.memory_space<hbm>>) target_semaphore(%arg18 : memref<!tpu.dma_semaphore, #tpu.memory_space<semaphore_mem>>)
    %dma_wait3A_132 = tpu.memref_slice %arg4[%add3A_110] : memref<33554432xf32, #tpu.memory_space<hbm>> -> memref<16384xf32, #tpu.memory_space<hbm>>
    %dma_wait3A_133 = tpu.memref_slice %arg4[%add3A_110] : memref<33554432xf32, #tpu.memory_space<hbm>> -> memref<16384xf32, #tpu.memory_space<hbm>>
    tpu.wait_dma2 semaphore(%arg17 : memref<!tpu.dma_semaphore, #tpu.memory_space<semaphore_mem>>) src(%arg7 : memref<16384xf32, #tpu.memory_space<vmem>>) dst(%dma_wait3A_133 : memref<16384xf32, #tpu.memory_space<hbm>>)
    %add3A_134 = arith.constant 0 : i32
    %add3A_135 = arith.addi %add3A_134, %mul3A_2 : i32
    %add3A_136 = arith.constant 16384 : i32
    %add3A_137 = arith.addi %add3A_135, %add3A_136 : i32
    %dma_start3A_138 = tpu.memref_slice %arg2[%add3A_137] : memref<33554432xf32, #tpu.memory_space<hbm>> -> memref<16384xf32, #tpu.memory_space<hbm>>
    %dma_start3A_139 = tpu.memref_slice %arg2[%add3A_137] : memref<33554432xf32, #tpu.memory_space<hbm>> -> memref<16384xf32, #tpu.memory_space<hbm>>
    tpu.enqueue_dma source(%dma_start3A_139 : memref<16384xf32, #tpu.memory_space<hbm>>) target(%arg7 : memref<16384xf32, #tpu.memory_space<vmem>>) target_semaphore(%arg13 : memref<!tpu.dma_semaphore, #tpu.memory_space<semaphore_mem>>)
    %dma_wait3A_140 = tpu.memref_slice %arg2[%add3A_99] : memref<33554432xf32, #tpu.memory_space<hbm>> -> memref<16384xf32, #tpu.memory_space<hbm>>
    %dma_wait3A_141 = tpu.memref_slice %arg2[%add3A_99] : memref<33554432xf32, #tpu.memory_space<hbm>> -> memref<16384xf32, #tpu.memory_space<hbm>>
    tpu.wait_dma2 semaphore(%arg15 : memref<!tpu.dma_semaphore, #tpu.memory_space<semaphore_mem>>) src(%dma_wait3A_141 : memref<16384xf32, #tpu.memory_space<hbm>>) dst(%arg9 : memref<16384xf32, #tpu.memory_space<vmem>>)
    %parallel_loop3A_142 = arith.constant 0 : i32
    %parallel_loop3A_143 = arith.constant 16384 : i32
    %parallel_loop3A_144 = arith.constant 16 : i32
    scf.for %parallel_loop3A_1264 = %parallel_loop3A_142 to %parallel_loop3A_143 step %parallel_loop3A_144  : i32 {
      %parallel_loop3A_1265 = arith.index_cast %parallel_loop3A_1264 : i32 to index
      %parallel_loop3A_1266 = tpu.vector_load %arg5[%parallel_loop3A_1265] {strides = array<i32>} : memref<16384xf32, #tpu.memory_space<vmem>>, vector<16xf32>,
      %parallel_loop3A_1267 = vector.shape_cast %parallel_loop3A_1266 : vector<16xf32> to vector<16xf32>
      %parallel_loop3A_1268 = arith.index_cast %parallel_loop3A_1264 : i32 to index
      %parallel_loop3A_1269 = tpu.vector_load %arg9[%parallel_loop3A_1268] {strides = array<i32>} : memref<16384xf32, #tpu.memory_space<vmem>>, vector<16xf32>,
      %parallel_loop3A_1270 = vector.shape_cast %parallel_loop3A_1269 : vector<16xf32> to vector<16xf32>
      %parallel_loop3A_1271 = vector.shape_cast %parallel_loop3A_1267 : vector<16xf32> to vector<16xf32>
      tpu.vector_store %arg9[%parallel_loop3A_1268], %parallel_loop3A_1271 {add = true, strides = array<i32>} : memref<16384xf32, #tpu.memory_space<vmem>>, vector<16xf32>,
    } {sc.loop_unroll_factor = 8 : i64, sc.parallel_access}
    %add3A_145 = arith.constant 25165824 : i32
    %add3A_146 = arith.addi %add3A_145, %mul3A_2 : i32
    %add3A_147 = arith.constant 0 : i32
    %add3A_148 = arith.addi %add3A_146, %add3A_147 : i32
    %dma_start3A_149 = tpu.memref_slice %arg4[%add3A_148] : memref<33554432xf32, #tpu.memory_space<hbm>> -> memref<16384xf32, #tpu.memory_space<hbm>>
    %dma_start3A_150 = tpu.memref_slice %arg4[%add3A_148] : memref<33554432xf32, #tpu.memory_space<hbm>> -> memref<16384xf32, #tpu.memory_space<hbm>>
    tpu.enqueue_dma source(%arg9 : memref<16384xf32, #tpu.memory_space<vmem>>) target(%dma_start3A_150 : memref<16384xf32, #tpu.memory_space<hbm>>) target_semaphore(%arg19 : memref<!tpu.dma_semaphore, #tpu.memory_space<semaphore_mem>>)
    %dma_wait3A_151 = tpu.memref_slice %arg4[%add3A_129] : memref<33554432xf32, #tpu.memory_space<hbm>> -> memref<16384xf32, #tpu.memory_space<hbm>>
    %dma_wait3A_152 = tpu.memref_slice %arg4[%add3A_129] : memref<33554432xf32, #tpu.memory_space<hbm>> -> memref<16384xf32, #tpu.memory_space<hbm>>
    tpu.wait_dma2 semaphore(%arg18 : memref<!tpu.dma_semaphore, #tpu.memory_space<semaphore_mem>>) src(%arg8 : memref<16384xf32, #tpu.memory_space<vmem>>) dst(%dma_wait3A_152 : memref<16384xf32, #tpu.memory_space<hbm>>)
    %add3A_153 = arith.constant 4194304 : i32
    %add3A_154 = arith.addi %add3A_153, %mul3A_2 : i32
    %add3A_155 = arith.constant 16384 : i32
    %add3A_156 = arith.addi %add3A_154, %add3A_155 : i32
    %dma_start3A_157 = tpu.memref_slice %arg2[%add3A_156] : memref<33554432xf32, #tpu.memory_space<hbm>> -> memref<16384xf32, #tpu.memory_space<hbm>>
    %dma_start3A_158 = tpu.memref_slice %arg2[%add3A_156] : memref<33554432xf32, #tpu.memory_space<hbm>> -> memref<16384xf32, #tpu.memory_space<hbm>>
    tpu.enqueue_dma source(%dma_start3A_158 : memref<16384xf32, #tpu.memory_space<hbm>>) target(%arg8 : memref<16384xf32, #tpu.memory_space<vmem>>) target_semaphore(%arg14 : memref<!tpu.dma_semaphore, #tpu.memory_space<semaphore_mem>>)
    %dma_wait3A_159 = tpu.memref_slice %arg2[%add3A_118] : memref<33554432xf32, #tpu.memory_space<hbm>> -> memref<16384xf32, #tpu.memory_space<hbm>>
    %dma_wait3A_160 = tpu.memref_slice %arg2[%add3A_118] : memref<33554432xf32, #tpu.memory_space<hbm>> -> memref<16384xf32, #tpu.memory_space<hbm>>
    tpu.wait_dma2 semaphore(%arg16 : memref<!tpu.dma_semaphore, #tpu.memory_space<semaphore_mem>>) src(%dma_wait3A_160 : memref<16384xf32, #tpu.memory_space<hbm>>) dst(%arg10 : memref<16384xf32, #tpu.memory_space<vmem>>)
    %parallel_loop3A_161 = arith.constant 0 : i32
    %parallel_loop3A_162 = arith.constant 16384 : i32
    %parallel_loop3A_163 = arith.constant 16 : i32
    scf.for %parallel_loop3A_1264 = %parallel_loop3A_161 to %parallel_loop3A_162 step %parallel_loop3A_163  : i32 {
      %parallel_loop3A_1265 = arith.index_cast %parallel_loop3A_1264 : i32 to index
      %parallel_loop3A_1266 = tpu.vector_load %arg5[%parallel_loop3A_1265] {strides = array<i32>} : memref<16384xf32, #tpu.memory_space<vmem>>, vector<16xf32>,
      %parallel_loop3A_1267 = vector.shape_cast %parallel_loop3A_1266 : vector<16xf32> to vector<16xf32>
      %parallel_loop3A_1268 = arith.index_cast %parallel_loop3A_1264 : i32 to index
      %parallel_loop3A_1269 = tpu.vector_load %arg10[%parallel_loop3A_1268] {strides = array<i32>} : memref<16384xf32, #tpu.memory_space<vmem>>, vector<16xf32>,
      %parallel_loop3A_1270 = vector.shape_cast %parallel_loop3A_1269 : vector<16xf32> to vector<16xf32>
      %parallel_loop3A_1271 = vector.shape_cast %parallel_loop3A_1267 : vector<16xf32> to vector<16xf32>
      tpu.vector_store %arg10[%parallel_loop3A_1268], %parallel_loop3A_1271 {add = true, strides = array<i32>} : memref<16384xf32, #tpu.memory_space<vmem>>, vector<16xf32>,
    } {sc.loop_unroll_factor = 8 : i64, sc.parallel_access}
    %add3A_164 = arith.constant 29360128 : i32
    %add3A_165 = arith.addi %add3A_164, %mul3A_2 : i32
    %add3A_166 = arith.constant 0 : i32
    %add3A_167 = arith.addi %add3A_165, %add3A_166 : i32
    %dma_start3A_168 = tpu.memref_slice %arg4[%add3A_167] : memref<33554432xf32, #tpu.memory_space<hbm>> -> memref<16384xf32, #tpu.memory_space<hbm>>
    %dma_start3A_169 = tpu.memref_slice %arg4[%add3A_167] : memref<33554432xf32, #tpu.memory_space<hbm>> -> memref<16384xf32, #tpu.memory_space<hbm>>
    tpu.enqueue_dma source(%arg10 : memref<16384xf32, #tpu.memory_space<vmem>>) target(%dma_start3A_169 : memref<16384xf32, #tpu.memory_space<hbm>>) target_semaphore(%arg20 : memref<!tpu.dma_semaphore, #tpu.memory_space<semaphore_mem>>)
    %dma_wait3A_170 = tpu.memref_slice %arg3[%add3A_20] : memref<4194304xf32, #tpu.memory_space<hbm>> -> memref<16384xf32, #tpu.memory_space<hbm>>
    %dma_wait3A_171 = tpu.memref_slice %arg3[%add3A_20] : memref<4194304xf32, #tpu.memory_space<hbm>> -> memref<16384xf32, #tpu.memory_space<hbm>>
    tpu.wait_dma2 semaphore(%arg12 : memref<!tpu.dma_semaphore, #tpu.memory_space<semaphore_mem>>) src(%dma_wait3A_171 : memref<16384xf32, #tpu.memory_space<hbm>>) dst(%arg6 : memref<16384xf32, #tpu.memory_space<vmem>>)
    %add3A_172 = arith.constant 32768 : i32
    %add3A_173 = arith.addi %mul3A_2, %add3A_172 : i32
    %dma_start3A_174 = tpu.memref_slice %arg3[%add3A_173] : memref<4194304xf32, #tpu.memory_space<hbm>> -> memref<16384xf32, #tpu.memory_space<hbm>>
    %dma_start3A_175 = tpu.memref_slice %arg3[%add3A_173] : memref<4194304xf32, #tpu.memory_space<hbm>> -> memref<16384xf32, #tpu.memory_space<hbm>>
    tpu.enqueue_dma source(%dma_start3A_175 : memref<16384xf32, #tpu.memory_space<hbm>>) target(%arg5 : memref<16384xf32, #tpu.memory_space<vmem>>) target_semaphore(%arg11 : memref<!tpu.dma_semaphore, #tpu.memory_space<semaphore_mem>>)
    %dma_wait3A_176 = tpu.memref_slice %arg4[%add3A_148] : memref<33554432xf32, #tpu.memory_space<hbm>> -> memref<16384xf32, #tpu.memory_space<hbm>>
    %dma_wait3A_177 = tpu.memref_slice %arg4[%add3A_148] : memref<33554432xf32, #tpu.memory_space<hbm>> -> memref<16384xf32, #tpu.memory_space<hbm>>
    tpu.wait_dma2 semaphore(%arg19 : memref<!tpu.dma_semaphore, #tpu.memory_space<semaphore_mem>>) src(%arg9 : memref<16384xf32, #tpu.memory_space<vmem>>) dst(%dma_wait3A_177 : memref<16384xf32, #tpu.memory_space<hbm>>)
    %add3A_178 = arith.constant 8388608 : i32
    %add3A_179 = arith.addi %add3A_178, %mul3A_2 : i32
    %add3A_180 = arith.constant 16384 : i32
    %add3A_181 = arith.addi %add3A_179, %add3A_180 : i32
    %dma_start3A_182 = tpu.memref_slice %arg2[%add3A_181] : memref<33554432xf32, #tpu.memory_space<hbm>> -> memref<16384xf32, #tpu.memory_space<hbm>>
    %dma_start3A_183 = tpu.memref_slice %arg2[%add3A_181] : memref<33554432xf32, #tpu.memory_space<hbm>> -> memref<16384xf32, #tpu.memory_space<hbm>>
    tpu.enqueue_dma source(%dma_start3A_183 : memref<16384xf32, #tpu.memory_space<hbm>>) target(%arg9 : memref<16384xf32, #tpu.memory_space<vmem>>) target_semaphore(%arg15 : memref<!tpu.dma_semaphore, #tpu.memory_space<semaphore_mem>>)
    %dma_wait3A_184 = tpu.memref_slice %arg2[%add3A_137] : memref<33554432xf32, #tpu.memory_space<hbm>> -> memref<16384xf32, #tpu.memory_space<hbm>>
    %dma_wait3A_185 = tpu.memref_slice %arg2[%add3A_137] : memref<33554432xf32, #tpu.memory_space<hbm>> -> memref<16384xf32, #tpu.memory_space<hbm>>
    tpu.wait_dma2 semaphore(%arg13 : memref<!tpu.dma_semaphore, #tpu.memory_space<semaphore_mem>>) src(%dma_wait3A_185 : memref<16384xf32, #tpu.memory_space<hbm>>) dst(%arg7 : memref<16384xf32, #tpu.memory_space<vmem>>)
    %parallel_loop3A_186 = arith.constant 0 : i32
    %parallel_loop3A_187 = arith.constant 16384 : i32
    %parallel_loop3A_188 = arith.constant 16 : i32
    scf.for %parallel_loop3A_1264 = %parallel_loop3A_186 to %parallel_loop3A_187 step %parallel_loop3A_188  : i32 {
      %parallel_loop3A_1265 = arith.index_cast %parallel_loop3A_1264 : i32 to index
      %parallel_loop3A_1266 = tpu.vector_load %arg6[%parallel_loop3A_1265] {strides = array<i32>} : memref<16384xf32, #tpu.memory_space<vmem>>, vector<16xf32>,
      %parallel_loop3A_1267 = vector.shape_cast %parallel_loop3A_1266 : vector<16xf32> to vector<16xf32>
      %parallel_loop3A_1268 = arith.index_cast %parallel_loop3A_1264 : i32 to index
      %parallel_loop3A_1269 = tpu.vector_load %arg7[%parallel_loop3A_1268] {strides = array<i32>} : memref<16384xf32, #tpu.memory_space<vmem>>, vector<16xf32>,
      %parallel_loop3A_1270 = vector.shape_cast %parallel_loop3A_1269 : vector<16xf32> to vector<16xf32>
      %parallel_loop3A_1271 = vector.shape_cast %parallel_loop3A_1267 : vector<16xf32> to vector<16xf32>
      tpu.vector_store %arg7[%parallel_loop3A_1268], %parallel_loop3A_1271 {add = true, strides = array<i32>} : memref<16384xf32, #tpu.memory_space<vmem>>, vector<16xf32>,
    } {sc.loop_unroll_factor = 8 : i64, sc.parallel_access}
    %add3A_189 = arith.constant 0 : i32
    %add3A_190 = arith.addi %add3A_189, %mul3A_2 : i32
    %add3A_191 = arith.constant 16384 : i32
    %add3A_192 = arith.addi %add3A_190, %add3A_191 : i32
    %dma_start3A_193 = tpu.memref_slice %arg4[%add3A_192] : memref<33554432xf32, #tpu.memory_space<hbm>> -> memref<16384xf32, #tpu.memory_space<hbm>>
    %dma_start3A_194 = tpu.memref_slice %arg4[%add3A_192] : memref<33554432xf32, #tpu.memory_space<hbm>> -> memref<16384xf32, #tpu.memory_space<hbm>>
    tpu.enqueue_dma source(%arg7 : memref<16384xf32, #tpu.memory_space<vmem>>) target(%dma_start3A_194 : memref<16384xf32, #tpu.memory_space<hbm>>) target_semaphore(%arg17 : memref<!tpu.dma_semaphore, #tpu.memory_space<semaphore_mem>>)
    %dma_wait3A_195 = tpu.memref_slice %arg4[%add3A_167] : memref<33554432xf32, #tpu.memory_space<hbm>> -> memref<16384xf32, #tpu.memory_space<hbm>>
    %dma_wait3A_196 = tpu.memref_slice %arg4[%add3A_167] : memref<33554432xf32, #tpu.memory_space<hbm>> -> memref<16384xf32, #tpu.memory_space<hbm>>
    tpu.wait_dma2 semaphore(%arg20 : memref<!tpu.dma_semaphore, #tpu.memory_space<semaphore_mem>>) src(%arg10 : memref<16384xf32, #tpu.memory_space<vmem>>) dst(%dma_wait3A_196 : memref<16384xf32, #tpu.memory_space<hbm>>)
    %add3A_197 = arith.constant 12582912 : i32
    %add3A_198 = arith.addi %add3A_197, %mul3A_2 : i32
    %add3A_199 = arith.constant 16384 : i32
    %add3A_200 = arith.addi %add3A_198, %add3A_199 : i32
    %dma_start3A_201 = tpu.memref_slice %arg2[%add3A_200] : memref<33554432xf32, #tpu.memory_space<hbm>> -> memref<16384xf32, #tpu.memory_space<hbm>>
    %dma_start3A_202 = tpu.memref_slice %arg2[%add3A_200] : memref<33554432xf32, #tpu.memory_space<hbm>> -> memref<16384xf32, #tpu.memory_space<hbm>>
    tpu.enqueue_dma source(%dma_start3A_202 : memref<16384xf32, #tpu.memory_space<hbm>>) target(%arg10 : memref<16384xf32, #tpu.memory_space<vmem>>) target_semaphore(%arg16 : memref<!tpu.dma_semaphore, #tpu.memory_space<semaphore_mem>>)
    %dma_wait3A_203 = tpu.memref_slice %arg2[%add3A_156] : memref<33554432xf32, #tpu.memory_space<hbm>> -> memref<16384xf32, #tpu.memory_space<hbm>>
    %dma_wait3A_204 = tpu.memref_slice %arg2[%add3A_156] : memref<33554432xf32, #tpu.memory_space<hbm>> -> memref<16384xf32, #tpu.memory_space<hbm>>
    tpu.wait_dma2 semaphore(%arg14 : memref<!tpu.dma_semaphore, #tpu.memory_space<semaphore_mem>>) src(%dma_wait3A_204 : memref<16384xf32, #tpu.memory_space<hbm>>) dst(%arg8 : memref<16384xf32, #tpu.memory_space<vmem>>)
    %parallel_loop3A_205 = arith.constant 0 : i32
    %parallel_loop3A_206 = arith.constant 16384 : i32
    %parallel_loop3A_207 = arith.constant 16 : i32
    scf.for %parallel_loop3A_1264 = %parallel_loop3A_205 to %parallel_loop3A_206 step %parallel_loop3A_207  : i32 {
      %parallel_loop3A_1265 = arith.index_cast %parallel_loop3A_1264 : i32 to index
      %parallel_loop3A_1266 = tpu.vector_load %arg6[%parallel_loop3A_1265] {strides = array<i32>} : memref<16384xf32, #tpu.memory_space<vmem>>, vector<16xf32>,
      %parallel_loop3A_1267 = vector.shape_cast %parallel_loop3A_1266 : vector<16xf32> to vector<16xf32>
      %parallel_loop3A_1268 = arith.index_cast %parallel_loop3A_1264 : i32 to index
      %parallel_loop3A_1269 = tpu.vector_load %arg8[%parallel_loop3A_1268] {strides = array<i32>} : memref<16384xf32, #tpu.memory_space<vmem>>, vector<16xf32>,
      %parallel_loop3A_1270 = vector.shape_cast %parallel_loop3A_1269 : vector<16xf32> to vector<16xf32>
      %parallel_loop3A_1271 = vector.shape_cast %parallel_loop3A_1267 : vector<16xf32> to vector<16xf32>
      tpu.vector_store %arg8[%parallel_loop3A_1268], %parallel_loop3A_1271 {add = true, strides = array<i32>} : memref<16384xf32, #tpu.memory_space<vmem>>, vector<16xf32>,
    } {sc.loop_unroll_factor = 8 : i64, sc.parallel_access}
    %add3A_208 = arith.constant 4194304 : i32
    %add3A_209 = arith.addi %add3A_208, %mul3A_2 : i32
    %add3A_210 = arith.constant 16384 : i32
    %add3A_211 = arith.addi %add3A_209, %add3A_210 : i32
    %dma_start3A_212 = tpu.memref_slice %arg4[%add3A_211] : memref<33554432xf32, #tpu.memory_space<hbm>> -> memref<16384xf32, #tpu.memory_space<hbm>>
    %dma_start3A_213 = tpu.memref_slice %arg4[%add3A_211] : memref<33554432xf32, #tpu.memory_space<hbm>> -> memref<16384xf32, #tpu.memory_space<hbm>>
    tpu.enqueue_dma source(%arg8 : memref<16384xf32, #tpu.memory_space<vmem>>) target(%dma_start3A_213 : memref<16384xf32, #tpu.memory_space<hbm>>) target_semaphore(%arg18 : memref<!tpu.dma_semaphore, #tpu.memory_space<semaphore_mem>>)
    %dma_wait3A_214 = tpu.memref_slice %arg4[%add3A_192] : memref<33554432xf32, #tpu.memory_space<hbm>> -> memref<16384xf32, #tpu.memory_space<hbm>>
    %dma_wait3A_215 = tpu.memref_slice %arg4[%add3A_192] : memref<33554432xf32, #tpu.memory_space<hbm>> -> memref<16384xf32, #tpu.memory_space<hbm>>
    tpu.wait_dma2 semaphore(%arg17 : memref<!tpu.dma_semaphore, #tpu.memory_space<semaphore_mem>>) src(%arg7 : memref<16384xf32, #tpu.memory_space<vmem>>) dst(%dma_wait3A_215 : memref<16384xf32, #tpu.memory_space<hbm>>)
    %add3A_216 = arith.constant 16777216 : i32
    %add3A_217 = arith.addi %add3A_216, %mul3A_2 : i32
    %add3A_218 = arith.constant 16384 : i32
    %add3A_219 = arith.addi %add3A_217, %add3A_218 : i32
    %dma_start3A_220 = tpu.memref_slice %arg2[%add3A_219] : memref<33554432xf32, #tpu.memory_space<hbm>> -> memref<16384xf32, #tpu.memory_space<hbm>>
    %dma_start3A_221 = tpu.memref_slice %arg2[%add3A_219] : memref<33554432xf32, #tpu.memory_space<hbm>> -> memref<16384xf32, #tpu.memory_space<hbm>>
    tpu.enqueue_dma source(%dma_start3A_221 : memref<16384xf32, #tpu.memory_space<hbm>>) target(%arg7 : memref<16384xf32, #tpu.memory_space<vmem>>) target_semaphore(%arg13 : memref<!tpu.dma_semaphore, #tpu.memory_space<semaphore_mem>>)
    %dma_wait3A_222 = tpu.memref_slice %arg2[%add3A_181] : memref<33554432xf32, #tpu.memory_space<hbm>> -> memref<16384xf32, #tpu.memory_space<hbm>>
    %dma_wait3A_223 = tpu.memref_slice %arg2[%add3A_181] : memref<33554432xf32, #tpu.memory_space<hbm>> -> memref<16384xf32, #tpu.memory_space<hbm>>
    tpu.wait_dma2 semaphore(%arg15 : memref<!tpu.dma_semaphore, #tpu.memory_space<semaphore_mem>>) src(%dma_wait3A_223 : memref<16384xf32, #tpu.memory_space<hbm>>) dst(%arg9 : memref<16384xf32, #tpu.memory_space<vmem>>)
    %parallel_loop3A_224 = arith.constant 0 : i32
    %parallel_loop3A_225 = arith.constant 16384 : i32
    %parallel_loop3A_226 = arith.constant 16 : i32
    scf.for %parallel_loop3A_1264 = %parallel_loop3A_224 to %parallel_loop3A_225 step %parallel_loop3A_226  : i32 {
      %parallel_loop3A_1265 = arith.index_cast %parallel_loop3A_1264 : i32 to index
      %parallel_loop3A_1266 = tpu.vector_load %arg6[%parallel_loop3A_1265] {strides = array<i32>} : memref<16384xf32, #tpu.memory_space<vmem>>, vector<16xf32>,
      %parallel_loop3A_1267 = vector.shape_cast %parallel_loop3A_1266 : vector<16xf32> to vector<16xf32>
      %parallel_loop3A_1268 = arith.index_cast %parallel_loop3A_1264 : i32 to index
      %parallel_loop3A_1269 = tpu.vector_load %arg9[%parallel_loop3A_1268] {strides = array<i32>} : memref<16384xf32, #tpu.memory_space<vmem>>, vector<16xf32>,
      %parallel_loop3A_1270 = vector.shape_cast %parallel_loop3A_1269 : vector<16xf32> to vector<16xf32>
      %parallel_loop3A_1271 = vector.shape_cast %parallel_loop3A_1267 : vector<16xf32> to vector<16xf32>
      tpu.vector_store %arg9[%parallel_loop3A_1268], %parallel_loop3A_1271 {add = true, strides = array<i32>} : memref<16384xf32, #tpu.memory_space<vmem>>, vector<16xf32>,
    } {sc.loop_unroll_factor = 8 : i64, sc.parallel_access}
    %add3A_227 = arith.constant 8388608 : i32
    %add3A_228 = arith.addi %add3A_227, %mul3A_2 : i32
    %add3A_229 = arith.constant 16384 : i32
    %add3A_230 = arith.addi %add3A_228, %add3A_229 : i32
    %dma_start3A_231 = tpu.memref_slice %arg4[%add3A_230] : memref<33554432xf32, #tpu.memory_space<hbm>> -> memref<16384xf32, #tpu.memory_space<hbm>>
    %dma_start3A_232 = tpu.memref_slice %arg4[%add3A_230] : memref<33554432xf32, #tpu.memory_space<hbm>> -> memref<16384xf32, #tpu.memory_space<hbm>>
    tpu.enqueue_dma source(%arg9 : memref<16384xf32, #tpu.memory_space<vmem>>) target(%dma_start3A_232 : memref<16384xf32, #tpu.memory_space<hbm>>) target_semaphore(%arg19 : memref<!tpu.dma_semaphore, #tpu.memory_space<semaphore_mem>>)
    %dma_wait3A_233 = tpu.memref_slice %arg4[%add3A_211] : memref<33554432xf32, #tpu.memory_space<hbm>> -> memref<16384xf32, #tpu.memory_space<hbm>>
    %dma_wait3A_234 = tpu.memref_slice %arg4[%add3A_211] : memref<33554432xf32, #tpu.memory_space<hbm>> -> memref<16384xf32, #tpu.memory_space<hbm>>
    tpu.wait_dma2 semaphore(%arg18 : memref<!tpu.dma_semaphore, #tpu.memory_space<semaphore_mem>>) src(%arg8 : memref<16384xf32, #tpu.memory_space<vmem>>) dst(%dma_wait3A_234 : memref<16384xf32, #tpu.memory_space<hbm>>)
    %add3A_235 = arith.constant 20971520 : i32
    %add3A_236 = arith.addi %add3A_235, %mul3A_2 : i32
    %add3A_237 = arith.constant 16384 : i32
    %add3A_238 = arith.addi %add3A_236, %add3A_237 : i32
    %dma_start3A_239 = tpu.memref_slice %arg2[%add3A_238] : memref<33554432xf32, #tpu.memory_space<hbm>> -> memref<16384xf32, #tpu.memory_space<hbm>>
    %dma_start3A_240 = tpu.memref_slice %arg2[%add3A_238] : memref<33554432xf32, #tpu.memory_space<hbm>> -> memref<16384xf32, #tpu.memory_space<hbm>>
    tpu.enqueue_dma source(%dma_start3A_240 : memref<16384xf32, #tpu.memory_space<hbm>>) target(%arg8 : memref<16384xf32, #tpu.memory_space<vmem>>) target_semaphore(%arg14 : memref<!tpu.dma_semaphore, #tpu.memory_space<semaphore_mem>>)
    %dma_wait3A_241 = tpu.memref_slice %arg2[%add3A_200] : memref<33554432xf32, #tpu.memory_space<hbm>> -> memref<16384xf32, #tpu.memory_space<hbm>>
    %dma_wait3A_242 = tpu.memref_slice %arg2[%add3A_200] : memref<33554432xf32, #tpu.memory_space<hbm>> -> memref<16384xf32, #tpu.memory_space<hbm>>
    tpu.wait_dma2 semaphore(%arg16 : memref<!tpu.dma_semaphore, #tpu.memory_space<semaphore_mem>>) src(%dma_wait3A_242 : memref<16384xf32, #tpu.memory_space<hbm>>) dst(%arg10 : memref<16384xf32, #tpu.memory_space<vmem>>)
    %parallel_loop3A_243 = arith.constant 0 : i32
    %parallel_loop3A_244 = arith.constant 16384 : i32
    %parallel_loop3A_245 = arith.constant 16 : i32
    scf.for %parallel_loop3A_1264 = %parallel_loop3A_243 to %parallel_loop3A_244 step %parallel_loop3A_245  : i32 {
      %parallel_loop3A_1265 = arith.index_cast %parallel_loop3A_1264 : i32 to index
      %parallel_loop3A_1266 = tpu.vector_load %arg6[%parallel_loop3A_1265] {strides = array<i32>} : memref<16384xf32, #tpu.memory_space<vmem>>, vector<16xf32>,
      %parallel_loop3A_1267 = vector.shape_cast %parallel_loop3A_1266 : vector<16xf32> to vector<16xf32>
      %parallel_loop3A_1268 = arith.index_cast %parallel_loop3A_1264 : i32 to index
      %parallel_loop3A_1269 = tpu.vector_load %arg10[%parallel_loop3A_1268] {strides = array<i32>} : memref<16384xf32, #tpu.memory_space<vmem>>, vector<16xf32>,
      %parallel_loop3A_1270 = vector.shape_cast %parallel_loop3A_1269 : vector<16xf32> to vector<16xf32>
      %parallel_loop3A_1271 = vector.shape_cast %parallel_loop3A_1267 : vector<16xf32> to vector<16xf32>
      tpu.vector_store %arg10[%parallel_loop3A_1268], %parallel_loop3A_1271 {add = true, strides = array<i32>} : memref<16384xf32, #tpu.memory_space<vmem>>, vector<16xf32>,
    } {sc.loop_unroll_factor = 8 : i64, sc.parallel_access}
    %add3A_246 = arith.constant 12582912 : i32
    %add3A_247 = arith.addi %add3A_246, %mul3A_2 : i32
    %add3A_248 = arith.constant 16384 : i32
    %add3A_249 = arith.addi %add3A_247, %add3A_248 : i32
    %dma_start3A_250 = tpu.memref_slice %arg4[%add3A_249] : memref<33554432xf32, #tpu.memory_space<hbm>> -> memref<16384xf32, #tpu.memory_space<hbm>>
    %dma_start3A_251 = tpu.memref_slice %arg4[%add3A_249] : memref<33554432xf32, #tpu.memory_space<hbm>> -> memref<16384xf32, #tpu.memory_space<hbm>>
    tpu.enqueue_dma source(%arg10 : memref<16384xf32, #tpu.memory_space<vmem>>) target(%dma_start3A_251 : memref<16384xf32, #tpu.memory_space<hbm>>) target_semaphore(%arg20 : memref<!tpu.dma_semaphore, #tpu.memory_space<semaphore_mem>>)
    %dma_wait3A_252 = tpu.memref_slice %arg4[%add3A_230] : memref<33554432xf32, #tpu.memory_space<hbm>> -> memref<16384xf32, #tpu.memory_space<hbm>>
    %dma_wait3A_253 = tpu.memref_slice %arg4[%add3A_230] : memref<33554432xf32, #tpu.memory_space<hbm>> -> memref<16384xf32, #tpu.memory_space<hbm>>
    tpu.wait_dma2 semaphore(%arg19 : memref<!tpu.dma_semaphore, #tpu.memory_space<semaphore_mem>>) src(%arg9 : memref<16384xf32, #tpu.memory_space<vmem>>) dst(%dma_wait3A_253 : memref<16384xf32, #tpu.memory_space<hbm>>)
    %add3A_254 = arith.constant 25165824 : i32
    %add3A_255 = arith.addi %add3A_254, %mul3A_2 : i32
    %add3A_256 = arith.constant 16384 : i32
    %add3A_257 = arith.addi %add3A_255, %add3A_256 : i32
    %dma_start3A_258 = tpu.memref_slice %arg2[%add3A_257] : memref<33554432xf32, #tpu.memory_space<hbm>> -> memref<16384xf32, #tpu.memory_space<hbm>>
    %dma_start3A_259 = tpu.memref_slice %arg2[%add3A_257] : memref<33554432xf32, #tpu.memory_space<hbm>> -> memref<16384xf32, #tpu.memory_space<hbm>>
    tpu.enqueue_dma source(%dma_start3A_259 : memref<16384xf32, #tpu.memory_space<hbm>>) target(%arg9 : memref<16384xf32, #tpu.memory_space<vmem>>) target_semaphore(%arg15 : memref<!tpu.dma_semaphore, #tpu.memory_space<semaphore_mem>>)
    %dma_wait3A_260 = tpu.memref_slice %arg2[%add3A_219] : memref<33554432xf32, #tpu.memory_space<hbm>> -> memref<16384xf32, #tpu.memory_space<hbm>>
    %dma_wait3A_261 = tpu.memref_slice %arg2[%add3A_219] : memref<33554432xf32, #tpu.memory_space<hbm>> -> memref<16384xf32, #tpu.memory_space<hbm>>
    tpu.wait_dma2 semaphore(%arg13 : memref<!tpu.dma_semaphore, #tpu.memory_space<semaphore_mem>>) src(%dma_wait3A_261 : memref<16384xf32, #tpu.memory_space<hbm>>) dst(%arg7 : memref<16384xf32, #tpu.memory_space<vmem>>)
    %parallel_loop3A_262 = arith.constant 0 : i32
    %parallel_loop3A_263 = arith.constant 16384 : i32
    %parallel_loop3A_264 = arith.constant 16 : i32
    scf.for %parallel_loop3A_1264 = %parallel_loop3A_262 to %parallel_loop3A_263 step %parallel_loop3A_264  : i32 {
      %parallel_loop3A_1265 = arith.index_cast %parallel_loop3A_1264 : i32 to index
      %parallel_loop3A_1266 = tpu.vector_load %arg6[%parallel_loop3A_1265] {strides = array<i32>} : memref<16384xf32, #tpu.memory_space<vmem>>, vector<16xf32>,
      %parallel_loop3A_1267 = vector.shape_cast %parallel_loop3A_1266 : vector<16xf32> to vector<16xf32>
      %parallel_loop3A_1268 = arith.index_cast %parallel_loop3A_1264 : i32 to index
      %parallel_loop3A_1269 = tpu.vector_load %arg7[%parallel_loop3A_1268] {strides = array<i32>} : memref<16384xf32, #tpu.memory_space<vmem>>, vector<16xf32>,
      %parallel_loop3A_1270 = vector.shape_cast %parallel_loop3A_1269 : vector<16xf32> to vector<16xf32>
      %parallel_loop3A_1271 = vector.shape_cast %parallel_loop3A_1267 : vector<16xf32> to vector<16xf32>
      tpu.vector_store %arg7[%parallel_loop3A_1268], %parallel_loop3A_1271 {add = true, strides = array<i32>} : memref<16384xf32, #tpu.memory_space<vmem>>, vector<16xf32>,
    } {sc.loop_unroll_factor = 8 : i64, sc.parallel_access}
    %add3A_265 = arith.constant 16777216 : i32
    %add3A_266 = arith.addi %add3A_265, %mul3A_2 : i32
    %add3A_267 = arith.constant 16384 : i32
    %add3A_268 = arith.addi %add3A_266, %add3A_267 : i32
    %dma_start3A_269 = tpu.memref_slice %arg4[%add3A_268] : memref<33554432xf32, #tpu.memory_space<hbm>> -> memref<16384xf32, #tpu.memory_space<hbm>>
    %dma_start3A_270 = tpu.memref_slice %arg4[%add3A_268] : memref<33554432xf32, #tpu.memory_space<hbm>> -> memref<16384xf32, #tpu.memory_space<hbm>>
    tpu.enqueue_dma source(%arg7 : memref<16384xf32, #tpu.memory_space<vmem>>) target(%dma_start3A_270 : memref<16384xf32, #tpu.memory_space<hbm>>) target_semaphore(%arg17 : memref<!tpu.dma_semaphore, #tpu.memory_space<semaphore_mem>>)
    %dma_wait3A_271 = tpu.memref_slice %arg4[%add3A_249] : memref<33554432xf32, #tpu.memory_space<hbm>> -> memref<16384xf32, #tpu.memory_space<hbm>>
    %dma_wait3A_272 = tpu.memref_slice %arg4[%add3A_249] : memref<33554432xf32, #tpu.memory_space<hbm>> -> memref<16384xf32, #tpu.memory_space<hbm>>
    tpu.wait_dma2 semaphore(%arg20 : memref<!tpu.dma_semaphore, #tpu.memory_space<semaphore_mem>>) src(%arg10 : memref<16384xf32, #tpu.memory_space<vmem>>) dst(%dma_wait3A_272 : memref<16384xf32, #tpu.memory_space<hbm>>)
    %add3A_273 = arith.constant 29360128 : i32
    %add3A_274 = arith.addi %add3A_273, %mul3A_2 : i32
    %add3A_275 = arith.constant 16384 : i32
    %add3A_276 = arith.addi %add3A_274, %add3A_275 : i32
    %dma_start3A_277 = tpu.memref_slice %arg2[%add3A_276] : memref<33554432xf32, #tpu.memory_space<hbm>> -> memref<16384xf32, #tpu.memory_space<hbm>>
    %dma_start3A_278 = tpu.memref_slice %arg2[%add3A_276] : memref<33554432xf32, #tpu.memory_space<hbm>> -> memref<16384xf32, #tpu.memory_space<hbm>>
    tpu.enqueue_dma source(%dma_start3A_278 : memref<16384xf32, #tpu.memory_space<hbm>>) target(%arg10 : memref<16384xf32, #tpu.memory_space<vmem>>) target_semaphore(%arg16 : memref<!tpu.dma_semaphore, #tpu.memory_space<semaphore_mem>>)
    %dma_wait3A_279 = tpu.memref_slice %arg2[%add3A_238] : memref<33554432xf32, #tpu.memory_space<hbm>> -> memref<16384xf32, #tpu.memory_space<hbm>>
    %dma_wait3A_280 = tpu.memref_slice %arg2[%add3A_238] : memref<33554432xf32, #tpu.memory_space<hbm>> -> memref<16384xf32, #tpu.memory_space<hbm>>
    tpu.wait_dma2 semaphore(%arg14 : memref<!tpu.dma_semaphore, #tpu.memory_space<semaphore_mem>>) src(%dma_wait3A_280 : memref<16384xf32, #tpu.memory_space<hbm>>) dst(%arg8 : memref<16384xf32, #tpu.memory_space<vmem>>)
    %parallel_loop3A_281 = arith.constant 0 : i32
    %parallel_loop3A_282 = arith.constant 16384 : i32
    %parallel_loop3A_283 = arith.constant 16 : i32
    scf.for %parallel_loop3A_1264 = %parallel_loop3A_281 to %parallel_loop3A_282 step %parallel_loop3A_283  : i32 {
      %parallel_loop3A_1265 = arith.index_cast %parallel_loop3A_1264 : i32 to index
      %parallel_loop3A_1266 = tpu.vector_load %arg6[%parallel_loop3A_1265] {strides = array<i32>} : memref<16384xf32, #tpu.memory_space<vmem>>, vector<16xf32>,
      %parallel_loop3A_1267 = vector.shape_cast %parallel_loop3A_1266 : vector<16xf32> to vector<16xf32>
      %parallel_loop3A_1268 = arith.index_cast %parallel_loop3A_1264 : i32 to index
      %parallel_loop3A_1269 = tpu.vector_load %arg8[%parallel_loop3A_1268] {strides = array<i32>} : memref<16384xf32, #tpu.memory_space<vmem>>, vector<16xf32>,
      %parallel_loop3A_1270 = vector.shape_cast %parallel_loop3A_1269 : vector<16xf32> to vector<16xf32>
      %parallel_loop3A_1271 = vector.shape_cast %parallel_loop3A_1267 : vector<16xf32> to vector<16xf32>
      tpu.vector_store %arg8[%parallel_loop3A_1268], %parallel_loop3A_1271 {add = true, strides = array<i32>} : memref<16384xf32, #tpu.memory_space<vmem>>, vector<16xf32>,
    } {sc.loop_unroll_factor = 8 : i64, sc.parallel_access}
    %add3A_284 = arith.constant 20971520 : i32
    %add3A_285 = arith.addi %add3A_284, %mul3A_2 : i32
    %add3A_286 = arith.constant 16384 : i32
    %add3A_287 = arith.addi %add3A_285, %add3A_286 : i32
    %dma_start3A_288 = tpu.memref_slice %arg4[%add3A_287] : memref<33554432xf32, #tpu.memory_space<hbm>> -> memref<16384xf32, #tpu.memory_space<hbm>>
    %dma_start3A_289 = tpu.memref_slice %arg4[%add3A_287] : memref<33554432xf32, #tpu.memory_space<hbm>> -> memref<16384xf32, #tpu.memory_space<hbm>>
    tpu.enqueue_dma source(%arg8 : memref<16384xf32, #tpu.memory_space<vmem>>) target(%dma_start3A_289 : memref<16384xf32, #tpu.memory_space<hbm>>) target_semaphore(%arg18 : memref<!tpu.dma_semaphore, #tpu.memory_space<semaphore_mem>>)
    %dma_wait3A_290 = tpu.memref_slice %arg4[%add3A_268] : memref<33554432xf32, #tpu.memory_space<hbm>> -> memref<16384xf32, #tpu.memory_space<hbm>>
    %dma_wait3A_291 = tpu.memref_slice %arg4[%add3A_268] : memref<33554432xf32, #tpu.memory_space<hbm>> -> memref<16384xf32, #tpu.memory_space<hbm>>
    tpu.wait_dma2 semaphore(%arg17 : memref<!tpu.dma_semaphore, #tpu.memory_space<semaphore_mem>>) src(%arg7 : memref<16384xf32, #tpu.memory_space<vmem>>) dst(%dma_wait3A_291 : memref<16384xf32, #tpu.memory_space<hbm>>)
    %add3A_292 = arith.constant 0 : i32
    %add3A_293 = arith.addi %add3A_292, %mul3A_2 : i32
    %add3A_294 = arith.constant 32768 : i32
    %add3A_295 = arith.addi %add3A_293, %add3A_294 : i32
    %dma_start3A_296 = tpu.memref_slice %arg2[%add3A_295] : memref<33554432xf32, #tpu.memory_space<hbm>> -> memref<16384xf32, #tpu.memory_space<hbm>>
    %dma_start3A_297 = tpu.memref_slice %arg2[%add3A_295] : memref<33554432xf32, #tpu.memory_space<hbm>> -> memref<16384xf32, #tpu.memory_space<hbm>>
    tpu.enqueue_dma source(%dma_start3A_297 : memref<16384xf32, #tpu.memory_space<hbm>>) target(%arg7 : memref<16384xf32, #tpu.memory_space<vmem>>) target_semaphore(%arg13 : memref<!tpu.dma_semaphore, #tpu.memory_space<semaphore_mem>>)
    %dma_wait3A_298 = tpu.memref_slice %arg2[%add3A_257] : memref<33554432xf32, #tpu.memory_space<hbm>> -> memref<16384xf32, #tpu.memory_space<hbm>>
    %dma_wait3A_299 = tpu.memref_slice %arg2[%add3A_257] : memref<33554432xf32, #tpu.memory_space<hbm>> -> memref<16384xf32, #tpu.memory_space<hbm>>
    tpu.wait_dma2 semaphore(%arg15 : memref<!tpu.dma_semaphore, #tpu.memory_space<semaphore_mem>>) src(%dma_wait3A_299 : memref<16384xf32, #tpu.memory_space<hbm>>) dst(%arg9 : memref<16384xf32, #tpu.memory_space<vmem>>)
    %parallel_loop3A_300 = arith.constant 0 : i32
    %parallel_loop3A_301 = arith.constant 16384 : i32
    %parallel_loop3A_302 = arith.constant 16 : i32
    scf.for %parallel_loop3A_1264 = %parallel_loop3A_300 to %parallel_loop3A_301 step %parallel_loop3A_302  : i32 {
      %parallel_loop3A_1265 = arith.index_cast %parallel_loop3A_1264 : i32 to index
      %parallel_loop3A_1266 = tpu.vector_load %arg6[%parallel_loop3A_1265] {strides = array<i32>} : memref<16384xf32, #tpu.memory_space<vmem>>, vector<16xf32>,
      %parallel_loop3A_1267 = vector.shape_cast %parallel_loop3A_1266 : vector<16xf32> to vector<16xf32>
      %parallel_loop3A_1268 = arith.index_cast %parallel_loop3A_1264 : i32 to index
      %parallel_loop3A_1269 = tpu.vector_load %arg9[%parallel_loop3A_1268] {strides = array<i32>} : memref<16384xf32, #tpu.memory_space<vmem>>, vector<16xf32>,
      %parallel_loop3A_1270 = vector.shape_cast %parallel_loop3A_1269 : vector<16xf32> to vector<16xf32>
      %parallel_loop3A_1271 = vector.shape_cast %parallel_loop3A_1267 : vector<16xf32> to vector<16xf32>
      tpu.vector_store %arg9[%parallel_loop3A_1268], %parallel_loop3A_1271 {add = true, strides = array<i32>} : memref<16384xf32, #tpu.memory_space<vmem>>, vector<16xf32>,
    } {sc.loop_unroll_factor = 8 : i64, sc.parallel_access}
    %add3A_303 = arith.constant 25165824 : i32
    %add3A_304 = arith.addi %add3A_303, %mul3A_2 : i32
    %add3A_305 = arith.constant 16384 : i32
    %add3A_306 = arith.addi %add3A_304, %add3A_305 : i32
    %dma_start3A_307 = tpu.memref_slice %arg4[%add3A_306] : memref<33554432xf32, #tpu.memory_space<hbm>> -> memref<16384xf32, #tpu.memory_space<hbm>>
    %dma_start3A_308 = tpu.memref_slice %arg4[%add3A_306] : memref<33554432xf32, #tpu.memory_space<hbm>> -> memref<16384xf32, #tpu.memory_space<hbm>>
    tpu.enqueue_dma source(%arg9 : memref<16384xf32, #tpu.memory_space<vmem>>) target(%dma_start3A_308 : memref<16384xf32, #tpu.memory_space<hbm>>) target_semaphore(%arg19 : memref<!tpu.dma_semaphore, #tpu.memory_space<semaphore_mem>>)
    %dma_wait3A_309 = tpu.memref_slice %arg4[%add3A_287] : memref<33554432xf32, #tpu.memory_space<hbm>> -> memref<16384xf32, #tpu.memory_space<hbm>>
    %dma_wait3A_310 = tpu.memref_slice %arg4[%add3A_287] : memref<33554432xf32, #tpu.memory_space<hbm>> -> memref<16384xf32, #tpu.memory_space<hbm>>
    tpu.wait_dma2 semaphore(%arg18 : memref<!tpu.dma_semaphore, #tpu.memory_space<semaphore_mem>>) src(%arg8 : memref<16384xf32, #tpu.memory_space<vmem>>) dst(%dma_wait3A_310 : memref<16384xf32, #tpu.memory_space<hbm>>)
    %add3A_311 = arith.constant 4194304 : i32
    %add3A_312 = arith.addi %add3A_311, %mul3A_2 : i32
    %add3A_313 = arith.constant 32768 : i32
    %add3A_314 = arith.addi %add3A_312, %add3A_313 : i32
    %dma_start3A_315 = tpu.memref_slice %arg2[%add3A_314] : memref<33554432xf32, #tpu.memory_space<hbm>> -> memref<16384xf32, #tpu.memory_space<hbm>>
    %dma_start3A_316 = tpu.memref_slice %arg2[%add3A_314] : memref<33554432xf32, #tpu.memory_space<hbm>> -> memref<16384xf32, #tpu.memory_space<hbm>>
    tpu.enqueue_dma source(%dma_start3A_316 : memref<16384xf32, #tpu.memory_space<hbm>>) target(%arg8 : memref<16384xf32, #tpu.memory_space<vmem>>) target_semaphore(%arg14 : memref<!tpu.dma_semaphore, #tpu.memory_space<semaphore_mem>>)
    %dma_wait3A_317 = tpu.memref_slice %arg2[%add3A_276] : memref<33554432xf32, #tpu.memory_space<hbm>> -> memref<16384xf32, #tpu.memory_space<hbm>>
    %dma_wait3A_318 = tpu.memref_slice %arg2[%add3A_276] : memref<33554432xf32, #tpu.memory_space<hbm>> -> memref<16384xf32, #tpu.memory_space<hbm>>
    tpu.wait_dma2 semaphore(%arg16 : memref<!tpu.dma_semaphore, #tpu.memory_space<semaphore_mem>>) src(%dma_wait3A_318 : memref<16384xf32, #tpu.memory_space<hbm>>) dst(%arg10 : memref<16384xf32, #tpu.memory_space<vmem>>)
    %parallel_loop3A_319 = arith.constant 0 : i32
    %parallel_loop3A_320 = arith.constant 16384 : i32
    %parallel_loop3A_321 = arith.constant 16 : i32
    scf.for %parallel_loop3A_1264 = %parallel_loop3A_319 to %parallel_loop3A_320 step %parallel_loop3A_321  : i32 {
      %parallel_loop3A_1265 = arith.index_cast %parallel_loop3A_1264 : i32 to index
      %parallel_loop3A_1266 = tpu.vector_load %arg6[%parallel_loop3A_1265] {strides = array<i32>} : memref<16384xf32, #tpu.memory_space<vmem>>, vector<16xf32>,
      %parallel_loop3A_1267 = vector.shape_cast %parallel_loop3A_1266 : vector<16xf32> to vector<16xf32>
      %parallel_loop3A_1268 = arith.index_cast %parallel_loop3A_1264 : i32 to index
      %parallel_loop3A_1269 = tpu.vector_load %arg10[%parallel_loop3A_1268] {strides = array<i32>} : memref<16384xf32, #tpu.memory_space<vmem>>, vector<16xf32>,
      %parallel_loop3A_1270 = vector.shape_cast %parallel_loop3A_1269 : vector<16xf32> to vector<16xf32>
      %parallel_loop3A_1271 = vector.shape_cast %parallel_loop3A_1267 : vector<16xf32> to vector<16xf32>
      tpu.vector_store %arg10[%parallel_loop3A_1268], %parallel_loop3A_1271 {add = true, strides = array<i32>} : memref<16384xf32, #tpu.memory_space<vmem>>, vector<16xf32>,
    } {sc.loop_unroll_factor = 8 : i64, sc.parallel_access}
    %add3A_322 = arith.constant 29360128 : i32
    %add3A_323 = arith.addi %add3A_322, %mul3A_2 : i32
    %add3A_324 = arith.constant 16384 : i32
    %add3A_325 = arith.addi %add3A_323, %add3A_324 : i32
    %dma_start3A_326 = tpu.memref_slice %arg4[%add3A_325] : memref<33554432xf32, #tpu.memory_space<hbm>> -> memref<16384xf32, #tpu.memory_space<hbm>>
    %dma_start3A_327 = tpu.memref_slice %arg4[%add3A_325] : memref<33554432xf32, #tpu.memory_space<hbm>> -> memref<16384xf32, #tpu.memory_space<hbm>>
    tpu.enqueue_dma source(%arg10 : memref<16384xf32, #tpu.memory_space<vmem>>) target(%dma_start3A_327 : memref<16384xf32, #tpu.memory_space<hbm>>) target_semaphore(%arg20 : memref<!tpu.dma_semaphore, #tpu.memory_space<semaphore_mem>>)
    %dma_wait3A_328 = tpu.memref_slice %arg3[%add3A_173] : memref<4194304xf32, #tpu.memory_space<hbm>> -> memref<16384xf32, #tpu.memory_space<hbm>>
    %dma_wait3A_329 = tpu.memref_slice %arg3[%add3A_173] : memref<4194304xf32, #tpu.memory_space<hbm>> -> memref<16384xf32, #tpu.memory_space<hbm>>
    tpu.wait_dma2 semaphore(%arg11 : memref<!tpu.dma_semaphore, #tpu.memory_space<semaphore_mem>>) src(%dma_wait3A_329 : memref<16384xf32, #tpu.memory_space<hbm>>) dst(%arg5 : memref<16384xf32, #tpu.memory_space<vmem>>)
    %add3A_330 = arith.constant 49152 : i32
    %add3A_331 = arith.addi %mul3A_2, %add3A_330 : i32
    %dma_start3A_332 = tpu.memref_slice %arg3[%add3A_331] : memref<4194304xf32, #tpu.memory_space<hbm>> -> memref<16384xf32, #tpu.memory_space<hbm>>
    %dma_start3A_333 = tpu.memref_slice %arg3[%add3A_331] : memref<4194304xf32, #tpu.memory_space<hbm>> -> memref<16384xf32, #tpu.memory_space<hbm>>
    tpu.enqueue_dma source(%dma_start3A_333 : memref<16384xf32, #tpu.memory_space<hbm>>) target(%arg6 : memref<16384xf32, #tpu.memory_space<vmem>>) target_semaphore(%arg12 : memref<!tpu.dma_semaphore, #tpu.memory_space<semaphore_mem>>)
    %dma_wait3A_334 = tpu.memref_slice %arg4[%add3A_306] : memref<33554432xf32, #tpu.memory_space<hbm>> -> memref<16384xf32, #tpu.memory_space<hbm>>
    %dma_wait3A_335 = tpu.memref_slice %arg4[%add3A_306] : memref<33554432xf32, #tpu.memory_space<hbm>> -> memref<16384xf32, #tpu.memory_space<hbm>>
    tpu.wait_dma2 semaphore(%arg19 : memref<!tpu.dma_semaphore, #tpu.memory_space<semaphore_mem>>) src(%arg9 : memref<16384xf32, #tpu.memory_space<vmem>>) dst(%dma_wait3A_335 : memref<16384xf32, #tpu.memory_space<hbm>>)
    %add3A_336 = arith.constant 8388608 : i32
    %add3A_337 = arith.addi %add3A_336, %mul3A_2 : i32
    %add3A_338 = arith.constant 32768 : i32
    %add3A_339 = arith.addi %add3A_337, %add3A_338 : i32
    %dma_start3A_340 = tpu.memref_slice %arg2[%add3A_339] : memref<33554432xf32, #tpu.memory_space<hbm>> -> memref<16384xf32, #tpu.memory_space<hbm>>
    %dma_start3A_341 = tpu.memref_slice %arg2[%add3A_339] : memref<33554432xf32, #tpu.memory_space<hbm>> -> memref<16384xf32, #tpu.memory_space<hbm>>
    tpu.enqueue_dma source(%dma_start3A_341 : memref<16384xf32, #tpu.memory_space<hbm>>) target(%arg9 : memref<16384xf32, #tpu.memory_space<vmem>>) target_semaphore(%arg15 : memref<!tpu.dma_semaphore, #tpu.memory_space<semaphore_mem>>)
    %dma_wait3A_342 = tpu.memref_slice %arg2[%add3A_295] : memref<33554432xf32, #tpu.memory_space<hbm>> -> memref<16384xf32, #tpu.memory_space<hbm>>
    %dma_wait3A_343 = tpu.memref_slice %arg2[%add3A_295] : memref<33554432xf32, #tpu.memory_space<hbm>> -> memref<16384xf32, #tpu.memory_space<hbm>>
    tpu.wait_dma2 semaphore(%arg13 : memref<!tpu.dma_semaphore, #tpu.memory_space<semaphore_mem>>) src(%dma_wait3A_343 : memref<16384xf32, #tpu.memory_space<hbm>>) dst(%arg7 : memref<16384xf32, #tpu.memory_space<vmem>>)
    %parallel_loop3A_344 = arith.constant 0 : i32
    %parallel_loop3A_345 = arith.constant 16384 : i32
    %parallel_loop3A_346 = arith.constant 16 : i32
    scf.for %parallel_loop3A_1264 = %parallel_loop3A_344 to %parallel_loop3A_345 step %parallel_loop3A_346  : i32 {
      %parallel_loop3A_1265 = arith.index_cast %parallel_loop3A_1264 : i32 to index
      %parallel_loop3A_1266 = tpu.vector_load %arg5[%parallel_loop3A_1265] {strides = array<i32>} : memref<16384xf32, #tpu.memory_space<vmem>>, vector<16xf32>,
      %parallel_loop3A_1267 = vector.shape_cast %parallel_loop3A_1266 : vector<16xf32> to vector<16xf32>
      %parallel_loop3A_1268 = arith.index_cast %parallel_loop3A_1264 : i32 to index
      %parallel_loop3A_1269 = tpu.vector_load %arg7[%parallel_loop3A_1268] {strides = array<i32>} : memref<16384xf32, #tpu.memory_space<vmem>>, vector<16xf32>,
      %parallel_loop3A_1270 = vector.shape_cast %parallel_loop3A_1269 : vector<16xf32> to vector<16xf32>
      %parallel_loop3A_1271 = vector.shape_cast %parallel_loop3A_1267 : vector<16xf32> to vector<16xf32>
      tpu.vector_store %arg7[%parallel_loop3A_1268], %parallel_loop3A_1271 {add = true, strides = array<i32>} : memref<16384xf32, #tpu.memory_space<vmem>>, vector<16xf32>,
    } {sc.loop_unroll_factor = 8 : i64, sc.parallel_access}
    %add3A_347 = arith.constant 0 : i32
    %add3A_348 = arith.addi %add3A_347, %mul3A_2 : i32
    %add3A_349 = arith.constant 32768 : i32
    %add3A_350 = arith.addi %add3A_348, %add3A_349 : i32
    %dma_start3A_351 = tpu.memref_slice %arg4[%add3A_350] : memref<33554432xf32, #tpu.memory_space<hbm>> -> memref<16384xf32, #tpu.memory_space<hbm>>
    %dma_start3A_352 = tpu.memref_slice %arg4[%add3A_350] : memref<33554432xf32, #tpu.memory_space<hbm>> -> memref<16384xf32, #tpu.memory_space<hbm>>
    tpu.enqueue_dma source(%arg7 : memref<16384xf32, #tpu.memory_space<vmem>>) target(%dma_start3A_352 : memref<16384xf32, #tpu.memory_space<hbm>>) target_semaphore(%arg17 : memref<!tpu.dma_semaphore, #tpu.memory_space<semaphore_mem>>)
    %dma_wait3A_353 = tpu.memref_slice %arg4[%add3A_325] : memref<33554432xf32, #tpu.memory_space<hbm>> -> memref<16384xf32, #tpu.memory_space<hbm>>
    %dma_wait3A_354 = tpu.memref_slice %arg4[%add3A_325] : memref<33554432xf32, #tpu.memory_space<hbm>> -> memref<16384xf32, #tpu.memory_space<hbm>>
    tpu.wait_dma2 semaphore(%arg20 : memref<!tpu.dma_semaphore, #tpu.memory_space<semaphore_mem>>) src(%arg10 : memref<16384xf32, #tpu.memory_space<vmem>>) dst(%dma_wait3A_354 : memref<16384xf32, #tpu.memory_space<hbm>>)
    %add3A_355 = arith.constant 12582912 : i32
    %add3A_356 = arith.addi %add3A_355, %mul3A_2 : i32
    %add3A_357 = arith.constant 32768 : i32
    %add3A_358 = arith.addi %add3A_356, %add3A_357 : i32
    %dma_start3A_359 = tpu.memref_slice %arg2[%add3A_358] : memref<33554432xf32, #tpu.memory_space<hbm>> -> memref<16384xf32, #tpu.memory_space<hbm>>
    %dma_start3A_360 = tpu.memref_slice %arg2[%add3A_358] : memref<33554432xf32, #tpu.memory_space<hbm>> -> memref<16384xf32, #tpu.memory_space<hbm>>
    tpu.enqueue_dma source(%dma_start3A_360 : memref<16384xf32, #tpu.memory_space<hbm>>) target(%arg10 : memref<16384xf32, #tpu.memory_space<vmem>>) target_semaphore(%arg16 : memref<!tpu.dma_semaphore, #tpu.memory_space<semaphore_mem>>)
    %dma_wait3A_361 = tpu.memref_slice %arg2[%add3A_314] : memref<33554432xf32, #tpu.memory_space<hbm>> -> memref<16384xf32, #tpu.memory_space<hbm>>
    %dma_wait3A_362 = tpu.memref_slice %arg2[%add3A_314] : memref<33554432xf32, #tpu.memory_space<hbm>> -> memref<16384xf32, #tpu.memory_space<hbm>>
    tpu.wait_dma2 semaphore(%arg14 : memref<!tpu.dma_semaphore, #tpu.memory_space<semaphore_mem>>) src(%dma_wait3A_362 : memref<16384xf32, #tpu.memory_space<hbm>>) dst(%arg8 : memref<16384xf32, #tpu.memory_space<vmem>>)
    %parallel_loop3A_363 = arith.constant 0 : i32
    %parallel_loop3A_364 = arith.constant 16384 : i32
    %parallel_loop3A_365 = arith.constant 16 : i32
    scf.for %parallel_loop3A_1264 = %parallel_loop3A_363 to %parallel_loop3A_364 step %parallel_loop3A_365  : i32 {
      %parallel_loop3A_1265 = arith.index_cast %parallel_loop3A_1264 : i32 to index
      %parallel_loop3A_1266 = tpu.vector_load %arg5[%parallel_loop3A_1265] {strides = array<i32>} : memref<16384xf32, #tpu.memory_space<vmem>>, vector<16xf32>,
      %parallel_loop3A_1267 = vector.shape_cast %parallel_loop3A_1266 : vector<16xf32> to vector<16xf32>
      %parallel_loop3A_1268 = arith.index_cast %parallel_loop3A_1264 : i32 to index
      %parallel_loop3A_1269 = tpu.vector_load %arg8[%parallel_loop3A_1268] {strides = array<i32>} : memref<16384xf32, #tpu.memory_space<vmem>>, vector<16xf32>,
      %parallel_loop3A_1270 = vector.shape_cast %parallel_loop3A_1269 : vector<16xf32> to vector<16xf32>
      %parallel_loop3A_1271 = vector.shape_cast %parallel_loop3A_1267 : vector<16xf32> to vector<16xf32>
      tpu.vector_store %arg8[%parallel_loop3A_1268], %parallel_loop3A_1271 {add = true, strides = array<i32>} : memref<16384xf32, #tpu.memory_space<vmem>>, vector<16xf32>,
    } {sc.loop_unroll_factor = 8 : i64, sc.parallel_access}
    %add3A_366 = arith.constant 4194304 : i32
    %add3A_367 = arith.addi %add3A_366, %mul3A_2 : i32
    %add3A_368 = arith.constant 32768 : i32
    %add3A_369 = arith.addi %add3A_367, %add3A_368 : i32
    %dma_start3A_370 = tpu.memref_slice %arg4[%add3A_369] : memref<33554432xf32, #tpu.memory_space<hbm>> -> memref<16384xf32, #tpu.memory_space<hbm>>
    %dma_start3A_371 = tpu.memref_slice %arg4[%add3A_369] : memref<33554432xf32, #tpu.memory_space<hbm>> -> memref<16384xf32, #tpu.memory_space<hbm>>
    tpu.enqueue_dma source(%arg8 : memref<16384xf32, #tpu.memory_space<vmem>>) target(%dma_start3A_371 : memref<16384xf32, #tpu.memory_space<hbm>>) target_semaphore(%arg18 : memref<!tpu.dma_semaphore, #tpu.memory_space<semaphore_mem>>)
    %dma_wait3A_372 = tpu.memref_slice %arg4[%add3A_350] : memref<33554432xf32, #tpu.memory_space<hbm>> -> memref<16384xf32, #tpu.memory_space<hbm>>
    %dma_wait3A_373 = tpu.memref_slice %arg4[%add3A_350] : memref<33554432xf32, #tpu.memory_space<hbm>> -> memref<16384xf32, #tpu.memory_space<hbm>>
    tpu.wait_dma2 semaphore(%arg17 : memref<!tpu.dma_semaphore, #tpu.memory_space<semaphore_mem>>) src(%arg7 : memref<16384xf32, #tpu.memory_space<vmem>>) dst(%dma_wait3A_373 : memref<16384xf32, #tpu.memory_space<hbm>>)
    %add3A_374 = arith.constant 16777216 : i32
    %add3A_375 = arith.addi %add3A_374, %mul3A_2 : i32
    %add3A_376 = arith.constant 32768 : i32
    %add3A_377 = arith.addi %add3A_375, %add3A_376 : i32
    %dma_start3A_378 = tpu.memref_slice %arg2[%add3A_377] : memref<33554432xf32, #tpu.memory_space<hbm>> -> memref<16384xf32, #tpu.memory_space<hbm>>
    %dma_start3A_379 = tpu.memref_slice %arg2[%add3A_377] : memref<33554432xf32, #tpu.memory_space<hbm>> -> memref<16384xf32, #tpu.memory_space<hbm>>
    tpu.enqueue_dma source(%dma_start3A_379 : memref<16384xf32, #tpu.memory_space<hbm>>) target(%arg7 : memref<16384xf32, #tpu.memory_space<vmem>>) target_semaphore(%arg13 : memref<!tpu.dma_semaphore, #tpu.memory_space<semaphore_mem>>)
    %dma_wait3A_380 = tpu.memref_slice %arg2[%add3A_339] : memref<33554432xf32, #tpu.memory_space<hbm>> -> memref<16384xf32, #tpu.memory_space<hbm>>
    %dma_wait3A_381 = tpu.memref_slice %arg2[%add3A_339] : memref<33554432xf32, #tpu.memory_space<hbm>> -> memref<16384xf32, #tpu.memory_space<hbm>>
    tpu.wait_dma2 semaphore(%arg15 : memref<!tpu.dma_semaphore, #tpu.memory_space<semaphore_mem>>) src(%dma_wait3A_381 : memref<16384xf32, #tpu.memory_space<hbm>>) dst(%arg9 : memref<16384xf32, #tpu.memory_space<vmem>>)
    %parallel_loop3A_382 = arith.constant 0 : i32
    %parallel_loop3A_383 = arith.constant 16384 : i32
    %parallel_loop3A_384 = arith.constant 16 : i32
    scf.for %parallel_loop3A_1264 = %parallel_loop3A_382 to %parallel_loop3A_383 step %parallel_loop3A_384  : i32 {
      %parallel_loop3A_1265 = arith.index_cast %parallel_loop3A_1264 : i32 to index
      %parallel_loop3A_1266 = tpu.vector_load %arg5[%parallel_loop3A_1265] {strides = array<i32>} : memref<16384xf32, #tpu.memory_space<vmem>>, vector<16xf32>,
      %parallel_loop3A_1267 = vector.shape_cast %parallel_loop3A_1266 : vector<16xf32> to vector<16xf32>
      %parallel_loop3A_1268 = arith.index_cast %parallel_loop3A_1264 : i32 to index
      %parallel_loop3A_1269 = tpu.vector_load %arg9[%parallel_loop3A_1268] {strides = array<i32>} : memref<16384xf32, #tpu.memory_space<vmem>>, vector<16xf32>,
      %parallel_loop3A_1270 = vector.shape_cast %parallel_loop3A_1269 : vector<16xf32> to vector<16xf32>
      %parallel_loop3A_1271 = vector.shape_cast %parallel_loop3A_1267 : vector<16xf32> to vector<16xf32>
      tpu.vector_store %arg9[%parallel_loop3A_1268], %parallel_loop3A_1271 {add = true, strides = array<i32>} : memref<16384xf32, #tpu.memory_space<vmem>>, vector<16xf32>,
    } {sc.loop_unroll_factor = 8 : i64, sc.parallel_access}
    %add3A_385 = arith.constant 8388608 : i32
    %add3A_386 = arith.addi %add3A_385, %mul3A_2 : i32
    %add3A_387 = arith.constant 32768 : i32
    %add3A_388 = arith.addi %add3A_386, %add3A_387 : i32
    %dma_start3A_389 = tpu.memref_slice %arg4[%add3A_388] : memref<33554432xf32, #tpu.memory_space<hbm>> -> memref<16384xf32, #tpu.memory_space<hbm>>
    %dma_start3A_390 = tpu.memref_slice %arg4[%add3A_388] : memref<33554432xf32, #tpu.memory_space<hbm>> -> memref<16384xf32, #tpu.memory_space<hbm>>
    tpu.enqueue_dma source(%arg9 : memref<16384xf32, #tpu.memory_space<vmem>>) target(%dma_start3A_390 : memref<16384xf32, #tpu.memory_space<hbm>>) target_semaphore(%arg19 : memref<!tpu.dma_semaphore, #tpu.memory_space<semaphore_mem>>)
    %dma_wait3A_391 = tpu.memref_slice %arg4[%add3A_369] : memref<33554432xf32, #tpu.memory_space<hbm>> -> memref<16384xf32, #tpu.memory_space<hbm>>
    %dma_wait3A_392 = tpu.memref_slice %arg4[%add3A_369] : memref<33554432xf32, #tpu.memory_space<hbm>> -> memref<16384xf32, #tpu.memory_space<hbm>>
    tpu.wait_dma2 semaphore(%arg18 : memref<!tpu.dma_semaphore, #tpu.memory_space<semaphore_mem>>) src(%arg8 : memref<16384xf32, #tpu.memory_space<vmem>>) dst(%dma_wait3A_392 : memref<16384xf32, #tpu.memory_space<hbm>>)
    %add3A_393 = arith.constant 20971520 : i32
    %add3A_394 = arith.addi %add3A_393, %mul3A_2 : i32
    %add3A_395 = arith.constant 32768 : i32
    %add3A_396 = arith.addi %add3A_394, %add3A_395 : i32
    %dma_start3A_397 = tpu.memref_slice %arg2[%add3A_396] : memref<33554432xf32, #tpu.memory_space<hbm>> -> memref<16384xf32, #tpu.memory_space<hbm>>
    %dma_start3A_398 = tpu.memref_slice %arg2[%add3A_396] : memref<33554432xf32, #tpu.memory_space<hbm>> -> memref<16384xf32, #tpu.memory_space<hbm>>
    tpu.enqueue_dma source(%dma_start3A_398 : memref<16384xf32, #tpu.memory_space<hbm>>) target(%arg8 : memref<16384xf32, #tpu.memory_space<vmem>>) target_semaphore(%arg14 : memref<!tpu.dma_semaphore, #tpu.memory_space<semaphore_mem>>)
    %dma_wait3A_399 = tpu.memref_slice %arg2[%add3A_358] : memref<33554432xf32, #tpu.memory_space<hbm>> -> memref<16384xf32, #tpu.memory_space<hbm>>
    %dma_wait3A_400 = tpu.memref_slice %arg2[%add3A_358] : memref<33554432xf32, #tpu.memory_space<hbm>> -> memref<16384xf32, #tpu.memory_space<hbm>>
    tpu.wait_dma2 semaphore(%arg16 : memref<!tpu.dma_semaphore, #tpu.memory_space<semaphore_mem>>) src(%dma_wait3A_400 : memref<16384xf32, #tpu.memory_space<hbm>>) dst(%arg10 : memref<16384xf32, #tpu.memory_space<vmem>>)
    %parallel_loop3A_401 = arith.constant 0 : i32
    %parallel_loop3A_402 = arith.constant 16384 : i32
    %parallel_loop3A_403 = arith.constant 16 : i32
    scf.for %parallel_loop3A_1264 = %parallel_loop3A_401 to %parallel_loop3A_402 step %parallel_loop3A_403  : i32 {
      %parallel_loop3A_1265 = arith.index_cast %parallel_loop3A_1264 : i32 to index
      %parallel_loop3A_1266 = tpu.vector_load %arg5[%parallel_loop3A_1265] {strides = array<i32>} : memref<16384xf32, #tpu.memory_space<vmem>>, vector<16xf32>,
      %parallel_loop3A_1267 = vector.shape_cast %parallel_loop3A_1266 : vector<16xf32> to vector<16xf32>
      %parallel_loop3A_1268 = arith.index_cast %parallel_loop3A_1264 : i32 to index
      %parallel_loop3A_1269 = tpu.vector_load %arg10[%parallel_loop3A_1268] {strides = array<i32>} : memref<16384xf32, #tpu.memory_space<vmem>>, vector<16xf32>,
      %parallel_loop3A_1270 = vector.shape_cast %parallel_loop3A_1269 : vector<16xf32> to vector<16xf32>
      %parallel_loop3A_1271 = vector.shape_cast %parallel_loop3A_1267 : vector<16xf32> to vector<16xf32>
      tpu.vector_store %arg10[%parallel_loop3A_1268], %parallel_loop3A_1271 {add = true, strides = array<i32>} : memref<16384xf32, #tpu.memory_space<vmem>>, vector<16xf32>,
    } {sc.loop_unroll_factor = 8 : i64, sc.parallel_access}
    %add3A_404 = arith.constant 12582912 : i32
    %add3A_405 = arith.addi %add3A_404, %mul3A_2 : i32
    %add3A_406 = arith.constant 32768 : i32
    %add3A_407 = arith.addi %add3A_405, %add3A_406 : i32
    %dma_start3A_408 = tpu.memref_slice %arg4[%add3A_407] : memref<33554432xf32, #tpu.memory_space<hbm>> -> memref<16384xf32, #tpu.memory_space<hbm>>
    %dma_start3A_409 = tpu.memref_slice %arg4[%add3A_407] : memref<33554432xf32, #tpu.memory_space<hbm>> -> memref<16384xf32, #tpu.memory_space<hbm>>
    tpu.enqueue_dma source(%arg10 : memref<16384xf32, #tpu.memory_space<vmem>>) target(%dma_start3A_409 : memref<16384xf32, #tpu.memory_space<hbm>>) target_semaphore(%arg20 : memref<!tpu.dma_semaphore, #tpu.memory_space<semaphore_mem>>)
    %dma_wait3A_410 = tpu.memref_slice %arg4[%add3A_388] : memref<33554432xf32, #tpu.memory_space<hbm>> -> memref<16384xf32, #tpu.memory_space<hbm>>
    %dma_wait3A_411 = tpu.memref_slice %arg4[%add3A_388] : memref<33554432xf32, #tpu.memory_space<hbm>> -> memref<16384xf32, #tpu.memory_space<hbm>>
    tpu.wait_dma2 semaphore(%arg19 : memref<!tpu.dma_semaphore, #tpu.memory_space<semaphore_mem>>) src(%arg9 : memref<16384xf32, #tpu.memory_space<vmem>>) dst(%dma_wait3A_411 : memref<16384xf32, #tpu.memory_space<hbm>>)
    %add3A_412 = arith.constant 25165824 : i32
    %add3A_413 = arith.addi %add3A_412, %mul3A_2 : i32
    %add3A_414 = arith.constant 32768 : i32
    %add3A_415 = arith.addi %add3A_413, %add3A_414 : i32
    %dma_start3A_416 = tpu.memref_slice %arg2[%add3A_415] : memref<33554432xf32, #tpu.memory_space<hbm>> -> memref<16384xf32, #tpu.memory_space<hbm>>
    %dma_start3A_417 = tpu.memref_slice %arg2[%add3A_415] : memref<33554432xf32, #tpu.memory_space<hbm>> -> memref<16384xf32, #tpu.memory_space<hbm>>
    tpu.enqueue_dma source(%dma_start3A_417 : memref<16384xf32, #tpu.memory_space<hbm>>) target(%arg9 : memref<16384xf32, #tpu.memory_space<vmem>>) target_semaphore(%arg15 : memref<!tpu.dma_semaphore, #tpu.memory_space<semaphore_mem>>)
    %dma_wait3A_418 = tpu.memref_slice %arg2[%add3A_377] : memref<33554432xf32, #tpu.memory_space<hbm>> -> memref<16384xf32, #tpu.memory_space<hbm>>
    %dma_wait3A_419 = tpu.memref_slice %arg2[%add3A_377] : memref<33554432xf32, #tpu.memory_space<hbm>> -> memref<16384xf32, #tpu.memory_space<hbm>>
    tpu.wait_dma2 semaphore(%arg13 : memref<!tpu.dma_semaphore, #tpu.memory_space<semaphore_mem>>) src(%dma_wait3A_419 : memref<16384xf32, #tpu.memory_space<hbm>>) dst(%arg7 : memref<16384xf32, #tpu.memory_space<vmem>>)
    %parallel_loop3A_420 = arith.constant 0 : i32
    %parallel_loop3A_421 = arith.constant 16384 : i32
    %parallel_loop3A_422 = arith.constant 16 : i32
    scf.for %parallel_loop3A_1264 = %parallel_loop3A_420 to %parallel_loop3A_421 step %parallel_loop3A_422  : i32 {
      %parallel_loop3A_1265 = arith.index_cast %parallel_loop3A_1264 : i32 to index
      %parallel_loop3A_1266 = tpu.vector_load %arg5[%parallel_loop3A_1265] {strides = array<i32>} : memref<16384xf32, #tpu.memory_space<vmem>>, vector<16xf32>,
      %parallel_loop3A_1267 = vector.shape_cast %parallel_loop3A_1266 : vector<16xf32> to vector<16xf32>
      %parallel_loop3A_1268 = arith.index_cast %parallel_loop3A_1264 : i32 to index
      %parallel_loop3A_1269 = tpu.vector_load %arg7[%parallel_loop3A_1268] {strides = array<i32>} : memref<16384xf32, #tpu.memory_space<vmem>>, vector<16xf32>,
      %parallel_loop3A_1270 = vector.shape_cast %parallel_loop3A_1269 : vector<16xf32> to vector<16xf32>
      %parallel_loop3A_1271 = vector.shape_cast %parallel_loop3A_1267 : vector<16xf32> to vector<16xf32>
      tpu.vector_store %arg7[%parallel_loop3A_1268], %parallel_loop3A_1271 {add = true, strides = array<i32>} : memref<16384xf32, #tpu.memory_space<vmem>>, vector<16xf32>,
    } {sc.loop_unroll_factor = 8 : i64, sc.parallel_access}
    %add3A_423 = arith.constant 16777216 : i32
    %add3A_424 = arith.addi %add3A_423, %mul3A_2 : i32
    %add3A_425 = arith.constant 32768 : i32
    %add3A_426 = arith.addi %add3A_424, %add3A_425 : i32
    %dma_start3A_427 = tpu.memref_slice %arg4[%add3A_426] : memref<33554432xf32, #tpu.memory_space<hbm>> -> memref<16384xf32, #tpu.memory_space<hbm>>
    %dma_start3A_428 = tpu.memref_slice %arg4[%add3A_426] : memref<33554432xf32, #tpu.memory_space<hbm>> -> memref<16384xf32, #tpu.memory_space<hbm>>
    tpu.enqueue_dma source(%arg7 : memref<16384xf32, #tpu.memory_space<vmem>>) target(%dma_start3A_428 : memref<16384xf32, #tpu.memory_space<hbm>>) target_semaphore(%arg17 : memref<!tpu.dma_semaphore, #tpu.memory_space<semaphore_mem>>)
    %dma_wait3A_429 = tpu.memref_slice %arg4[%add3A_407] : memref<33554432xf32, #tpu.memory_space<hbm>> -> memref<16384xf32, #tpu.memory_space<hbm>>
    %dma_wait3A_430 = tpu.memref_slice %arg4[%add3A_407] : memref<33554432xf32, #tpu.memory_space<hbm>> -> memref<16384xf32, #tpu.memory_space<hbm>>
    tpu.wait_dma2 semaphore(%arg20 : memref<!tpu.dma_semaphore, #tpu.memory_space<semaphore_mem>>) src(%arg10 : memref<16384xf32, #tpu.memory_space<vmem>>) dst(%dma_wait3A_430 : memref<16384xf32, #tpu.memory_space<hbm>>)
    %add3A_431 = arith.constant 29360128 : i32
    %add3A_432 = arith.addi %add3A_431, %mul3A_2 : i32
    %add3A_433 = arith.constant 32768 : i32
    %add3A_434 = arith.addi %add3A_432, %add3A_433 : i32
    %dma_start3A_435 = tpu.memref_slice %arg2[%add3A_434] : memref<33554432xf32, #tpu.memory_space<hbm>> -> memref<16384xf32, #tpu.memory_space<hbm>>
    %dma_start3A_436 = tpu.memref_slice %arg2[%add3A_434] : memref<33554432xf32, #tpu.memory_space<hbm>> -> memref<16384xf32, #tpu.memory_space<hbm>>
    tpu.enqueue_dma source(%dma_start3A_436 : memref<16384xf32, #tpu.memory_space<hbm>>) target(%arg10 : memref<16384xf32, #tpu.memory_space<vmem>>) target_semaphore(%arg16 : memref<!tpu.dma_semaphore, #tpu.memory_space<semaphore_mem>>)
    %dma_wait3A_437 = tpu.memref_slice %arg2[%add3A_396] : memref<33554432xf32, #tpu.memory_space<hbm>> -> memref<16384xf32, #tpu.memory_space<hbm>>
    %dma_wait3A_438 = tpu.memref_slice %arg2[%add3A_396] : memref<33554432xf32, #tpu.memory_space<hbm>> -> memref<16384xf32, #tpu.memory_space<hbm>>
    tpu.wait_dma2 semaphore(%arg14 : memref<!tpu.dma_semaphore, #tpu.memory_space<semaphore_mem>>) src(%dma_wait3A_438 : memref<16384xf32, #tpu.memory_space<hbm>>) dst(%arg8 : memref<16384xf32, #tpu.memory_space<vmem>>)
    %parallel_loop3A_439 = arith.constant 0 : i32
    %parallel_loop3A_440 = arith.constant 16384 : i32
    %parallel_loop3A_441 = arith.constant 16 : i32
    scf.for %parallel_loop3A_1264 = %parallel_loop3A_439 to %parallel_loop3A_440 step %parallel_loop3A_441  : i32 {
      %parallel_loop3A_1265 = arith.index_cast %parallel_loop3A_1264 : i32 to index
      %parallel_loop3A_1266 = tpu.vector_load %arg5[%parallel_loop3A_1265] {strides = array<i32>} : memref<16384xf32, #tpu.memory_space<vmem>>, vector<16xf32>,
      %parallel_loop3A_1267 = vector.shape_cast %parallel_loop3A_1266 : vector<16xf32> to vector<16xf32>
      %parallel_loop3A_1268 = arith.index_cast %parallel_loop3A_1264 : i32 to index
      %parallel_loop3A_1269 = tpu.vector_load %arg8[%parallel_loop3A_1268] {strides = array<i32>} : memref<16384xf32, #tpu.memory_space<vmem>>, vector<16xf32>,
      %parallel_loop3A_1270 = vector.shape_cast %parallel_loop3A_1269 : vector<16xf32> to vector<16xf32>
      %parallel_loop3A_1271 = vector.shape_cast %parallel_loop3A_1267 : vector<16xf32> to vector<16xf32>
      tpu.vector_store %arg8[%parallel_loop3A_1268], %parallel_loop3A_1271 {add = true, strides = array<i32>} : memref<16384xf32, #tpu.memory_space<vmem>>, vector<16xf32>,
    } {sc.loop_unroll_factor = 8 : i64, sc.parallel_access}
    %add3A_442 = arith.constant 20971520 : i32
    %add3A_443 = arith.addi %add3A_442, %mul3A_2 : i32
    %add3A_444 = arith.constant 32768 : i32
    %add3A_445 = arith.addi %add3A_443, %add3A_444 : i32
    %dma_start3A_446 = tpu.memref_slice %arg4[%add3A_445] : memref<33554432xf32, #tpu.memory_space<hbm>> -> memref<16384xf32, #tpu.memory_space<hbm>>
    %dma_start3A_447 = tpu.memref_slice %arg4[%add3A_445] : memref<33554432xf32, #tpu.memory_space<hbm>> -> memref<16384xf32, #tpu.memory_space<hbm>>
    tpu.enqueue_dma source(%arg8 : memref<16384xf32, #tpu.memory_space<vmem>>) target(%dma_start3A_447 : memref<16384xf32, #tpu.memory_space<hbm>>) target_semaphore(%arg18 : memref<!tpu.dma_semaphore, #tpu.memory_space<semaphore_mem>>)
    %dma_wait3A_448 = tpu.memref_slice %arg4[%add3A_426] : memref<33554432xf32, #tpu.memory_space<hbm>> -> memref<16384xf32, #tpu.memory_space<hbm>>
    %dma_wait3A_449 = tpu.memref_slice %arg4[%add3A_426] : memref<33554432xf32, #tpu.memory_space<hbm>> -> memref<16384xf32, #tpu.memory_space<hbm>>
    tpu.wait_dma2 semaphore(%arg17 : memref<!tpu.dma_semaphore, #tpu.memory_space<semaphore_mem>>) src(%arg7 : memref<16384xf32, #tpu.memory_space<vmem>>) dst(%dma_wait3A_449 : memref<16384xf32, #tpu.memory_space<hbm>>)
    %add3A_450 = arith.constant 0 : i32
    %add3A_451 = arith.addi %add3A_450, %mul3A_2 : i32
    %add3A_452 = arith.constant 49152 : i32
    %add3A_453 = arith.addi %add3A_451, %add3A_452 : i32
    %dma_start3A_454 = tpu.memref_slice %arg2[%add3A_453] : memref<33554432xf32, #tpu.memory_space<hbm>> -> memref<16384xf32, #tpu.memory_space<hbm>>
    %dma_start3A_455 = tpu.memref_slice %arg2[%add3A_453] : memref<33554432xf32, #tpu.memory_space<hbm>> -> memref<16384xf32, #tpu.memory_space<hbm>>
    tpu.enqueue_dma source(%dma_start3A_455 : memref<16384xf32, #tpu.memory_space<hbm>>) target(%arg7 : memref<16384xf32, #tpu.memory_space<vmem>>) target_semaphore(%arg13 : memref<!tpu.dma_semaphore, #tpu.memory_space<semaphore_mem>>)
    %dma_wait3A_456 = tpu.memref_slice %arg2[%add3A_415] : memref<33554432xf32, #tpu.memory_space<hbm>> -> memref<16384xf32, #tpu.memory_space<hbm>>
    %dma_wait3A_457 = tpu.memref_slice %arg2[%add3A_415] : memref<33554432xf32, #tpu.memory_space<hbm>> -> memref<16384xf32, #tpu.memory_space<hbm>>
    tpu.wait_dma2 semaphore(%arg15 : memref<!tpu.dma_semaphore, #tpu.memory_space<semaphore_mem>>) src(%dma_wait3A_457 : memref<16384xf32, #tpu.memory_space<hbm>>) dst(%arg9 : memref<16384xf32, #tpu.memory_space<vmem>>)
    %parallel_loop3A_458 = arith.constant 0 : i32
    %parallel_loop3A_459 = arith.constant 16384 : i32
    %parallel_loop3A_460 = arith.constant 16 : i32
    scf.for %parallel_loop3A_1264 = %parallel_loop3A_458 to %parallel_loop3A_459 step %parallel_loop3A_460  : i32 {
      %parallel_loop3A_1265 = arith.index_cast %parallel_loop3A_1264 : i32 to index
      %parallel_loop3A_1266 = tpu.vector_load %arg5[%parallel_loop3A_1265] {strides = array<i32>} : memref<16384xf32, #tpu.memory_space<vmem>>, vector<16xf32>,
      %parallel_loop3A_1267 = vector.shape_cast %parallel_loop3A_1266 : vector<16xf32> to vector<16xf32>
      %parallel_loop3A_1268 = arith.index_cast %parallel_loop3A_1264 : i32 to index
      %parallel_loop3A_1269 = tpu.vector_load %arg9[%parallel_loop3A_1268] {strides = array<i32>} : memref<16384xf32, #tpu.memory_space<vmem>>, vector<16xf32>,
      %parallel_loop3A_1270 = vector.shape_cast %parallel_loop3A_1269 : vector<16xf32> to vector<16xf32>
      %parallel_loop3A_1271 = vector.shape_cast %parallel_loop3A_1267 : vector<16xf32> to vector<16xf32>
      tpu.vector_store %arg9[%parallel_loop3A_1268], %parallel_loop3A_1271 {add = true, strides = array<i32>} : memref<16384xf32, #tpu.memory_space<vmem>>, vector<16xf32>,
    } {sc.loop_unroll_factor = 8 : i64, sc.parallel_access}
    %add3A_461 = arith.constant 25165824 : i32
    %add3A_462 = arith.addi %add3A_461, %mul3A_2 : i32
    %add3A_463 = arith.constant 32768 : i32
    %add3A_464 = arith.addi %add3A_462, %add3A_463 : i32
    %dma_start3A_465 = tpu.memref_slice %arg4[%add3A_464] : memref<33554432xf32, #tpu.memory_space<hbm>> -> memref<16384xf32, #tpu.memory_space<hbm>>
    %dma_start3A_466 = tpu.memref_slice %arg4[%add3A_464] : memref<33554432xf32, #tpu.memory_space<hbm>> -> memref<16384xf32, #tpu.memory_space<hbm>>
    tpu.enqueue_dma source(%arg9 : memref<16384xf32, #tpu.memory_space<vmem>>) target(%dma_start3A_466 : memref<16384xf32, #tpu.memory_space<hbm>>) target_semaphore(%arg19 : memref<!tpu.dma_semaphore, #tpu.memory_space<semaphore_mem>>)
    %dma_wait3A_467 = tpu.memref_slice %arg4[%add3A_445] : memref<33554432xf32, #tpu.memory_space<hbm>> -> memref<16384xf32, #tpu.memory_space<hbm>>
    %dma_wait3A_468 = tpu.memref_slice %arg4[%add3A_445] : memref<33554432xf32, #tpu.memory_space<hbm>> -> memref<16384xf32, #tpu.memory_space<hbm>>
    tpu.wait_dma2 semaphore(%arg18 : memref<!tpu.dma_semaphore, #tpu.memory_space<semaphore_mem>>) src(%arg8 : memref<16384xf32, #tpu.memory_space<vmem>>) dst(%dma_wait3A_468 : memref<16384xf32, #tpu.memory_space<hbm>>)
    %add3A_469 = arith.constant 4194304 : i32
    %add3A_470 = arith.addi %add3A_469, %mul3A_2 : i32
    %add3A_471 = arith.constant 49152 : i32
    %add3A_472 = arith.addi %add3A_470, %add3A_471 : i32
    %dma_start3A_473 = tpu.memref_slice %arg2[%add3A_472] : memref<33554432xf32, #tpu.memory_space<hbm>> -> memref<16384xf32, #tpu.memory_space<hbm>>
    %dma_start3A_474 = tpu.memref_slice %arg2[%add3A_472] : memref<33554432xf32, #tpu.memory_space<hbm>> -> memref<16384xf32, #tpu.memory_space<hbm>>
    tpu.enqueue_dma source(%dma_start3A_474 : memref<16384xf32, #tpu.memory_space<hbm>>) target(%arg8 : memref<16384xf32, #tpu.memory_space<vmem>>) target_semaphore(%arg14 : memref<!tpu.dma_semaphore, #tpu.memory_space<semaphore_mem>>)
    %dma_wait3A_475 = tpu.memref_slice %arg2[%add3A_434] : memref<33554432xf32, #tpu.memory_space<hbm>> -> memref<16384xf32, #tpu.memory_space<hbm>>
    %dma_wait3A_476 = tpu.memref_slice %arg2[%add3A_434] : memref<33554432xf32, #tpu.memory_space<hbm>> -> memref<16384xf32, #tpu.memory_space<hbm>>
    tpu.wait_dma2 semaphore(%arg16 : memref<!tpu.dma_semaphore, #tpu.memory_space<semaphore_mem>>) src(%dma_wait3A_476 : memref<16384xf32, #tpu.memory_space<hbm>>) dst(%arg10 : memref<16384xf32, #tpu.memory_space<vmem>>)
    %parallel_loop3A_477 = arith.constant 0 : i32
    %parallel_loop3A_478 = arith.constant 16384 : i32
    %parallel_loop3A_479 = arith.constant 16 : i32
    scf.for %parallel_loop3A_1264 = %parallel_loop3A_477 to %parallel_loop3A_478 step %parallel_loop3A_479  : i32 {
      %parallel_loop3A_1265 = arith.index_cast %parallel_loop3A_1264 : i32 to index
      %parallel_loop3A_1266 = tpu.vector_load %arg5[%parallel_loop3A_1265] {strides = array<i32>} : memref<16384xf32, #tpu.memory_space<vmem>>, vector<16xf32>,
      %parallel_loop3A_1267 = vector.shape_cast %parallel_loop3A_1266 : vector<16xf32> to vector<16xf32>
      %parallel_loop3A_1268 = arith.index_cast %parallel_loop3A_1264 : i32 to index
      %parallel_loop3A_1269 = tpu.vector_load %arg10[%parallel_loop3A_1268] {strides = array<i32>} : memref<16384xf32, #tpu.memory_space<vmem>>, vector<16xf32>,
      %parallel_loop3A_1270 = vector.shape_cast %parallel_loop3A_1269 : vector<16xf32> to vector<16xf32>
      %parallel_loop3A_1271 = vector.shape_cast %parallel_loop3A_1267 : vector<16xf32> to vector<16xf32>
      tpu.vector_store %arg10[%parallel_loop3A_1268], %parallel_loop3A_1271 {add = true, strides = array<i32>} : memref<16384xf32, #tpu.memory_space<vmem>>, vector<16xf32>,
    } {sc.loop_unroll_factor = 8 : i64, sc.parallel_access}
    %add3A_480 = arith.constant 29360128 : i32
    %add3A_481 = arith.addi %add3A_480, %mul3A_2 : i32
    %add3A_482 = arith.constant 32768 : i32
    %add3A_483 = arith.addi %add3A_481, %add3A_482 : i32
    %dma_start3A_484 = tpu.memref_slice %arg4[%add3A_483] : memref<33554432xf32, #tpu.memory_space<hbm>> -> memref<16384xf32, #tpu.memory_space<hbm>>
    %dma_start3A_485 = tpu.memref_slice %arg4[%add3A_483] : memref<33554432xf32, #tpu.memory_space<hbm>> -> memref<16384xf32, #tpu.memory_space<hbm>>
    tpu.enqueue_dma source(%arg10 : memref<16384xf32, #tpu.memory_space<vmem>>) target(%dma_start3A_485 : memref<16384xf32, #tpu.memory_space<hbm>>) target_semaphore(%arg20 : memref<!tpu.dma_semaphore, #tpu.memory_space<semaphore_mem>>)
    %dma_wait3A_486 = tpu.memref_slice %arg3[%add3A_331] : memref<4194304xf32, #tpu.memory_space<hbm>> -> memref<16384xf32, #tpu.memory_space<hbm>>
    %dma_wait3A_487 = tpu.memref_slice %arg3[%add3A_331] : memref<4194304xf32, #tpu.memory_space<hbm>> -> memref<16384xf32, #tpu.memory_space<hbm>>
    tpu.wait_dma2 semaphore(%arg12 : memref<!tpu.dma_semaphore, #tpu.memory_space<semaphore_mem>>) src(%dma_wait3A_487 : memref<16384xf32, #tpu.memory_space<hbm>>) dst(%arg6 : memref<16384xf32, #tpu.memory_space<vmem>>)
    %add3A_488 = arith.constant 65536 : i32
    %add3A_489 = arith.addi %mul3A_2, %add3A_488 : i32
    %dma_start3A_490 = tpu.memref_slice %arg3[%add3A_489] : memref<4194304xf32, #tpu.memory_space<hbm>> -> memref<16384xf32, #tpu.memory_space<hbm>>
    %dma_start3A_491 = tpu.memref_slice %arg3[%add3A_489] : memref<4194304xf32, #tpu.memory_space<hbm>> -> memref<16384xf32, #tpu.memory_space<hbm>>
    tpu.enqueue_dma source(%dma_start3A_491 : memref<16384xf32, #tpu.memory_space<hbm>>) target(%arg5 : memref<16384xf32, #tpu.memory_space<vmem>>) target_semaphore(%arg11 : memref<!tpu.dma_semaphore, #tpu.memory_space<semaphore_mem>>)
    %dma_wait3A_492 = tpu.memref_slice %arg4[%add3A_464] : memref<33554432xf32, #tpu.memory_space<hbm>> -> memref<16384xf32, #tpu.memory_space<hbm>>
    %dma_wait3A_493 = tpu.memref_slice %arg4[%add3A_464] : memref<33554432xf32, #tpu.memory_space<hbm>> -> memref<16384xf32, #tpu.memory_space<hbm>>
    tpu.wait_dma2 semaphore(%arg19 : memref<!tpu.dma_semaphore, #tpu.memory_space<semaphore_mem>>) src(%arg9 : memref<16384xf32, #tpu.memory_space<vmem>>) dst(%dma_wait3A_493 : memref<16384xf32, #tpu.memory_space<hbm>>)
    %add3A_494 = arith.constant 8388608 : i32
    %add3A_495 = arith.addi %add3A_494, %mul3A_2 : i32
    %add3A_496 = arith.constant 49152 : i32
    %add3A_497 = arith.addi %add3A_495, %add3A_496 : i32
    %dma_start3A_498 = tpu.memref_slice %arg2[%add3A_497] : memref<33554432xf32, #tpu.memory_space<hbm>> -> memref<16384xf32, #tpu.memory_space<hbm>>
    %dma_start3A_499 = tpu.memref_slice %arg2[%add3A_497] : memref<33554432xf32, #tpu.memory_space<hbm>> -> memref<16384xf32, #tpu.memory_space<hbm>>
    tpu.enqueue_dma source(%dma_start3A_499 : memref<16384xf32, #tpu.memory_space<hbm>>) target(%arg9 : memref<16384xf32, #tpu.memory_space<vmem>>) target_semaphore(%arg15 : memref<!tpu.dma_semaphore, #tpu.memory_space<semaphore_mem>>)
    %dma_wait3A_500 = tpu.memref_slice %arg2[%add3A_453] : memref<33554432xf32, #tpu.memory_space<hbm>> -> memref<16384xf32, #tpu.memory_space<hbm>>
    %dma_wait3A_501 = tpu.memref_slice %arg2[%add3A_453] : memref<33554432xf32, #tpu.memory_space<hbm>> -> memref<16384xf32, #tpu.memory_space<hbm>>
    tpu.wait_dma2 semaphore(%arg13 : memref<!tpu.dma_semaphore, #tpu.memory_space<semaphore_mem>>) src(%dma_wait3A_501 : memref<16384xf32, #tpu.memory_space<hbm>>) dst(%arg7 : memref<16384xf32, #tpu.memory_space<vmem>>)
    %parallel_loop3A_502 = arith.constant 0 : i32
    %parallel_loop3A_503 = arith.constant 16384 : i32
    %parallel_loop3A_504 = arith.constant 16 : i32
    scf.for %parallel_loop3A_1264 = %parallel_loop3A_502 to %parallel_loop3A_503 step %parallel_loop3A_504  : i32 {
      %parallel_loop3A_1265 = arith.index_cast %parallel_loop3A_1264 : i32 to index
      %parallel_loop3A_1266 = tpu.vector_load %arg6[%parallel_loop3A_1265] {strides = array<i32>} : memref<16384xf32, #tpu.memory_space<vmem>>, vector<16xf32>,
      %parallel_loop3A_1267 = vector.shape_cast %parallel_loop3A_1266 : vector<16xf32> to vector<16xf32>
      %parallel_loop3A_1268 = arith.index_cast %parallel_loop3A_1264 : i32 to index
      %parallel_loop3A_1269 = tpu.vector_load %arg7[%parallel_loop3A_1268] {strides = array<i32>} : memref<16384xf32, #tpu.memory_space<vmem>>, vector<16xf32>,
      %parallel_loop3A_1270 = vector.shape_cast %parallel_loop3A_1269 : vector<16xf32> to vector<16xf32>
      %parallel_loop3A_1271 = vector.shape_cast %parallel_loop3A_1267 : vector<16xf32> to vector<16xf32>
      tpu.vector_store %arg7[%parallel_loop3A_1268], %parallel_loop3A_1271 {add = true, strides = array<i32>} : memref<16384xf32, #tpu.memory_space<vmem>>, vector<16xf32>,
    } {sc.loop_unroll_factor = 8 : i64, sc.parallel_access}
    %add3A_505 = arith.constant 0 : i32
    %add3A_506 = arith.addi %add3A_505, %mul3A_2 : i32
    %add3A_507 = arith.constant 49152 : i32
    %add3A_508 = arith.addi %add3A_506, %add3A_507 : i32
    %dma_start3A_509 = tpu.memref_slice %arg4[%add3A_508] : memref<33554432xf32, #tpu.memory_space<hbm>> -> memref<16384xf32, #tpu.memory_space<hbm>>
    %dma_start3A_510 = tpu.memref_slice %arg4[%add3A_508] : memref<33554432xf32, #tpu.memory_space<hbm>> -> memref<16384xf32, #tpu.memory_space<hbm>>
    tpu.enqueue_dma source(%arg7 : memref<16384xf32, #tpu.memory_space<vmem>>) target(%dma_start3A_510 : memref<16384xf32, #tpu.memory_space<hbm>>) target_semaphore(%arg17 : memref<!tpu.dma_semaphore, #tpu.memory_space<semaphore_mem>>)
    %dma_wait3A_511 = tpu.memref_slice %arg4[%add3A_483] : memref<33554432xf32, #tpu.memory_space<hbm>> -> memref<16384xf32, #tpu.memory_space<hbm>>
    %dma_wait3A_512 = tpu.memref_slice %arg4[%add3A_483] : memref<33554432xf32, #tpu.memory_space<hbm>> -> memref<16384xf32, #tpu.memory_space<hbm>>
    tpu.wait_dma2 semaphore(%arg20 : memref<!tpu.dma_semaphore, #tpu.memory_space<semaphore_mem>>) src(%arg10 : memref<16384xf32, #tpu.memory_space<vmem>>) dst(%dma_wait3A_512 : memref<16384xf32, #tpu.memory_space<hbm>>)
    %add3A_513 = arith.constant 12582912 : i32
    %add3A_514 = arith.addi %add3A_513, %mul3A_2 : i32
    %add3A_515 = arith.constant 49152 : i32
    %add3A_516 = arith.addi %add3A_514, %add3A_515 : i32
    %dma_start3A_517 = tpu.memref_slice %arg2[%add3A_516] : memref<33554432xf32, #tpu.memory_space<hbm>> -> memref<16384xf32, #tpu.memory_space<hbm>>
    %dma_start3A_518 = tpu.memref_slice %arg2[%add3A_516] : memref<33554432xf32, #tpu.memory_space<hbm>> -> memref<16384xf32, #tpu.memory_space<hbm>>
    tpu.enqueue_dma source(%dma_start3A_518 : memref<16384xf32, #tpu.memory_space<hbm>>) target(%arg10 : memref<16384xf32, #tpu.memory_space<vmem>>) target_semaphore(%arg16 : memref<!tpu.dma_semaphore, #tpu.memory_space<semaphore_mem>>)
    %dma_wait3A_519 = tpu.memref_slice %arg2[%add3A_472] : memref<33554432xf32, #tpu.memory_space<hbm>> -> memref<16384xf32, #tpu.memory_space<hbm>>
    %dma_wait3A_520 = tpu.memref_slice %arg2[%add3A_472] : memref<33554432xf32, #tpu.memory_space<hbm>> -> memref<16384xf32, #tpu.memory_space<hbm>>
    tpu.wait_dma2 semaphore(%arg14 : memref<!tpu.dma_semaphore, #tpu.memory_space<semaphore_mem>>) src(%dma_wait3A_520 : memref<16384xf32, #tpu.memory_space<hbm>>) dst(%arg8 : memref<16384xf32, #tpu.memory_space<vmem>>)
    %parallel_loop3A_521 = arith.constant 0 : i32
    %parallel_loop3A_522 = arith.constant 16384 : i32
    %parallel_loop3A_523 = arith.constant 16 : i32
    scf.for %parallel_loop3A_1264 = %parallel_loop3A_521 to %parallel_loop3A_522 step %parallel_loop3A_523  : i32 {
      %parallel_loop3A_1265 = arith.index_cast %parallel_loop3A_1264 : i32 to index
      %parallel_loop3A_1266 = tpu.vector_load %arg6[%parallel_loop3A_1265] {strides = array<i32>} : memref<16384xf32, #tpu.memory_space<vmem>>, vector<16xf32>,
      %parallel_loop3A_1267 = vector.shape_cast %parallel_loop3A_1266 : vector<16xf32> to vector<16xf32>
      %parallel_loop3A_1268 = arith.index_cast %parallel_loop3A_1264 : i32 to index
      %parallel_loop3A_1269 = tpu.vector_load %arg8[%parallel_loop3A_1268] {strides = array<i32>} : memref<16384xf32, #tpu.memory_space<vmem>>, vector<16xf32>,
      %parallel_loop3A_1270 = vector.shape_cast %parallel_loop3A_1269 : vector<16xf32> to vector<16xf32>
      %parallel_loop3A_1271 = vector.shape_cast %parallel_loop3A_1267 : vector<16xf32> to vector<16xf32>
      tpu.vector_store %arg8[%parallel_loop3A_1268], %parallel_loop3A_1271 {add = true, strides = array<i32>} : memref<16384xf32, #tpu.memory_space<vmem>>, vector<16xf32>,
    } {sc.loop_unroll_factor = 8 : i64, sc.parallel_access}
    %add3A_524 = arith.constant 4194304 : i32
    %add3A_525 = arith.addi %add3A_524, %mul3A_2 : i32
    %add3A_526 = arith.constant 49152 : i32
    %add3A_527 = arith.addi %add3A_525, %add3A_526 : i32
    %dma_start3A_528 = tpu.memref_slice %arg4[%add3A_527] : memref<33554432xf32, #tpu.memory_space<hbm>> -> memref<16384xf32, #tpu.memory_space<hbm>>
    %dma_start3A_529 = tpu.memref_slice %arg4[%add3A_527] : memref<33554432xf32, #tpu.memory_space<hbm>> -> memref<16384xf32, #tpu.memory_space<hbm>>
    tpu.enqueue_dma source(%arg8 : memref<16384xf32, #tpu.memory_space<vmem>>) target(%dma_start3A_529 : memref<16384xf32, #tpu.memory_space<hbm>>) target_semaphore(%arg18 : memref<!tpu.dma_semaphore, #tpu.memory_space<semaphore_mem>>)
    %dma_wait3A_530 = tpu.memref_slice %arg4[%add3A_508] : memref<33554432xf32, #tpu.memory_space<hbm>> -> memref<16384xf32, #tpu.memory_space<hbm>>
    %dma_wait3A_531 = tpu.memref_slice %arg4[%add3A_508] : memref<33554432xf32, #tpu.memory_space<hbm>> -> memref<16384xf32, #tpu.memory_space<hbm>>
    tpu.wait_dma2 semaphore(%arg17 : memref<!tpu.dma_semaphore, #tpu.memory_space<semaphore_mem>>) src(%arg7 : memref<16384xf32, #tpu.memory_space<vmem>>) dst(%dma_wait3A_531 : memref<16384xf32, #tpu.memory_space<hbm>>)
    %add3A_532 = arith.constant 16777216 : i32
    %add3A_533 = arith.addi %add3A_532, %mul3A_2 : i32
    %add3A_534 = arith.constant 49152 : i32
    %add3A_535 = arith.addi %add3A_533, %add3A_534 : i32
    %dma_start3A_536 = tpu.memref_slice %arg2[%add3A_535] : memref<33554432xf32, #tpu.memory_space<hbm>> -> memref<16384xf32, #tpu.memory_space<hbm>>
    %dma_start3A_537 = tpu.memref_slice %arg2[%add3A_535] : memref<33554432xf32, #tpu.memory_space<hbm>> -> memref<16384xf32, #tpu.memory_space<hbm>>
    tpu.enqueue_dma source(%dma_start3A_537 : memref<16384xf32, #tpu.memory_space<hbm>>) target(%arg7 : memref<16384xf32, #tpu.memory_space<vmem>>) target_semaphore(%arg13 : memref<!tpu.dma_semaphore, #tpu.memory_space<semaphore_mem>>)
    %dma_wait3A_538 = tpu.memref_slice %arg2[%add3A_497] : memref<33554432xf32, #tpu.memory_space<hbm>> -> memref<16384xf32, #tpu.memory_space<hbm>>
    %dma_wait3A_539 = tpu.memref_slice %arg2[%add3A_497] : memref<33554432xf32, #tpu.memory_space<hbm>> -> memref<16384xf32, #tpu.memory_space<hbm>>
    tpu.wait_dma2 semaphore(%arg15 : memref<!tpu.dma_semaphore, #tpu.memory_space<semaphore_mem>>) src(%dma_wait3A_539 : memref<16384xf32, #tpu.memory_space<hbm>>) dst(%arg9 : memref<16384xf32, #tpu.memory_space<vmem>>)
    %parallel_loop3A_540 = arith.constant 0 : i32
    %parallel_loop3A_541 = arith.constant 16384 : i32
    %parallel_loop3A_542 = arith.constant 16 : i32
    scf.for %parallel_loop3A_1264 = %parallel_loop3A_540 to %parallel_loop3A_541 step %parallel_loop3A_542  : i32 {
      %parallel_loop3A_1265 = arith.index_cast %parallel_loop3A_1264 : i32 to index
      %parallel_loop3A_1266 = tpu.vector_load %arg6[%parallel_loop3A_1265] {strides = array<i32>} : memref<16384xf32, #tpu.memory_space<vmem>>, vector<16xf32>,
      %parallel_loop3A_1267 = vector.shape_cast %parallel_loop3A_1266 : vector<16xf32> to vector<16xf32>
      %parallel_loop3A_1268 = arith.index_cast %parallel_loop3A_1264 : i32 to index
      %parallel_loop3A_1269 = tpu.vector_load %arg9[%parallel_loop3A_1268] {strides = array<i32>} : memref<16384xf32, #tpu.memory_space<vmem>>, vector<16xf32>,
      %parallel_loop3A_1270 = vector.shape_cast %parallel_loop3A_1269 : vector<16xf32> to vector<16xf32>
      %parallel_loop3A_1271 = vector.shape_cast %parallel_loop3A_1267 : vector<16xf32> to vector<16xf32>
      tpu.vector_store %arg9[%parallel_loop3A_1268], %parallel_loop3A_1271 {add = true, strides = array<i32>} : memref<16384xf32, #tpu.memory_space<vmem>>, vector<16xf32>,
    } {sc.loop_unroll_factor = 8 : i64, sc.parallel_access}
    %add3A_543 = arith.constant 8388608 : i32
    %add3A_544 = arith.addi %add3A_543, %mul3A_2 : i32
    %add3A_545 = arith.constant 49152 : i32
    %add3A_546 = arith.addi %add3A_544, %add3A_545 : i32
    %dma_start3A_547 = tpu.memref_slice %arg4[%add3A_546] : memref<33554432xf32, #tpu.memory_space<hbm>> -> memref<16384xf32, #tpu.memory_space<hbm>>
    %dma_start3A_548 = tpu.memref_slice %arg4[%add3A_546] : memref<33554432xf32, #tpu.memory_space<hbm>> -> memref<16384xf32, #tpu.memory_space<hbm>>
    tpu.enqueue_dma source(%arg9 : memref<16384xf32, #tpu.memory_space<vmem>>) target(%dma_start3A_548 : memref<16384xf32, #tpu.memory_space<hbm>>) target_semaphore(%arg19 : memref<!tpu.dma_semaphore, #tpu.memory_space<semaphore_mem>>)
    %dma_wait3A_549 = tpu.memref_slice %arg4[%add3A_527] : memref<33554432xf32, #tpu.memory_space<hbm>> -> memref<16384xf32, #tpu.memory_space<hbm>>
    %dma_wait3A_550 = tpu.memref_slice %arg4[%add3A_527] : memref<33554432xf32, #tpu.memory_space<hbm>> -> memref<16384xf32, #tpu.memory_space<hbm>>
    tpu.wait_dma2 semaphore(%arg18 : memref<!tpu.dma_semaphore, #tpu.memory_space<semaphore_mem>>) src(%arg8 : memref<16384xf32, #tpu.memory_space<vmem>>) dst(%dma_wait3A_550 : memref<16384xf32, #tpu.memory_space<hbm>>)
    %add3A_551 = arith.constant 20971520 : i32
    %add3A_552 = arith.addi %add3A_551, %mul3A_2 : i32
    %add3A_553 = arith.constant 49152 : i32
    %add3A_554 = arith.addi %add3A_552, %add3A_553 : i32
    %dma_start3A_555 = tpu.memref_slice %arg2[%add3A_554] : memref<33554432xf32, #tpu.memory_space<hbm>> -> memref<16384xf32, #tpu.memory_space<hbm>>
    %dma_start3A_556 = tpu.memref_slice %arg2[%add3A_554] : memref<33554432xf32, #tpu.memory_space<hbm>> -> memref<16384xf32, #tpu.memory_space<hbm>>
    tpu.enqueue_dma source(%dma_start3A_556 : memref<16384xf32, #tpu.memory_space<hbm>>) target(%arg8 : memref<16384xf32, #tpu.memory_space<vmem>>) target_semaphore(%arg14 : memref<!tpu.dma_semaphore, #tpu.memory_space<semaphore_mem>>)
    %dma_wait3A_557 = tpu.memref_slice %arg2[%add3A_516] : memref<33554432xf32, #tpu.memory_space<hbm>> -> memref<16384xf32, #tpu.memory_space<hbm>>
    %dma_wait3A_558 = tpu.memref_slice %arg2[%add3A_516] : memref<33554432xf32, #tpu.memory_space<hbm>> -> memref<16384xf32, #tpu.memory_space<hbm>>
    tpu.wait_dma2 semaphore(%arg16 : memref<!tpu.dma_semaphore, #tpu.memory_space<semaphore_mem>>) src(%dma_wait3A_558 : memref<16384xf32, #tpu.memory_space<hbm>>) dst(%arg10 : memref<16384xf32, #tpu.memory_space<vmem>>)
    %parallel_loop3A_559 = arith.constant 0 : i32
    %parallel_loop3A_560 = arith.constant 16384 : i32
    %parallel_loop3A_561 = arith.constant 16 : i32
    scf.for %parallel_loop3A_1264 = %parallel_loop3A_559 to %parallel_loop3A_560 step %parallel_loop3A_561  : i32 {
      %parallel_loop3A_1265 = arith.index_cast %parallel_loop3A_1264 : i32 to index
      %parallel_loop3A_1266 = tpu.vector_load %arg6[%parallel_loop3A_1265] {strides = array<i32>} : memref<16384xf32, #tpu.memory_space<vmem>>, vector<16xf32>,
      %parallel_loop3A_1267 = vector.shape_cast %parallel_loop3A_1266 : vector<16xf32> to vector<16xf32>
      %parallel_loop3A_1268 = arith.index_cast %parallel_loop3A_1264 : i32 to index
      %parallel_loop3A_1269 = tpu.vector_load %arg10[%parallel_loop3A_1268] {strides = array<i32>} : memref<16384xf32, #tpu.memory_space<vmem>>, vector<16xf32>,
      %parallel_loop3A_1270 = vector.shape_cast %parallel_loop3A_1269 : vector<16xf32> to vector<16xf32>
      %parallel_loop3A_1271 = vector.shape_cast %parallel_loop3A_1267 : vector<16xf32> to vector<16xf32>
      tpu.vector_store %arg10[%parallel_loop3A_1268], %parallel_loop3A_1271 {add = true, strides = array<i32>} : memref<16384xf32, #tpu.memory_space<vmem>>, vector<16xf32>,
    } {sc.loop_unroll_factor = 8 : i64, sc.parallel_access}
    %add3A_562 = arith.constant 12582912 : i32
    %add3A_563 = arith.addi %add3A_562, %mul3A_2 : i32
    %add3A_564 = arith.constant 49152 : i32
    %add3A_565 = arith.addi %add3A_563, %add3A_564 : i32
    %dma_start3A_566 = tpu.memref_slice %arg4[%add3A_565] : memref<33554432xf32, #tpu.memory_space<hbm>> -> memref<16384xf32, #tpu.memory_space<hbm>>
    %dma_start3A_567 = tpu.memref_slice %arg4[%add3A_565] : memref<33554432xf32, #tpu.memory_space<hbm>> -> memref<16384xf32, #tpu.memory_space<hbm>>
    tpu.enqueue_dma source(%arg10 : memref<16384xf32, #tpu.memory_space<vmem>>) target(%dma_start3A_567 : memref<16384xf32, #tpu.memory_space<hbm>>) target_semaphore(%arg20 : memref<!tpu.dma_semaphore, #tpu.memory_space<semaphore_mem>>)
    %dma_wait3A_568 = tpu.memref_slice %arg4[%add3A_546] : memref<33554432xf32, #tpu.memory_space<hbm>> -> memref<16384xf32, #tpu.memory_space<hbm>>
    %dma_wait3A_569 = tpu.memref_slice %arg4[%add3A_546] : memref<33554432xf32, #tpu.memory_space<hbm>> -> memref<16384xf32, #tpu.memory_space<hbm>>
    tpu.wait_dma2 semaphore(%arg19 : memref<!tpu.dma_semaphore, #tpu.memory_space<semaphore_mem>>) src(%arg9 : memref<16384xf32, #tpu.memory_space<vmem>>) dst(%dma_wait3A_569 : memref<16384xf32, #tpu.memory_space<hbm>>)
    %add3A_570 = arith.constant 25165824 : i32
    %add3A_571 = arith.addi %add3A_570, %mul3A_2 : i32
    %add3A_572 = arith.constant 49152 : i32
    %add3A_573 = arith.addi %add3A_571, %add3A_572 : i32
    %dma_start3A_574 = tpu.memref_slice %arg2[%add3A_573] : memref<33554432xf32, #tpu.memory_space<hbm>> -> memref<16384xf32, #tpu.memory_space<hbm>>
    %dma_start3A_575 = tpu.memref_slice %arg2[%add3A_573] : memref<33554432xf32, #tpu.memory_space<hbm>> -> memref<16384xf32, #tpu.memory_space<hbm>>
    tpu.enqueue_dma source(%dma_start3A_575 : memref<16384xf32, #tpu.memory_space<hbm>>) target(%arg9 : memref<16384xf32, #tpu.memory_space<vmem>>) target_semaphore(%arg15 : memref<!tpu.dma_semaphore, #tpu.memory_space<semaphore_mem>>)
    %dma_wait3A_576 = tpu.memref_slice %arg2[%add3A_535] : memref<33554432xf32, #tpu.memory_space<hbm>> -> memref<16384xf32, #tpu.memory_space<hbm>>
    %dma_wait3A_577 = tpu.memref_slice %arg2[%add3A_535] : memref<33554432xf32, #tpu.memory_space<hbm>> -> memref<16384xf32, #tpu.memory_space<hbm>>
    tpu.wait_dma2 semaphore(%arg13 : memref<!tpu.dma_semaphore, #tpu.memory_space<semaphore_mem>>) src(%dma_wait3A_577 : memref<16384xf32, #tpu.memory_space<hbm>>) dst(%arg7 : memref<16384xf32, #tpu.memory_space<vmem>>)
    %parallel_loop3A_578 = arith.constant 0 : i32
    %parallel_loop3A_579 = arith.constant 16384 : i32
    %parallel_loop3A_580 = arith.constant 16 : i32
    scf.for %parallel_loop3A_1264 = %parallel_loop3A_578 to %parallel_loop3A_579 step %parallel_loop3A_580  : i32 {
      %parallel_loop3A_1265 = arith.index_cast %parallel_loop3A_1264 : i32 to index
      %parallel_loop3A_1266 = tpu.vector_load %arg6[%parallel_loop3A_1265] {strides = array<i32>} : memref<16384xf32, #tpu.memory_space<vmem>>, vector<16xf32>,
      %parallel_loop3A_1267 = vector.shape_cast %parallel_loop3A_1266 : vector<16xf32> to vector<16xf32>
      %parallel_loop3A_1268 = arith.index_cast %parallel_loop3A_1264 : i32 to index
      %parallel_loop3A_1269 = tpu.vector_load %arg7[%parallel_loop3A_1268] {strides = array<i32>} : memref<16384xf32, #tpu.memory_space<vmem>>, vector<16xf32>,
      %parallel_loop3A_1270 = vector.shape_cast %parallel_loop3A_1269 : vector<16xf32> to vector<16xf32>
      %parallel_loop3A_1271 = vector.shape_cast %parallel_loop3A_1267 : vector<16xf32> to vector<16xf32>
      tpu.vector_store %arg7[%parallel_loop3A_1268], %parallel_loop3A_1271 {add = true, strides = array<i32>} : memref<16384xf32, #tpu.memory_space<vmem>>, vector<16xf32>,
    } {sc.loop_unroll_factor = 8 : i64, sc.parallel_access}
    %add3A_581 = arith.constant 16777216 : i32
    %add3A_582 = arith.addi %add3A_581, %mul3A_2 : i32
    %add3A_583 = arith.constant 49152 : i32
    %add3A_584 = arith.addi %add3A_582, %add3A_583 : i32
    %dma_start3A_585 = tpu.memref_slice %arg4[%add3A_584] : memref<33554432xf32, #tpu.memory_space<hbm>> -> memref<16384xf32, #tpu.memory_space<hbm>>
    %dma_start3A_586 = tpu.memref_slice %arg4[%add3A_584] : memref<33554432xf32, #tpu.memory_space<hbm>> -> memref<16384xf32, #tpu.memory_space<hbm>>
    tpu.enqueue_dma source(%arg7 : memref<16384xf32, #tpu.memory_space<vmem>>) target(%dma_start3A_586 : memref<16384xf32, #tpu.memory_space<hbm>>) target_semaphore(%arg17 : memref<!tpu.dma_semaphore, #tpu.memory_space<semaphore_mem>>)
    %dma_wait3A_587 = tpu.memref_slice %arg4[%add3A_565] : memref<33554432xf32, #tpu.memory_space<hbm>> -> memref<16384xf32, #tpu.memory_space<hbm>>
    %dma_wait3A_588 = tpu.memref_slice %arg4[%add3A_565] : memref<33554432xf32, #tpu.memory_space<hbm>> -> memref<16384xf32, #tpu.memory_space<hbm>>
    tpu.wait_dma2 semaphore(%arg20 : memref<!tpu.dma_semaphore, #tpu.memory_space<semaphore_mem>>) src(%arg10 : memref<16384xf32, #tpu.memory_space<vmem>>) dst(%dma_wait3A_588 : memref<16384xf32, #tpu.memory_space<hbm>>)
    %add3A_589 = arith.constant 29360128 : i32
    %add3A_590 = arith.addi %add3A_589, %mul3A_2 : i32
    %add3A_591 = arith.constant 49152 : i32
    %add3A_592 = arith.addi %add3A_590, %add3A_591 : i32
    %dma_start3A_593 = tpu.memref_slice %arg2[%add3A_592] : memref<33554432xf32, #tpu.memory_space<hbm>> -> memref<16384xf32, #tpu.memory_space<hbm>>
    %dma_start3A_594 = tpu.memref_slice %arg2[%add3A_592] : memref<33554432xf32, #tpu.memory_space<hbm>> -> memref<16384xf32, #tpu.memory_space<hbm>>
    tpu.enqueue_dma source(%dma_start3A_594 : memref<16384xf32, #tpu.memory_space<hbm>>) target(%arg10 : memref<16384xf32, #tpu.memory_space<vmem>>) target_semaphore(%arg16 : memref<!tpu.dma_semaphore, #tpu.memory_space<semaphore_mem>>)
    %dma_wait3A_595 = tpu.memref_slice %arg2[%add3A_554] : memref<33554432xf32, #tpu.memory_space<hbm>> -> memref<16384xf32, #tpu.memory_space<hbm>>
    %dma_wait3A_596 = tpu.memref_slice %arg2[%add3A_554] : memref<33554432xf32, #tpu.memory_space<hbm>> -> memref<16384xf32, #tpu.memory_space<hbm>>
    tpu.wait_dma2 semaphore(%arg14 : memref<!tpu.dma_semaphore, #tpu.memory_space<semaphore_mem>>) src(%dma_wait3A_596 : memref<16384xf32, #tpu.memory_space<hbm>>) dst(%arg8 : memref<16384xf32, #tpu.memory_space<vmem>>)
    %parallel_loop3A_597 = arith.constant 0 : i32
    %parallel_loop3A_598 = arith.constant 16384 : i32
    %parallel_loop3A_599 = arith.constant 16 : i32
    scf.for %parallel_loop3A_1264 = %parallel_loop3A_597 to %parallel_loop3A_598 step %parallel_loop3A_599  : i32 {
      %parallel_loop3A_1265 = arith.index_cast %parallel_loop3A_1264 : i32 to index
      %parallel_loop3A_1266 = tpu.vector_load %arg6[%parallel_loop3A_1265] {strides = array<i32>} : memref<16384xf32, #tpu.memory_space<vmem>>, vector<16xf32>,
      %parallel_loop3A_1267 = vector.shape_cast %parallel_loop3A_1266 : vector<16xf32> to vector<16xf32>
      %parallel_loop3A_1268 = arith.index_cast %parallel_loop3A_1264 : i32 to index
      %parallel_loop3A_1269 = tpu.vector_load %arg8[%parallel_loop3A_1268] {strides = array<i32>} : memref<16384xf32, #tpu.memory_space<vmem>>, vector<16xf32>,
      %parallel_loop3A_1270 = vector.shape_cast %parallel_loop3A_1269 : vector<16xf32> to vector<16xf32>
      %parallel_loop3A_1271 = vector.shape_cast %parallel_loop3A_1267 : vector<16xf32> to vector<16xf32>
      tpu.vector_store %arg8[%parallel_loop3A_1268], %parallel_loop3A_1271 {add = true, strides = array<i32>} : memref<16384xf32, #tpu.memory_space<vmem>>, vector<16xf32>,
    } {sc.loop_unroll_factor = 8 : i64, sc.parallel_access}
    %add3A_600 = arith.constant 20971520 : i32
    %add3A_601 = arith.addi %add3A_600, %mul3A_2 : i32
    %add3A_602 = arith.constant 49152 : i32
    %add3A_603 = arith.addi %add3A_601, %add3A_602 : i32
    %dma_start3A_604 = tpu.memref_slice %arg4[%add3A_603] : memref<33554432xf32, #tpu.memory_space<hbm>> -> memref<16384xf32, #tpu.memory_space<hbm>>
    %dma_start3A_605 = tpu.memref_slice %arg4[%add3A_603] : memref<33554432xf32, #tpu.memory_space<hbm>> -> memref<16384xf32, #tpu.memory_space<hbm>>
    tpu.enqueue_dma source(%arg8 : memref<16384xf32, #tpu.memory_space<vmem>>) target(%dma_start3A_605 : memref<16384xf32, #tpu.memory_space<hbm>>) target_semaphore(%arg18 : memref<!tpu.dma_semaphore, #tpu.memory_space<semaphore_mem>>)
    %dma_wait3A_606 = tpu.memref_slice %arg4[%add3A_584] : memref<33554432xf32, #tpu.memory_space<hbm>> -> memref<16384xf32, #tpu.memory_space<hbm>>
    %dma_wait3A_607 = tpu.memref_slice %arg4[%add3A_584] : memref<33554432xf32, #tpu.memory_space<hbm>> -> memref<16384xf32, #tpu.memory_space<hbm>>
    tpu.wait_dma2 semaphore(%arg17 : memref<!tpu.dma_semaphore, #tpu.memory_space<semaphore_mem>>) src(%arg7 : memref<16384xf32, #tpu.memory_space<vmem>>) dst(%dma_wait3A_607 : memref<16384xf32, #tpu.memory_space<hbm>>)
    %add3A_608 = arith.constant 0 : i32
    %add3A_609 = arith.addi %add3A_608, %mul3A_2 : i32
    %add3A_610 = arith.constant 65536 : i32
    %add3A_611 = arith.addi %add3A_609, %add3A_610 : i32
    %dma_start3A_612 = tpu.memref_slice %arg2[%add3A_611] : memref<33554432xf32, #tpu.memory_space<hbm>> -> memref<16384xf32, #tpu.memory_space<hbm>>
    %dma_start3A_613 = tpu.memref_slice %arg2[%add3A_611] : memref<33554432xf32, #tpu.memory_space<hbm>> -> memref<16384xf32, #tpu.memory_space<hbm>>
    tpu.enqueue_dma source(%dma_start3A_613 : memref<16384xf32, #tpu.memory_space<hbm>>) target(%arg7 : memref<16384xf32, #tpu.memory_space<vmem>>) target_semaphore(%arg13 : memref<!tpu.dma_semaphore, #tpu.memory_space<semaphore_mem>>)
    %dma_wait3A_614 = tpu.memref_slice %arg2[%add3A_573] : memref<33554432xf32, #tpu.memory_space<hbm>> -> memref<16384xf32, #tpu.memory_space<hbm>>
    %dma_wait3A_615 = tpu.memref_slice %arg2[%add3A_573] : memref<33554432xf32, #tpu.memory_space<hbm>> -> memref<16384xf32, #tpu.memory_space<hbm>>
    tpu.wait_dma2 semaphore(%arg15 : memref<!tpu.dma_semaphore, #tpu.memory_space<semaphore_mem>>) src(%dma_wait3A_615 : memref<16384xf32, #tpu.memory_space<hbm>>) dst(%arg9 : memref<16384xf32, #tpu.memory_space<vmem>>)
    %parallel_loop3A_616 = arith.constant 0 : i32
    %parallel_loop3A_617 = arith.constant 16384 : i32
    %parallel_loop3A_618 = arith.constant 16 : i32
    scf.for %parallel_loop3A_1264 = %parallel_loop3A_616 to %parallel_loop3A_617 step %parallel_loop3A_618  : i32 {
      %parallel_loop3A_1265 = arith.index_cast %parallel_loop3A_1264 : i32 to index
      %parallel_loop3A_1266 = tpu.vector_load %arg6[%parallel_loop3A_1265] {strides = array<i32>} : memref<16384xf32, #tpu.memory_space<vmem>>, vector<16xf32>,
      %parallel_loop3A_1267 = vector.shape_cast %parallel_loop3A_1266 : vector<16xf32> to vector<16xf32>
      %parallel_loop3A_1268 = arith.index_cast %parallel_loop3A_1264 : i32 to index
      %parallel_loop3A_1269 = tpu.vector_load %arg9[%parallel_loop3A_1268] {strides = array<i32>} : memref<16384xf32, #tpu.memory_space<vmem>>, vector<16xf32>,
      %parallel_loop3A_1270 = vector.shape_cast %parallel_loop3A_1269 : vector<16xf32> to vector<16xf32>
      %parallel_loop3A_1271 = vector.shape_cast %parallel_loop3A_1267 : vector<16xf32> to vector<16xf32>
      tpu.vector_store %arg9[%parallel_loop3A_1268], %parallel_loop3A_1271 {add = true, strides = array<i32>} : memref<16384xf32, #tpu.memory_space<vmem>>, vector<16xf32>,
    } {sc.loop_unroll_factor = 8 : i64, sc.parallel_access}
    %add3A_619 = arith.constant 25165824 : i32
    %add3A_620 = arith.addi %add3A_619, %mul3A_2 : i32
    %add3A_621 = arith.constant 49152 : i32
    %add3A_622 = arith.addi %add3A_620, %add3A_621 : i32
    %dma_start3A_623 = tpu.memref_slice %arg4[%add3A_622] : memref<33554432xf32, #tpu.memory_space<hbm>> -> memref<16384xf32, #tpu.memory_space<hbm>>
    %dma_start3A_624 = tpu.memref_slice %arg4[%add3A_622] : memref<33554432xf32, #tpu.memory_space<hbm>> -> memref<16384xf32, #tpu.memory_space<hbm>>
    tpu.enqueue_dma source(%arg9 : memref<16384xf32, #tpu.memory_space<vmem>>) target(%dma_start3A_624 : memref<16384xf32, #tpu.memory_space<hbm>>) target_semaphore(%arg19 : memref<!tpu.dma_semaphore, #tpu.memory_space<semaphore_mem>>)
    %dma_wait3A_625 = tpu.memref_slice %arg4[%add3A_603] : memref<33554432xf32, #tpu.memory_space<hbm>> -> memref<16384xf32, #tpu.memory_space<hbm>>
    %dma_wait3A_626 = tpu.memref_slice %arg4[%add3A_603] : memref<33554432xf32, #tpu.memory_space<hbm>> -> memref<16384xf32, #tpu.memory_space<hbm>>
    tpu.wait_dma2 semaphore(%arg18 : memref<!tpu.dma_semaphore, #tpu.memory_space<semaphore_mem>>) src(%arg8 : memref<16384xf32, #tpu.memory_space<vmem>>) dst(%dma_wait3A_626 : memref<16384xf32, #tpu.memory_space<hbm>>)
    %add3A_627 = arith.constant 4194304 : i32
    %add3A_628 = arith.addi %add3A_627, %mul3A_2 : i32
    %add3A_629 = arith.constant 65536 : i32
    %add3A_630 = arith.addi %add3A_628, %add3A_629 : i32
    %dma_start3A_631 = tpu.memref_slice %arg2[%add3A_630] : memref<33554432xf32, #tpu.memory_space<hbm>> -> memref<16384xf32, #tpu.memory_space<hbm>>
    %dma_start3A_632 = tpu.memref_slice %arg2[%add3A_630] : memref<33554432xf32, #tpu.memory_space<hbm>> -> memref<16384xf32, #tpu.memory_space<hbm>>
    tpu.enqueue_dma source(%dma_start3A_632 : memref<16384xf32, #tpu.memory_space<hbm>>) target(%arg8 : memref<16384xf32, #tpu.memory_space<vmem>>) target_semaphore(%arg14 : memref<!tpu.dma_semaphore, #tpu.memory_space<semaphore_mem>>)
    %dma_wait3A_633 = tpu.memref_slice %arg2[%add3A_592] : memref<33554432xf32, #tpu.memory_space<hbm>> -> memref<16384xf32, #tpu.memory_space<hbm>>
    %dma_wait3A_634 = tpu.memref_slice %arg2[%add3A_592] : memref<33554432xf32, #tpu.memory_space<hbm>> -> memref<16384xf32, #tpu.memory_space<hbm>>
    tpu.wait_dma2 semaphore(%arg16 : memref<!tpu.dma_semaphore, #tpu.memory_space<semaphore_mem>>) src(%dma_wait3A_634 : memref<16384xf32, #tpu.memory_space<hbm>>) dst(%arg10 : memref<16384xf32, #tpu.memory_space<vmem>>)
    %parallel_loop3A_635 = arith.constant 0 : i32
    %parallel_loop3A_636 = arith.constant 16384 : i32
    %parallel_loop3A_637 = arith.constant 16 : i32
    scf.for %parallel_loop3A_1264 = %parallel_loop3A_635 to %parallel_loop3A_636 step %parallel_loop3A_637  : i32 {
      %parallel_loop3A_1265 = arith.index_cast %parallel_loop3A_1264 : i32 to index
      %parallel_loop3A_1266 = tpu.vector_load %arg6[%parallel_loop3A_1265] {strides = array<i32>} : memref<16384xf32, #tpu.memory_space<vmem>>, vector<16xf32>,
      %parallel_loop3A_1267 = vector.shape_cast %parallel_loop3A_1266 : vector<16xf32> to vector<16xf32>
      %parallel_loop3A_1268 = arith.index_cast %parallel_loop3A_1264 : i32 to index
      %parallel_loop3A_1269 = tpu.vector_load %arg10[%parallel_loop3A_1268] {strides = array<i32>} : memref<16384xf32, #tpu.memory_space<vmem>>, vector<16xf32>,
      %parallel_loop3A_1270 = vector.shape_cast %parallel_loop3A_1269 : vector<16xf32> to vector<16xf32>
      %parallel_loop3A_1271 = vector.shape_cast %parallel_loop3A_1267 : vector<16xf32> to vector<16xf32>
      tpu.vector_store %arg10[%parallel_loop3A_1268], %parallel_loop3A_1271 {add = true, strides = array<i32>} : memref<16384xf32, #tpu.memory_space<vmem>>, vector<16xf32>,
    } {sc.loop_unroll_factor = 8 : i64, sc.parallel_access}
    %add3A_638 = arith.constant 29360128 : i32
    %add3A_639 = arith.addi %add3A_638, %mul3A_2 : i32
    %add3A_640 = arith.constant 49152 : i32
    %add3A_641 = arith.addi %add3A_639, %add3A_640 : i32
    %dma_start3A_642 = tpu.memref_slice %arg4[%add3A_641] : memref<33554432xf32, #tpu.memory_space<hbm>> -> memref<16384xf32, #tpu.memory_space<hbm>>
    %dma_start3A_643 = tpu.memref_slice %arg4[%add3A_641] : memref<33554432xf32, #tpu.memory_space<hbm>> -> memref<16384xf32, #tpu.memory_space<hbm>>
    tpu.enqueue_dma source(%arg10 : memref<16384xf32, #tpu.memory_space<vmem>>) target(%dma_start3A_643 : memref<16384xf32, #tpu.memory_space<hbm>>) target_semaphore(%arg20 : memref<!tpu.dma_semaphore, #tpu.memory_space<semaphore_mem>>)
    %dma_wait3A_644 = tpu.memref_slice %arg3[%add3A_489] : memref<4194304xf32, #tpu.memory_space<hbm>> -> memref<16384xf32, #tpu.memory_space<hbm>>
    %dma_wait3A_645 = tpu.memref_slice %arg3[%add3A_489] : memref<4194304xf32, #tpu.memory_space<hbm>> -> memref<16384xf32, #tpu.memory_space<hbm>>
    tpu.wait_dma2 semaphore(%arg11 : memref<!tpu.dma_semaphore, #tpu.memory_space<semaphore_mem>>) src(%dma_wait3A_645 : memref<16384xf32, #tpu.memory_space<hbm>>) dst(%arg5 : memref<16384xf32, #tpu.memory_space<vmem>>)
    %add3A_646 = arith.constant 81920 : i32
    %add3A_647 = arith.addi %mul3A_2, %add3A_646 : i32
    %dma_start3A_648 = tpu.memref_slice %arg3[%add3A_647] : memref<4194304xf32, #tpu.memory_space<hbm>> -> memref<16384xf32, #tpu.memory_space<hbm>>
    %dma_start3A_649 = tpu.memref_slice %arg3[%add3A_647] : memref<4194304xf32, #tpu.memory_space<hbm>> -> memref<16384xf32, #tpu.memory_space<hbm>>
    tpu.enqueue_dma source(%dma_start3A_649 : memref<16384xf32, #tpu.memory_space<hbm>>) target(%arg6 : memref<16384xf32, #tpu.memory_space<vmem>>) target_semaphore(%arg12 : memref<!tpu.dma_semaphore, #tpu.memory_space<semaphore_mem>>)
    %dma_wait3A_650 = tpu.memref_slice %arg4[%add3A_622] : memref<33554432xf32, #tpu.memory_space<hbm>> -> memref<16384xf32, #tpu.memory_space<hbm>>
    %dma_wait3A_651 = tpu.memref_slice %arg4[%add3A_622] : memref<33554432xf32, #tpu.memory_space<hbm>> -> memref<16384xf32, #tpu.memory_space<hbm>>
    tpu.wait_dma2 semaphore(%arg19 : memref<!tpu.dma_semaphore, #tpu.memory_space<semaphore_mem>>) src(%arg9 : memref<16384xf32, #tpu.memory_space<vmem>>) dst(%dma_wait3A_651 : memref<16384xf32, #tpu.memory_space<hbm>>)
    %add3A_652 = arith.constant 8388608 : i32
    %add3A_653 = arith.addi %add3A_652, %mul3A_2 : i32
    %add3A_654 = arith.constant 65536 : i32
    %add3A_655 = arith.addi %add3A_653, %add3A_654 : i32
    %dma_start3A_656 = tpu.memref_slice %arg2[%add3A_655] : memref<33554432xf32, #tpu.memory_space<hbm>> -> memref<16384xf32, #tpu.memory_space<hbm>>
    %dma_start3A_657 = tpu.memref_slice %arg2[%add3A_655] : memref<33554432xf32, #tpu.memory_space<hbm>> -> memref<16384xf32, #tpu.memory_space<hbm>>
    tpu.enqueue_dma source(%dma_start3A_657 : memref<16384xf32, #tpu.memory_space<hbm>>) target(%arg9 : memref<16384xf32, #tpu.memory_space<vmem>>) target_semaphore(%arg15 : memref<!tpu.dma_semaphore, #tpu.memory_space<semaphore_mem>>)
    %dma_wait3A_658 = tpu.memref_slice %arg2[%add3A_611] : memref<33554432xf32, #tpu.memory_space<hbm>> -> memref<16384xf32, #tpu.memory_space<hbm>>
    %dma_wait3A_659 = tpu.memref_slice %arg2[%add3A_611] : memref<33554432xf32, #tpu.memory_space<hbm>> -> memref<16384xf32, #tpu.memory_space<hbm>>
    tpu.wait_dma2 semaphore(%arg13 : memref<!tpu.dma_semaphore, #tpu.memory_space<semaphore_mem>>) src(%dma_wait3A_659 : memref<16384xf32, #tpu.memory_space<hbm>>) dst(%arg7 : memref<16384xf32, #tpu.memory_space<vmem>>)
    %parallel_loop3A_660 = arith.constant 0 : i32
    %parallel_loop3A_661 = arith.constant 16384 : i32
    %parallel_loop3A_662 = arith.constant 16 : i32
    scf.for %parallel_loop3A_1264 = %parallel_loop3A_660 to %parallel_loop3A_661 step %parallel_loop3A_662  : i32 {
      %parallel_loop3A_1265 = arith.index_cast %parallel_loop3A_1264 : i32 to index
      %parallel_loop3A_1266 = tpu.vector_load %arg5[%parallel_loop3A_1265] {strides = array<i32>} : memref<16384xf32, #tpu.memory_space<vmem>>, vector<16xf32>,
      %parallel_loop3A_1267 = vector.shape_cast %parallel_loop3A_1266 : vector<16xf32> to vector<16xf32>
      %parallel_loop3A_1268 = arith.index_cast %parallel_loop3A_1264 : i32 to index
      %parallel_loop3A_1269 = tpu.vector_load %arg7[%parallel_loop3A_1268] {strides = array<i32>} : memref<16384xf32, #tpu.memory_space<vmem>>, vector<16xf32>,
      %parallel_loop3A_1270 = vector.shape_cast %parallel_loop3A_1269 : vector<16xf32> to vector<16xf32>
      %parallel_loop3A_1271 = vector.shape_cast %parallel_loop3A_1267 : vector<16xf32> to vector<16xf32>
      tpu.vector_store %arg7[%parallel_loop3A_1268], %parallel_loop3A_1271 {add = true, strides = array<i32>} : memref<16384xf32, #tpu.memory_space<vmem>>, vector<16xf32>,
    } {sc.loop_unroll_factor = 8 : i64, sc.parallel_access}
    %add3A_663 = arith.constant 0 : i32
    %add3A_664 = arith.addi %add3A_663, %mul3A_2 : i32
    %add3A_665 = arith.constant 65536 : i32
    %add3A_666 = arith.addi %add3A_664, %add3A_665 : i32
    %dma_start3A_667 = tpu.memref_slice %arg4[%add3A_666] : memref<33554432xf32, #tpu.memory_space<hbm>> -> memref<16384xf32, #tpu.memory_space<hbm>>
    %dma_start3A_668 = tpu.memref_slice %arg4[%add3A_666] : memref<33554432xf32, #tpu.memory_space<hbm>> -> memref<16384xf32, #tpu.memory_space<hbm>>
    tpu.enqueue_dma source(%arg7 : memref<16384xf32, #tpu.memory_space<vmem>>) target(%dma_start3A_668 : memref<16384xf32, #tpu.memory_space<hbm>>) target_semaphore(%arg17 : memref<!tpu.dma_semaphore, #tpu.memory_space<semaphore_mem>>)
    %dma_wait3A_669 = tpu.memref_slice %arg4[%add3A_641] : memref<33554432xf32, #tpu.memory_space<hbm>> -> memref<16384xf32, #tpu.memory_space<hbm>>
    %dma_wait3A_670 = tpu.memref_slice %arg4[%add3A_641] : memref<33554432xf32, #tpu.memory_space<hbm>> -> memref<16384xf32, #tpu.memory_space<hbm>>
    tpu.wait_dma2 semaphore(%arg20 : memref<!tpu.dma_semaphore, #tpu.memory_space<semaphore_mem>>) src(%arg10 : memref<16384xf32, #tpu.memory_space<vmem>>) dst(%dma_wait3A_670 : memref<16384xf32, #tpu.memory_space<hbm>>)
    %add3A_671 = arith.constant 12582912 : i32
    %add3A_672 = arith.addi %add3A_671, %mul3A_2 : i32
    %add3A_673 = arith.constant 65536 : i32
    %add3A_674 = arith.addi %add3A_672, %add3A_673 : i32
    %dma_start3A_675 = tpu.memref_slice %arg2[%add3A_674] : memref<33554432xf32, #tpu.memory_space<hbm>> -> memref<16384xf32, #tpu.memory_space<hbm>>
    %dma_start3A_676 = tpu.memref_slice %arg2[%add3A_674] : memref<33554432xf32, #tpu.memory_space<hbm>> -> memref<16384xf32, #tpu.memory_space<hbm>>
    tpu.enqueue_dma source(%dma_start3A_676 : memref<16384xf32, #tpu.memory_space<hbm>>) target(%arg10 : memref<16384xf32, #tpu.memory_space<vmem>>) target_semaphore(%arg16 : memref<!tpu.dma_semaphore, #tpu.memory_space<semaphore_mem>>)
    %dma_wait3A_677 = tpu.memref_slice %arg2[%add3A_630] : memref<33554432xf32, #tpu.memory_space<hbm>> -> memref<16384xf32, #tpu.memory_space<hbm>>
    %dma_wait3A_678 = tpu.memref_slice %arg2[%add3A_630] : memref<33554432xf32, #tpu.memory_space<hbm>> -> memref<16384xf32, #tpu.memory_space<hbm>>
    tpu.wait_dma2 semaphore(%arg14 : memref<!tpu.dma_semaphore, #tpu.memory_space<semaphore_mem>>) src(%dma_wait3A_678 : memref<16384xf32, #tpu.memory_space<hbm>>) dst(%arg8 : memref<16384xf32, #tpu.memory_space<vmem>>)
    %parallel_loop3A_679 = arith.constant 0 : i32
    %parallel_loop3A_680 = arith.constant 16384 : i32
    %parallel_loop3A_681 = arith.constant 16 : i32
    scf.for %parallel_loop3A_1264 = %parallel_loop3A_679 to %parallel_loop3A_680 step %parallel_loop3A_681  : i32 {
      %parallel_loop3A_1265 = arith.index_cast %parallel_loop3A_1264 : i32 to index
      %parallel_loop3A_1266 = tpu.vector_load %arg5[%parallel_loop3A_1265] {strides = array<i32>} : memref<16384xf32, #tpu.memory_space<vmem>>, vector<16xf32>,
      %parallel_loop3A_1267 = vector.shape_cast %parallel_loop3A_1266 : vector<16xf32> to vector<16xf32>
      %parallel_loop3A_1268 = arith.index_cast %parallel_loop3A_1264 : i32 to index
      %parallel_loop3A_1269 = tpu.vector_load %arg8[%parallel_loop3A_1268] {strides = array<i32>} : memref<16384xf32, #tpu.memory_space<vmem>>, vector<16xf32>,
      %parallel_loop3A_1270 = vector.shape_cast %parallel_loop3A_1269 : vector<16xf32> to vector<16xf32>
      %parallel_loop3A_1271 = vector.shape_cast %parallel_loop3A_1267 : vector<16xf32> to vector<16xf32>
      tpu.vector_store %arg8[%parallel_loop3A_1268], %parallel_loop3A_1271 {add = true, strides = array<i32>} : memref<16384xf32, #tpu.memory_space<vmem>>, vector<16xf32>,
    } {sc.loop_unroll_factor = 8 : i64, sc.parallel_access}
    %add3A_682 = arith.constant 4194304 : i32
    %add3A_683 = arith.addi %add3A_682, %mul3A_2 : i32
    %add3A_684 = arith.constant 65536 : i32
    %add3A_685 = arith.addi %add3A_683, %add3A_684 : i32
    %dma_start3A_686 = tpu.memref_slice %arg4[%add3A_685] : memref<33554432xf32, #tpu.memory_space<hbm>> -> memref<16384xf32, #tpu.memory_space<hbm>>
    %dma_start3A_687 = tpu.memref_slice %arg4[%add3A_685] : memref<33554432xf32, #tpu.memory_space<hbm>> -> memref<16384xf32, #tpu.memory_space<hbm>>
    tpu.enqueue_dma source(%arg8 : memref<16384xf32, #tpu.memory_space<vmem>>) target(%dma_start3A_687 : memref<16384xf32, #tpu.memory_space<hbm>>) target_semaphore(%arg18 : memref<!tpu.dma_semaphore, #tpu.memory_space<semaphore_mem>>)
    %dma_wait3A_688 = tpu.memref_slice %arg4[%add3A_666] : memref<33554432xf32, #tpu.memory_space<hbm>> -> memref<16384xf32, #tpu.memory_space<hbm>>
    %dma_wait3A_689 = tpu.memref_slice %arg4[%add3A_666] : memref<33554432xf32, #tpu.memory_space<hbm>> -> memref<16384xf32, #tpu.memory_space<hbm>>
    tpu.wait_dma2 semaphore(%arg17 : memref<!tpu.dma_semaphore, #tpu.memory_space<semaphore_mem>>) src(%arg7 : memref<16384xf32, #tpu.memory_space<vmem>>) dst(%dma_wait3A_689 : memref<16384xf32, #tpu.memory_space<hbm>>)
    %add3A_690 = arith.constant 16777216 : i32
    %add3A_691 = arith.addi %add3A_690, %mul3A_2 : i32
    %add3A_692 = arith.constant 65536 : i32
    %add3A_693 = arith.addi %add3A_691, %add3A_692 : i32
    %dma_start3A_694 = tpu.memref_slice %arg2[%add3A_693] : memref<33554432xf32, #tpu.memory_space<hbm>> -> memref<16384xf32, #tpu.memory_space<hbm>>
    %dma_start3A_695 = tpu.memref_slice %arg2[%add3A_693] : memref<33554432xf32, #tpu.memory_space<hbm>> -> memref<16384xf32, #tpu.memory_space<hbm>>
    tpu.enqueue_dma source(%dma_start3A_695 : memref<16384xf32, #tpu.memory_space<hbm>>) target(%arg7 : memref<16384xf32, #tpu.memory_space<vmem>>) target_semaphore(%arg13 : memref<!tpu.dma_semaphore, #tpu.memory_space<semaphore_mem>>)
    %dma_wait3A_696 = tpu.memref_slice %arg2[%add3A_655] : memref<33554432xf32, #tpu.memory_space<hbm>> -> memref<16384xf32, #tpu.memory_space<hbm>>
    %dma_wait3A_697 = tpu.memref_slice %arg2[%add3A_655] : memref<33554432xf32, #tpu.memory_space<hbm>> -> memref<16384xf32, #tpu.memory_space<hbm>>
    tpu.wait_dma2 semaphore(%arg15 : memref<!tpu.dma_semaphore, #tpu.memory_space<semaphore_mem>>) src(%dma_wait3A_697 : memref<16384xf32, #tpu.memory_space<hbm>>) dst(%arg9 : memref<16384xf32, #tpu.memory_space<vmem>>)
    %parallel_loop3A_698 = arith.constant 0 : i32
    %parallel_loop3A_699 = arith.constant 16384 : i32
    %parallel_loop3A_700 = arith.constant 16 : i32
    scf.for %parallel_loop3A_1264 = %parallel_loop3A_698 to %parallel_loop3A_699 step %parallel_loop3A_700  : i32 {
      %parallel_loop3A_1265 = arith.index_cast %parallel_loop3A_1264 : i32 to index
      %parallel_loop3A_1266 = tpu.vector_load %arg5[%parallel_loop3A_1265] {strides = array<i32>} : memref<16384xf32, #tpu.memory_space<vmem>>, vector<16xf32>,
      %parallel_loop3A_1267 = vector.shape_cast %parallel_loop3A_1266 : vector<16xf32> to vector<16xf32>
      %parallel_loop3A_1268 = arith.index_cast %parallel_loop3A_1264 : i32 to index
      %parallel_loop3A_1269 = tpu.vector_load %arg9[%parallel_loop3A_1268] {strides = array<i32>} : memref<16384xf32, #tpu.memory_space<vmem>>, vector<16xf32>,
      %parallel_loop3A_1270 = vector.shape_cast %parallel_loop3A_1269 : vector<16xf32> to vector<16xf32>
      %parallel_loop3A_1271 = vector.shape_cast %parallel_loop3A_1267 : vector<16xf32> to vector<16xf32>
      tpu.vector_store %arg9[%parallel_loop3A_1268], %parallel_loop3A_1271 {add = true, strides = array<i32>} : memref<16384xf32, #tpu.memory_space<vmem>>, vector<16xf32>,
    } {sc.loop_unroll_factor = 8 : i64, sc.parallel_access}
    %add3A_701 = arith.constant 8388608 : i32
    %add3A_702 = arith.addi %add3A_701, %mul3A_2 : i32
    %add3A_703 = arith.constant 65536 : i32
    %add3A_704 = arith.addi %add3A_702, %add3A_703 : i32
    %dma_start3A_705 = tpu.memref_slice %arg4[%add3A_704] : memref<33554432xf32, #tpu.memory_space<hbm>> -> memref<16384xf32, #tpu.memory_space<hbm>>
    %dma_start3A_706 = tpu.memref_slice %arg4[%add3A_704] : memref<33554432xf32, #tpu.memory_space<hbm>> -> memref<16384xf32, #tpu.memory_space<hbm>>
    tpu.enqueue_dma source(%arg9 : memref<16384xf32, #tpu.memory_space<vmem>>) target(%dma_start3A_706 : memref<16384xf32, #tpu.memory_space<hbm>>) target_semaphore(%arg19 : memref<!tpu.dma_semaphore, #tpu.memory_space<semaphore_mem>>)
    %dma_wait3A_707 = tpu.memref_slice %arg4[%add3A_685] : memref<33554432xf32, #tpu.memory_space<hbm>> -> memref<16384xf32, #tpu.memory_space<hbm>>
    %dma_wait3A_708 = tpu.memref_slice %arg4[%add3A_685] : memref<33554432xf32, #tpu.memory_space<hbm>> -> memref<16384xf32, #tpu.memory_space<hbm>>
    tpu.wait_dma2 semaphore(%arg18 : memref<!tpu.dma_semaphore, #tpu.memory_space<semaphore_mem>>) src(%arg8 : memref<16384xf32, #tpu.memory_space<vmem>>) dst(%dma_wait3A_708 : memref<16384xf32, #tpu.memory_space<hbm>>)
    %add3A_709 = arith.constant 20971520 : i32
    %add3A_710 = arith.addi %add3A_709, %mul3A_2 : i32
    %add3A_711 = arith.constant 65536 : i32
    %add3A_712 = arith.addi %add3A_710, %add3A_711 : i32
    %dma_start3A_713 = tpu.memref_slice %arg2[%add3A_712] : memref<33554432xf32, #tpu.memory_space<hbm>> -> memref<16384xf32, #tpu.memory_space<hbm>>
    %dma_start3A_714 = tpu.memref_slice %arg2[%add3A_712] : memref<33554432xf32, #tpu.memory_space<hbm>> -> memref<16384xf32, #tpu.memory_space<hbm>>
    tpu.enqueue_dma source(%dma_start3A_714 : memref<16384xf32, #tpu.memory_space<hbm>>) target(%arg8 : memref<16384xf32, #tpu.memory_space<vmem>>) target_semaphore(%arg14 : memref<!tpu.dma_semaphore, #tpu.memory_space<semaphore_mem>>)
    %dma_wait3A_715 = tpu.memref_slice %arg2[%add3A_674] : memref<33554432xf32, #tpu.memory_space<hbm>> -> memref<16384xf32, #tpu.memory_space<hbm>>
    %dma_wait3A_716 = tpu.memref_slice %arg2[%add3A_674] : memref<33554432xf32, #tpu.memory_space<hbm>> -> memref<16384xf32, #tpu.memory_space<hbm>>
    tpu.wait_dma2 semaphore(%arg16 : memref<!tpu.dma_semaphore, #tpu.memory_space<semaphore_mem>>) src(%dma_wait3A_716 : memref<16384xf32, #tpu.memory_space<hbm>>) dst(%arg10 : memref<16384xf32, #tpu.memory_space<vmem>>)
    %parallel_loop3A_717 = arith.constant 0 : i32
    %parallel_loop3A_718 = arith.constant 16384 : i32
    %parallel_loop3A_719 = arith.constant 16 : i32
    scf.for %parallel_loop3A_1264 = %parallel_loop3A_717 to %parallel_loop3A_718 step %parallel_loop3A_719  : i32 {
      %parallel_loop3A_1265 = arith.index_cast %parallel_loop3A_1264 : i32 to index
      %parallel_loop3A_1266 = tpu.vector_load %arg5[%parallel_loop3A_1265] {strides = array<i32>} : memref<16384xf32, #tpu.memory_space<vmem>>, vector<16xf32>,
      %parallel_loop3A_1267 = vector.shape_cast %parallel_loop3A_1266 : vector<16xf32> to vector<16xf32>
      %parallel_loop3A_1268 = arith.index_cast %parallel_loop3A_1264 : i32 to index
      %parallel_loop3A_1269 = tpu.vector_load %arg10[%parallel_loop3A_1268] {strides = array<i32>} : memref<16384xf32, #tpu.memory_space<vmem>>, vector<16xf32>,
      %parallel_loop3A_1270 = vector.shape_cast %parallel_loop3A_1269 : vector<16xf32> to vector<16xf32>
      %parallel_loop3A_1271 = vector.shape_cast %parallel_loop3A_1267 : vector<16xf32> to vector<16xf32>
      tpu.vector_store %arg10[%parallel_loop3A_1268], %parallel_loop3A_1271 {add = true, strides = array<i32>} : memref<16384xf32, #tpu.memory_space<vmem>>, vector<16xf32>,
    } {sc.loop_unroll_factor = 8 : i64, sc.parallel_access}
    %add3A_720 = arith.constant 12582912 : i32
    %add3A_721 = arith.addi %add3A_720, %mul3A_2 : i32
    %add3A_722 = arith.constant 65536 : i32
    %add3A_723 = arith.addi %add3A_721, %add3A_722 : i32
    %dma_start3A_724 = tpu.memref_slice %arg4[%add3A_723] : memref<33554432xf32, #tpu.memory_space<hbm>> -> memref<16384xf32, #tpu.memory_space<hbm>>
    %dma_start3A_725 = tpu.memref_slice %arg4[%add3A_723] : memref<33554432xf32, #tpu.memory_space<hbm>> -> memref<16384xf32, #tpu.memory_space<hbm>>
    tpu.enqueue_dma source(%arg10 : memref<16384xf32, #tpu.memory_space<vmem>>) target(%dma_start3A_725 : memref<16384xf32, #tpu.memory_space<hbm>>) target_semaphore(%arg20 : memref<!tpu.dma_semaphore, #tpu.memory_space<semaphore_mem>>)
    %dma_wait3A_726 = tpu.memref_slice %arg4[%add3A_704] : memref<33554432xf32, #tpu.memory_space<hbm>> -> memref<16384xf32, #tpu.memory_space<hbm>>
    %dma_wait3A_727 = tpu.memref_slice %arg4[%add3A_704] : memref<33554432xf32, #tpu.memory_space<hbm>> -> memref<16384xf32, #tpu.memory_space<hbm>>
    tpu.wait_dma2 semaphore(%arg19 : memref<!tpu.dma_semaphore, #tpu.memory_space<semaphore_mem>>) src(%arg9 : memref<16384xf32, #tpu.memory_space<vmem>>) dst(%dma_wait3A_727 : memref<16384xf32, #tpu.memory_space<hbm>>)
    %add3A_728 = arith.constant 25165824 : i32
    %add3A_729 = arith.addi %add3A_728, %mul3A_2 : i32
    %add3A_730 = arith.constant 65536 : i32
    %add3A_731 = arith.addi %add3A_729, %add3A_730 : i32
    %dma_start3A_732 = tpu.memref_slice %arg2[%add3A_731] : memref<33554432xf32, #tpu.memory_space<hbm>> -> memref<16384xf32, #tpu.memory_space<hbm>>
    %dma_start3A_733 = tpu.memref_slice %arg2[%add3A_731] : memref<33554432xf32, #tpu.memory_space<hbm>> -> memref<16384xf32, #tpu.memory_space<hbm>>
    tpu.enqueue_dma source(%dma_start3A_733 : memref<16384xf32, #tpu.memory_space<hbm>>) target(%arg9 : memref<16384xf32, #tpu.memory_space<vmem>>) target_semaphore(%arg15 : memref<!tpu.dma_semaphore, #tpu.memory_space<semaphore_mem>>)
    %dma_wait3A_734 = tpu.memref_slice %arg2[%add3A_693] : memref<33554432xf32, #tpu.memory_space<hbm>> -> memref<16384xf32, #tpu.memory_space<hbm>>
    %dma_wait3A_735 = tpu.memref_slice %arg2[%add3A_693] : memref<33554432xf32, #tpu.memory_space<hbm>> -> memref<16384xf32, #tpu.memory_space<hbm>>
    tpu.wait_dma2 semaphore(%arg13 : memref<!tpu.dma_semaphore, #tpu.memory_space<semaphore_mem>>) src(%dma_wait3A_735 : memref<16384xf32, #tpu.memory_space<hbm>>) dst(%arg7 : memref<16384xf32, #tpu.memory_space<vmem>>)
    %parallel_loop3A_736 = arith.constant 0 : i32
    %parallel_loop3A_737 = arith.constant 16384 : i32
    %parallel_loop3A_738 = arith.constant 16 : i32
    scf.for %parallel_loop3A_1264 = %parallel_loop3A_736 to %parallel_loop3A_737 step %parallel_loop3A_738  : i32 {
      %parallel_loop3A_1265 = arith.index_cast %parallel_loop3A_1264 : i32 to index
      %parallel_loop3A_1266 = tpu.vector_load %arg5[%parallel_loop3A_1265] {strides = array<i32>} : memref<16384xf32, #tpu.memory_space<vmem>>, vector<16xf32>,
      %parallel_loop3A_1267 = vector.shape_cast %parallel_loop3A_1266 : vector<16xf32> to vector<16xf32>
      %parallel_loop3A_1268 = arith.index_cast %parallel_loop3A_1264 : i32 to index
      %parallel_loop3A_1269 = tpu.vector_load %arg7[%parallel_loop3A_1268] {strides = array<i32>} : memref<16384xf32, #tpu.memory_space<vmem>>, vector<16xf32>,
      %parallel_loop3A_1270 = vector.shape_cast %parallel_loop3A_1269 : vector<16xf32> to vector<16xf32>
      %parallel_loop3A_1271 = vector.shape_cast %parallel_loop3A_1267 : vector<16xf32> to vector<16xf32>
      tpu.vector_store %arg7[%parallel_loop3A_1268], %parallel_loop3A_1271 {add = true, strides = array<i32>} : memref<16384xf32, #tpu.memory_space<vmem>>, vector<16xf32>,
    } {sc.loop_unroll_factor = 8 : i64, sc.parallel_access}
    %add3A_739 = arith.constant 16777216 : i32
    %add3A_740 = arith.addi %add3A_739, %mul3A_2 : i32
    %add3A_741 = arith.constant 65536 : i32
    %add3A_742 = arith.addi %add3A_740, %add3A_741 : i32
    %dma_start3A_743 = tpu.memref_slice %arg4[%add3A_742] : memref<33554432xf32, #tpu.memory_space<hbm>> -> memref<16384xf32, #tpu.memory_space<hbm>>
    %dma_start3A_744 = tpu.memref_slice %arg4[%add3A_742] : memref<33554432xf32, #tpu.memory_space<hbm>> -> memref<16384xf32, #tpu.memory_space<hbm>>
    tpu.enqueue_dma source(%arg7 : memref<16384xf32, #tpu.memory_space<vmem>>) target(%dma_start3A_744 : memref<16384xf32, #tpu.memory_space<hbm>>) target_semaphore(%arg17 : memref<!tpu.dma_semaphore, #tpu.memory_space<semaphore_mem>>)
    %dma_wait3A_745 = tpu.memref_slice %arg4[%add3A_723] : memref<33554432xf32, #tpu.memory_space<hbm>> -> memref<16384xf32, #tpu.memory_space<hbm>>
    %dma_wait3A_746 = tpu.memref_slice %arg4[%add3A_723] : memref<33554432xf32, #tpu.memory_space<hbm>> -> memref<16384xf32, #tpu.memory_space<hbm>>
    tpu.wait_dma2 semaphore(%arg20 : memref<!tpu.dma_semaphore, #tpu.memory_space<semaphore_mem>>) src(%arg10 : memref<16384xf32, #tpu.memory_space<vmem>>) dst(%dma_wait3A_746 : memref<16384xf32, #tpu.memory_space<hbm>>)
    %add3A_747 = arith.constant 29360128 : i32
    %add3A_748 = arith.addi %add3A_747, %mul3A_2 : i32
    %add3A_749 = arith.constant 65536 : i32
    %add3A_750 = arith.addi %add3A_748, %add3A_749 : i32
    %dma_start3A_751 = tpu.memref_slice %arg2[%add3A_750] : memref<33554432xf32, #tpu.memory_space<hbm>> -> memref<16384xf32, #tpu.memory_space<hbm>>
    %dma_start3A_752 = tpu.memref_slice %arg2[%add3A_750] : memref<33554432xf32, #tpu.memory_space<hbm>> -> memref<16384xf32, #tpu.memory_space<hbm>>
    tpu.enqueue_dma source(%dma_start3A_752 : memref<16384xf32, #tpu.memory_space<hbm>>) target(%arg10 : memref<16384xf32, #tpu.memory_space<vmem>>) target_semaphore(%arg16 : memref<!tpu.dma_semaphore, #tpu.memory_space<semaphore_mem>>)
    %dma_wait3A_753 = tpu.memref_slice %arg2[%add3A_712] : memref<33554432xf32, #tpu.memory_space<hbm>> -> memref<16384xf32, #tpu.memory_space<hbm>>
    %dma_wait3A_754 = tpu.memref_slice %arg2[%add3A_712] : memref<33554432xf32, #tpu.memory_space<hbm>> -> memref<16384xf32, #tpu.memory_space<hbm>>
    tpu.wait_dma2 semaphore(%arg14 : memref<!tpu.dma_semaphore, #tpu.memory_space<semaphore_mem>>) src(%dma_wait3A_754 : memref<16384xf32, #tpu.memory_space<hbm>>) dst(%arg8 : memref<16384xf32, #tpu.memory_space<vmem>>)
    %parallel_loop3A_755 = arith.constant 0 : i32
    %parallel_loop3A_756 = arith.constant 16384 : i32
    %parallel_loop3A_757 = arith.constant 16 : i32
    scf.for %parallel_loop3A_1264 = %parallel_loop3A_755 to %parallel_loop3A_756 step %parallel_loop3A_757  : i32 {
      %parallel_loop3A_1265 = arith.index_cast %parallel_loop3A_1264 : i32 to index
      %parallel_loop3A_1266 = tpu.vector_load %arg5[%parallel_loop3A_1265] {strides = array<i32>} : memref<16384xf32, #tpu.memory_space<vmem>>, vector<16xf32>,
      %parallel_loop3A_1267 = vector.shape_cast %parallel_loop3A_1266 : vector<16xf32> to vector<16xf32>
      %parallel_loop3A_1268 = arith.index_cast %parallel_loop3A_1264 : i32 to index
      %parallel_loop3A_1269 = tpu.vector_load %arg8[%parallel_loop3A_1268] {strides = array<i32>} : memref<16384xf32, #tpu.memory_space<vmem>>, vector<16xf32>,
      %parallel_loop3A_1270 = vector.shape_cast %parallel_loop3A_1269 : vector<16xf32> to vector<16xf32>
      %parallel_loop3A_1271 = vector.shape_cast %parallel_loop3A_1267 : vector<16xf32> to vector<16xf32>
      tpu.vector_store %arg8[%parallel_loop3A_1268], %parallel_loop3A_1271 {add = true, strides = array<i32>} : memref<16384xf32, #tpu.memory_space<vmem>>, vector<16xf32>,
    } {sc.loop_unroll_factor = 8 : i64, sc.parallel_access}
    %add3A_758 = arith.constant 20971520 : i32
    %add3A_759 = arith.addi %add3A_758, %mul3A_2 : i32
    %add3A_760 = arith.constant 65536 : i32
    %add3A_761 = arith.addi %add3A_759, %add3A_760 : i32
    %dma_start3A_762 = tpu.memref_slice %arg4[%add3A_761] : memref<33554432xf32, #tpu.memory_space<hbm>> -> memref<16384xf32, #tpu.memory_space<hbm>>
    %dma_start3A_763 = tpu.memref_slice %arg4[%add3A_761] : memref<33554432xf32, #tpu.memory_space<hbm>> -> memref<16384xf32, #tpu.memory_space<hbm>>
    tpu.enqueue_dma source(%arg8 : memref<16384xf32, #tpu.memory_space<vmem>>) target(%dma_start3A_763 : memref<16384xf32, #tpu.memory_space<hbm>>) target_semaphore(%arg18 : memref<!tpu.dma_semaphore, #tpu.memory_space<semaphore_mem>>)
    %dma_wait3A_764 = tpu.memref_slice %arg4[%add3A_742] : memref<33554432xf32, #tpu.memory_space<hbm>> -> memref<16384xf32, #tpu.memory_space<hbm>>
    %dma_wait3A_765 = tpu.memref_slice %arg4[%add3A_742] : memref<33554432xf32, #tpu.memory_space<hbm>> -> memref<16384xf32, #tpu.memory_space<hbm>>
    tpu.wait_dma2 semaphore(%arg17 : memref<!tpu.dma_semaphore, #tpu.memory_space<semaphore_mem>>) src(%arg7 : memref<16384xf32, #tpu.memory_space<vmem>>) dst(%dma_wait3A_765 : memref<16384xf32, #tpu.memory_space<hbm>>)
    %add3A_766 = arith.constant 0 : i32
    %add3A_767 = arith.addi %add3A_766, %mul3A_2 : i32
    %add3A_768 = arith.constant 81920 : i32
    %add3A_769 = arith.addi %add3A_767, %add3A_768 : i32
    %dma_start3A_770 = tpu.memref_slice %arg2[%add3A_769] : memref<33554432xf32, #tpu.memory_space<hbm>> -> memref<16384xf32, #tpu.memory_space<hbm>>
    %dma_start3A_771 = tpu.memref_slice %arg2[%add3A_769] : memref<33554432xf32, #tpu.memory_space<hbm>> -> memref<16384xf32, #tpu.memory_space<hbm>>
    tpu.enqueue_dma source(%dma_start3A_771 : memref<16384xf32, #tpu.memory_space<hbm>>) target(%arg7 : memref<16384xf32, #tpu.memory_space<vmem>>) target_semaphore(%arg13 : memref<!tpu.dma_semaphore, #tpu.memory_space<semaphore_mem>>)
    %dma_wait3A_772 = tpu.memref_slice %arg2[%add3A_731] : memref<33554432xf32, #tpu.memory_space<hbm>> -> memref<16384xf32, #tpu.memory_space<hbm>>
    %dma_wait3A_773 = tpu.memref_slice %arg2[%add3A_731] : memref<33554432xf32, #tpu.memory_space<hbm>> -> memref<16384xf32, #tpu.memory_space<hbm>>
    tpu.wait_dma2 semaphore(%arg15 : memref<!tpu.dma_semaphore, #tpu.memory_space<semaphore_mem>>) src(%dma_wait3A_773 : memref<16384xf32, #tpu.memory_space<hbm>>) dst(%arg9 : memref<16384xf32, #tpu.memory_space<vmem>>)
    %parallel_loop3A_774 = arith.constant 0 : i32
    %parallel_loop3A_775 = arith.constant 16384 : i32
    %parallel_loop3A_776 = arith.constant 16 : i32
    scf.for %parallel_loop3A_1264 = %parallel_loop3A_774 to %parallel_loop3A_775 step %parallel_loop3A_776  : i32 {
      %parallel_loop3A_1265 = arith.index_cast %parallel_loop3A_1264 : i32 to index
      %parallel_loop3A_1266 = tpu.vector_load %arg5[%parallel_loop3A_1265] {strides = array<i32>} : memref<16384xf32, #tpu.memory_space<vmem>>, vector<16xf32>,
      %parallel_loop3A_1267 = vector.shape_cast %parallel_loop3A_1266 : vector<16xf32> to vector<16xf32>
      %parallel_loop3A_1268 = arith.index_cast %parallel_loop3A_1264 : i32 to index
      %parallel_loop3A_1269 = tpu.vector_load %arg9[%parallel_loop3A_1268] {strides = array<i32>} : memref<16384xf32, #tpu.memory_space<vmem>>, vector<16xf32>,
      %parallel_loop3A_1270 = vector.shape_cast %parallel_loop3A_1269 : vector<16xf32> to vector<16xf32>
      %parallel_loop3A_1271 = vector.shape_cast %parallel_loop3A_1267 : vector<16xf32> to vector<16xf32>
      tpu.vector_store %arg9[%parallel_loop3A_1268], %parallel_loop3A_1271 {add = true, strides = array<i32>} : memref<16384xf32, #tpu.memory_space<vmem>>, vector<16xf32>,
    } {sc.loop_unroll_factor = 8 : i64, sc.parallel_access}
    %add3A_777 = arith.constant 25165824 : i32
    %add3A_778 = arith.addi %add3A_777, %mul3A_2 : i32
    %add3A_779 = arith.constant 65536 : i32
    %add3A_780 = arith.addi %add3A_778, %add3A_779 : i32
    %dma_start3A_781 = tpu.memref_slice %arg4[%add3A_780] : memref<33554432xf32, #tpu.memory_space<hbm>> -> memref<16384xf32, #tpu.memory_space<hbm>>
    %dma_start3A_782 = tpu.memref_slice %arg4[%add3A_780] : memref<33554432xf32, #tpu.memory_space<hbm>> -> memref<16384xf32, #tpu.memory_space<hbm>>
    tpu.enqueue_dma source(%arg9 : memref<16384xf32, #tpu.memory_space<vmem>>) target(%dma_start3A_782 : memref<16384xf32, #tpu.memory_space<hbm>>) target_semaphore(%arg19 : memref<!tpu.dma_semaphore, #tpu.memory_space<semaphore_mem>>)
    %dma_wait3A_783 = tpu.memref_slice %arg4[%add3A_761] : memref<33554432xf32, #tpu.memory_space<hbm>> -> memref<16384xf32, #tpu.memory_space<hbm>>
    %dma_wait3A_784 = tpu.memref_slice %arg4[%add3A_761] : memref<33554432xf32, #tpu.memory_space<hbm>> -> memref<16384xf32, #tpu.memory_space<hbm>>
    tpu.wait_dma2 semaphore(%arg18 : memref<!tpu.dma_semaphore, #tpu.memory_space<semaphore_mem>>) src(%arg8 : memref<16384xf32, #tpu.memory_space<vmem>>) dst(%dma_wait3A_784 : memref<16384xf32, #tpu.memory_space<hbm>>)
    %add3A_785 = arith.constant 4194304 : i32
    %add3A_786 = arith.addi %add3A_785, %mul3A_2 : i32
    %add3A_787 = arith.constant 81920 : i32
    %add3A_788 = arith.addi %add3A_786, %add3A_787 : i32
    %dma_start3A_789 = tpu.memref_slice %arg2[%add3A_788] : memref<33554432xf32, #tpu.memory_space<hbm>> -> memref<16384xf32, #tpu.memory_space<hbm>>
    %dma_start3A_790 = tpu.memref_slice %arg2[%add3A_788] : memref<33554432xf32, #tpu.memory_space<hbm>> -> memref<16384xf32, #tpu.memory_space<hbm>>
    tpu.enqueue_dma source(%dma_start3A_790 : memref<16384xf32, #tpu.memory_space<hbm>>) target(%arg8 : memref<16384xf32, #tpu.memory_space<vmem>>) target_semaphore(%arg14 : memref<!tpu.dma_semaphore, #tpu.memory_space<semaphore_mem>>)
    %dma_wait3A_791 = tpu.memref_slice %arg2[%add3A_750] : memref<33554432xf32, #tpu.memory_space<hbm>> -> memref<16384xf32, #tpu.memory_space<hbm>>
    %dma_wait3A_792 = tpu.memref_slice %arg2[%add3A_750] : memref<33554432xf32, #tpu.memory_space<hbm>> -> memref<16384xf32, #tpu.memory_space<hbm>>
    tpu.wait_dma2 semaphore(%arg16 : memref<!tpu.dma_semaphore, #tpu.memory_space<semaphore_mem>>) src(%dma_wait3A_792 : memref<16384xf32, #tpu.memory_space<hbm>>) dst(%arg10 : memref<16384xf32, #tpu.memory_space<vmem>>)
    %parallel_loop3A_793 = arith.constant 0 : i32
    %parallel_loop3A_794 = arith.constant 16384 : i32
    %parallel_loop3A_795 = arith.constant 16 : i32
    scf.for %parallel_loop3A_1264 = %parallel_loop3A_793 to %parallel_loop3A_794 step %parallel_loop3A_795  : i32 {
      %parallel_loop3A_1265 = arith.index_cast %parallel_loop3A_1264 : i32 to index
      %parallel_loop3A_1266 = tpu.vector_load %arg5[%parallel_loop3A_1265] {strides = array<i32>} : memref<16384xf32, #tpu.memory_space<vmem>>, vector<16xf32>,
      %parallel_loop3A_1267 = vector.shape_cast %parallel_loop3A_1266 : vector<16xf32> to vector<16xf32>
      %parallel_loop3A_1268 = arith.index_cast %parallel_loop3A_1264 : i32 to index
      %parallel_loop3A_1269 = tpu.vector_load %arg10[%parallel_loop3A_1268] {strides = array<i32>} : memref<16384xf32, #tpu.memory_space<vmem>>, vector<16xf32>,
      %parallel_loop3A_1270 = vector.shape_cast %parallel_loop3A_1269 : vector<16xf32> to vector<16xf32>
      %parallel_loop3A_1271 = vector.shape_cast %parallel_loop3A_1267 : vector<16xf32> to vector<16xf32>
      tpu.vector_store %arg10[%parallel_loop3A_1268], %parallel_loop3A_1271 {add = true, strides = array<i32>} : memref<16384xf32, #tpu.memory_space<vmem>>, vector<16xf32>,
    } {sc.loop_unroll_factor = 8 : i64, sc.parallel_access}
    %add3A_796 = arith.constant 29360128 : i32
    %add3A_797 = arith.addi %add3A_796, %mul3A_2 : i32
    %add3A_798 = arith.constant 65536 : i32
    %add3A_799 = arith.addi %add3A_797, %add3A_798 : i32
    %dma_start3A_800 = tpu.memref_slice %arg4[%add3A_799] : memref<33554432xf32, #tpu.memory_space<hbm>> -> memref<16384xf32, #tpu.memory_space<hbm>>
    %dma_start3A_801 = tpu.memref_slice %arg4[%add3A_799] : memref<33554432xf32, #tpu.memory_space<hbm>> -> memref<16384xf32, #tpu.memory_space<hbm>>
    tpu.enqueue_dma source(%arg10 : memref<16384xf32, #tpu.memory_space<vmem>>) target(%dma_start3A_801 : memref<16384xf32, #tpu.memory_space<hbm>>) target_semaphore(%arg20 : memref<!tpu.dma_semaphore, #tpu.memory_space<semaphore_mem>>)
    %dma_wait3A_802 = tpu.memref_slice %arg3[%add3A_647] : memref<4194304xf32, #tpu.memory_space<hbm>> -> memref<16384xf32, #tpu.memory_space<hbm>>
    %dma_wait3A_803 = tpu.memref_slice %arg3[%add3A_647] : memref<4194304xf32, #tpu.memory_space<hbm>> -> memref<16384xf32, #tpu.memory_space<hbm>>
    tpu.wait_dma2 semaphore(%arg12 : memref<!tpu.dma_semaphore, #tpu.memory_space<semaphore_mem>>) src(%dma_wait3A_803 : memref<16384xf32, #tpu.memory_space<hbm>>) dst(%arg6 : memref<16384xf32, #tpu.memory_space<vmem>>)
    %add3A_804 = arith.constant 98304 : i32
    %add3A_805 = arith.addi %mul3A_2, %add3A_804 : i32
    %dma_start3A_806 = tpu.memref_slice %arg3[%add3A_805] : memref<4194304xf32, #tpu.memory_space<hbm>> -> memref<16384xf32, #tpu.memory_space<hbm>>
    %dma_start3A_807 = tpu.memref_slice %arg3[%add3A_805] : memref<4194304xf32, #tpu.memory_space<hbm>> -> memref<16384xf32, #tpu.memory_space<hbm>>
    tpu.enqueue_dma source(%dma_start3A_807 : memref<16384xf32, #tpu.memory_space<hbm>>) target(%arg5 : memref<16384xf32, #tpu.memory_space<vmem>>) target_semaphore(%arg11 : memref<!tpu.dma_semaphore, #tpu.memory_space<semaphore_mem>>)
    %dma_wait3A_808 = tpu.memref_slice %arg4[%add3A_780] : memref<33554432xf32, #tpu.memory_space<hbm>> -> memref<16384xf32, #tpu.memory_space<hbm>>
    %dma_wait3A_809 = tpu.memref_slice %arg4[%add3A_780] : memref<33554432xf32, #tpu.memory_space<hbm>> -> memref<16384xf32, #tpu.memory_space<hbm>>
    tpu.wait_dma2 semaphore(%arg19 : memref<!tpu.dma_semaphore, #tpu.memory_space<semaphore_mem>>) src(%arg9 : memref<16384xf32, #tpu.memory_space<vmem>>) dst(%dma_wait3A_809 : memref<16384xf32, #tpu.memory_space<hbm>>)
    %add3A_810 = arith.constant 8388608 : i32
    %add3A_811 = arith.addi %add3A_810, %mul3A_2 : i32
    %add3A_812 = arith.constant 81920 : i32
    %add3A_813 = arith.addi %add3A_811, %add3A_812 : i32
    %dma_start3A_814 = tpu.memref_slice %arg2[%add3A_813] : memref<33554432xf32, #tpu.memory_space<hbm>> -> memref<16384xf32, #tpu.memory_space<hbm>>
    %dma_start3A_815 = tpu.memref_slice %arg2[%add3A_813] : memref<33554432xf32, #tpu.memory_space<hbm>> -> memref<16384xf32, #tpu.memory_space<hbm>>
    tpu.enqueue_dma source(%dma_start3A_815 : memref<16384xf32, #tpu.memory_space<hbm>>) target(%arg9 : memref<16384xf32, #tpu.memory_space<vmem>>) target_semaphore(%arg15 : memref<!tpu.dma_semaphore, #tpu.memory_space<semaphore_mem>>)
    %dma_wait3A_816 = tpu.memref_slice %arg2[%add3A_769] : memref<33554432xf32, #tpu.memory_space<hbm>> -> memref<16384xf32, #tpu.memory_space<hbm>>
    %dma_wait3A_817 = tpu.memref_slice %arg2[%add3A_769] : memref<33554432xf32, #tpu.memory_space<hbm>> -> memref<16384xf32, #tpu.memory_space<hbm>>
    tpu.wait_dma2 semaphore(%arg13 : memref<!tpu.dma_semaphore, #tpu.memory_space<semaphore_mem>>) src(%dma_wait3A_817 : memref<16384xf32, #tpu.memory_space<hbm>>) dst(%arg7 : memref<16384xf32, #tpu.memory_space<vmem>>)
    %parallel_loop3A_818 = arith.constant 0 : i32
    %parallel_loop3A_819 = arith.constant 16384 : i32
    %parallel_loop3A_820 = arith.constant 16 : i32
    scf.for %parallel_loop3A_1264 = %parallel_loop3A_818 to %parallel_loop3A_819 step %parallel_loop3A_820  : i32 {
      %parallel_loop3A_1265 = arith.index_cast %parallel_loop3A_1264 : i32 to index
      %parallel_loop3A_1266 = tpu.vector_load %arg6[%parallel_loop3A_1265] {strides = array<i32>} : memref<16384xf32, #tpu.memory_space<vmem>>, vector<16xf32>,
      %parallel_loop3A_1267 = vector.shape_cast %parallel_loop3A_1266 : vector<16xf32> to vector<16xf32>
      %parallel_loop3A_1268 = arith.index_cast %parallel_loop3A_1264 : i32 to index
      %parallel_loop3A_1269 = tpu.vector_load %arg7[%parallel_loop3A_1268] {strides = array<i32>} : memref<16384xf32, #tpu.memory_space<vmem>>, vector<16xf32>,
      %parallel_loop3A_1270 = vector.shape_cast %parallel_loop3A_1269 : vector<16xf32> to vector<16xf32>
      %parallel_loop3A_1271 = vector.shape_cast %parallel_loop3A_1267 : vector<16xf32> to vector<16xf32>
      tpu.vector_store %arg7[%parallel_loop3A_1268], %parallel_loop3A_1271 {add = true, strides = array<i32>} : memref<16384xf32, #tpu.memory_space<vmem>>, vector<16xf32>,
    } {sc.loop_unroll_factor = 8 : i64, sc.parallel_access}
    %add3A_821 = arith.constant 0 : i32
    %add3A_822 = arith.addi %add3A_821, %mul3A_2 : i32
    %add3A_823 = arith.constant 81920 : i32
    %add3A_824 = arith.addi %add3A_822, %add3A_823 : i32
    %dma_start3A_825 = tpu.memref_slice %arg4[%add3A_824] : memref<33554432xf32, #tpu.memory_space<hbm>> -> memref<16384xf32, #tpu.memory_space<hbm>>
    %dma_start3A_826 = tpu.memref_slice %arg4[%add3A_824] : memref<33554432xf32, #tpu.memory_space<hbm>> -> memref<16384xf32, #tpu.memory_space<hbm>>
    tpu.enqueue_dma source(%arg7 : memref<16384xf32, #tpu.memory_space<vmem>>) target(%dma_start3A_826 : memref<16384xf32, #tpu.memory_space<hbm>>) target_semaphore(%arg17 : memref<!tpu.dma_semaphore, #tpu.memory_space<semaphore_mem>>)
    %dma_wait3A_827 = tpu.memref_slice %arg4[%add3A_799] : memref<33554432xf32, #tpu.memory_space<hbm>> -> memref<16384xf32, #tpu.memory_space<hbm>>
    %dma_wait3A_828 = tpu.memref_slice %arg4[%add3A_799] : memref<33554432xf32, #tpu.memory_space<hbm>> -> memref<16384xf32, #tpu.memory_space<hbm>>
    tpu.wait_dma2 semaphore(%arg20 : memref<!tpu.dma_semaphore, #tpu.memory_space<semaphore_mem>>) src(%arg10 : memref<16384xf32, #tpu.memory_space<vmem>>) dst(%dma_wait3A_828 : memref<16384xf32, #tpu.memory_space<hbm>>)
    %add3A_829 = arith.constant 12582912 : i32
    %add3A_830 = arith.addi %add3A_829, %mul3A_2 : i32
    %add3A_831 = arith.constant 81920 : i32
    %add3A_832 = arith.addi %add3A_830, %add3A_831 : i32
    %dma_start3A_833 = tpu.memref_slice %arg2[%add3A_832] : memref<33554432xf32, #tpu.memory_space<hbm>> -> memref<16384xf32, #tpu.memory_space<hbm>>
    %dma_start3A_834 = tpu.memref_slice %arg2[%add3A_832] : memref<33554432xf32, #tpu.memory_space<hbm>> -> memref<16384xf32, #tpu.memory_space<hbm>>
    tpu.enqueue_dma source(%dma_start3A_834 : memref<16384xf32, #tpu.memory_space<hbm>>) target(%arg10 : memref<16384xf32, #tpu.memory_space<vmem>>) target_semaphore(%arg16 : memref<!tpu.dma_semaphore, #tpu.memory_space<semaphore_mem>>)
    %dma_wait3A_835 = tpu.memref_slice %arg2[%add3A_788] : memref<33554432xf32, #tpu.memory_space<hbm>> -> memref<16384xf32, #tpu.memory_space<hbm>>
    %dma_wait3A_836 = tpu.memref_slice %arg2[%add3A_788] : memref<33554432xf32, #tpu.memory_space<hbm>> -> memref<16384xf32, #tpu.memory_space<hbm>>
    tpu.wait_dma2 semaphore(%arg14 : memref<!tpu.dma_semaphore, #tpu.memory_space<semaphore_mem>>) src(%dma_wait3A_836 : memref<16384xf32, #tpu.memory_space<hbm>>) dst(%arg8 : memref<16384xf32, #tpu.memory_space<vmem>>)
    %parallel_loop3A_837 = arith.constant 0 : i32
    %parallel_loop3A_838 = arith.constant 16384 : i32
    %parallel_loop3A_839 = arith.constant 16 : i32
    scf.for %parallel_loop3A_1264 = %parallel_loop3A_837 to %parallel_loop3A_838 step %parallel_loop3A_839  : i32 {
      %parallel_loop3A_1265 = arith.index_cast %parallel_loop3A_1264 : i32 to index
      %parallel_loop3A_1266 = tpu.vector_load %arg6[%parallel_loop3A_1265] {strides = array<i32>} : memref<16384xf32, #tpu.memory_space<vmem>>, vector<16xf32>,
      %parallel_loop3A_1267 = vector.shape_cast %parallel_loop3A_1266 : vector<16xf32> to vector<16xf32>
      %parallel_loop3A_1268 = arith.index_cast %parallel_loop3A_1264 : i32 to index
      %parallel_loop3A_1269 = tpu.vector_load %arg8[%parallel_loop3A_1268] {strides = array<i32>} : memref<16384xf32, #tpu.memory_space<vmem>>, vector<16xf32>,
      %parallel_loop3A_1270 = vector.shape_cast %parallel_loop3A_1269 : vector<16xf32> to vector<16xf32>
      %parallel_loop3A_1271 = vector.shape_cast %parallel_loop3A_1267 : vector<16xf32> to vector<16xf32>
      tpu.vector_store %arg8[%parallel_loop3A_1268], %parallel_loop3A_1271 {add = true, strides = array<i32>} : memref<16384xf32, #tpu.memory_space<vmem>>, vector<16xf32>,
    } {sc.loop_unroll_factor = 8 : i64, sc.parallel_access}
    %add3A_840 = arith.constant 4194304 : i32
    %add3A_841 = arith.addi %add3A_840, %mul3A_2 : i32
    %add3A_842 = arith.constant 81920 : i32
    %add3A_843 = arith.addi %add3A_841, %add3A_842 : i32
    %dma_start3A_844 = tpu.memref_slice %arg4[%add3A_843] : memref<33554432xf32, #tpu.memory_space<hbm>> -> memref<16384xf32, #tpu.memory_space<hbm>>
    %dma_start3A_845 = tpu.memref_slice %arg4[%add3A_843] : memref<33554432xf32, #tpu.memory_space<hbm>> -> memref<16384xf32, #tpu.memory_space<hbm>>
    tpu.enqueue_dma source(%arg8 : memref<16384xf32, #tpu.memory_space<vmem>>) target(%dma_start3A_845 : memref<16384xf32, #tpu.memory_space<hbm>>) target_semaphore(%arg18 : memref<!tpu.dma_semaphore, #tpu.memory_space<semaphore_mem>>)
    %dma_wait3A_846 = tpu.memref_slice %arg4[%add3A_824] : memref<33554432xf32, #tpu.memory_space<hbm>> -> memref<16384xf32, #tpu.memory_space<hbm>>
    %dma_wait3A_847 = tpu.memref_slice %arg4[%add3A_824] : memref<33554432xf32, #tpu.memory_space<hbm>> -> memref<16384xf32, #tpu.memory_space<hbm>>
    tpu.wait_dma2 semaphore(%arg17 : memref<!tpu.dma_semaphore, #tpu.memory_space<semaphore_mem>>) src(%arg7 : memref<16384xf32, #tpu.memory_space<vmem>>) dst(%dma_wait3A_847 : memref<16384xf32, #tpu.memory_space<hbm>>)
    %add3A_848 = arith.constant 16777216 : i32
    %add3A_849 = arith.addi %add3A_848, %mul3A_2 : i32
    %add3A_850 = arith.constant 81920 : i32
    %add3A_851 = arith.addi %add3A_849, %add3A_850 : i32
    %dma_start3A_852 = tpu.memref_slice %arg2[%add3A_851] : memref<33554432xf32, #tpu.memory_space<hbm>> -> memref<16384xf32, #tpu.memory_space<hbm>>
    %dma_start3A_853 = tpu.memref_slice %arg2[%add3A_851] : memref<33554432xf32, #tpu.memory_space<hbm>> -> memref<16384xf32, #tpu.memory_space<hbm>>
    tpu.enqueue_dma source(%dma_start3A_853 : memref<16384xf32, #tpu.memory_space<hbm>>) target(%arg7 : memref<16384xf32, #tpu.memory_space<vmem>>) target_semaphore(%arg13 : memref<!tpu.dma_semaphore, #tpu.memory_space<semaphore_mem>>)
    %dma_wait3A_854 = tpu.memref_slice %arg2[%add3A_813] : memref<33554432xf32, #tpu.memory_space<hbm>> -> memref<16384xf32, #tpu.memory_space<hbm>>
    %dma_wait3A_855 = tpu.memref_slice %arg2[%add3A_813] : memref<33554432xf32, #tpu.memory_space<hbm>> -> memref<16384xf32, #tpu.memory_space<hbm>>
    tpu.wait_dma2 semaphore(%arg15 : memref<!tpu.dma_semaphore, #tpu.memory_space<semaphore_mem>>) src(%dma_wait3A_855 : memref<16384xf32, #tpu.memory_space<hbm>>) dst(%arg9 : memref<16384xf32, #tpu.memory_space<vmem>>)
    %parallel_loop3A_856 = arith.constant 0 : i32
    %parallel_loop3A_857 = arith.constant 16384 : i32
    %parallel_loop3A_858 = arith.constant 16 : i32
    scf.for %parallel_loop3A_1264 = %parallel_loop3A_856 to %parallel_loop3A_857 step %parallel_loop3A_858  : i32 {
      %parallel_loop3A_1265 = arith.index_cast %parallel_loop3A_1264 : i32 to index
      %parallel_loop3A_1266 = tpu.vector_load %arg6[%parallel_loop3A_1265] {strides = array<i32>} : memref<16384xf32, #tpu.memory_space<vmem>>, vector<16xf32>,
      %parallel_loop3A_1267 = vector.shape_cast %parallel_loop3A_1266 : vector<16xf32> to vector<16xf32>
      %parallel_loop3A_1268 = arith.index_cast %parallel_loop3A_1264 : i32 to index
      %parallel_loop3A_1269 = tpu.vector_load %arg9[%parallel_loop3A_1268] {strides = array<i32>} : memref<16384xf32, #tpu.memory_space<vmem>>, vector<16xf32>,
      %parallel_loop3A_1270 = vector.shape_cast %parallel_loop3A_1269 : vector<16xf32> to vector<16xf32>
      %parallel_loop3A_1271 = vector.shape_cast %parallel_loop3A_1267 : vector<16xf32> to vector<16xf32>
      tpu.vector_store %arg9[%parallel_loop3A_1268], %parallel_loop3A_1271 {add = true, strides = array<i32>} : memref<16384xf32, #tpu.memory_space<vmem>>, vector<16xf32>,
    } {sc.loop_unroll_factor = 8 : i64, sc.parallel_access}
    %add3A_859 = arith.constant 8388608 : i32
    %add3A_860 = arith.addi %add3A_859, %mul3A_2 : i32
    %add3A_861 = arith.constant 81920 : i32
    %add3A_862 = arith.addi %add3A_860, %add3A_861 : i32
    %dma_start3A_863 = tpu.memref_slice %arg4[%add3A_862] : memref<33554432xf32, #tpu.memory_space<hbm>> -> memref<16384xf32, #tpu.memory_space<hbm>>
    %dma_start3A_864 = tpu.memref_slice %arg4[%add3A_862] : memref<33554432xf32, #tpu.memory_space<hbm>> -> memref<16384xf32, #tpu.memory_space<hbm>>
    tpu.enqueue_dma source(%arg9 : memref<16384xf32, #tpu.memory_space<vmem>>) target(%dma_start3A_864 : memref<16384xf32, #tpu.memory_space<hbm>>) target_semaphore(%arg19 : memref<!tpu.dma_semaphore, #tpu.memory_space<semaphore_mem>>)
    %dma_wait3A_865 = tpu.memref_slice %arg4[%add3A_843] : memref<33554432xf32, #tpu.memory_space<hbm>> -> memref<16384xf32, #tpu.memory_space<hbm>>
    %dma_wait3A_866 = tpu.memref_slice %arg4[%add3A_843] : memref<33554432xf32, #tpu.memory_space<hbm>> -> memref<16384xf32, #tpu.memory_space<hbm>>
    tpu.wait_dma2 semaphore(%arg18 : memref<!tpu.dma_semaphore, #tpu.memory_space<semaphore_mem>>) src(%arg8 : memref<16384xf32, #tpu.memory_space<vmem>>) dst(%dma_wait3A_866 : memref<16384xf32, #tpu.memory_space<hbm>>)
    %add3A_867 = arith.constant 20971520 : i32
    %add3A_868 = arith.addi %add3A_867, %mul3A_2 : i32
    %add3A_869 = arith.constant 81920 : i32
    %add3A_870 = arith.addi %add3A_868, %add3A_869 : i32
    %dma_start3A_871 = tpu.memref_slice %arg2[%add3A_870] : memref<33554432xf32, #tpu.memory_space<hbm>> -> memref<16384xf32, #tpu.memory_space<hbm>>
    %dma_start3A_872 = tpu.memref_slice %arg2[%add3A_870] : memref<33554432xf32, #tpu.memory_space<hbm>> -> memref<16384xf32, #tpu.memory_space<hbm>>
    tpu.enqueue_dma source(%dma_start3A_872 : memref<16384xf32, #tpu.memory_space<hbm>>) target(%arg8 : memref<16384xf32, #tpu.memory_space<vmem>>) target_semaphore(%arg14 : memref<!tpu.dma_semaphore, #tpu.memory_space<semaphore_mem>>)
    %dma_wait3A_873 = tpu.memref_slice %arg2[%add3A_832] : memref<33554432xf32, #tpu.memory_space<hbm>> -> memref<16384xf32, #tpu.memory_space<hbm>>
    %dma_wait3A_874 = tpu.memref_slice %arg2[%add3A_832] : memref<33554432xf32, #tpu.memory_space<hbm>> -> memref<16384xf32, #tpu.memory_space<hbm>>
    tpu.wait_dma2 semaphore(%arg16 : memref<!tpu.dma_semaphore, #tpu.memory_space<semaphore_mem>>) src(%dma_wait3A_874 : memref<16384xf32, #tpu.memory_space<hbm>>) dst(%arg10 : memref<16384xf32, #tpu.memory_space<vmem>>)
    %parallel_loop3A_875 = arith.constant 0 : i32
    %parallel_loop3A_876 = arith.constant 16384 : i32
    %parallel_loop3A_877 = arith.constant 16 : i32
    scf.for %parallel_loop3A_1264 = %parallel_loop3A_875 to %parallel_loop3A_876 step %parallel_loop3A_877  : i32 {
      %parallel_loop3A_1265 = arith.index_cast %parallel_loop3A_1264 : i32 to index
      %parallel_loop3A_1266 = tpu.vector_load %arg6[%parallel_loop3A_1265] {strides = array<i32>} : memref<16384xf32, #tpu.memory_space<vmem>>, vector<16xf32>,
      %parallel_loop3A_1267 = vector.shape_cast %parallel_loop3A_1266 : vector<16xf32> to vector<16xf32>
      %parallel_loop3A_1268 = arith.index_cast %parallel_loop3A_1264 : i32 to index
      %parallel_loop3A_1269 = tpu.vector_load %arg10[%parallel_loop3A_1268] {strides = array<i32>} : memref<16384xf32, #tpu.memory_space<vmem>>, vector<16xf32>,
      %parallel_loop3A_1270 = vector.shape_cast %parallel_loop3A_1269 : vector<16xf32> to vector<16xf32>
      %parallel_loop3A_1271 = vector.shape_cast %parallel_loop3A_1267 : vector<16xf32> to vector<16xf32>
      tpu.vector_store %arg10[%parallel_loop3A_1268], %parallel_loop3A_1271 {add = true, strides = array<i32>} : memref<16384xf32, #tpu.memory_space<vmem>>, vector<16xf32>,
    } {sc.loop_unroll_factor = 8 : i64, sc.parallel_access}
    %add3A_878 = arith.constant 12582912 : i32
    %add3A_879 = arith.addi %add3A_878, %mul3A_2 : i32
    %add3A_880 = arith.constant 81920 : i32
    %add3A_881 = arith.addi %add3A_879, %add3A_880 : i32
    %dma_start3A_882 = tpu.memref_slice %arg4[%add3A_881] : memref<33554432xf32, #tpu.memory_space<hbm>> -> memref<16384xf32, #tpu.memory_space<hbm>>
    %dma_start3A_883 = tpu.memref_slice %arg4[%add3A_881] : memref<33554432xf32, #tpu.memory_space<hbm>> -> memref<16384xf32, #tpu.memory_space<hbm>>
    tpu.enqueue_dma source(%arg10 : memref<16384xf32, #tpu.memory_space<vmem>>) target(%dma_start3A_883 : memref<16384xf32, #tpu.memory_space<hbm>>) target_semaphore(%arg20 : memref<!tpu.dma_semaphore, #tpu.memory_space<semaphore_mem>>)
    %dma_wait3A_884 = tpu.memref_slice %arg4[%add3A_862] : memref<33554432xf32, #tpu.memory_space<hbm>> -> memref<16384xf32, #tpu.memory_space<hbm>>
    %dma_wait3A_885 = tpu.memref_slice %arg4[%add3A_862] : memref<33554432xf32, #tpu.memory_space<hbm>> -> memref<16384xf32, #tpu.memory_space<hbm>>
    tpu.wait_dma2 semaphore(%arg19 : memref<!tpu.dma_semaphore, #tpu.memory_space<semaphore_mem>>) src(%arg9 : memref<16384xf32, #tpu.memory_space<vmem>>) dst(%dma_wait3A_885 : memref<16384xf32, #tpu.memory_space<hbm>>)
    %add3A_886 = arith.constant 25165824 : i32
    %add3A_887 = arith.addi %add3A_886, %mul3A_2 : i32
    %add3A_888 = arith.constant 81920 : i32
    %add3A_889 = arith.addi %add3A_887, %add3A_888 : i32
    %dma_start3A_890 = tpu.memref_slice %arg2[%add3A_889] : memref<33554432xf32, #tpu.memory_space<hbm>> -> memref<16384xf32, #tpu.memory_space<hbm>>
    %dma_start3A_891 = tpu.memref_slice %arg2[%add3A_889] : memref<33554432xf32, #tpu.memory_space<hbm>> -> memref<16384xf32, #tpu.memory_space<hbm>>
    tpu.enqueue_dma source(%dma_start3A_891 : memref<16384xf32, #tpu.memory_space<hbm>>) target(%arg9 : memref<16384xf32, #tpu.memory_space<vmem>>) target_semaphore(%arg15 : memref<!tpu.dma_semaphore, #tpu.memory_space<semaphore_mem>>)
    %dma_wait3A_892 = tpu.memref_slice %arg2[%add3A_851] : memref<33554432xf32, #tpu.memory_space<hbm>> -> memref<16384xf32, #tpu.memory_space<hbm>>
    %dma_wait3A_893 = tpu.memref_slice %arg2[%add3A_851] : memref<33554432xf32, #tpu.memory_space<hbm>> -> memref<16384xf32, #tpu.memory_space<hbm>>
    tpu.wait_dma2 semaphore(%arg13 : memref<!tpu.dma_semaphore, #tpu.memory_space<semaphore_mem>>) src(%dma_wait3A_893 : memref<16384xf32, #tpu.memory_space<hbm>>) dst(%arg7 : memref<16384xf32, #tpu.memory_space<vmem>>)
    %parallel_loop3A_894 = arith.constant 0 : i32
    %parallel_loop3A_895 = arith.constant 16384 : i32
    %parallel_loop3A_896 = arith.constant 16 : i32
    scf.for %parallel_loop3A_1264 = %parallel_loop3A_894 to %parallel_loop3A_895 step %parallel_loop3A_896  : i32 {
      %parallel_loop3A_1265 = arith.index_cast %parallel_loop3A_1264 : i32 to index
      %parallel_loop3A_1266 = tpu.vector_load %arg6[%parallel_loop3A_1265] {strides = array<i32>} : memref<16384xf32, #tpu.memory_space<vmem>>, vector<16xf32>,
      %parallel_loop3A_1267 = vector.shape_cast %parallel_loop3A_1266 : vector<16xf32> to vector<16xf32>
      %parallel_loop3A_1268 = arith.index_cast %parallel_loop3A_1264 : i32 to index
      %parallel_loop3A_1269 = tpu.vector_load %arg7[%parallel_loop3A_1268] {strides = array<i32>} : memref<16384xf32, #tpu.memory_space<vmem>>, vector<16xf32>,
      %parallel_loop3A_1270 = vector.shape_cast %parallel_loop3A_1269 : vector<16xf32> to vector<16xf32>
      %parallel_loop3A_1271 = vector.shape_cast %parallel_loop3A_1267 : vector<16xf32> to vector<16xf32>
      tpu.vector_store %arg7[%parallel_loop3A_1268], %parallel_loop3A_1271 {add = true, strides = array<i32>} : memref<16384xf32, #tpu.memory_space<vmem>>, vector<16xf32>,
    } {sc.loop_unroll_factor = 8 : i64, sc.parallel_access}
    %add3A_897 = arith.constant 16777216 : i32
    %add3A_898 = arith.addi %add3A_897, %mul3A_2 : i32
    %add3A_899 = arith.constant 81920 : i32
    %add3A_900 = arith.addi %add3A_898, %add3A_899 : i32
    %dma_start3A_901 = tpu.memref_slice %arg4[%add3A_900] : memref<33554432xf32, #tpu.memory_space<hbm>> -> memref<16384xf32, #tpu.memory_space<hbm>>
    %dma_start3A_902 = tpu.memref_slice %arg4[%add3A_900] : memref<33554432xf32, #tpu.memory_space<hbm>> -> memref<16384xf32, #tpu.memory_space<hbm>>
    tpu.enqueue_dma source(%arg7 : memref<16384xf32, #tpu.memory_space<vmem>>) target(%dma_start3A_902 : memref<16384xf32, #tpu.memory_space<hbm>>) target_semaphore(%arg17 : memref<!tpu.dma_semaphore, #tpu.memory_space<semaphore_mem>>)
    %dma_wait3A_903 = tpu.memref_slice %arg4[%add3A_881] : memref<33554432xf32, #tpu.memory_space<hbm>> -> memref<16384xf32, #tpu.memory_space<hbm>>
    %dma_wait3A_904 = tpu.memref_slice %arg4[%add3A_881] : memref<33554432xf32, #tpu.memory_space<hbm>> -> memref<16384xf32, #tpu.memory_space<hbm>>
    tpu.wait_dma2 semaphore(%arg20 : memref<!tpu.dma_semaphore, #tpu.memory_space<semaphore_mem>>) src(%arg10 : memref<16384xf32, #tpu.memory_space<vmem>>) dst(%dma_wait3A_904 : memref<16384xf32, #tpu.memory_space<hbm>>)
    %add3A_905 = arith.constant 29360128 : i32
    %add3A_906 = arith.addi %add3A_905, %mul3A_2 : i32
    %add3A_907 = arith.constant 81920 : i32
    %add3A_908 = arith.addi %add3A_906, %add3A_907 : i32
    %dma_start3A_909 = tpu.memref_slice %arg2[%add3A_908] : memref<33554432xf32, #tpu.memory_space<hbm>> -> memref<16384xf32, #tpu.memory_space<hbm>>
    %dma_start3A_910 = tpu.memref_slice %arg2[%add3A_908] : memref<33554432xf32, #tpu.memory_space<hbm>> -> memref<16384xf32, #tpu.memory_space<hbm>>
    tpu.enqueue_dma source(%dma_start3A_910 : memref<16384xf32, #tpu.memory_space<hbm>>) target(%arg10 : memref<16384xf32, #tpu.memory_space<vmem>>) target_semaphore(%arg16 : memref<!tpu.dma_semaphore, #tpu.memory_space<semaphore_mem>>)
    %dma_wait3A_911 = tpu.memref_slice %arg2[%add3A_870] : memref<33554432xf32, #tpu.memory_space<hbm>> -> memref<16384xf32, #tpu.memory_space<hbm>>
    %dma_wait3A_912 = tpu.memref_slice %arg2[%add3A_870] : memref<33554432xf32, #tpu.memory_space<hbm>> -> memref<16384xf32, #tpu.memory_space<hbm>>
    tpu.wait_dma2 semaphore(%arg14 : memref<!tpu.dma_semaphore, #tpu.memory_space<semaphore_mem>>) src(%dma_wait3A_912 : memref<16384xf32, #tpu.memory_space<hbm>>) dst(%arg8 : memref<16384xf32, #tpu.memory_space<vmem>>)
    %parallel_loop3A_913 = arith.constant 0 : i32
    %parallel_loop3A_914 = arith.constant 16384 : i32
    %parallel_loop3A_915 = arith.constant 16 : i32
    scf.for %parallel_loop3A_1264 = %parallel_loop3A_913 to %parallel_loop3A_914 step %parallel_loop3A_915  : i32 {
      %parallel_loop3A_1265 = arith.index_cast %parallel_loop3A_1264 : i32 to index
      %parallel_loop3A_1266 = tpu.vector_load %arg6[%parallel_loop3A_1265] {strides = array<i32>} : memref<16384xf32, #tpu.memory_space<vmem>>, vector<16xf32>,
      %parallel_loop3A_1267 = vector.shape_cast %parallel_loop3A_1266 : vector<16xf32> to vector<16xf32>
      %parallel_loop3A_1268 = arith.index_cast %parallel_loop3A_1264 : i32 to index
      %parallel_loop3A_1269 = tpu.vector_load %arg8[%parallel_loop3A_1268] {strides = array<i32>} : memref<16384xf32, #tpu.memory_space<vmem>>, vector<16xf32>,
      %parallel_loop3A_1270 = vector.shape_cast %parallel_loop3A_1269 : vector<16xf32> to vector<16xf32>
      %parallel_loop3A_1271 = vector.shape_cast %parallel_loop3A_1267 : vector<16xf32> to vector<16xf32>
      tpu.vector_store %arg8[%parallel_loop3A_1268], %parallel_loop3A_1271 {add = true, strides = array<i32>} : memref<16384xf32, #tpu.memory_space<vmem>>, vector<16xf32>,
    } {sc.loop_unroll_factor = 8 : i64, sc.parallel_access}
    %add3A_916 = arith.constant 20971520 : i32
    %add3A_917 = arith.addi %add3A_916, %mul3A_2 : i32
    %add3A_918 = arith.constant 81920 : i32
    %add3A_919 = arith.addi %add3A_917, %add3A_918 : i32
    %dma_start3A_920 = tpu.memref_slice %arg4[%add3A_919] : memref<33554432xf32, #tpu.memory_space<hbm>> -> memref<16384xf32, #tpu.memory_space<hbm>>
    %dma_start3A_921 = tpu.memref_slice %arg4[%add3A_919] : memref<33554432xf32, #tpu.memory_space<hbm>> -> memref<16384xf32, #tpu.memory_space<hbm>>
    tpu.enqueue_dma source(%arg8 : memref<16384xf32, #tpu.memory_space<vmem>>) target(%dma_start3A_921 : memref<16384xf32, #tpu.memory_space<hbm>>) target_semaphore(%arg18 : memref<!tpu.dma_semaphore, #tpu.memory_space<semaphore_mem>>)
    %dma_wait3A_922 = tpu.memref_slice %arg4[%add3A_900] : memref<33554432xf32, #tpu.memory_space<hbm>> -> memref<16384xf32, #tpu.memory_space<hbm>>
    %dma_wait3A_923 = tpu.memref_slice %arg4[%add3A_900] : memref<33554432xf32, #tpu.memory_space<hbm>> -> memref<16384xf32, #tpu.memory_space<hbm>>
    tpu.wait_dma2 semaphore(%arg17 : memref<!tpu.dma_semaphore, #tpu.memory_space<semaphore_mem>>) src(%arg7 : memref<16384xf32, #tpu.memory_space<vmem>>) dst(%dma_wait3A_923 : memref<16384xf32, #tpu.memory_space<hbm>>)
    %add3A_924 = arith.constant 0 : i32
    %add3A_925 = arith.addi %add3A_924, %mul3A_2 : i32
    %add3A_926 = arith.constant 98304 : i32
    %add3A_927 = arith.addi %add3A_925, %add3A_926 : i32
    %dma_start3A_928 = tpu.memref_slice %arg2[%add3A_927] : memref<33554432xf32, #tpu.memory_space<hbm>> -> memref<16384xf32, #tpu.memory_space<hbm>>
    %dma_start3A_929 = tpu.memref_slice %arg2[%add3A_927] : memref<33554432xf32, #tpu.memory_space<hbm>> -> memref<16384xf32, #tpu.memory_space<hbm>>
    tpu.enqueue_dma source(%dma_start3A_929 : memref<16384xf32, #tpu.memory_space<hbm>>) target(%arg7 : memref<16384xf32, #tpu.memory_space<vmem>>) target_semaphore(%arg13 : memref<!tpu.dma_semaphore, #tpu.memory_space<semaphore_mem>>)
    %dma_wait3A_930 = tpu.memref_slice %arg2[%add3A_889] : memref<33554432xf32, #tpu.memory_space<hbm>> -> memref<16384xf32, #tpu.memory_space<hbm>>
    %dma_wait3A_931 = tpu.memref_slice %arg2[%add3A_889] : memref<33554432xf32, #tpu.memory_space<hbm>> -> memref<16384xf32, #tpu.memory_space<hbm>>
    tpu.wait_dma2 semaphore(%arg15 : memref<!tpu.dma_semaphore, #tpu.memory_space<semaphore_mem>>) src(%dma_wait3A_931 : memref<16384xf32, #tpu.memory_space<hbm>>) dst(%arg9 : memref<16384xf32, #tpu.memory_space<vmem>>)
    %parallel_loop3A_932 = arith.constant 0 : i32
    %parallel_loop3A_933 = arith.constant 16384 : i32
    %parallel_loop3A_934 = arith.constant 16 : i32
    scf.for %parallel_loop3A_1264 = %parallel_loop3A_932 to %parallel_loop3A_933 step %parallel_loop3A_934  : i32 {
      %parallel_loop3A_1265 = arith.index_cast %parallel_loop3A_1264 : i32 to index
      %parallel_loop3A_1266 = tpu.vector_load %arg6[%parallel_loop3A_1265] {strides = array<i32>} : memref<16384xf32, #tpu.memory_space<vmem>>, vector<16xf32>,
      %parallel_loop3A_1267 = vector.shape_cast %parallel_loop3A_1266 : vector<16xf32> to vector<16xf32>
      %parallel_loop3A_1268 = arith.index_cast %parallel_loop3A_1264 : i32 to index
      %parallel_loop3A_1269 = tpu.vector_load %arg9[%parallel_loop3A_1268] {strides = array<i32>} : memref<16384xf32, #tpu.memory_space<vmem>>, vector<16xf32>,
      %parallel_loop3A_1270 = vector.shape_cast %parallel_loop3A_1269 : vector<16xf32> to vector<16xf32>
      %parallel_loop3A_1271 = vector.shape_cast %parallel_loop3A_1267 : vector<16xf32> to vector<16xf32>
      tpu.vector_store %arg9[%parallel_loop3A_1268], %parallel_loop3A_1271 {add = true, strides = array<i32>} : memref<16384xf32, #tpu.memory_space<vmem>>, vector<16xf32>,
    } {sc.loop_unroll_factor = 8 : i64, sc.parallel_access}
    %add3A_935 = arith.constant 25165824 : i32
    %add3A_936 = arith.addi %add3A_935, %mul3A_2 : i32
    %add3A_937 = arith.constant 81920 : i32
    %add3A_938 = arith.addi %add3A_936, %add3A_937 : i32
    %dma_start3A_939 = tpu.memref_slice %arg4[%add3A_938] : memref<33554432xf32, #tpu.memory_space<hbm>> -> memref<16384xf32, #tpu.memory_space<hbm>>
    %dma_start3A_940 = tpu.memref_slice %arg4[%add3A_938] : memref<33554432xf32, #tpu.memory_space<hbm>> -> memref<16384xf32, #tpu.memory_space<hbm>>
    tpu.enqueue_dma source(%arg9 : memref<16384xf32, #tpu.memory_space<vmem>>) target(%dma_start3A_940 : memref<16384xf32, #tpu.memory_space<hbm>>) target_semaphore(%arg19 : memref<!tpu.dma_semaphore, #tpu.memory_space<semaphore_mem>>)
    %dma_wait3A_941 = tpu.memref_slice %arg4[%add3A_919] : memref<33554432xf32, #tpu.memory_space<hbm>> -> memref<16384xf32, #tpu.memory_space<hbm>>
    %dma_wait3A_942 = tpu.memref_slice %arg4[%add3A_919] : memref<33554432xf32, #tpu.memory_space<hbm>> -> memref<16384xf32, #tpu.memory_space<hbm>>
    tpu.wait_dma2 semaphore(%arg18 : memref<!tpu.dma_semaphore, #tpu.memory_space<semaphore_mem>>) src(%arg8 : memref<16384xf32, #tpu.memory_space<vmem>>) dst(%dma_wait3A_942 : memref<16384xf32, #tpu.memory_space<hbm>>)
    %add3A_943 = arith.constant 4194304 : i32
    %add3A_944 = arith.addi %add3A_943, %mul3A_2 : i32
    %add3A_945 = arith.constant 98304 : i32
    %add3A_946 = arith.addi %add3A_944, %add3A_945 : i32
    %dma_start3A_947 = tpu.memref_slice %arg2[%add3A_946] : memref<33554432xf32, #tpu.memory_space<hbm>> -> memref<16384xf32, #tpu.memory_space<hbm>>
    %dma_start3A_948 = tpu.memref_slice %arg2[%add3A_946] : memref<33554432xf32, #tpu.memory_space<hbm>> -> memref<16384xf32, #tpu.memory_space<hbm>>
    tpu.enqueue_dma source(%dma_start3A_948 : memref<16384xf32, #tpu.memory_space<hbm>>) target(%arg8 : memref<16384xf32, #tpu.memory_space<vmem>>) target_semaphore(%arg14 : memref<!tpu.dma_semaphore, #tpu.memory_space<semaphore_mem>>)
    %dma_wait3A_949 = tpu.memref_slice %arg2[%add3A_908] : memref<33554432xf32, #tpu.memory_space<hbm>> -> memref<16384xf32, #tpu.memory_space<hbm>>
    %dma_wait3A_950 = tpu.memref_slice %arg2[%add3A_908] : memref<33554432xf32, #tpu.memory_space<hbm>> -> memref<16384xf32, #tpu.memory_space<hbm>>
    tpu.wait_dma2 semaphore(%arg16 : memref<!tpu.dma_semaphore, #tpu.memory_space<semaphore_mem>>) src(%dma_wait3A_950 : memref<16384xf32, #tpu.memory_space<hbm>>) dst(%arg10 : memref<16384xf32, #tpu.memory_space<vmem>>)
    %parallel_loop3A_951 = arith.constant 0 : i32
    %parallel_loop3A_952 = arith.constant 16384 : i32
    %parallel_loop3A_953 = arith.constant 16 : i32
    scf.for %parallel_loop3A_1264 = %parallel_loop3A_951 to %parallel_loop3A_952 step %parallel_loop3A_953  : i32 {
      %parallel_loop3A_1265 = arith.index_cast %parallel_loop3A_1264 : i32 to index
      %parallel_loop3A_1266 = tpu.vector_load %arg6[%parallel_loop3A_1265] {strides = array<i32>} : memref<16384xf32, #tpu.memory_space<vmem>>, vector<16xf32>,
      %parallel_loop3A_1267 = vector.shape_cast %parallel_loop3A_1266 : vector<16xf32> to vector<16xf32>
      %parallel_loop3A_1268 = arith.index_cast %parallel_loop3A_1264 : i32 to index
      %parallel_loop3A_1269 = tpu.vector_load %arg10[%parallel_loop3A_1268] {strides = array<i32>} : memref<16384xf32, #tpu.memory_space<vmem>>, vector<16xf32>,
      %parallel_loop3A_1270 = vector.shape_cast %parallel_loop3A_1269 : vector<16xf32> to vector<16xf32>
      %parallel_loop3A_1271 = vector.shape_cast %parallel_loop3A_1267 : vector<16xf32> to vector<16xf32>
      tpu.vector_store %arg10[%parallel_loop3A_1268], %parallel_loop3A_1271 {add = true, strides = array<i32>} : memref<16384xf32, #tpu.memory_space<vmem>>, vector<16xf32>,
    } {sc.loop_unroll_factor = 8 : i64, sc.parallel_access}
    %add3A_954 = arith.constant 29360128 : i32
    %add3A_955 = arith.addi %add3A_954, %mul3A_2 : i32
    %add3A_956 = arith.constant 81920 : i32
    %add3A_957 = arith.addi %add3A_955, %add3A_956 : i32
    %dma_start3A_958 = tpu.memref_slice %arg4[%add3A_957] : memref<33554432xf32, #tpu.memory_space<hbm>> -> memref<16384xf32, #tpu.memory_space<hbm>>
    %dma_start3A_959 = tpu.memref_slice %arg4[%add3A_957] : memref<33554432xf32, #tpu.memory_space<hbm>> -> memref<16384xf32, #tpu.memory_space<hbm>>
    tpu.enqueue_dma source(%arg10 : memref<16384xf32, #tpu.memory_space<vmem>>) target(%dma_start3A_959 : memref<16384xf32, #tpu.memory_space<hbm>>) target_semaphore(%arg20 : memref<!tpu.dma_semaphore, #tpu.memory_space<semaphore_mem>>)
    %dma_wait3A_960 = tpu.memref_slice %arg3[%add3A_805] : memref<4194304xf32, #tpu.memory_space<hbm>> -> memref<16384xf32, #tpu.memory_space<hbm>>
    %dma_wait3A_961 = tpu.memref_slice %arg3[%add3A_805] : memref<4194304xf32, #tpu.memory_space<hbm>> -> memref<16384xf32, #tpu.memory_space<hbm>>
    tpu.wait_dma2 semaphore(%arg11 : memref<!tpu.dma_semaphore, #tpu.memory_space<semaphore_mem>>) src(%dma_wait3A_961 : memref<16384xf32, #tpu.memory_space<hbm>>) dst(%arg5 : memref<16384xf32, #tpu.memory_space<vmem>>)
    %add3A_962 = arith.constant 114688 : i32
    %add3A_963 = arith.addi %mul3A_2, %add3A_962 : i32
    %dma_start3A_964 = tpu.memref_slice %arg3[%add3A_963] : memref<4194304xf32, #tpu.memory_space<hbm>> -> memref<16384xf32, #tpu.memory_space<hbm>>
    %dma_start3A_965 = tpu.memref_slice %arg3[%add3A_963] : memref<4194304xf32, #tpu.memory_space<hbm>> -> memref<16384xf32, #tpu.memory_space<hbm>>
    tpu.enqueue_dma source(%dma_start3A_965 : memref<16384xf32, #tpu.memory_space<hbm>>) target(%arg6 : memref<16384xf32, #tpu.memory_space<vmem>>) target_semaphore(%arg12 : memref<!tpu.dma_semaphore, #tpu.memory_space<semaphore_mem>>)
    %dma_wait3A_966 = tpu.memref_slice %arg4[%add3A_938] : memref<33554432xf32, #tpu.memory_space<hbm>> -> memref<16384xf32, #tpu.memory_space<hbm>>
    %dma_wait3A_967 = tpu.memref_slice %arg4[%add3A_938] : memref<33554432xf32, #tpu.memory_space<hbm>> -> memref<16384xf32, #tpu.memory_space<hbm>>
    tpu.wait_dma2 semaphore(%arg19 : memref<!tpu.dma_semaphore, #tpu.memory_space<semaphore_mem>>) src(%arg9 : memref<16384xf32, #tpu.memory_space<vmem>>) dst(%dma_wait3A_967 : memref<16384xf32, #tpu.memory_space<hbm>>)
    %add3A_968 = arith.constant 8388608 : i32
    %add3A_969 = arith.addi %add3A_968, %mul3A_2 : i32
    %add3A_970 = arith.constant 98304 : i32
    %add3A_971 = arith.addi %add3A_969, %add3A_970 : i32
    %dma_start3A_972 = tpu.memref_slice %arg2[%add3A_971] : memref<33554432xf32, #tpu.memory_space<hbm>> -> memref<16384xf32, #tpu.memory_space<hbm>>
    %dma_start3A_973 = tpu.memref_slice %arg2[%add3A_971] : memref<33554432xf32, #tpu.memory_space<hbm>> -> memref<16384xf32, #tpu.memory_space<hbm>>
    tpu.enqueue_dma source(%dma_start3A_973 : memref<16384xf32, #tpu.memory_space<hbm>>) target(%arg9 : memref<16384xf32, #tpu.memory_space<vmem>>) target_semaphore(%arg15 : memref<!tpu.dma_semaphore, #tpu.memory_space<semaphore_mem>>)
    %dma_wait3A_974 = tpu.memref_slice %arg2[%add3A_927] : memref<33554432xf32, #tpu.memory_space<hbm>> -> memref<16384xf32, #tpu.memory_space<hbm>>
    %dma_wait3A_975 = tpu.memref_slice %arg2[%add3A_927] : memref<33554432xf32, #tpu.memory_space<hbm>> -> memref<16384xf32, #tpu.memory_space<hbm>>
    tpu.wait_dma2 semaphore(%arg13 : memref<!tpu.dma_semaphore, #tpu.memory_space<semaphore_mem>>) src(%dma_wait3A_975 : memref<16384xf32, #tpu.memory_space<hbm>>) dst(%arg7 : memref<16384xf32, #tpu.memory_space<vmem>>)
    %parallel_loop3A_976 = arith.constant 0 : i32
    %parallel_loop3A_977 = arith.constant 16384 : i32
    %parallel_loop3A_978 = arith.constant 16 : i32
    scf.for %parallel_loop3A_1264 = %parallel_loop3A_976 to %parallel_loop3A_977 step %parallel_loop3A_978  : i32 {
      %parallel_loop3A_1265 = arith.index_cast %parallel_loop3A_1264 : i32 to index
      %parallel_loop3A_1266 = tpu.vector_load %arg5[%parallel_loop3A_1265] {strides = array<i32>} : memref<16384xf32, #tpu.memory_space<vmem>>, vector<16xf32>,
      %parallel_loop3A_1267 = vector.shape_cast %parallel_loop3A_1266 : vector<16xf32> to vector<16xf32>
      %parallel_loop3A_1268 = arith.index_cast %parallel_loop3A_1264 : i32 to index
      %parallel_loop3A_1269 = tpu.vector_load %arg7[%parallel_loop3A_1268] {strides = array<i32>} : memref<16384xf32, #tpu.memory_space<vmem>>, vector<16xf32>,
      %parallel_loop3A_1270 = vector.shape_cast %parallel_loop3A_1269 : vector<16xf32> to vector<16xf32>
      %parallel_loop3A_1271 = vector.shape_cast %parallel_loop3A_1267 : vector<16xf32> to vector<16xf32>
      tpu.vector_store %arg7[%parallel_loop3A_1268], %parallel_loop3A_1271 {add = true, strides = array<i32>} : memref<16384xf32, #tpu.memory_space<vmem>>, vector<16xf32>,
    } {sc.loop_unroll_factor = 8 : i64, sc.parallel_access}
    %add3A_979 = arith.constant 0 : i32
    %add3A_980 = arith.addi %add3A_979, %mul3A_2 : i32
    %add3A_981 = arith.constant 98304 : i32
    %add3A_982 = arith.addi %add3A_980, %add3A_981 : i32
    %dma_start3A_983 = tpu.memref_slice %arg4[%add3A_982] : memref<33554432xf32, #tpu.memory_space<hbm>> -> memref<16384xf32, #tpu.memory_space<hbm>>
    %dma_start3A_984 = tpu.memref_slice %arg4[%add3A_982] : memref<33554432xf32, #tpu.memory_space<hbm>> -> memref<16384xf32, #tpu.memory_space<hbm>>
    tpu.enqueue_dma source(%arg7 : memref<16384xf32, #tpu.memory_space<vmem>>) target(%dma_start3A_984 : memref<16384xf32, #tpu.memory_space<hbm>>) target_semaphore(%arg17 : memref<!tpu.dma_semaphore, #tpu.memory_space<semaphore_mem>>)
    %dma_wait3A_985 = tpu.memref_slice %arg4[%add3A_957] : memref<33554432xf32, #tpu.memory_space<hbm>> -> memref<16384xf32, #tpu.memory_space<hbm>>
    %dma_wait3A_986 = tpu.memref_slice %arg4[%add3A_957] : memref<33554432xf32, #tpu.memory_space<hbm>> -> memref<16384xf32, #tpu.memory_space<hbm>>
    tpu.wait_dma2 semaphore(%arg20 : memref<!tpu.dma_semaphore, #tpu.memory_space<semaphore_mem>>) src(%arg10 : memref<16384xf32, #tpu.memory_space<vmem>>) dst(%dma_wait3A_986 : memref<16384xf32, #tpu.memory_space<hbm>>)
    %add3A_987 = arith.constant 12582912 : i32
    %add3A_988 = arith.addi %add3A_987, %mul3A_2 : i32
    %add3A_989 = arith.constant 98304 : i32
    %add3A_990 = arith.addi %add3A_988, %add3A_989 : i32
    %dma_start3A_991 = tpu.memref_slice %arg2[%add3A_990] : memref<33554432xf32, #tpu.memory_space<hbm>> -> memref<16384xf32, #tpu.memory_space<hbm>>
    %dma_start3A_992 = tpu.memref_slice %arg2[%add3A_990] : memref<33554432xf32, #tpu.memory_space<hbm>> -> memref<16384xf32, #tpu.memory_space<hbm>>
    tpu.enqueue_dma source(%dma_start3A_992 : memref<16384xf32, #tpu.memory_space<hbm>>) target(%arg10 : memref<16384xf32, #tpu.memory_space<vmem>>) target_semaphore(%arg16 : memref<!tpu.dma_semaphore, #tpu.memory_space<semaphore_mem>>)
    %dma_wait3A_993 = tpu.memref_slice %arg2[%add3A_946] : memref<33554432xf32, #tpu.memory_space<hbm>> -> memref<16384xf32, #tpu.memory_space<hbm>>
    %dma_wait3A_994 = tpu.memref_slice %arg2[%add3A_946] : memref<33554432xf32, #tpu.memory_space<hbm>> -> memref<16384xf32, #tpu.memory_space<hbm>>
    tpu.wait_dma2 semaphore(%arg14 : memref<!tpu.dma_semaphore, #tpu.memory_space<semaphore_mem>>) src(%dma_wait3A_994 : memref<16384xf32, #tpu.memory_space<hbm>>) dst(%arg8 : memref<16384xf32, #tpu.memory_space<vmem>>)
    %parallel_loop3A_995 = arith.constant 0 : i32
    %parallel_loop3A_996 = arith.constant 16384 : i32
    %parallel_loop3A_997 = arith.constant 16 : i32
    scf.for %parallel_loop3A_1264 = %parallel_loop3A_995 to %parallel_loop3A_996 step %parallel_loop3A_997  : i32 {
      %parallel_loop3A_1265 = arith.index_cast %parallel_loop3A_1264 : i32 to index
      %parallel_loop3A_1266 = tpu.vector_load %arg5[%parallel_loop3A_1265] {strides = array<i32>} : memref<16384xf32, #tpu.memory_space<vmem>>, vector<16xf32>,
      %parallel_loop3A_1267 = vector.shape_cast %parallel_loop3A_1266 : vector<16xf32> to vector<16xf32>
      %parallel_loop3A_1268 = arith.index_cast %parallel_loop3A_1264 : i32 to index
      %parallel_loop3A_1269 = tpu.vector_load %arg8[%parallel_loop3A_1268] {strides = array<i32>} : memref<16384xf32, #tpu.memory_space<vmem>>, vector<16xf32>,
      %parallel_loop3A_1270 = vector.shape_cast %parallel_loop3A_1269 : vector<16xf32> to vector<16xf32>
      %parallel_loop3A_1271 = vector.shape_cast %parallel_loop3A_1267 : vector<16xf32> to vector<16xf32>
      tpu.vector_store %arg8[%parallel_loop3A_1268], %parallel_loop3A_1271 {add = true, strides = array<i32>} : memref<16384xf32, #tpu.memory_space<vmem>>, vector<16xf32>,
    } {sc.loop_unroll_factor = 8 : i64, sc.parallel_access}
    %add3A_998 = arith.constant 4194304 : i32
    %add3A_999 = arith.addi %add3A_998, %mul3A_2 : i32
    %add3A_1000 = arith.constant 98304 : i32
    %add3A_1001 = arith.addi %add3A_999, %add3A_1000 : i32
    %dma_start3A_1002 = tpu.memref_slice %arg4[%add3A_1001] : memref<33554432xf32, #tpu.memory_space<hbm>> -> memref<16384xf32, #tpu.memory_space<hbm>>
    %dma_start3A_1003 = tpu.memref_slice %arg4[%add3A_1001] : memref<33554432xf32, #tpu.memory_space<hbm>> -> memref<16384xf32, #tpu.memory_space<hbm>>
    tpu.enqueue_dma source(%arg8 : memref<16384xf32, #tpu.memory_space<vmem>>) target(%dma_start3A_1003 : memref<16384xf32, #tpu.memory_space<hbm>>) target_semaphore(%arg18 : memref<!tpu.dma_semaphore, #tpu.memory_space<semaphore_mem>>)
    %dma_wait3A_1004 = tpu.memref_slice %arg4[%add3A_982] : memref<33554432xf32, #tpu.memory_space<hbm>> -> memref<16384xf32, #tpu.memory_space<hbm>>
    %dma_wait3A_1005 = tpu.memref_slice %arg4[%add3A_982] : memref<33554432xf32, #tpu.memory_space<hbm>> -> memref<16384xf32, #tpu.memory_space<hbm>>
    tpu.wait_dma2 semaphore(%arg17 : memref<!tpu.dma_semaphore, #tpu.memory_space<semaphore_mem>>) src(%arg7 : memref<16384xf32, #tpu.memory_space<vmem>>) dst(%dma_wait3A_1005 : memref<16384xf32, #tpu.memory_space<hbm>>)
    %add3A_1006 = arith.constant 16777216 : i32
    %add3A_1007 = arith.addi %add3A_1006, %mul3A_2 : i32
    %add3A_1008 = arith.constant 98304 : i32
    %add3A_1009 = arith.addi %add3A_1007, %add3A_1008 : i32
    %dma_start3A_1010 = tpu.memref_slice %arg2[%add3A_1009] : memref<33554432xf32, #tpu.memory_space<hbm>> -> memref<16384xf32, #tpu.memory_space<hbm>>
    %dma_start3A_1011 = tpu.memref_slice %arg2[%add3A_1009] : memref<33554432xf32, #tpu.memory_space<hbm>> -> memref<16384xf32, #tpu.memory_space<hbm>>
    tpu.enqueue_dma source(%dma_start3A_1011 : memref<16384xf32, #tpu.memory_space<hbm>>) target(%arg7 : memref<16384xf32, #tpu.memory_space<vmem>>) target_semaphore(%arg13 : memref<!tpu.dma_semaphore, #tpu.memory_space<semaphore_mem>>)
    %dma_wait3A_1012 = tpu.memref_slice %arg2[%add3A_971] : memref<33554432xf32, #tpu.memory_space<hbm>> -> memref<16384xf32, #tpu.memory_space<hbm>>
    %dma_wait3A_1013 = tpu.memref_slice %arg2[%add3A_971] : memref<33554432xf32, #tpu.memory_space<hbm>> -> memref<16384xf32, #tpu.memory_space<hbm>>
    tpu.wait_dma2 semaphore(%arg15 : memref<!tpu.dma_semaphore, #tpu.memory_space<semaphore_mem>>) src(%dma_wait3A_1013 : memref<16384xf32, #tpu.memory_space<hbm>>) dst(%arg9 : memref<16384xf32, #tpu.memory_space<vmem>>)
    %parallel_loop3A_1014 = arith.constant 0 : i32
    %parallel_loop3A_1015 = arith.constant 16384 : i32
    %parallel_loop3A_1016 = arith.constant 16 : i32
    scf.for %parallel_loop3A_1264 = %parallel_loop3A_1014 to %parallel_loop3A_1015 step %parallel_loop3A_1016  : i32 {
      %parallel_loop3A_1265 = arith.index_cast %parallel_loop3A_1264 : i32 to index
      %parallel_loop3A_1266 = tpu.vector_load %arg5[%parallel_loop3A_1265] {strides = array<i32>} : memref<16384xf32, #tpu.memory_space<vmem>>, vector<16xf32>,
      %parallel_loop3A_1267 = vector.shape_cast %parallel_loop3A_1266 : vector<16xf32> to vector<16xf32>
      %parallel_loop3A_1268 = arith.index_cast %parallel_loop3A_1264 : i32 to index
      %parallel_loop3A_1269 = tpu.vector_load %arg9[%parallel_loop3A_1268] {strides = array<i32>} : memref<16384xf32, #tpu.memory_space<vmem>>, vector<16xf32>,
      %parallel_loop3A_1270 = vector.shape_cast %parallel_loop3A_1269 : vector<16xf32> to vector<16xf32>
      %parallel_loop3A_1271 = vector.shape_cast %parallel_loop3A_1267 : vector<16xf32> to vector<16xf32>
      tpu.vector_store %arg9[%parallel_loop3A_1268], %parallel_loop3A_1271 {add = true, strides = array<i32>} : memref<16384xf32, #tpu.memory_space<vmem>>, vector<16xf32>,
    } {sc.loop_unroll_factor = 8 : i64, sc.parallel_access}
    %add3A_1017 = arith.constant 8388608 : i32
    %add3A_1018 = arith.addi %add3A_1017, %mul3A_2 : i32
    %add3A_1019 = arith.constant 98304 : i32
    %add3A_1020 = arith.addi %add3A_1018, %add3A_1019 : i32
    %dma_start3A_1021 = tpu.memref_slice %arg4[%add3A_1020] : memref<33554432xf32, #tpu.memory_space<hbm>> -> memref<16384xf32, #tpu.memory_space<hbm>>
    %dma_start3A_1022 = tpu.memref_slice %arg4[%add3A_1020] : memref<33554432xf32, #tpu.memory_space<hbm>> -> memref<16384xf32, #tpu.memory_space<hbm>>
    tpu.enqueue_dma source(%arg9 : memref<16384xf32, #tpu.memory_space<vmem>>) target(%dma_start3A_1022 : memref<16384xf32, #tpu.memory_space<hbm>>) target_semaphore(%arg19 : memref<!tpu.dma_semaphore, #tpu.memory_space<semaphore_mem>>)
    %dma_wait3A_1023 = tpu.memref_slice %arg4[%add3A_1001] : memref<33554432xf32, #tpu.memory_space<hbm>> -> memref<16384xf32, #tpu.memory_space<hbm>>
    %dma_wait3A_1024 = tpu.memref_slice %arg4[%add3A_1001] : memref<33554432xf32, #tpu.memory_space<hbm>> -> memref<16384xf32, #tpu.memory_space<hbm>>
    tpu.wait_dma2 semaphore(%arg18 : memref<!tpu.dma_semaphore, #tpu.memory_space<semaphore_mem>>) src(%arg8 : memref<16384xf32, #tpu.memory_space<vmem>>) dst(%dma_wait3A_1024 : memref<16384xf32, #tpu.memory_space<hbm>>)
    %add3A_1025 = arith.constant 20971520 : i32
    %add3A_1026 = arith.addi %add3A_1025, %mul3A_2 : i32
    %add3A_1027 = arith.constant 98304 : i32
    %add3A_1028 = arith.addi %add3A_1026, %add3A_1027 : i32
    %dma_start3A_1029 = tpu.memref_slice %arg2[%add3A_1028] : memref<33554432xf32, #tpu.memory_space<hbm>> -> memref<16384xf32, #tpu.memory_space<hbm>>
    %dma_start3A_1030 = tpu.memref_slice %arg2[%add3A_1028] : memref<33554432xf32, #tpu.memory_space<hbm>> -> memref<16384xf32, #tpu.memory_space<hbm>>
    tpu.enqueue_dma source(%dma_start3A_1030 : memref<16384xf32, #tpu.memory_space<hbm>>) target(%arg8 : memref<16384xf32, #tpu.memory_space<vmem>>) target_semaphore(%arg14 : memref<!tpu.dma_semaphore, #tpu.memory_space<semaphore_mem>>)
    %dma_wait3A_1031 = tpu.memref_slice %arg2[%add3A_990] : memref<33554432xf32, #tpu.memory_space<hbm>> -> memref<16384xf32, #tpu.memory_space<hbm>>
    %dma_wait3A_1032 = tpu.memref_slice %arg2[%add3A_990] : memref<33554432xf32, #tpu.memory_space<hbm>> -> memref<16384xf32, #tpu.memory_space<hbm>>
    tpu.wait_dma2 semaphore(%arg16 : memref<!tpu.dma_semaphore, #tpu.memory_space<semaphore_mem>>) src(%dma_wait3A_1032 : memref<16384xf32, #tpu.memory_space<hbm>>) dst(%arg10 : memref<16384xf32, #tpu.memory_space<vmem>>)
    %parallel_loop3A_1033 = arith.constant 0 : i32
    %parallel_loop3A_1034 = arith.constant 16384 : i32
    %parallel_loop3A_1035 = arith.constant 16 : i32
    scf.for %parallel_loop3A_1264 = %parallel_loop3A_1033 to %parallel_loop3A_1034 step %parallel_loop3A_1035  : i32 {
      %parallel_loop3A_1265 = arith.index_cast %parallel_loop3A_1264 : i32 to index
      %parallel_loop3A_1266 = tpu.vector_load %arg5[%parallel_loop3A_1265] {strides = array<i32>} : memref<16384xf32, #tpu.memory_space<vmem>>, vector<16xf32>,
      %parallel_loop3A_1267 = vector.shape_cast %parallel_loop3A_1266 : vector<16xf32> to vector<16xf32>
      %parallel_loop3A_1268 = arith.index_cast %parallel_loop3A_1264 : i32 to index
      %parallel_loop3A_1269 = tpu.vector_load %arg10[%parallel_loop3A_1268] {strides = array<i32>} : memref<16384xf32, #tpu.memory_space<vmem>>, vector<16xf32>,
      %parallel_loop3A_1270 = vector.shape_cast %parallel_loop3A_1269 : vector<16xf32> to vector<16xf32>
      %parallel_loop3A_1271 = vector.shape_cast %parallel_loop3A_1267 : vector<16xf32> to vector<16xf32>
      tpu.vector_store %arg10[%parallel_loop3A_1268], %parallel_loop3A_1271 {add = true, strides = array<i32>} : memref<16384xf32, #tpu.memory_space<vmem>>, vector<16xf32>,
    } {sc.loop_unroll_factor = 8 : i64, sc.parallel_access}
    %add3A_1036 = arith.constant 12582912 : i32
    %add3A_1037 = arith.addi %add3A_1036, %mul3A_2 : i32
    %add3A_1038 = arith.constant 98304 : i32
    %add3A_1039 = arith.addi %add3A_1037, %add3A_1038 : i32
    %dma_start3A_1040 = tpu.memref_slice %arg4[%add3A_1039] : memref<33554432xf32, #tpu.memory_space<hbm>> -> memref<16384xf32, #tpu.memory_space<hbm>>
    %dma_start3A_1041 = tpu.memref_slice %arg4[%add3A_1039] : memref<33554432xf32, #tpu.memory_space<hbm>> -> memref<16384xf32, #tpu.memory_space<hbm>>
    tpu.enqueue_dma source(%arg10 : memref<16384xf32, #tpu.memory_space<vmem>>) target(%dma_start3A_1041 : memref<16384xf32, #tpu.memory_space<hbm>>) target_semaphore(%arg20 : memref<!tpu.dma_semaphore, #tpu.memory_space<semaphore_mem>>)
    %dma_wait3A_1042 = tpu.memref_slice %arg4[%add3A_1020] : memref<33554432xf32, #tpu.memory_space<hbm>> -> memref<16384xf32, #tpu.memory_space<hbm>>
    %dma_wait3A_1043 = tpu.memref_slice %arg4[%add3A_1020] : memref<33554432xf32, #tpu.memory_space<hbm>> -> memref<16384xf32, #tpu.memory_space<hbm>>
    tpu.wait_dma2 semaphore(%arg19 : memref<!tpu.dma_semaphore, #tpu.memory_space<semaphore_mem>>) src(%arg9 : memref<16384xf32, #tpu.memory_space<vmem>>) dst(%dma_wait3A_1043 : memref<16384xf32, #tpu.memory_space<hbm>>)
    %add3A_1044 = arith.constant 25165824 : i32
    %add3A_1045 = arith.addi %add3A_1044, %mul3A_2 : i32
    %add3A_1046 = arith.constant 98304 : i32
    %add3A_1047 = arith.addi %add3A_1045, %add3A_1046 : i32
    %dma_start3A_1048 = tpu.memref_slice %arg2[%add3A_1047] : memref<33554432xf32, #tpu.memory_space<hbm>> -> memref<16384xf32, #tpu.memory_space<hbm>>
    %dma_start3A_1049 = tpu.memref_slice %arg2[%add3A_1047] : memref<33554432xf32, #tpu.memory_space<hbm>> -> memref<16384xf32, #tpu.memory_space<hbm>>
    tpu.enqueue_dma source(%dma_start3A_1049 : memref<16384xf32, #tpu.memory_space<hbm>>) target(%arg9 : memref<16384xf32, #tpu.memory_space<vmem>>) target_semaphore(%arg15 : memref<!tpu.dma_semaphore, #tpu.memory_space<semaphore_mem>>)
    %dma_wait3A_1050 = tpu.memref_slice %arg2[%add3A_1009] : memref<33554432xf32, #tpu.memory_space<hbm>> -> memref<16384xf32, #tpu.memory_space<hbm>>
    %dma_wait3A_1051 = tpu.memref_slice %arg2[%add3A_1009] : memref<33554432xf32, #tpu.memory_space<hbm>> -> memref<16384xf32, #tpu.memory_space<hbm>>
    tpu.wait_dma2 semaphore(%arg13 : memref<!tpu.dma_semaphore, #tpu.memory_space<semaphore_mem>>) src(%dma_wait3A_1051 : memref<16384xf32, #tpu.memory_space<hbm>>) dst(%arg7 : memref<16384xf32, #tpu.memory_space<vmem>>)
    %parallel_loop3A_1052 = arith.constant 0 : i32
    %parallel_loop3A_1053 = arith.constant 16384 : i32
    %parallel_loop3A_1054 = arith.constant 16 : i32
    scf.for %parallel_loop3A_1264 = %parallel_loop3A_1052 to %parallel_loop3A_1053 step %parallel_loop3A_1054  : i32 {
      %parallel_loop3A_1265 = arith.index_cast %parallel_loop3A_1264 : i32 to index
      %parallel_loop3A_1266 = tpu.vector_load %arg5[%parallel_loop3A_1265] {strides = array<i32>} : memref<16384xf32, #tpu.memory_space<vmem>>, vector<16xf32>,
      %parallel_loop3A_1267 = vector.shape_cast %parallel_loop3A_1266 : vector<16xf32> to vector<16xf32>
      %parallel_loop3A_1268 = arith.index_cast %parallel_loop3A_1264 : i32 to index
      %parallel_loop3A_1269 = tpu.vector_load %arg7[%parallel_loop3A_1268] {strides = array<i32>} : memref<16384xf32, #tpu.memory_space<vmem>>, vector<16xf32>,
      %parallel_loop3A_1270 = vector.shape_cast %parallel_loop3A_1269 : vector<16xf32> to vector<16xf32>
      %parallel_loop3A_1271 = vector.shape_cast %parallel_loop3A_1267 : vector<16xf32> to vector<16xf32>
      tpu.vector_store %arg7[%parallel_loop3A_1268], %parallel_loop3A_1271 {add = true, strides = array<i32>} : memref<16384xf32, #tpu.memory_space<vmem>>, vector<16xf32>,
    } {sc.loop_unroll_factor = 8 : i64, sc.parallel_access}
    %add3A_1055 = arith.constant 16777216 : i32
    %add3A_1056 = arith.addi %add3A_1055, %mul3A_2 : i32
    %add3A_1057 = arith.constant 98304 : i32
    %add3A_1058 = arith.addi %add3A_1056, %add3A_1057 : i32
    %dma_start3A_1059 = tpu.memref_slice %arg4[%add3A_1058] : memref<33554432xf32, #tpu.memory_space<hbm>> -> memref<16384xf32, #tpu.memory_space<hbm>>
    %dma_start3A_1060 = tpu.memref_slice %arg4[%add3A_1058] : memref<33554432xf32, #tpu.memory_space<hbm>> -> memref<16384xf32, #tpu.memory_space<hbm>>
    tpu.enqueue_dma source(%arg7 : memref<16384xf32, #tpu.memory_space<vmem>>) target(%dma_start3A_1060 : memref<16384xf32, #tpu.memory_space<hbm>>) target_semaphore(%arg17 : memref<!tpu.dma_semaphore, #tpu.memory_space<semaphore_mem>>)
    %dma_wait3A_1061 = tpu.memref_slice %arg4[%add3A_1039] : memref<33554432xf32, #tpu.memory_space<hbm>> -> memref<16384xf32, #tpu.memory_space<hbm>>
    %dma_wait3A_1062 = tpu.memref_slice %arg4[%add3A_1039] : memref<33554432xf32, #tpu.memory_space<hbm>> -> memref<16384xf32, #tpu.memory_space<hbm>>
    tpu.wait_dma2 semaphore(%arg20 : memref<!tpu.dma_semaphore, #tpu.memory_space<semaphore_mem>>) src(%arg10 : memref<16384xf32, #tpu.memory_space<vmem>>) dst(%dma_wait3A_1062 : memref<16384xf32, #tpu.memory_space<hbm>>)
    %add3A_1063 = arith.constant 29360128 : i32
    %add3A_1064 = arith.addi %add3A_1063, %mul3A_2 : i32
    %add3A_1065 = arith.constant 98304 : i32
    %add3A_1066 = arith.addi %add3A_1064, %add3A_1065 : i32
    %dma_start3A_1067 = tpu.memref_slice %arg2[%add3A_1066] : memref<33554432xf32, #tpu.memory_space<hbm>> -> memref<16384xf32, #tpu.memory_space<hbm>>
    %dma_start3A_1068 = tpu.memref_slice %arg2[%add3A_1066] : memref<33554432xf32, #tpu.memory_space<hbm>> -> memref<16384xf32, #tpu.memory_space<hbm>>
    tpu.enqueue_dma source(%dma_start3A_1068 : memref<16384xf32, #tpu.memory_space<hbm>>) target(%arg10 : memref<16384xf32, #tpu.memory_space<vmem>>) target_semaphore(%arg16 : memref<!tpu.dma_semaphore, #tpu.memory_space<semaphore_mem>>)
    %dma_wait3A_1069 = tpu.memref_slice %arg2[%add3A_1028] : memref<33554432xf32, #tpu.memory_space<hbm>> -> memref<16384xf32, #tpu.memory_space<hbm>>
    %dma_wait3A_1070 = tpu.memref_slice %arg2[%add3A_1028] : memref<33554432xf32, #tpu.memory_space<hbm>> -> memref<16384xf32, #tpu.memory_space<hbm>>
    tpu.wait_dma2 semaphore(%arg14 : memref<!tpu.dma_semaphore, #tpu.memory_space<semaphore_mem>>) src(%dma_wait3A_1070 : memref<16384xf32, #tpu.memory_space<hbm>>) dst(%arg8 : memref<16384xf32, #tpu.memory_space<vmem>>)
    %parallel_loop3A_1071 = arith.constant 0 : i32
    %parallel_loop3A_1072 = arith.constant 16384 : i32
    %parallel_loop3A_1073 = arith.constant 16 : i32
    scf.for %parallel_loop3A_1264 = %parallel_loop3A_1071 to %parallel_loop3A_1072 step %parallel_loop3A_1073  : i32 {
      %parallel_loop3A_1265 = arith.index_cast %parallel_loop3A_1264 : i32 to index
      %parallel_loop3A_1266 = tpu.vector_load %arg5[%parallel_loop3A_1265] {strides = array<i32>} : memref<16384xf32, #tpu.memory_space<vmem>>, vector<16xf32>,
      %parallel_loop3A_1267 = vector.shape_cast %parallel_loop3A_1266 : vector<16xf32> to vector<16xf32>
      %parallel_loop3A_1268 = arith.index_cast %parallel_loop3A_1264 : i32 to index
      %parallel_loop3A_1269 = tpu.vector_load %arg8[%parallel_loop3A_1268] {strides = array<i32>} : memref<16384xf32, #tpu.memory_space<vmem>>, vector<16xf32>,
      %parallel_loop3A_1270 = vector.shape_cast %parallel_loop3A_1269 : vector<16xf32> to vector<16xf32>
      %parallel_loop3A_1271 = vector.shape_cast %parallel_loop3A_1267 : vector<16xf32> to vector<16xf32>
      tpu.vector_store %arg8[%parallel_loop3A_1268], %parallel_loop3A_1271 {add = true, strides = array<i32>} : memref<16384xf32, #tpu.memory_space<vmem>>, vector<16xf32>,
    } {sc.loop_unroll_factor = 8 : i64, sc.parallel_access}
    %add3A_1074 = arith.constant 20971520 : i32
    %add3A_1075 = arith.addi %add3A_1074, %mul3A_2 : i32
    %add3A_1076 = arith.constant 98304 : i32
    %add3A_1077 = arith.addi %add3A_1075, %add3A_1076 : i32
    %dma_start3A_1078 = tpu.memref_slice %arg4[%add3A_1077] : memref<33554432xf32, #tpu.memory_space<hbm>> -> memref<16384xf32, #tpu.memory_space<hbm>>
    %dma_start3A_1079 = tpu.memref_slice %arg4[%add3A_1077] : memref<33554432xf32, #tpu.memory_space<hbm>> -> memref<16384xf32, #tpu.memory_space<hbm>>
    tpu.enqueue_dma source(%arg8 : memref<16384xf32, #tpu.memory_space<vmem>>) target(%dma_start3A_1079 : memref<16384xf32, #tpu.memory_space<hbm>>) target_semaphore(%arg18 : memref<!tpu.dma_semaphore, #tpu.memory_space<semaphore_mem>>)
    %dma_wait3A_1080 = tpu.memref_slice %arg4[%add3A_1058] : memref<33554432xf32, #tpu.memory_space<hbm>> -> memref<16384xf32, #tpu.memory_space<hbm>>
    %dma_wait3A_1081 = tpu.memref_slice %arg4[%add3A_1058] : memref<33554432xf32, #tpu.memory_space<hbm>> -> memref<16384xf32, #tpu.memory_space<hbm>>
    tpu.wait_dma2 semaphore(%arg17 : memref<!tpu.dma_semaphore, #tpu.memory_space<semaphore_mem>>) src(%arg7 : memref<16384xf32, #tpu.memory_space<vmem>>) dst(%dma_wait3A_1081 : memref<16384xf32, #tpu.memory_space<hbm>>)
    %add3A_1082 = arith.constant 0 : i32
    %add3A_1083 = arith.addi %add3A_1082, %mul3A_2 : i32
    %add3A_1084 = arith.constant 114688 : i32
    %add3A_1085 = arith.addi %add3A_1083, %add3A_1084 : i32
    %dma_start3A_1086 = tpu.memref_slice %arg2[%add3A_1085] : memref<33554432xf32, #tpu.memory_space<hbm>> -> memref<16384xf32, #tpu.memory_space<hbm>>
    %dma_start3A_1087 = tpu.memref_slice %arg2[%add3A_1085] : memref<33554432xf32, #tpu.memory_space<hbm>> -> memref<16384xf32, #tpu.memory_space<hbm>>
    tpu.enqueue_dma source(%dma_start3A_1087 : memref<16384xf32, #tpu.memory_space<hbm>>) target(%arg7 : memref<16384xf32, #tpu.memory_space<vmem>>) target_semaphore(%arg13 : memref<!tpu.dma_semaphore, #tpu.memory_space<semaphore_mem>>)
    %dma_wait3A_1088 = tpu.memref_slice %arg2[%add3A_1047] : memref<33554432xf32, #tpu.memory_space<hbm>> -> memref<16384xf32, #tpu.memory_space<hbm>>
    %dma_wait3A_1089 = tpu.memref_slice %arg2[%add3A_1047] : memref<33554432xf32, #tpu.memory_space<hbm>> -> memref<16384xf32, #tpu.memory_space<hbm>>
    tpu.wait_dma2 semaphore(%arg15 : memref<!tpu.dma_semaphore, #tpu.memory_space<semaphore_mem>>) src(%dma_wait3A_1089 : memref<16384xf32, #tpu.memory_space<hbm>>) dst(%arg9 : memref<16384xf32, #tpu.memory_space<vmem>>)
    %parallel_loop3A_1090 = arith.constant 0 : i32
    %parallel_loop3A_1091 = arith.constant 16384 : i32
    %parallel_loop3A_1092 = arith.constant 16 : i32
    scf.for %parallel_loop3A_1264 = %parallel_loop3A_1090 to %parallel_loop3A_1091 step %parallel_loop3A_1092  : i32 {
      %parallel_loop3A_1265 = arith.index_cast %parallel_loop3A_1264 : i32 to index
      %parallel_loop3A_1266 = tpu.vector_load %arg5[%parallel_loop3A_1265] {strides = array<i32>} : memref<16384xf32, #tpu.memory_space<vmem>>, vector<16xf32>,
      %parallel_loop3A_1267 = vector.shape_cast %parallel_loop3A_1266 : vector<16xf32> to vector<16xf32>
      %parallel_loop3A_1268 = arith.index_cast %parallel_loop3A_1264 : i32 to index
      %parallel_loop3A_1269 = tpu.vector_load %arg9[%parallel_loop3A_1268] {strides = array<i32>} : memref<16384xf32, #tpu.memory_space<vmem>>, vector<16xf32>,
      %parallel_loop3A_1270 = vector.shape_cast %parallel_loop3A_1269 : vector<16xf32> to vector<16xf32>
      %parallel_loop3A_1271 = vector.shape_cast %parallel_loop3A_1267 : vector<16xf32> to vector<16xf32>
      tpu.vector_store %arg9[%parallel_loop3A_1268], %parallel_loop3A_1271 {add = true, strides = array<i32>} : memref<16384xf32, #tpu.memory_space<vmem>>, vector<16xf32>,
    } {sc.loop_unroll_factor = 8 : i64, sc.parallel_access}
    %add3A_1093 = arith.constant 25165824 : i32
    %add3A_1094 = arith.addi %add3A_1093, %mul3A_2 : i32
    %add3A_1095 = arith.constant 98304 : i32
    %add3A_1096 = arith.addi %add3A_1094, %add3A_1095 : i32
    %dma_start3A_1097 = tpu.memref_slice %arg4[%add3A_1096] : memref<33554432xf32, #tpu.memory_space<hbm>> -> memref<16384xf32, #tpu.memory_space<hbm>>
    %dma_start3A_1098 = tpu.memref_slice %arg4[%add3A_1096] : memref<33554432xf32, #tpu.memory_space<hbm>> -> memref<16384xf32, #tpu.memory_space<hbm>>
    tpu.enqueue_dma source(%arg9 : memref<16384xf32, #tpu.memory_space<vmem>>) target(%dma_start3A_1098 : memref<16384xf32, #tpu.memory_space<hbm>>) target_semaphore(%arg19 : memref<!tpu.dma_semaphore, #tpu.memory_space<semaphore_mem>>)
    %dma_wait3A_1099 = tpu.memref_slice %arg4[%add3A_1077] : memref<33554432xf32, #tpu.memory_space<hbm>> -> memref<16384xf32, #tpu.memory_space<hbm>>
    %dma_wait3A_1100 = tpu.memref_slice %arg4[%add3A_1077] : memref<33554432xf32, #tpu.memory_space<hbm>> -> memref<16384xf32, #tpu.memory_space<hbm>>
    tpu.wait_dma2 semaphore(%arg18 : memref<!tpu.dma_semaphore, #tpu.memory_space<semaphore_mem>>) src(%arg8 : memref<16384xf32, #tpu.memory_space<vmem>>) dst(%dma_wait3A_1100 : memref<16384xf32, #tpu.memory_space<hbm>>)
    %add3A_1101 = arith.constant 4194304 : i32
    %add3A_1102 = arith.addi %add3A_1101, %mul3A_2 : i32
    %add3A_1103 = arith.constant 114688 : i32
    %add3A_1104 = arith.addi %add3A_1102, %add3A_1103 : i32
    %dma_start3A_1105 = tpu.memref_slice %arg2[%add3A_1104] : memref<33554432xf32, #tpu.memory_space<hbm>> -> memref<16384xf32, #tpu.memory_space<hbm>>
    %dma_start3A_1106 = tpu.memref_slice %arg2[%add3A_1104] : memref<33554432xf32, #tpu.memory_space<hbm>> -> memref<16384xf32, #tpu.memory_space<hbm>>
    tpu.enqueue_dma source(%dma_start3A_1106 : memref<16384xf32, #tpu.memory_space<hbm>>) target(%arg8 : memref<16384xf32, #tpu.memory_space<vmem>>) target_semaphore(%arg14 : memref<!tpu.dma_semaphore, #tpu.memory_space<semaphore_mem>>)
    %dma_wait3A_1107 = tpu.memref_slice %arg2[%add3A_1066] : memref<33554432xf32, #tpu.memory_space<hbm>> -> memref<16384xf32, #tpu.memory_space<hbm>>
    %dma_wait3A_1108 = tpu.memref_slice %arg2[%add3A_1066] : memref<33554432xf32, #tpu.memory_space<hbm>> -> memref<16384xf32, #tpu.memory_space<hbm>>
    tpu.wait_dma2 semaphore(%arg16 : memref<!tpu.dma_semaphore, #tpu.memory_space<semaphore_mem>>) src(%dma_wait3A_1108 : memref<16384xf32, #tpu.memory_space<hbm>>) dst(%arg10 : memref<16384xf32, #tpu.memory_space<vmem>>)
    %parallel_loop3A_1109 = arith.constant 0 : i32
    %parallel_loop3A_1110 = arith.constant 16384 : i32
    %parallel_loop3A_1111 = arith.constant 16 : i32
    scf.for %parallel_loop3A_1264 = %parallel_loop3A_1109 to %parallel_loop3A_1110 step %parallel_loop3A_1111  : i32 {
      %parallel_loop3A_1265 = arith.index_cast %parallel_loop3A_1264 : i32 to index
      %parallel_loop3A_1266 = tpu.vector_load %arg5[%parallel_loop3A_1265] {strides = array<i32>} : memref<16384xf32, #tpu.memory_space<vmem>>, vector<16xf32>,
      %parallel_loop3A_1267 = vector.shape_cast %parallel_loop3A_1266 : vector<16xf32> to vector<16xf32>
      %parallel_loop3A_1268 = arith.index_cast %parallel_loop3A_1264 : i32 to index
      %parallel_loop3A_1269 = tpu.vector_load %arg10[%parallel_loop3A_1268] {strides = array<i32>} : memref<16384xf32, #tpu.memory_space<vmem>>, vector<16xf32>,
      %parallel_loop3A_1270 = vector.shape_cast %parallel_loop3A_1269 : vector<16xf32> to vector<16xf32>
      %parallel_loop3A_1271 = vector.shape_cast %parallel_loop3A_1267 : vector<16xf32> to vector<16xf32>
      tpu.vector_store %arg10[%parallel_loop3A_1268], %parallel_loop3A_1271 {add = true, strides = array<i32>} : memref<16384xf32, #tpu.memory_space<vmem>>, vector<16xf32>,
    } {sc.loop_unroll_factor = 8 : i64, sc.parallel_access}
    %add3A_1112 = arith.constant 29360128 : i32
    %add3A_1113 = arith.addi %add3A_1112, %mul3A_2 : i32
    %add3A_1114 = arith.constant 98304 : i32
    %add3A_1115 = arith.addi %add3A_1113, %add3A_1114 : i32
    %dma_start3A_1116 = tpu.memref_slice %arg4[%add3A_1115] : memref<33554432xf32, #tpu.memory_space<hbm>> -> memref<16384xf32, #tpu.memory_space<hbm>>
    %dma_start3A_1117 = tpu.memref_slice %arg4[%add3A_1115] : memref<33554432xf32, #tpu.memory_space<hbm>> -> memref<16384xf32, #tpu.memory_space<hbm>>
    tpu.enqueue_dma source(%arg10 : memref<16384xf32, #tpu.memory_space<vmem>>) target(%dma_start3A_1117 : memref<16384xf32, #tpu.memory_space<hbm>>) target_semaphore(%arg20 : memref<!tpu.dma_semaphore, #tpu.memory_space<semaphore_mem>>)
    %dma_wait3A_1118 = tpu.memref_slice %arg3[%add3A_963] : memref<4194304xf32, #tpu.memory_space<hbm>> -> memref<16384xf32, #tpu.memory_space<hbm>>
    %dma_wait3A_1119 = tpu.memref_slice %arg3[%add3A_963] : memref<4194304xf32, #tpu.memory_space<hbm>> -> memref<16384xf32, #tpu.memory_space<hbm>>
    tpu.wait_dma2 semaphore(%arg12 : memref<!tpu.dma_semaphore, #tpu.memory_space<semaphore_mem>>) src(%dma_wait3A_1119 : memref<16384xf32, #tpu.memory_space<hbm>>) dst(%arg6 : memref<16384xf32, #tpu.memory_space<vmem>>)
    %dma_wait3A_1120 = tpu.memref_slice %arg4[%add3A_1096] : memref<33554432xf32, #tpu.memory_space<hbm>> -> memref<16384xf32, #tpu.memory_space<hbm>>
    %dma_wait3A_1121 = tpu.memref_slice %arg4[%add3A_1096] : memref<33554432xf32, #tpu.memory_space<hbm>> -> memref<16384xf32, #tpu.memory_space<hbm>>
    tpu.wait_dma2 semaphore(%arg19 : memref<!tpu.dma_semaphore, #tpu.memory_space<semaphore_mem>>) src(%arg9 : memref<16384xf32, #tpu.memory_space<vmem>>) dst(%dma_wait3A_1121 : memref<16384xf32, #tpu.memory_space<hbm>>)
    %add3A_1122 = arith.constant 8388608 : i32
    %add3A_1123 = arith.addi %add3A_1122, %mul3A_2 : i32
    %add3A_1124 = arith.constant 114688 : i32
    %add3A_1125 = arith.addi %add3A_1123, %add3A_1124 : i32
    %dma_start3A_1126 = tpu.memref_slice %arg2[%add3A_1125] : memref<33554432xf32, #tpu.memory_space<hbm>> -> memref<16384xf32, #tpu.memory_space<hbm>>
    %dma_start3A_1127 = tpu.memref_slice %arg2[%add3A_1125] : memref<33554432xf32, #tpu.memory_space<hbm>> -> memref<16384xf32, #tpu.memory_space<hbm>>
    tpu.enqueue_dma source(%dma_start3A_1127 : memref<16384xf32, #tpu.memory_space<hbm>>) target(%arg9 : memref<16384xf32, #tpu.memory_space<vmem>>) target_semaphore(%arg15 : memref<!tpu.dma_semaphore, #tpu.memory_space<semaphore_mem>>)
    %dma_wait3A_1128 = tpu.memref_slice %arg2[%add3A_1085] : memref<33554432xf32, #tpu.memory_space<hbm>> -> memref<16384xf32, #tpu.memory_space<hbm>>
    %dma_wait3A_1129 = tpu.memref_slice %arg2[%add3A_1085] : memref<33554432xf32, #tpu.memory_space<hbm>> -> memref<16384xf32, #tpu.memory_space<hbm>>
    tpu.wait_dma2 semaphore(%arg13 : memref<!tpu.dma_semaphore, #tpu.memory_space<semaphore_mem>>) src(%dma_wait3A_1129 : memref<16384xf32, #tpu.memory_space<hbm>>) dst(%arg7 : memref<16384xf32, #tpu.memory_space<vmem>>)
    %parallel_loop3A_1130 = arith.constant 0 : i32
    %parallel_loop3A_1131 = arith.constant 16384 : i32
    %parallel_loop3A_1132 = arith.constant 16 : i32
    scf.for %parallel_loop3A_1264 = %parallel_loop3A_1130 to %parallel_loop3A_1131 step %parallel_loop3A_1132  : i32 {
      %parallel_loop3A_1265 = arith.index_cast %parallel_loop3A_1264 : i32 to index
      %parallel_loop3A_1266 = tpu.vector_load %arg6[%parallel_loop3A_1265] {strides = array<i32>} : memref<16384xf32, #tpu.memory_space<vmem>>, vector<16xf32>,
      %parallel_loop3A_1267 = vector.shape_cast %parallel_loop3A_1266 : vector<16xf32> to vector<16xf32>
      %parallel_loop3A_1268 = arith.index_cast %parallel_loop3A_1264 : i32 to index
      %parallel_loop3A_1269 = tpu.vector_load %arg7[%parallel_loop3A_1268] {strides = array<i32>} : memref<16384xf32, #tpu.memory_space<vmem>>, vector<16xf32>,
      %parallel_loop3A_1270 = vector.shape_cast %parallel_loop3A_1269 : vector<16xf32> to vector<16xf32>
      %parallel_loop3A_1271 = vector.shape_cast %parallel_loop3A_1267 : vector<16xf32> to vector<16xf32>
      tpu.vector_store %arg7[%parallel_loop3A_1268], %parallel_loop3A_1271 {add = true, strides = array<i32>} : memref<16384xf32, #tpu.memory_space<vmem>>, vector<16xf32>,
    } {sc.loop_unroll_factor = 8 : i64, sc.parallel_access}
    %add3A_1133 = arith.constant 0 : i32
    %add3A_1134 = arith.addi %add3A_1133, %mul3A_2 : i32
    %add3A_1135 = arith.constant 114688 : i32
    %add3A_1136 = arith.addi %add3A_1134, %add3A_1135 : i32
    %dma_start3A_1137 = tpu.memref_slice %arg4[%add3A_1136] : memref<33554432xf32, #tpu.memory_space<hbm>> -> memref<16384xf32, #tpu.memory_space<hbm>>
    %dma_start3A_1138 = tpu.memref_slice %arg4[%add3A_1136] : memref<33554432xf32, #tpu.memory_space<hbm>> -> memref<16384xf32, #tpu.memory_space<hbm>>
    tpu.enqueue_dma source(%arg7 : memref<16384xf32, #tpu.memory_space<vmem>>) target(%dma_start3A_1138 : memref<16384xf32, #tpu.memory_space<hbm>>) target_semaphore(%arg17 : memref<!tpu.dma_semaphore, #tpu.memory_space<semaphore_mem>>)
    %dma_wait3A_1139 = tpu.memref_slice %arg4[%add3A_1115] : memref<33554432xf32, #tpu.memory_space<hbm>> -> memref<16384xf32, #tpu.memory_space<hbm>>
    %dma_wait3A_1140 = tpu.memref_slice %arg4[%add3A_1115] : memref<33554432xf32, #tpu.memory_space<hbm>> -> memref<16384xf32, #tpu.memory_space<hbm>>
    tpu.wait_dma2 semaphore(%arg20 : memref<!tpu.dma_semaphore, #tpu.memory_space<semaphore_mem>>) src(%arg10 : memref<16384xf32, #tpu.memory_space<vmem>>) dst(%dma_wait3A_1140 : memref<16384xf32, #tpu.memory_space<hbm>>)
    %add3A_1141 = arith.constant 12582912 : i32
    %add3A_1142 = arith.addi %add3A_1141, %mul3A_2 : i32
    %add3A_1143 = arith.constant 114688 : i32
    %add3A_1144 = arith.addi %add3A_1142, %add3A_1143 : i32
    %dma_start3A_1145 = tpu.memref_slice %arg2[%add3A_1144] : memref<33554432xf32, #tpu.memory_space<hbm>> -> memref<16384xf32, #tpu.memory_space<hbm>>
    %dma_start3A_1146 = tpu.memref_slice %arg2[%add3A_1144] : memref<33554432xf32, #tpu.memory_space<hbm>> -> memref<16384xf32, #tpu.memory_space<hbm>>
    tpu.enqueue_dma source(%dma_start3A_1146 : memref<16384xf32, #tpu.memory_space<hbm>>) target(%arg10 : memref<16384xf32, #tpu.memory_space<vmem>>) target_semaphore(%arg16 : memref<!tpu.dma_semaphore, #tpu.memory_space<semaphore_mem>>)
    %dma_wait3A_1147 = tpu.memref_slice %arg2[%add3A_1104] : memref<33554432xf32, #tpu.memory_space<hbm>> -> memref<16384xf32, #tpu.memory_space<hbm>>
    %dma_wait3A_1148 = tpu.memref_slice %arg2[%add3A_1104] : memref<33554432xf32, #tpu.memory_space<hbm>> -> memref<16384xf32, #tpu.memory_space<hbm>>
    tpu.wait_dma2 semaphore(%arg14 : memref<!tpu.dma_semaphore, #tpu.memory_space<semaphore_mem>>) src(%dma_wait3A_1148 : memref<16384xf32, #tpu.memory_space<hbm>>) dst(%arg8 : memref<16384xf32, #tpu.memory_space<vmem>>)
    %parallel_loop3A_1149 = arith.constant 0 : i32
    %parallel_loop3A_1150 = arith.constant 16384 : i32
    %parallel_loop3A_1151 = arith.constant 16 : i32
    scf.for %parallel_loop3A_1264 = %parallel_loop3A_1149 to %parallel_loop3A_1150 step %parallel_loop3A_1151  : i32 {
      %parallel_loop3A_1265 = arith.index_cast %parallel_loop3A_1264 : i32 to index
      %parallel_loop3A_1266 = tpu.vector_load %arg6[%parallel_loop3A_1265] {strides = array<i32>} : memref<16384xf32, #tpu.memory_space<vmem>>, vector<16xf32>,
      %parallel_loop3A_1267 = vector.shape_cast %parallel_loop3A_1266 : vector<16xf32> to vector<16xf32>
      %parallel_loop3A_1268 = arith.index_cast %parallel_loop3A_1264 : i32 to index
      %parallel_loop3A_1269 = tpu.vector_load %arg8[%parallel_loop3A_1268] {strides = array<i32>} : memref<16384xf32, #tpu.memory_space<vmem>>, vector<16xf32>,
      %parallel_loop3A_1270 = vector.shape_cast %parallel_loop3A_1269 : vector<16xf32> to vector<16xf32>
      %parallel_loop3A_1271 = vector.shape_cast %parallel_loop3A_1267 : vector<16xf32> to vector<16xf32>
      tpu.vector_store %arg8[%parallel_loop3A_1268], %parallel_loop3A_1271 {add = true, strides = array<i32>} : memref<16384xf32, #tpu.memory_space<vmem>>, vector<16xf32>,
    } {sc.loop_unroll_factor = 8 : i64, sc.parallel_access}
    %add3A_1152 = arith.constant 4194304 : i32
    %add3A_1153 = arith.addi %add3A_1152, %mul3A_2 : i32
    %add3A_1154 = arith.constant 114688 : i32
    %add3A_1155 = arith.addi %add3A_1153, %add3A_1154 : i32
    %dma_start3A_1156 = tpu.memref_slice %arg4[%add3A_1155] : memref<33554432xf32, #tpu.memory_space<hbm>> -> memref<16384xf32, #tpu.memory_space<hbm>>
    %dma_start3A_1157 = tpu.memref_slice %arg4[%add3A_1155] : memref<33554432xf32, #tpu.memory_space<hbm>> -> memref<16384xf32, #tpu.memory_space<hbm>>
    tpu.enqueue_dma source(%arg8 : memref<16384xf32, #tpu.memory_space<vmem>>) target(%dma_start3A_1157 : memref<16384xf32, #tpu.memory_space<hbm>>) target_semaphore(%arg18 : memref<!tpu.dma_semaphore, #tpu.memory_space<semaphore_mem>>)
    %dma_wait3A_1158 = tpu.memref_slice %arg4[%add3A_1136] : memref<33554432xf32, #tpu.memory_space<hbm>> -> memref<16384xf32, #tpu.memory_space<hbm>>
    %dma_wait3A_1159 = tpu.memref_slice %arg4[%add3A_1136] : memref<33554432xf32, #tpu.memory_space<hbm>> -> memref<16384xf32, #tpu.memory_space<hbm>>
    tpu.wait_dma2 semaphore(%arg17 : memref<!tpu.dma_semaphore, #tpu.memory_space<semaphore_mem>>) src(%arg7 : memref<16384xf32, #tpu.memory_space<vmem>>) dst(%dma_wait3A_1159 : memref<16384xf32, #tpu.memory_space<hbm>>)
    %add3A_1160 = arith.constant 16777216 : i32
    %add3A_1161 = arith.addi %add3A_1160, %mul3A_2 : i32
    %add3A_1162 = arith.constant 114688 : i32
    %add3A_1163 = arith.addi %add3A_1161, %add3A_1162 : i32
    %dma_start3A_1164 = tpu.memref_slice %arg2[%add3A_1163] : memref<33554432xf32, #tpu.memory_space<hbm>> -> memref<16384xf32, #tpu.memory_space<hbm>>
    %dma_start3A_1165 = tpu.memref_slice %arg2[%add3A_1163] : memref<33554432xf32, #tpu.memory_space<hbm>> -> memref<16384xf32, #tpu.memory_space<hbm>>
    tpu.enqueue_dma source(%dma_start3A_1165 : memref<16384xf32, #tpu.memory_space<hbm>>) target(%arg7 : memref<16384xf32, #tpu.memory_space<vmem>>) target_semaphore(%arg13 : memref<!tpu.dma_semaphore, #tpu.memory_space<semaphore_mem>>)
    %dma_wait3A_1166 = tpu.memref_slice %arg2[%add3A_1125] : memref<33554432xf32, #tpu.memory_space<hbm>> -> memref<16384xf32, #tpu.memory_space<hbm>>
    %dma_wait3A_1167 = tpu.memref_slice %arg2[%add3A_1125] : memref<33554432xf32, #tpu.memory_space<hbm>> -> memref<16384xf32, #tpu.memory_space<hbm>>
    tpu.wait_dma2 semaphore(%arg15 : memref<!tpu.dma_semaphore, #tpu.memory_space<semaphore_mem>>) src(%dma_wait3A_1167 : memref<16384xf32, #tpu.memory_space<hbm>>) dst(%arg9 : memref<16384xf32, #tpu.memory_space<vmem>>)
    %parallel_loop3A_1168 = arith.constant 0 : i32
    %parallel_loop3A_1169 = arith.constant 16384 : i32
    %parallel_loop3A_1170 = arith.constant 16 : i32
    scf.for %parallel_loop3A_1264 = %parallel_loop3A_1168 to %parallel_loop3A_1169 step %parallel_loop3A_1170  : i32 {
      %parallel_loop3A_1265 = arith.index_cast %parallel_loop3A_1264 : i32 to index
      %parallel_loop3A_1266 = tpu.vector_load %arg6[%parallel_loop3A_1265] {strides = array<i32>} : memref<16384xf32, #tpu.memory_space<vmem>>, vector<16xf32>,
      %parallel_loop3A_1267 = vector.shape_cast %parallel_loop3A_1266 : vector<16xf32> to vector<16xf32>
      %parallel_loop3A_1268 = arith.index_cast %parallel_loop3A_1264 : i32 to index
      %parallel_loop3A_1269 = tpu.vector_load %arg9[%parallel_loop3A_1268] {strides = array<i32>} : memref<16384xf32, #tpu.memory_space<vmem>>, vector<16xf32>,
      %parallel_loop3A_1270 = vector.shape_cast %parallel_loop3A_1269 : vector<16xf32> to vector<16xf32>
      %parallel_loop3A_1271 = vector.shape_cast %parallel_loop3A_1267 : vector<16xf32> to vector<16xf32>
      tpu.vector_store %arg9[%parallel_loop3A_1268], %parallel_loop3A_1271 {add = true, strides = array<i32>} : memref<16384xf32, #tpu.memory_space<vmem>>, vector<16xf32>,
    } {sc.loop_unroll_factor = 8 : i64, sc.parallel_access}
    %add3A_1171 = arith.constant 8388608 : i32
    %add3A_1172 = arith.addi %add3A_1171, %mul3A_2 : i32
    %add3A_1173 = arith.constant 114688 : i32
    %add3A_1174 = arith.addi %add3A_1172, %add3A_1173 : i32
    %dma_start3A_1175 = tpu.memref_slice %arg4[%add3A_1174] : memref<33554432xf32, #tpu.memory_space<hbm>> -> memref<16384xf32, #tpu.memory_space<hbm>>
    %dma_start3A_1176 = tpu.memref_slice %arg4[%add3A_1174] : memref<33554432xf32, #tpu.memory_space<hbm>> -> memref<16384xf32, #tpu.memory_space<hbm>>
    tpu.enqueue_dma source(%arg9 : memref<16384xf32, #tpu.memory_space<vmem>>) target(%dma_start3A_1176 : memref<16384xf32, #tpu.memory_space<hbm>>) target_semaphore(%arg19 : memref<!tpu.dma_semaphore, #tpu.memory_space<semaphore_mem>>)
    %dma_wait3A_1177 = tpu.memref_slice %arg4[%add3A_1155] : memref<33554432xf32, #tpu.memory_space<hbm>> -> memref<16384xf32, #tpu.memory_space<hbm>>
    %dma_wait3A_1178 = tpu.memref_slice %arg4[%add3A_1155] : memref<33554432xf32, #tpu.memory_space<hbm>> -> memref<16384xf32, #tpu.memory_space<hbm>>
    tpu.wait_dma2 semaphore(%arg18 : memref<!tpu.dma_semaphore, #tpu.memory_space<semaphore_mem>>) src(%arg8 : memref<16384xf32, #tpu.memory_space<vmem>>) dst(%dma_wait3A_1178 : memref<16384xf32, #tpu.memory_space<hbm>>)
    %add3A_1179 = arith.constant 20971520 : i32
    %add3A_1180 = arith.addi %add3A_1179, %mul3A_2 : i32
    %add3A_1181 = arith.constant 114688 : i32
    %add3A_1182 = arith.addi %add3A_1180, %add3A_1181 : i32
    %dma_start3A_1183 = tpu.memref_slice %arg2[%add3A_1182] : memref<33554432xf32, #tpu.memory_space<hbm>> -> memref<16384xf32, #tpu.memory_space<hbm>>
    %dma_start3A_1184 = tpu.memref_slice %arg2[%add3A_1182] : memref<33554432xf32, #tpu.memory_space<hbm>> -> memref<16384xf32, #tpu.memory_space<hbm>>
    tpu.enqueue_dma source(%dma_start3A_1184 : memref<16384xf32, #tpu.memory_space<hbm>>) target(%arg8 : memref<16384xf32, #tpu.memory_space<vmem>>) target_semaphore(%arg14 : memref<!tpu.dma_semaphore, #tpu.memory_space<semaphore_mem>>)
    %dma_wait3A_1185 = tpu.memref_slice %arg2[%add3A_1144] : memref<33554432xf32, #tpu.memory_space<hbm>> -> memref<16384xf32, #tpu.memory_space<hbm>>
    %dma_wait3A_1186 = tpu.memref_slice %arg2[%add3A_1144] : memref<33554432xf32, #tpu.memory_space<hbm>> -> memref<16384xf32, #tpu.memory_space<hbm>>
    tpu.wait_dma2 semaphore(%arg16 : memref<!tpu.dma_semaphore, #tpu.memory_space<semaphore_mem>>) src(%dma_wait3A_1186 : memref<16384xf32, #tpu.memory_space<hbm>>) dst(%arg10 : memref<16384xf32, #tpu.memory_space<vmem>>)
    %parallel_loop3A_1187 = arith.constant 0 : i32
    %parallel_loop3A_1188 = arith.constant 16384 : i32
    %parallel_loop3A_1189 = arith.constant 16 : i32
    scf.for %parallel_loop3A_1264 = %parallel_loop3A_1187 to %parallel_loop3A_1188 step %parallel_loop3A_1189  : i32 {
      %parallel_loop3A_1265 = arith.index_cast %parallel_loop3A_1264 : i32 to index
      %parallel_loop3A_1266 = tpu.vector_load %arg6[%parallel_loop3A_1265] {strides = array<i32>} : memref<16384xf32, #tpu.memory_space<vmem>>, vector<16xf32>,
      %parallel_loop3A_1267 = vector.shape_cast %parallel_loop3A_1266 : vector<16xf32> to vector<16xf32>
      %parallel_loop3A_1268 = arith.index_cast %parallel_loop3A_1264 : i32 to index
      %parallel_loop3A_1269 = tpu.vector_load %arg10[%parallel_loop3A_1268] {strides = array<i32>} : memref<16384xf32, #tpu.memory_space<vmem>>, vector<16xf32>,
      %parallel_loop3A_1270 = vector.shape_cast %parallel_loop3A_1269 : vector<16xf32> to vector<16xf32>
      %parallel_loop3A_1271 = vector.shape_cast %parallel_loop3A_1267 : vector<16xf32> to vector<16xf32>
      tpu.vector_store %arg10[%parallel_loop3A_1268], %parallel_loop3A_1271 {add = true, strides = array<i32>} : memref<16384xf32, #tpu.memory_space<vmem>>, vector<16xf32>,
    } {sc.loop_unroll_factor = 8 : i64, sc.parallel_access}
    %add3A_1190 = arith.constant 12582912 : i32
    %add3A_1191 = arith.addi %add3A_1190, %mul3A_2 : i32
    %add3A_1192 = arith.constant 114688 : i32
    %add3A_1193 = arith.addi %add3A_1191, %add3A_1192 : i32
    %dma_start3A_1194 = tpu.memref_slice %arg4[%add3A_1193] : memref<33554432xf32, #tpu.memory_space<hbm>> -> memref<16384xf32, #tpu.memory_space<hbm>>
    %dma_start3A_1195 = tpu.memref_slice %arg4[%add3A_1193] : memref<33554432xf32, #tpu.memory_space<hbm>> -> memref<16384xf32, #tpu.memory_space<hbm>>
    tpu.enqueue_dma source(%arg10 : memref<16384xf32, #tpu.memory_space<vmem>>) target(%dma_start3A_1195 : memref<16384xf32, #tpu.memory_space<hbm>>) target_semaphore(%arg20 : memref<!tpu.dma_semaphore, #tpu.memory_space<semaphore_mem>>)
    %dma_wait3A_1196 = tpu.memref_slice %arg4[%add3A_1174] : memref<33554432xf32, #tpu.memory_space<hbm>> -> memref<16384xf32, #tpu.memory_space<hbm>>
    %dma_wait3A_1197 = tpu.memref_slice %arg4[%add3A_1174] : memref<33554432xf32, #tpu.memory_space<hbm>> -> memref<16384xf32, #tpu.memory_space<hbm>>
    tpu.wait_dma2 semaphore(%arg19 : memref<!tpu.dma_semaphore, #tpu.memory_space<semaphore_mem>>) src(%arg9 : memref<16384xf32, #tpu.memory_space<vmem>>) dst(%dma_wait3A_1197 : memref<16384xf32, #tpu.memory_space<hbm>>)
    %add3A_1198 = arith.constant 25165824 : i32
    %add3A_1199 = arith.addi %add3A_1198, %mul3A_2 : i32
    %add3A_1200 = arith.constant 114688 : i32
    %add3A_1201 = arith.addi %add3A_1199, %add3A_1200 : i32
    %dma_start3A_1202 = tpu.memref_slice %arg2[%add3A_1201] : memref<33554432xf32, #tpu.memory_space<hbm>> -> memref<16384xf32, #tpu.memory_space<hbm>>
    %dma_start3A_1203 = tpu.memref_slice %arg2[%add3A_1201] : memref<33554432xf32, #tpu.memory_space<hbm>> -> memref<16384xf32, #tpu.memory_space<hbm>>
    tpu.enqueue_dma source(%dma_start3A_1203 : memref<16384xf32, #tpu.memory_space<hbm>>) target(%arg9 : memref<16384xf32, #tpu.memory_space<vmem>>) target_semaphore(%arg15 : memref<!tpu.dma_semaphore, #tpu.memory_space<semaphore_mem>>)
    %dma_wait3A_1204 = tpu.memref_slice %arg2[%add3A_1163] : memref<33554432xf32, #tpu.memory_space<hbm>> -> memref<16384xf32, #tpu.memory_space<hbm>>
    %dma_wait3A_1205 = tpu.memref_slice %arg2[%add3A_1163] : memref<33554432xf32, #tpu.memory_space<hbm>> -> memref<16384xf32, #tpu.memory_space<hbm>>
    tpu.wait_dma2 semaphore(%arg13 : memref<!tpu.dma_semaphore, #tpu.memory_space<semaphore_mem>>) src(%dma_wait3A_1205 : memref<16384xf32, #tpu.memory_space<hbm>>) dst(%arg7 : memref<16384xf32, #tpu.memory_space<vmem>>)
    %parallel_loop3A_1206 = arith.constant 0 : i32
    %parallel_loop3A_1207 = arith.constant 16384 : i32
    %parallel_loop3A_1208 = arith.constant 16 : i32
    scf.for %parallel_loop3A_1264 = %parallel_loop3A_1206 to %parallel_loop3A_1207 step %parallel_loop3A_1208  : i32 {
      %parallel_loop3A_1265 = arith.index_cast %parallel_loop3A_1264 : i32 to index
      %parallel_loop3A_1266 = tpu.vector_load %arg6[%parallel_loop3A_1265] {strides = array<i32>} : memref<16384xf32, #tpu.memory_space<vmem>>, vector<16xf32>,
      %parallel_loop3A_1267 = vector.shape_cast %parallel_loop3A_1266 : vector<16xf32> to vector<16xf32>
      %parallel_loop3A_1268 = arith.index_cast %parallel_loop3A_1264 : i32 to index
      %parallel_loop3A_1269 = tpu.vector_load %arg7[%parallel_loop3A_1268] {strides = array<i32>} : memref<16384xf32, #tpu.memory_space<vmem>>, vector<16xf32>,
      %parallel_loop3A_1270 = vector.shape_cast %parallel_loop3A_1269 : vector<16xf32> to vector<16xf32>
      %parallel_loop3A_1271 = vector.shape_cast %parallel_loop3A_1267 : vector<16xf32> to vector<16xf32>
      tpu.vector_store %arg7[%parallel_loop3A_1268], %parallel_loop3A_1271 {add = true, strides = array<i32>} : memref<16384xf32, #tpu.memory_space<vmem>>, vector<16xf32>,
    } {sc.loop_unroll_factor = 8 : i64, sc.parallel_access}
    %add3A_1209 = arith.constant 16777216 : i32
    %add3A_1210 = arith.addi %add3A_1209, %mul3A_2 : i32
    %add3A_1211 = arith.constant 114688 : i32
    %add3A_1212 = arith.addi %add3A_1210, %add3A_1211 : i32
    %dma_start3A_1213 = tpu.memref_slice %arg4[%add3A_1212] : memref<33554432xf32, #tpu.memory_space<hbm>> -> memref<16384xf32, #tpu.memory_space<hbm>>
    %dma_start3A_1214 = tpu.memref_slice %arg4[%add3A_1212] : memref<33554432xf32, #tpu.memory_space<hbm>> -> memref<16384xf32, #tpu.memory_space<hbm>>
    tpu.enqueue_dma source(%arg7 : memref<16384xf32, #tpu.memory_space<vmem>>) target(%dma_start3A_1214 : memref<16384xf32, #tpu.memory_space<hbm>>) target_semaphore(%arg17 : memref<!tpu.dma_semaphore, #tpu.memory_space<semaphore_mem>>)
    %dma_wait3A_1215 = tpu.memref_slice %arg4[%add3A_1193] : memref<33554432xf32, #tpu.memory_space<hbm>> -> memref<16384xf32, #tpu.memory_space<hbm>>
    %dma_wait3A_1216 = tpu.memref_slice %arg4[%add3A_1193] : memref<33554432xf32, #tpu.memory_space<hbm>> -> memref<16384xf32, #tpu.memory_space<hbm>>
    tpu.wait_dma2 semaphore(%arg20 : memref<!tpu.dma_semaphore, #tpu.memory_space<semaphore_mem>>) src(%arg10 : memref<16384xf32, #tpu.memory_space<vmem>>) dst(%dma_wait3A_1216 : memref<16384xf32, #tpu.memory_space<hbm>>)
    %add3A_1217 = arith.constant 29360128 : i32
    %add3A_1218 = arith.addi %add3A_1217, %mul3A_2 : i32
    %add3A_1219 = arith.constant 114688 : i32
    %add3A_1220 = arith.addi %add3A_1218, %add3A_1219 : i32
    %dma_start3A_1221 = tpu.memref_slice %arg2[%add3A_1220] : memref<33554432xf32, #tpu.memory_space<hbm>> -> memref<16384xf32, #tpu.memory_space<hbm>>
    %dma_start3A_1222 = tpu.memref_slice %arg2[%add3A_1220] : memref<33554432xf32, #tpu.memory_space<hbm>> -> memref<16384xf32, #tpu.memory_space<hbm>>
    tpu.enqueue_dma source(%dma_start3A_1222 : memref<16384xf32, #tpu.memory_space<hbm>>) target(%arg10 : memref<16384xf32, #tpu.memory_space<vmem>>) target_semaphore(%arg16 : memref<!tpu.dma_semaphore, #tpu.memory_space<semaphore_mem>>)
    %dma_wait3A_1223 = tpu.memref_slice %arg2[%add3A_1182] : memref<33554432xf32, #tpu.memory_space<hbm>> -> memref<16384xf32, #tpu.memory_space<hbm>>
    %dma_wait3A_1224 = tpu.memref_slice %arg2[%add3A_1182] : memref<33554432xf32, #tpu.memory_space<hbm>> -> memref<16384xf32, #tpu.memory_space<hbm>>
    tpu.wait_dma2 semaphore(%arg14 : memref<!tpu.dma_semaphore, #tpu.memory_space<semaphore_mem>>) src(%dma_wait3A_1224 : memref<16384xf32, #tpu.memory_space<hbm>>) dst(%arg8 : memref<16384xf32, #tpu.memory_space<vmem>>)
    %parallel_loop3A_1225 = arith.constant 0 : i32
    %parallel_loop3A_1226 = arith.constant 16384 : i32
    %parallel_loop3A_1227 = arith.constant 16 : i32
    scf.for %parallel_loop3A_1264 = %parallel_loop3A_1225 to %parallel_loop3A_1226 step %parallel_loop3A_1227  : i32 {
      %parallel_loop3A_1265 = arith.index_cast %parallel_loop3A_1264 : i32 to index
      %parallel_loop3A_1266 = tpu.vector_load %arg6[%parallel_loop3A_1265] {strides = array<i32>} : memref<16384xf32, #tpu.memory_space<vmem>>, vector<16xf32>,
      %parallel_loop3A_1267 = vector.shape_cast %parallel_loop3A_1266 : vector<16xf32> to vector<16xf32>
      %parallel_loop3A_1268 = arith.index_cast %parallel_loop3A_1264 : i32 to index
      %parallel_loop3A_1269 = tpu.vector_load %arg8[%parallel_loop3A_1268] {strides = array<i32>} : memref<16384xf32, #tpu.memory_space<vmem>>, vector<16xf32>,
      %parallel_loop3A_1270 = vector.shape_cast %parallel_loop3A_1269 : vector<16xf32> to vector<16xf32>
      %parallel_loop3A_1271 = vector.shape_cast %parallel_loop3A_1267 : vector<16xf32> to vector<16xf32>
      tpu.vector_store %arg8[%parallel_loop3A_1268], %parallel_loop3A_1271 {add = true, strides = array<i32>} : memref<16384xf32, #tpu.memory_space<vmem>>, vector<16xf32>,
    } {sc.loop_unroll_factor = 8 : i64, sc.parallel_access}
    %add3A_1228 = arith.constant 20971520 : i32
    %add3A_1229 = arith.addi %add3A_1228, %mul3A_2 : i32
    %add3A_1230 = arith.constant 114688 : i32
    %add3A_1231 = arith.addi %add3A_1229, %add3A_1230 : i32
    %dma_start3A_1232 = tpu.memref_slice %arg4[%add3A_1231] : memref<33554432xf32, #tpu.memory_space<hbm>> -> memref<16384xf32, #tpu.memory_space<hbm>>
    %dma_start3A_1233 = tpu.memref_slice %arg4[%add3A_1231] : memref<33554432xf32, #tpu.memory_space<hbm>> -> memref<16384xf32, #tpu.memory_space<hbm>>
    tpu.enqueue_dma source(%arg8 : memref<16384xf32, #tpu.memory_space<vmem>>) target(%dma_start3A_1233 : memref<16384xf32, #tpu.memory_space<hbm>>) target_semaphore(%arg18 : memref<!tpu.dma_semaphore, #tpu.memory_space<semaphore_mem>>)
    %dma_wait3A_1234 = tpu.memref_slice %arg2[%add3A_1201] : memref<33554432xf32, #tpu.memory_space<hbm>> -> memref<16384xf32, #tpu.memory_space<hbm>>
    %dma_wait3A_1235 = tpu.memref_slice %arg2[%add3A_1201] : memref<33554432xf32, #tpu.memory_space<hbm>> -> memref<16384xf32, #tpu.memory_space<hbm>>
    tpu.wait_dma2 semaphore(%arg15 : memref<!tpu.dma_semaphore, #tpu.memory_space<semaphore_mem>>) src(%dma_wait3A_1235 : memref<16384xf32, #tpu.memory_space<hbm>>) dst(%arg9 : memref<16384xf32, #tpu.memory_space<vmem>>)
    %parallel_loop3A_1236 = arith.constant 0 : i32
    %parallel_loop3A_1237 = arith.constant 16384 : i32
    %parallel_loop3A_1238 = arith.constant 16 : i32
    scf.for %parallel_loop3A_1264 = %parallel_loop3A_1236 to %parallel_loop3A_1237 step %parallel_loop3A_1238  : i32 {
      %parallel_loop3A_1265 = arith.index_cast %parallel_loop3A_1264 : i32 to index
      %parallel_loop3A_1266 = tpu.vector_load %arg6[%parallel_loop3A_1265] {strides = array<i32>} : memref<16384xf32, #tpu.memory_space<vmem>>, vector<16xf32>,
      %parallel_loop3A_1267 = vector.shape_cast %parallel_loop3A_1266 : vector<16xf32> to vector<16xf32>
      %parallel_loop3A_1268 = arith.index_cast %parallel_loop3A_1264 : i32 to index
      %parallel_loop3A_1269 = tpu.vector_load %arg9[%parallel_loop3A_1268] {strides = array<i32>} : memref<16384xf32, #tpu.memory_space<vmem>>, vector<16xf32>,
      %parallel_loop3A_1270 = vector.shape_cast %parallel_loop3A_1269 : vector<16xf32> to vector<16xf32>
      %parallel_loop3A_1271 = vector.shape_cast %parallel_loop3A_1267 : vector<16xf32> to vector<16xf32>
      tpu.vector_store %arg9[%parallel_loop3A_1268], %parallel_loop3A_1271 {add = true, strides = array<i32>} : memref<16384xf32, #tpu.memory_space<vmem>>, vector<16xf32>,
    } {sc.loop_unroll_factor = 8 : i64, sc.parallel_access}
    %add3A_1239 = arith.constant 25165824 : i32
    %add3A_1240 = arith.addi %add3A_1239, %mul3A_2 : i32
    %add3A_1241 = arith.constant 114688 : i32
    %add3A_1242 = arith.addi %add3A_1240, %add3A_1241 : i32
    %dma_start3A_1243 = tpu.memref_slice %arg4[%add3A_1242] : memref<33554432xf32, #tpu.memory_space<hbm>> -> memref<16384xf32, #tpu.memory_space<hbm>>
    %dma_start3A_1244 = tpu.memref_slice %arg4[%add3A_1242] : memref<33554432xf32, #tpu.memory_space<hbm>> -> memref<16384xf32, #tpu.memory_space<hbm>>
    tpu.enqueue_dma source(%arg9 : memref<16384xf32, #tpu.memory_space<vmem>>) target(%dma_start3A_1244 : memref<16384xf32, #tpu.memory_space<hbm>>) target_semaphore(%arg19 : memref<!tpu.dma_semaphore, #tpu.memory_space<semaphore_mem>>)
    %dma_wait3A_1245 = tpu.memref_slice %arg2[%add3A_1220] : memref<33554432xf32, #tpu.memory_space<hbm>> -> memref<16384xf32, #tpu.memory_space<hbm>>
    %dma_wait3A_1246 = tpu.memref_slice %arg2[%add3A_1220] : memref<33554432xf32, #tpu.memory_space<hbm>> -> memref<16384xf32, #tpu.memory_space<hbm>>
    tpu.wait_dma2 semaphore(%arg16 : memref<!tpu.dma_semaphore, #tpu.memory_space<semaphore_mem>>) src(%dma_wait3A_1246 : memref<16384xf32, #tpu.memory_space<hbm>>) dst(%arg10 : memref<16384xf32, #tpu.memory_space<vmem>>)
    %parallel_loop3A_1247 = arith.constant 0 : i32
    %parallel_loop3A_1248 = arith.constant 16384 : i32
    %parallel_loop3A_1249 = arith.constant 16 : i32
    scf.for %parallel_loop3A_1264 = %parallel_loop3A_1247 to %parallel_loop3A_1248 step %parallel_loop3A_1249  : i32 {
      %parallel_loop3A_1265 = arith.index_cast %parallel_loop3A_1264 : i32 to index
      %parallel_loop3A_1266 = tpu.vector_load %arg6[%parallel_loop3A_1265] {strides = array<i32>} : memref<16384xf32, #tpu.memory_space<vmem>>, vector<16xf32>,
      %parallel_loop3A_1267 = vector.shape_cast %parallel_loop3A_1266 : vector<16xf32> to vector<16xf32>
      %parallel_loop3A_1268 = arith.index_cast %parallel_loop3A_1264 : i32 to index
      %parallel_loop3A_1269 = tpu.vector_load %arg10[%parallel_loop3A_1268] {strides = array<i32>} : memref<16384xf32, #tpu.memory_space<vmem>>, vector<16xf32>,
      %parallel_loop3A_1270 = vector.shape_cast %parallel_loop3A_1269 : vector<16xf32> to vector<16xf32>
      %parallel_loop3A_1271 = vector.shape_cast %parallel_loop3A_1267 : vector<16xf32> to vector<16xf32>
      tpu.vector_store %arg10[%parallel_loop3A_1268], %parallel_loop3A_1271 {add = true, strides = array<i32>} : memref<16384xf32, #tpu.memory_space<vmem>>, vector<16xf32>,
    } {sc.loop_unroll_factor = 8 : i64, sc.parallel_access}
    %add3A_1250 = arith.constant 29360128 : i32
    %add3A_1251 = arith.addi %add3A_1250, %mul3A_2 : i32
    %add3A_1252 = arith.constant 114688 : i32
    %add3A_1253 = arith.addi %add3A_1251, %add3A_1252 : i32
    %dma_start3A_1254 = tpu.memref_slice %arg4[%add3A_1253] : memref<33554432xf32, #tpu.memory_space<hbm>> -> memref<16384xf32, #tpu.memory_space<hbm>>
    %dma_start3A_1255 = tpu.memref_slice %arg4[%add3A_1253] : memref<33554432xf32, #tpu.memory_space<hbm>> -> memref<16384xf32, #tpu.memory_space<hbm>>
    tpu.enqueue_dma source(%arg10 : memref<16384xf32, #tpu.memory_space<vmem>>) target(%dma_start3A_1255 : memref<16384xf32, #tpu.memory_space<hbm>>) target_semaphore(%arg20 : memref<!tpu.dma_semaphore, #tpu.memory_space<semaphore_mem>>)
    %dma_wait3A_1256 = tpu.memref_slice %arg4[%add3A_1212] : memref<33554432xf32, #tpu.memory_space<hbm>> -> memref<16384xf32, #tpu.memory_space<hbm>>
    %dma_wait3A_1257 = tpu.memref_slice %arg4[%add3A_1212] : memref<33554432xf32, #tpu.memory_space<hbm>> -> memref<16384xf32, #tpu.memory_space<hbm>>
    tpu.wait_dma2 semaphore(%arg17 : memref<!tpu.dma_semaphore, #tpu.memory_space<semaphore_mem>>) src(%arg7 : memref<16384xf32, #tpu.memory_space<vmem>>) dst(%dma_wait3A_1257 : memref<16384xf32, #tpu.memory_space<hbm>>)
    %dma_wait3A_1258 = tpu.memref_slice %arg4[%add3A_1231] : memref<33554432xf32, #tpu.memory_space<hbm>> -> memref<16384xf32, #tpu.memory_space<hbm>>
    %dma_wait3A_1259 = tpu.memref_slice %arg4[%add3A_1231] : memref<33554432xf32, #tpu.memory_space<hbm>> -> memref<16384xf32, #tpu.memory_space<hbm>>
    tpu.wait_dma2 semaphore(%arg18 : memref<!tpu.dma_semaphore, #tpu.memory_space<semaphore_mem>>) src(%arg8 : memref<16384xf32, #tpu.memory_space<vmem>>) dst(%dma_wait3A_1259 : memref<16384xf32, #tpu.memory_space<hbm>>)
    %dma_wait3A_1260 = tpu.memref_slice %arg4[%add3A_1242] : memref<33554432xf32, #tpu.memory_space<hbm>> -> memref<16384xf32, #tpu.memory_space<hbm>>
    %dma_wait3A_1261 = tpu.memref_slice %arg4[%add3A_1242] : memref<33554432xf32, #tpu.memory_space<hbm>> -> memref<16384xf32, #tpu.memory_space<hbm>>
    tpu.wait_dma2 semaphore(%arg19 : memref<!tpu.dma_semaphore, #tpu.memory_space<semaphore_mem>>) src(%arg9 : memref<16384xf32, #tpu.memory_space<vmem>>) dst(%dma_wait3A_1261 : memref<16384xf32, #tpu.memory_space<hbm>>)
    %dma_wait3A_1262 = tpu.memref_slice %arg4[%add3A_1253] : memref<33554432xf32, #tpu.memory_space<hbm>> -> memref<16384xf32, #tpu.memory_space<hbm>>
    %dma_wait3A_1263 = tpu.memref_slice %arg4[%add3A_1253] : memref<33554432xf32, #tpu.memory_space<hbm>> -> memref<16384xf32, #tpu.memory_space<hbm>>
    tpu.wait_dma2 semaphore(%arg20 : memref<!tpu.dma_semaphore, #tpu.memory_space<semaphore_mem>>) src(%arg10 : memref<16384xf32, #tpu.memory_space<vmem>>) dst(%dma_wait3A_1263 : memref<16384xf32, #tpu.memory_space<hbm>>)
    return
  }
}

</mosaic_0001>

<sc_bundles>
// kernel: kernel.3.cloned.1.call-start
scs
__scs_entry_jumppad:
0x0: {  	(pc) =	sbr.rel $0x88, $3  }
0x1: {  	(tag) =	ssettag $0x0;
	lr =	simm.s32 $0x1  }
0x2: {  	[smem:$0x3F9F] =	sst lr;
	_ =	strace $0xD0000000  }
0x3: {  	_ = 	snop  }
0x4: {  	_ = 	snop  }
0x5: {  	_ = 	snop  }
0x6: {  	_ = 	snop  }
0x7: {  	_ = 	snop  }
__scs_overlays_trampoline_lowered:
0x8: {  	[smem:$0x3FAE] =	sst s0  }
0x9: {  	[smem:$0x3FAF] =	sst s1  }
0xa: {  	[smem:$0x3FB0] =	sst s2  }
0xb: {  	[smem:$0x3FB1] =	sst s3  }
0xc: {  	[smem:$0x3FB2] =	sst s4  }
0xd: {  	[smem:$0x3FB3] =	sst s5  }
0xe: {  	[smem:$0x3FB4] =	sst s6  }
0xf: {  	[smem:$0x3FB5] =	sst s7  }
0x10: {  	[smem:$0x3FB6] =	sst s8  }
0x11: {  	[smem:$0x3FB7] =	sst s9;
	s0 =	simm.s32 @!p0 $0x0  }
0x12: {  	s1 =	sld [smem:$0x3F9D];
	s0 =	simm.s32 @p0 $0x1  }
0x13: {  	[smem:$0x3FB8] =	sst s0;
	s0 =	simm.s32 @!p1 $0x0  }
0x14: {  	s2 =	sld [smem:$0x3F9C];
	s0 =	simm.s32 @p1 $0x1  }
0x15: {  	[smem:$0x3FB9] =	sst s0;
	s0 =	simm.s32 @!p2 $0x0  }
0x16: {  	s3 =	sld [smem:$0x3FDB];
	s0 =	simm.s32 @p2 $0x1  }
0x17: {  	s4 =	simm.s32 $0x1BF5;
	[smem:$0x3FBB] =	sst s0  }
0x18: {  	s0 =	sld [smem:$0x3F9E];
	_ =	swait.ge [sflag:s4], $0x0  }
0x19: {  	s7 =	sld [smem:$0x3F9F]  }
0x1a: {  	s8 =	sadd.s32 $0xFFFFE003, lr  }
0x1b: {  	s9 =	sadd.s32 $0xFFFFFEF7, lr;
	s5 =	simm.s32 $0xFFFFFFFF;
	p2 =	slt.u32 s8, $0xFFFFF086  }
0x1c: {  	p1 =	slt.u32 s9, $0xF7A;
	s5 =	simm.s32 @!p2 $0x0  }
0x1d: {  	s5 =	simm.s32 @p1 $0x1;
	p0 =	seq.s32 s7, s2  }
0x1e: {  	s7 =	smul.u32 @!p0 $0xF7A, s2;
	p2 =	seq.s32 @!p0 s5, $0x0  }
0x1f: {  	s9 =	smul.u32 $0xF7A, s1;
	s8 =	simm.s32 @!p0 $0x1BF5;
	p2 =	por !p2, p0  }
0x20: {  	[sflag:s8] =	ssyncset.s32 @!p0 $0xFFFFF086;
	s6 =	sadd.s32 @!p0 s3, s7;
	s7 =	simm.s32 @!p0 $0x108  }
0x21: {  	s3 =	sadd.s32 s3, s9;
	s6 =	sadd.s32 @!p0 $0x88, s6;
	s7 =	simm.s32 @p2 $0x1082  }
0x22: {  	[simem:s7], [sflag:s8] =	dma.local @!p0 [hbm:s6], $0xF7A  }
0x23: {  	s9 =	sor.u32 $0xD0000000, s2;
	s6 =	simm.s32 $0x108;
	_ =	swait.ge @!p0 [sflag:s8], $0x0  }
0x24: {  	s3 =	sadd.s32 $0x88, s3;
	s6 =	simm.s32 @!p1 $0x1082;
	[sflag:s4] =	ssyncset.s32 $0xFFFFF086  }
0x25: {  	[simem:s6], [sflag:s4] =	dma.local [hbm:s3], $0xF7A  }
0x26: {  	[smem:$0x3F9F] =	sst s1;
	(tag) =	ssettag s2;
	_ =	strace s9  }
0x27: {  	s1 =	sld [smem:$0x3FAF]  }
0x28: {  	s2 =	sld [smem:$0x3FB0]  }
0x29: {  	s4 =	sld [smem:$0x3FB2]  }
0x2a: {  	p0 =	seq.s32 s5, $0x0;
	s5 =	sld [smem:$0x3FB3]  }
0x2b: {  	s6 =	sld [smem:$0x3FB4]  }
0x2c: {  	s7 =	sld [smem:$0x3FB5]  }
0x2d: {  	s3 =	simm.s32 $0x108;
	s8 =	sld [smem:$0x3FB6]  }
0x2e: {  	s3 =	simm.s32 @!p0 $0x1082;
	s9 =	sld [smem:$0x3FB7]  }
0x2f: {  	lr =	sadd.s32 s0, s3;
	s0 =	sld [smem:$0x3FAE]  }
0x30: {  	s3 =	sld [smem:$0x3FB1]  }
0x31: {  	[smem:$0x3FBA] =	sst s10  }
0x32: {  	s10 =	sld [smem:$0x3FB8];
	_ =	sdelay $0x3  }
0x33: {  	p0 =	seq.s32 s10, $0x1;
	s10 =	sld [smem:$0x3FBA];
	_ =	sdelay $0x3  }
0x34: {  	[smem:$0x3FBA] =	sst s10  }
0x35: {  	s10 =	sld [smem:$0x3FB9];
	_ =	sdelay $0x3  }
0x36: {  	p1 =	seq.s32 s10, $0x1;
	s10 =	sld [smem:$0x3FBA];
	_ =	sdelay $0x3  }
0x37: {  	[smem:$0x3FBA] =	sst s10  }
0x38: {  	s10 =	sld [smem:$0x3FBB]  }
0x39: {  	_ = 	snop;
	(pc) =	sbr.ind lr, $3  }
0x3a: {  	_ = 	snop  }
0x3b: {  	_ = 	snop  }
0x3c: {  	p2 =	seq.s32 s10, $0x1;
	s10 =	sld [smem:$0x3FBA]  }
0x3d: {  	_ =	shalt  }
0x3e: {  	_ =	shalt  }
0x3f: {  	_ =	shalt  }
0x40: {  	_ =	shalt  }
0x41: {  	_ =	shalt  }
0x42: {  	_ =	shalt  }
0x43: {  	_ =	shalt  }
0x44: {  	_ =	shalt  }
0x45: {  	_ =	shalt  }
0x46: {  	_ =	shalt  }
0x47: {  	_ =	shalt  }
0x48: {  	_ =	shalt  }
0x49: {  	_ =	shalt  }
0x4a: {  	_ =	shalt  }
0x4b: {  	_ =	shalt  }
0x4c: {  	_ =	shalt  }
0x4d: {  	_ =	shalt  }
0x4e: {  	_ =	shalt  }
0x4f: {  	_ =	shalt  }
0x50: {  	_ =	shalt  }
0x51: {  	_ =	shalt  }
0x52: {  	_ =	shalt  }
0x53: {  	_ =	shalt  }
0x54: {  	_ =	shalt  }
0x55: {  	_ =	shalt  }
0x56: {  	_ =	shalt  }
0x57: {  	_ =	shalt  }
0x58: {  	_ =	shalt  }
0x59: {  	_ =	shalt  }
0x5a: {  	_ =	shalt  }
0x5b: {  	_ =	shalt  }
0x5c: {  	_ =	shalt  }
0x5d: {  	_ =	shalt  }
0x5e: {  	_ =	shalt  }
0x5f: {  	_ =	shalt  }
0x60: {  	_ =	shalt  }
0x61: {  	_ =	shalt  }
0x62: {  	_ =	shalt  }
0x63: {  	_ =	shalt  }
0x64: {  	_ =	shalt  }
0x65: {  	_ =	shalt  }
0x66: {  	_ =	shalt  }
0x67: {  	_ =	shalt  }
0x68: {  	_ =	shalt  }
0x69: {  	_ =	shalt  }
0x6a: {  	_ =	shalt  }
0x6b: {  	_ =	shalt  }
0x6c: {  	_ =	shalt  }
0x6d: {  	_ =	shalt  }
0x6e: {  	_ =	shalt  }
0x6f: {  	_ =	shalt  }
0x70: {  	_ =	shalt  }
0x71: {  	_ =	shalt  }
0x72: {  	_ =	shalt  }
0x73: {  	_ =	shalt  }
0x74: {  	_ =	shalt  }
0x75: {  	_ =	shalt  }
0x76: {  	_ =	shalt  }
0x77: {  	_ =	shalt  }
0x78: {  	_ =	shalt  }
0x79: {  	_ =	shalt  }
0x7a: {  	_ =	shalt  }
0x7b: {  	_ =	shalt  }
0x7c: {  	_ =	shalt  }
0x7d: {  	_ =	shalt  }
0x7e: {  	_ =	shalt  }
0x7f: {  	_ =	shalt  }
0x80: {  	_ =	shalt  }
0x81: {  	_ =	shalt  }
0x82: {  	_ =	shalt  }
0x83: {  	_ =	shalt  }
0x84: {  	_ =	shalt  }
0x85: {  	_ =	shalt  }
0x86: {  	_ =	shalt  }
0x87: {  	_ =	shalt  }
.Lfunc_end0:
.L_simem_size_0:
called_computation_lowered:
.L_overlay_start_0:
0x88: {  	s2 =	sld [smem:$0x3FD9]  }
0x89: {  	s3 =	sld [smem:$0x3FFE];
	_ =	sdelay $0x1  }
0x8a: {  	s1 =	srdreg.scid  }
0x8b: {  	s0 =	sand.u32 $0x1, s1  }
0x8c: {  	s18 =	sshll.u32 s0, $0xA;
	s2 =	sadd.s32 s3, s2  }
0x8d: {  	s2 =	sadd.s32 s2, s18  }
0x8e: {  	[smem:$0x3FC6] =	sst s2  }
0x8f: {  	_ = 	snop  }
0x90: {  	s2 =	sld [smem:$0x3FC9]  }
0x91: {  	s19 =	sld [smem:$0x3FC8]  }
0x92: {  	s4 =	sld [smem:$0x3FD0];
	(tm) =	ssettm $0x1  }
0x93: {  	s5 =	sld [smem:$0x3FFB];
	_ =	sdelay $0x3  }
0x94: {  	_ =	strace s5  }
0x95: {  	s5 =	sld [smem:$0x3FFC];
	_ =	sdelay $0x3  }
0x96: {  	_ =	strace s5  }
0x97: {  	s5 =	sld [smem:$0x3FFD];
	_ =	sdelay $0x3  }
0x98: {  	_ =	strace s5  }
0x99: {  	_ =	strace $0x8FFFFFFF  }
0x9a: {  	s20 =	sld [smem:$0x3FDB];
	_ =	sdelay $0x1  }
0x9b: {  	s6 =	simm.s32 $_scs_section_size  }
0x9c: {  	s7 =	simm.s32 $_size__tile_overlayer_lowered;
	s8 =	simm.s32 $_tile_overlayer_lowered  }
0x9d: {  	s23 =	simm.s32 $0x1BFF;
	s22 =	sshll.u32 s8, $0x1;
	s5 =	sadd.s32 s6, s20  }
0x9e: {  	s9 =	simm.s32 $0x0;
	s21 =	sshll.u32 s7, $0x1;
	s7 =	sadd.s32 s22, s5  }
0x9f: {  	[timem:s9], [sflag:s23] =	dma.local [hbm:s7], s21  }
0xa0: {  	_ =	swait.ge [sflag:s23], s21  }
0xa1: {  	s6 =	ssub.s32 $0x0, s21;
	[sflag:s23] =	ssyncset.done $0x0  }
0xa2: {  	[sflag:s23] =	ssyncadd.s32 s6;
	_ =	sdelay $0x1  }
0xa3: {  	s24 =	simm.s32 $0x1B8B  }
0xa4: {  	_ =	swait.ge [sflag:s24], $0x1  }
0xa5: {  	[sflag:s24] =	ssyncset.done $0x0  }
0xa6: {  	s25 =	simm.s32 $0x1B8E;
	[sflag:s24] =	ssyncadd.s32 $0xFFFFFFFF  }
0xa7: {  	s26 =	simm.s32 $execute0_lowered;
	[smem:$0x3FD2] =	sst s25  }
0xa8: {  	s6 =	sshll.u32 s26, $0x1;
	_ =	strace $0x80000046;
	[dreg:$0x1] =	wrdreg $0xFFFFFFFF  }
0xa9: {  	s28 =	simm.s32 $_size_execute0_lowered;
	s5 =	sadd.s32 s5, s6;
	[dreg:$0x0] =	wrdreg $0x0  }
0xaa: {  	s6 =	sshll.u32 s28, $0x1;
	[dreg:$0x2] =	wrdreg s5  }
0xab: {  	[dreg:$0x3] =	wrdreg s6  }
0xac: {  	[dreg:$0x4] =	wrdreg $0xC0  }
0xad: {  	_ =	task [dreg:s9], $0x5FFFF  }
0xae: {  	[dreg:$0x1] =	wrdreg $0xFFFFFFFF  }
0xaf: {  	[dreg:$0x0] =	wrdreg $0x60  }
0xb0: {  	[dreg:$0x2] =	wrdreg s2  }
0xb1: {  	[dreg:$0x3] =	wrdreg s19  }
0xb2: {  	[dreg:$0x4] =	wrdreg s4  }
0xb3: {  	[dreg:$0x5] =	wrdreg $0x9  }
0xb4: {  	_ =	task.clear_ibuf [dreg:s9], $0x6FFFF;
	_ =	strace $0x90000046  }
0xb5: {  	s29 =	simm.s32 $0x9;
	_ =	strace $0x80000048  }
0xb6: {  	_ =	swait.ge [sflag:s29], $0x1  }
0xb7: {  	[sflag:s29] =	ssyncadd.s32 $0xFFFFFFFF  }
0xb8: {  	_ =	strace $0x90000048  }
0xb9: {  	_ =	sfence  }
0xba: {  	s30 =	sld [smem:$0x0];
	_ =	sdelay $0x2  }
0xbb: {  	s31 =	sshll.u32 s1, $0xD;
	s1 =	sshrl.u32 s1, $0x2  }
0xbc: {  	s3 =	sand.u32 $0x4000, s31;
	s1 =	sadd.s32 s1, s30  }
0xbd: {  	s0 =	sor.u32 s3, s0;
	s1 =	sshll.u32 s1, $0x11  }
0xbe: {  	s0 =	sor.u32 s1, s0  }
0xbf: {  	s0 =	sadd.s32 $0x8F2B, s0  }
0xc0: {  	[sflag:s0] =	ssyncadd.remote.s32 $0x1  }
0xc1: {  	_ =	sfence.sel $0xFFFF  }
0xc2: {  	[dreg:$0x0] =	wrdreg $0xFFFFFFFF;
	(pc) =	sbr.abs _section_cstart, $3  }
0xc3: {  	[dreg:$0x1] =	wrdreg $0xFFFFFFFF  }
0xc4: {  	_ =	task.clear_ibuf [dreg:s9], $0x2FFFF;
	_ =	strace $0x9FFFFFFF  }
0xc5: {  	(tm) =	ssettm $0x7FFFFFFF  }
tec
execute0_lowered:
.L_overlay_start_1:
0x0: {  	(tag) =	ssettag $0x1  }
0x1: {  	s1 =	srdreg.scid;
	s0 =	rddreg [dreg:$0x0]  }
0x2: {  	s2 =	stileid.u32;
	s5 =	rddreg [dreg:$0x1];
	s1 =	sand.u32 $0x1, s1  }
0x3: {  	s3 =	sshll.u32 s2, $0xF;
	s2 =	rddreg [dreg:$0x2];
	s4 =	sshll.u32 s1, $0xE  }
0x4: {  	s6 =	ssub.s32 $0x2, s1;
	s1 =	simm.s32 $0x0;
	s4 =	sor.u32 s4, s3  }
0x5: {  	s21 =	sshrl.u32 s6, $0x1;
	[smem:$0x7FF] =	sst s1;
	s7 =	sor.u32 $0x80000, s4  }
0x6: {  	s3 =	ssub.s32 s6, s21;
	s6 =	sor.u32 $0x800, s4;
	s22 =	sadd.s32 s0, s7  }
0x7: {  	s8 =	sor.u32 $0x100000, s4;
	s10 =	sadd.s32 s5, s6;
	[dreg:$0x4] =	wrdreg s22  }
0x8: {  	s9 =	sor.u32 $0x180000, s4;
	s23 =	sadd.s32 s0, s8;
	[dreg:$0x5] =	wrdreg s10  }
0x9: {  	s24 =	sadd.s32 s0, s9;
	[dreg:$0x6] =	wrdreg s23  }
0xa: {  	s25 =	sor.u32 $0x200000, s4;
	s7 =	sadd.s32 s2, s7;
	[dreg:$0x7] =	wrdreg s24  }
0xb: {  	s11 =	sadd.s32 s0, s25;
	[dreg:$0x8] =	wrdreg s7  }
0xc: {  	s26 =	sor.u32 $0x280000, s4;
	s8 =	sadd.s32 s2, s8;
	[dreg:$0x9] =	wrdreg s11  }
0xd: {  	s12 =	sadd.s32 s0, s26;
	[dreg:$0xa] =	wrdreg s8  }
0xe: {  	s14 =	sor.u32 $0x300000, s4;
	s13 =	sadd.s32 s2, s9;
	[dreg:$0xb] =	wrdreg s12  }
0xf: {  	s15 =	sor.u32 $0x380000, s4;
	s16 =	sadd.s32 s0, s14;
	[dreg:$0xc] =	wrdreg s13  }
0x10: {  	s17 =	sadd.s32 s0, s15;
	[dreg:$0xd] =	wrdreg s16  }
0x11: {  	s18 =	sadd.s32 s2, s26;
	[dreg:$0xf] =	wrdreg s17  }
0x12: {  	s20 =	sor.u32 $0x80800, s4;
	s19 =	sadd.s32 s0, s6;
	[dreg:$0x10] =	wrdreg s18  }
0x13: {  	s21 =	sadd.s32 s0, s20;
	[dreg:$0x11] =	wrdreg s19  }
0x14: {  	s6 =	sadd.s32 s2, s6;
	[dreg:$0x13] =	wrdreg s21  }
0x15: {  	s7 =	sadd.s32 s2, s25;
	[dreg:$0x15] =	wrdreg s6  }
0x16: {  	s8 =	sadd.s32 s2, s14;
	[dreg:$0xe] =	wrdreg s7  }
0x17: {  	s22 =	sadd.s32 s2, s15;
	[dreg:$0x12] =	wrdreg s8  }
0x18: {  	s9 =	sor.u32 $0x200800, s4;
	s23 =	sadd.s32 s2, s20;
	[dreg:$0x14] =	wrdreg s22  }
0x19: {  	s24 =	sor.u32 $0x100800, s4;
	s10 =	sadd.s32 s0, s9;
	[dreg:$0x16] =	wrdreg s23  }
0x1a: {  	s25 =	sadd.s32 s0, s24;
	[dreg:$0x1b] =	wrdreg s10  }
0x1b: {  	s26 =	sor.u32 $0x180800, s4;
	s6 =	sadd.s32 s2, s24;
	[dreg:$0x17] =	wrdreg s25  }
0x1c: {  	s11 =	sor.u32 $0x280800, s4;
	s8 =	sadd.s32 s0, s26;
	[dreg:$0x18] =	wrdreg s6  }
0x1d: {  	s13 =	sor.u32 $0x300800, s4;
	s12 =	sadd.s32 s0, s11;
	[dreg:$0x19] =	wrdreg s8  }
0x1e: {  	s15 =	sor.u32 $0x380800, s4;
	s14 =	sadd.s32 s0, s13;
	[dreg:$0x1d] =	wrdreg s12  }
0x1f: {  	s17 =	sor.u32 $0x1000, s4;
	s16 =	sadd.s32 s0, s15;
	[dreg:$0x1f] =	wrdreg s14  }
0x20: {  	s18 =	sadd.s32 s5, s17;
	[smem:$0x79D] =	sst s16  }
0x21: {  	s20 =	sor.u32 $0x81000, s4;
	s19 =	sadd.s32 s0, s17;
	[smem:$0x79F] =	sst s18  }
0x22: {  	s21 =	sadd.s32 s0, s20;
	[smem:$0x7A0] =	sst s19  }
0x23: {  	s7 =	sadd.s32 s2, s20;
	[smem:$0x7A2] =	sst s21  }
0x24: {  	s22 =	sor.u32 $0x101000, s4;
	s6 =	sadd.s32 s2, s26;
	[smem:$0x7A3] =	sst s7  }
0x25: {  	s24 =	sor.u32 $0x181000, s4;
	s23 =	sadd.s32 s0, s22;
	[dreg:$0x1a] =	wrdreg s6  }
0x26: {  	s25 =	sadd.s32 s0, s24;
	[smem:$0x7A4] =	sst s23  }
0x27: {  	s7 =	sadd.s32 s2, s24;
	[smem:$0x7A6] =	sst s25  }
0x28: {  	s26 =	sor.u32 $0x201000, s4;
	s6 =	sadd.s32 s2, s9;
	[smem:$0x7A7] =	sst s7  }
0x29: {  	s14 =	sor.u32 $0x1800, s4;
	s8 =	sadd.s32 s0, s26;
	[dreg:$0x1c] =	wrdreg s6  }
0x2a: {  	s18 =	sor.u32 $0x81800, s4;
	s16 =	sadd.s32 s5, s14;
	[smem:$0x7A8] =	sst s8  }
0x2b: {  	s19 =	sor.u32 $0x101800, s4;
	s20 =	sadd.s32 s0, s18;
	[smem:$0x7B0] =	sst s16  }
0x2c: {  	s21 =	sadd.s32 s0, s19;
	[smem:$0x7B3] =	sst s20  }
0x2d: {  	s9 =	sor.u32 $0x281000, s4;
	s6 =	sadd.s32 s2, s11;
	[smem:$0x7B5] =	sst s21  }
0x2e: {  	s10 =	sadd.s32 s0, s9;
	[dreg:$0x1e] =	wrdreg s6  }
0x2f: {  	s23 =	sor.u32 $0x181800, s4;
	s7 =	sadd.s32 s2, s9;
	[smem:$0x7AA] =	sst s10  }
0x30: {  	s24 =	sor.u32 $0x201800, s4;
	s25 =	sadd.s32 s0, s23;
	[smem:$0x7AB] =	sst s7  }
0x31: {  	s8 =	sadd.s32 s2, s24;
	[smem:$0x7B7] =	sst s25  }
0x32: {  	s11 =	sor.u32 $0x301000, s4;
	s6 =	sadd.s32 s2, s13;
	[smem:$0x7BA] =	sst s8  }
0x33: {  	s12 =	sadd.s32 s0, s11;
	[smem:$0x79C] =	sst s6  }
0x34: {  	s13 =	sor.u32 $0x381000, s4;
	s6 =	sadd.s32 s2, s15;
	[smem:$0x7AC] =	sst s12  }
0x35: {  	s15 =	sadd.s32 s0, s13;
	[smem:$0x79E] =	sst s6  }
0x36: {  	s10 =	sor.u32 $0x301800, s4;
	s7 =	sadd.s32 s2, s13;
	[smem:$0x7AE] =	sst s15  }
0x37: {  	s12 =	sadd.s32 s0, s10;
	[smem:$0x7AF] =	sst s7  }
0x38: {  	s13 =	sadd.s32 s2, s10;
	[smem:$0x7BD] =	sst s12  }
0x39: {  	s6 =	sadd.s32 s2, s17;
	[smem:$0x7BE] =	sst s13  }
0x3a: {  	s17 =	sadd.s32 s0, s14;
	[smem:$0x7A1] =	sst s6  }
0x3b: {  	s6 =	sadd.s32 s2, s22;
	[smem:$0x7B1] =	sst s17  }
0x3c: {  	s15 =	sor.u32 $0x381800, s4;
	s22 =	sadd.s32 s2, s19;
	[smem:$0x7A5] =	sst s6  }
0x3d: {  	s16 =	sadd.s32 s0, s15;
	[smem:$0x7B6] =	sst s22  }
0x3e: {  	s12 =	sor.u32 $0x382000, s4;
	s7 =	sadd.s32 s2, s15;
	[smem:$0x7BF] =	sst s16  }
0x3f: {  	s13 =	sadd.s32 s0, s12;
	[smem:$0x7C0] =	sst s7  }
0x40: {  	s6 =	sadd.s32 s2, s26;
	[smem:$0x7D0] =	sst s13  }
0x41: {  	s19 =	sor.u32 $0x82000, s4;
	s26 =	sadd.s32 s0, s24;
	[smem:$0x7A9] =	sst s6  }
0x42: {  	s21 =	sor.u32 $0x102000, s4;
	s20 =	sadd.s32 s0, s19;
	[smem:$0x7B9] =	sst s26  }
0x43: {  	s22 =	sadd.s32 s0, s21;
	[smem:$0x7C4] =	sst s20  }
0x44: {  	s13 =	sadd.s32 s5, s4;
	[smem:$0x7C6] =	sst s22  }
0x45: {  	s9 =	sor.u32 $0x281800, s4;
	s6 =	sadd.s32 s2, s11;
	[smem:$0x7E3] =	sst s13  }
0x46: {  	s25 =	sor.u32 $0x202000, s4;
	s11 =	sadd.s32 s0, s9;
	[smem:$0x7AD] =	sst s6  }
0x47: {  	s26 =	sadd.s32 s0, s25;
	[smem:$0x7BB] =	sst s11  }
0x48: {  	s10 =	sor.u32 $0x302000, s4;
	s6 =	sadd.s32 s2, s14;
	[smem:$0x7CA] =	sst s26  }
0x49: {  	s11 =	sadd.s32 s0, s10;
	[smem:$0x7B2] =	sst s6  }
0x4a: {  	s14 =	sor.u32 $0x2000, s4;
	s6 =	sadd.s32 s2, s18;
	[smem:$0x7CE] =	sst s11  }
0x4b: {  	s17 =	sadd.s32 s5, s14;
	[smem:$0x7B4] =	sst s6  }
0x4c: {  	s18 =	sadd.s32 s0, s14;
	[smem:$0x7C1] =	sst s17  }
0x4d: {  	s6 =	sadd.s32 s2, s23;
	[smem:$0x7C2] =	sst s18  }
0x4e: {  	s23 =	sor.u32 $0x182000, s4;
	[smem:$0x7B8] =	sst s6;
	s6 =	sadd.s32 s2, s9  }
0x4f: {  	s8 =	sor.u32 $0x282000, s4;
	s24 =	sadd.s32 s0, s23;
	[smem:$0x7BC] =	sst s6  }
0x50: {  	s17 =	sor.u32 $0x82800, s4;
	s9 =	sadd.s32 s0, s8;
	[smem:$0x7C8] =	sst s24  }
0x51: {  	s18 =	sadd.s32 s0, s17;
	[smem:$0x7CC] =	sst s9  }
0x52: {  	s7 =	sadd.s32 s2, s17;
	[smem:$0x7D5] =	sst s18  }
0x53: {  	s6 =	sadd.s32 s2, s14;
	[smem:$0x7D6] =	sst s7  }
0x54: {  	s14 =	sor.u32 $0x2800, s4;
	[smem:$0x7C3] =	sst s6;
	s6 =	sadd.s32 s2, s19  }
0x55: {  	s15 =	sadd.s32 s5, s14;
	[smem:$0x7C5] =	sst s6  }
0x56: {  	s16 =	sadd.s32 s0, s14;
	[smem:$0x7D2] =	sst s15  }
0x57: {  	s19 =	sor.u32 $0x102800, s4;
	s6 =	sadd.s32 s2, s21;
	[smem:$0x7D3] =	sst s16  }
0x58: {  	s20 =	sadd.s32 s0, s19;
	[smem:$0x7C7] =	sst s6  }
0x59: {  	s21 =	sor.u32 $0x182800, s4;
	s6 =	sadd.s32 s2, s23;
	[smem:$0x7D7] =	sst s20  }
0x5a: {  	s22 =	sadd.s32 s0, s21;
	[smem:$0x7C9] =	sst s6  }
0x5b: {  	s16 =	sor.u32 $0x83000, s4;
	s7 =	sadd.s32 s2, s21;
	[smem:$0x7D9] =	sst s22  }
0x5c: {  	s18 =	sadd.s32 s0, s16;
	[smem:$0x7DA] =	sst s7  }
0x5d: {  	s23 =	sor.u32 $0x202800, s4;
	s6 =	sadd.s32 s2, s25;
	[smem:$0x7E8] =	sst s18  }
0x5e: {  	s20 =	sor.u32 $0x183000, s4;
	s24 =	sadd.s32 s0, s23;
	[smem:$0x7CB] =	sst s6  }
0x5f: {  	s22 =	sadd.s32 s0, s20;
	[smem:$0x7DB] =	sst s24  }
0x60: {  	s25 =	sor.u32 $0x282800, s4;
	s6 =	sadd.s32 s2, s8;
	[smem:$0x7EC] =	sst s22  }
0x61: {  	s26 =	sadd.s32 s0, s25;
	[smem:$0x7CD] =	sst s6  }
0x62: {  	s7 =	sadd.s32 s2, s25;
	[smem:$0x7DD] =	sst s26  }
0x63: {  	s8 =	sor.u32 $0x302800, s4;
	s6 =	sadd.s32 s2, s10;
	[smem:$0x7DE] =	sst s7  }
0x64: {  	s24 =	sor.u32 $0x203000, s4;
	s9 =	sadd.s32 s0, s8;
	[smem:$0x7CF] =	sst s6  }
0x65: {  	s28 =	simm.s32 $0x7;
	s26 =	sadd.s32 s0, s24;
	[smem:$0x7DF] =	sst s9  }
0x66: {  	s10 =	sor.u32 $0x382800, s4;
	s6 =	sadd.s32 s2, s12;
	[smem:$0x7EE] =	sst s26  }
0x67: {  	s29 =	simm.s32 $0x5;
	s11 =	sadd.s32 s0, s10;
	[smem:$0x7D1] =	sst s6  }
0x68: {  	s25 =	sor.u32 $0x283000, s4;
	s12 =	sadd.s32 s2, s10;
	[smem:$0x7E1] =	sst s11  }
0x69: {  	s30 =	simm.s32 $0x8;
	s9 =	sadd.s32 s0, s25;
	[smem:$0x7E2] =	sst s12  }
0x6a: {  	s7 =	sor.u32 $0x3800, s4;
	s10 =	sadd.s32 s2, s25;
	[smem:$0x7F0] =	sst s9  }
0x6b: {  	s31 =	simm.s32 $0x6;
	s18 =	sadd.s32 s2, s7;
	[smem:$0x7F1] =	sst s10  }
0x6c: {  	s22 =	sor.u32 $0x183800, s4;
	s6 =	sadd.s32 s2, s14;
	[smem:$0x7F7] =	sst s18  }
0x6d: {  	s14 =	sor.u32 $0x3000, s4;
	[smem:$0x7D4] =	sst s6;
	s6 =	sadd.s32 s2, s19  }
0x6e: {  	s25 =	sor.u32 $0x283800, s4;
	s15 =	sadd.s32 s5, s14;
	[smem:$0x7D8] =	sst s6  }
0x6f: {  	s26 =	sor.u32 $0x303800, s4;
	s5 =	sadd.s32 s5, s7;
	[smem:$0x7E4] =	sst s15  }
0x70: {  	s11 =	sor.u32 $0x303000, s4;
	s17 =	sadd.s32 s0, s14;
	[smem:$0x7E5] =	sst s5  }
0x71: {  	s12 =	sor.u32 $0x383000, s4;
	s13 =	sadd.s32 s0, s11;
	[smem:$0x7E6] =	sst s17  }
0x72: {  	s10 =	sadd.s32 s0, s4;
	s6 =	sadd.s32 s2, s23;
	[smem:$0x7F2] =	sst s13  }
0x73: {  	s19 =	sor.u32 $0x103000, s4;
	s5 =	sadd.s32 s2, s16;
	[smem:$0x7DC] =	sst s6  }
0x74: {  	s18 =	smax.u32 s3, $0x1;
	s21 =	sadd.s32 s0, s19;
	[smem:$0x7E9] =	sst s5  }
0x75: {  	s3 =	simm.s32 $0x2;
	s23 =	sadd.s32 s2, s20;
	[smem:$0x7EA] =	sst s21  }
0x76: {  	s15 =	sadd.s32 s2, s12;
	s16 =	sadd.s32 s0, s7;
	[smem:$0x7ED] =	sst s23  }
0x77: {  	s17 =	sor.u32 $0x83800, s4;
	s20 =	sor.u32 $0x103800, s4;
	[smem:$0x7F5] =	sst s15  }
0x78: {  	s13 =	sadd.s32 s0, s26;
	s6 =	sadd.s32 s2, s8;
	[smem:$0x7F6] =	sst s16  }
0x79: {  	s5 =	sadd.s32 s2, s19;
	s19 =	sadd.s32 s0, s17;
	[smem:$0x7E0] =	sst s6  }
0x7a: {  	s21 =	sadd.s32 s0, s20;
	s23 =	sadd.s32 s0, s22;
	[smem:$0x7EB] =	sst s5  }
0x7b: {  	s15 =	sadd.s32 s2, s25;
	s16 =	sadd.s32 s2, s26;
	[smem:$0x7F8] =	sst s19  }
0x7c: {  	s26 =	simm.s32 $0x4;
	s6 =	sadd.s32 s2, s14;
	[smem:$0x7FA] =	sst s21  }
0x7d: {  	s5 =	sadd.s32 s2, s24;
	s14 =	sadd.s32 s0, s12;
	[smem:$0x7FC] =	sst s23  }
0x7e: {  	s24 =	sor.u32 $0x203800, s4;
	s12 =	sadd.s32 s0, s25;
	s19 =	simm.s32 $0x8000  }
0x7f: {  	s21 =	simm.s32 $0x1;
	s23 =	simm.s32 $0x10000;
	[smem:$0x7E7] =	sst s6  }
0x80: {  	s25 =	simm.s32 $0x14000;
	[smem:$0x7EF] =	sst s5;
	s5 =	sadd.s32 s2, s11  }
0x81: {  	[smem:$0x7F4] =	sst s14;
	s6 =	sadd.s32 s2, s20;
	s8 =	sadd.s32 s0, s24  }
0x82: {  	s9 =	sadd.s32 s2, s24;
	s11 =	sadd.s32 s2, s4;
	s4 =	sor.u32 $0x383800, s4  }
0x83: {  	s20 =	simm.s32 $0xC000;
	s24 =	simm.s32 $0x3;
	[smem:$0x7F3] =	sst s5  }
0x84: {  	s5 =	sadd.s32 s2, s17;
	[smem:$0x7FB] =	sst s6;
	s14 =	sadd.s32 s0, s4  }
0x85: {  	s17 =	sadd.s32 s2, s4;
	[smem:$0x7F9] =	sst s5;
	s5 =	sadd.s32 s2, s22  }
0x86: {  	s0 =	simm.s32 $0x9;
	s4 =	simm.s32 $0x0;
	[smem:$0x7FD] =	sst s5  }
0x87: {  	s22 =	simm.s32 $0x4000;
	s2 =	simm.s32 $0xA;
	_ =	strace $0x80000047  }
.LBB2_1:
0x88: {  	s5 =	sld [smem:$0x7E3];
	_ =	sdelay $0x2  }
0x89: {  	[tilespmem:s1], [sflag:$0x1] =	stream.linear.gather [hbm4b:s5+s1], $0x4000, $0x38;
	[tilespmem:$0x18000] =	vst v63  }
0x8a: {  	_ = 	snop  }
0x8b: {  	[tilespmem:s19], [sflag:$0x3] =	stream.linear.gather [hbm4b:s10+s1], $0x4000, $0x38;
	[tilespmem:$0x18000] =	vst v63  }
0x8c: {  	s7 =	rddreg [dreg:$0x4]  }
0x8d: {  	[tilespmem:s20], [sflag:$0x4] =	stream.linear.gather [hbm4b:s7+s1], $0x4000, $0x38;
	[tilespmem:$0x18000] =	vst v63  }
0x8e: {  	_ =	swait.ge [sflag:s21], $0x4000  }
0x8f: {  	[sflag:s21] =	ssyncset.done $0x0  }
0x90: {  	s6 =	rddreg [dreg:$0x5];
	[sflag:s21] =	ssyncadd.s32 $0xFFFFC000  }
0x91: {  	[tilespmem:s22], [sflag:$0x2] =	stream.linear.gather [hbm4b:s6+s1], $0x4000, $0x38;
	[tilespmem:$0x18000] =	vst v63  }
0x92: {  	s7 =	rddreg [dreg:$0x6]  }
0x93: {  	[tilespmem:s23], [sflag:$0x5] =	stream.linear.gather [hbm4b:s7+s1], $0x4000, $0x38;
	[tilespmem:$0x18000] =	vst v63  }
0x94: {  	_ =	swait.ge [sflag:s24], $0x4000  }
0x95: {  	[sflag:s24] =	ssyncset.done $0x0  }
0x96: {  	s5 =	simm.s32 $0x0;
	[sflag:s24] =	ssyncadd.s32 $0xFFFFC000  }
0x97: {  	v0 =	vld [tilespmem:s5+$0x70]  }
0x98: {  	v1 =	vld [tilespmem:s5+$0x0]  }
0x99: {  	v2 =	vld [tilespmem:s5+$0x10]  }
0x9a: {  	v3 =	vld [tilespmem:s5+$0x20]  }
0x9b: {  	v4 =	vld [tilespmem:s5+$0x30]  }
0x9c: {  	v5 =	vld [tilespmem:s5+$0x40]  }
0x9d: {  	v6 =	vld [tilespmem:s5+$0x50]  }
0x9e: {  	[tilespmem:s5+$0x8070] =	vst.add.f32.msk $0xffff, v0  }
0x9f: {  	v0 =	vld [tilespmem:s5+$0x60]  }
0xa0: {  	[tilespmem:s5+$0x8000] =	vst.add.f32.msk $0xffff, v1  }
0xa1: {  	[tilespmem:s5+$0x8010] =	vst.add.f32.msk $0xffff, v2  }
0xa2: {  	[tilespmem:s5+$0x8020] =	vst.add.f32.msk $0xffff, v3  }
0xa3: {  	[tilespmem:s5+$0x8030] =	vst.add.f32.msk $0xffff, v4  }
0xa4: {  	[tilespmem:s5+$0x8040] =	vst.add.f32.msk $0xffff, v5  }
0xa5: {  	s6 =	simm.s32 $0x0;
	s7 =	simm.s32 $0x200;
	[tilespmem:s5+$0x8050] =	vst.add.f32.msk $0xffff, v6  }
.LBB2_2:
0xa6: {  	s6 =	sadd.s32 $0x80, s6;
	[tilespmem:s5+$0x8060] =	vst.add.f32.msk $0xffff, v0;
	s5 =	sshra.s32 s7, $0x2  }
0xa7: {  	v0 =	vld [tilespmem:s5+$0x70];
	p0 =	slt.u32 s6, $0x3F80  }
0xa8: {  	v1 =	vld [tilespmem:s5+$0x0]  }
0xa9: {  	v2 =	vld [tilespmem:s5+$0x10]  }
0xaa: {  	v3 =	vld [tilespmem:s5+$0x20]  }
0xab: {  	v4 =	vld [tilespmem:s5+$0x30]  }
0xac: {  	[tilespmem:s5+$0x8070] =	vst.add.f32.msk $0xffff, v0  }
0xad: {  	v5 =	vld [tilespmem:s5+$0x40]  }
0xae: {  	v6 =	vld [tilespmem:s5+$0x50]  }
0xaf: {  	v0 =	vld [tilespmem:s5+$0x60]  }
0xb0: {  	[tilespmem:s5+$0x8000] =	vst.add.f32.msk $0xffff, v1  }
.Ltmp0:
0xb1: {  	[tilespmem:s5+$0x8010] =	vst.add.f32.msk $0xffff, v2;
	(pc) =	sbr.rel @p0 .LBB2_2-.Ltmp0, $4  }
0xb2: {  	[tilespmem:s5+$0x8020] =	vst.add.f32.msk $0xffff, v3  }
0xb3: {  	[tilespmem:s5+$0x8030] =	vst.add.f32.msk $0xffff, v4  }
0xb4: {  	[tilespmem:s5+$0x8040] =	vst.add.f32.msk $0xffff, v5  }
0xb5: {  	s7 =	sadd.s32 $0x200, s7;
	[tilespmem:s5+$0x8050] =	vst.add.f32.msk $0xffff, v6  }
0xb6: {  	[tilespmem:s5+$0x8060] =	vst.add.f32.msk $0xffff, v0;
	s7 =	simm.s32 $0x0  }
0xb7: {  	[hbm4b:s11+s7] =	stream.linear.scatter [tilespmem:s19], [sflag:$0x7], $0x4000, $0x38;
	[tilespmem:$0x18000] =	vst v63  }
0xb8: {  	s6 =	rddreg [dreg:$0x7]  }
0xb9: {  	[tilespmem:s25], [sflag:$0x6] =	stream.linear.gather [hbm4b:s6+s7], $0x4000, $0x38;
	[tilespmem:$0x18000] =	vst v63  }
0xba: {  	_ =	swait.ge [sflag:s26], $0x4000  }
0xbb: {  	[sflag:s26] =	ssyncset.done $0x0  }
0xbc: {  	s5 =	simm.s32 $0x0;
	[sflag:s26] =	ssyncadd.s32 $0xFFFFC000  }
0xbd: {  	v0 =	vld [tilespmem:s5+$0x70]  }
0xbe: {  	v1 =	vld [tilespmem:s5+$0x0]  }
0xbf: {  	v2 =	vld [tilespmem:s5+$0x10]  }
0xc0: {  	v3 =	vld [tilespmem:s5+$0x20]  }
0xc1: {  	v4 =	vld [tilespmem:s5+$0x30]  }
0xc2: {  	v5 =	vld [tilespmem:s5+$0x40]  }
0xc3: {  	v6 =	vld [tilespmem:s5+$0x50]  }
0xc4: {  	[tilespmem:s5+$0xC070] =	vst.add.f32.msk $0xffff, v0  }
0xc5: {  	v0 =	vld [tilespmem:s5+$0x60]  }
0xc6: {  	[tilespmem:s5+$0xC000] =	vst.add.f32.msk $0xffff, v1  }
0xc7: {  	[tilespmem:s5+$0xC010] =	vst.add.f32.msk $0xffff, v2  }
0xc8: {  	[tilespmem:s5+$0xC020] =	vst.add.f32.msk $0xffff, v3  }
0xc9: {  	[tilespmem:s5+$0xC030] =	vst.add.f32.msk $0xffff, v4  }
0xca: {  	[tilespmem:s5+$0xC040] =	vst.add.f32.msk $0xffff, v5  }
0xcb: {  	s6 =	simm.s32 $0x0;
	s7 =	simm.s32 $0x200;
	[tilespmem:s5+$0xC050] =	vst.add.f32.msk $0xffff, v6  }
.LBB2_4:
0xcc: {  	s6 =	sadd.s32 $0x80, s6;
	[tilespmem:s5+$0xC060] =	vst.add.f32.msk $0xffff, v0;
	s5 =	sshra.s32 s7, $0x2  }
0xcd: {  	v0 =	vld [tilespmem:s5+$0x70];
	p0 =	slt.u32 s6, $0x3F80  }
0xce: {  	v1 =	vld [tilespmem:s5+$0x0]  }
0xcf: {  	v2 =	vld [tilespmem:s5+$0x10]  }
0xd0: {  	v3 =	vld [tilespmem:s5+$0x20]  }
0xd1: {  	v4 =	vld [tilespmem:s5+$0x30]  }
0xd2: {  	[tilespmem:s5+$0xC070] =	vst.add.f32.msk $0xffff, v0  }
0xd3: {  	v5 =	vld [tilespmem:s5+$0x40]  }
0xd4: {  	v6 =	vld [tilespmem:s5+$0x50]  }
0xd5: {  	v0 =	vld [tilespmem:s5+$0x60]  }
0xd6: {  	[tilespmem:s5+$0xC000] =	vst.add.f32.msk $0xffff, v1  }
.Ltmp1:
0xd7: {  	[tilespmem:s5+$0xC010] =	vst.add.f32.msk $0xffff, v2;
	(pc) =	sbr.rel @p0 .LBB2_4-.Ltmp1, $4  }
0xd8: {  	[tilespmem:s5+$0xC020] =	vst.add.f32.msk $0xffff, v3  }
0xd9: {  	[tilespmem:s5+$0xC030] =	vst.add.f32.msk $0xffff, v4  }
0xda: {  	[tilespmem:s5+$0xC040] =	vst.add.f32.msk $0xffff, v5  }
0xdb: {  	s7 =	sadd.s32 $0x200, s7;
	[tilespmem:s5+$0xC050] =	vst.add.f32.msk $0xffff, v6  }
0xdc: {  	[tilespmem:s5+$0xC060] =	vst.add.f32.msk $0xffff, v0  }
0xdd: {  	s5 =	simm.s32 $0x0;
	s6 =	rddreg [dreg:$0x8]  }
0xde: {  	[hbm4b:s6+s5] =	stream.linear.scatter [tilespmem:s20], [sflag:$0x8], $0x4000, $0x38;
	[tilespmem:$0x18000] =	vst v63  }
0xdf: {  	_ =	swait.ge [sflag:s28], $0x4000  }
0xe0: {  	[sflag:s28] =	ssyncset.done $0x0  }
0xe1: {  	s7 =	rddreg [dreg:$0x9];
	[sflag:s28] =	ssyncadd.s32 $0xFFFFC000  }
0xe2: {  	[tilespmem:s19], [sflag:$0x3] =	stream.linear.gather [hbm4b:s7+s5], $0x4000, $0x38;
	[tilespmem:$0x18000] =	vst v63  }
0xe3: {  	_ =	swait.ge [sflag:s29], $0x4000  }
0xe4: {  	[sflag:s29] =	ssyncset.done $0x0  }
0xe5: {  	s5 =	simm.s32 $0x0;
	[sflag:s29] =	ssyncadd.s32 $0xFFFFC000  }
0xe6: {  	v0 =	vld [tilespmem:s5+$0x70]  }
0xe7: {  	v1 =	vld [tilespmem:s5+$0x0]  }
0xe8: {  	v2 =	vld [tilespmem:s5+$0x10]  }
0xe9: {  	v3 =	vld [tilespmem:s5+$0x20]  }
0xea: {  	v4 =	vld [tilespmem:s5+$0x30]  }
0xeb: {  	v5 =	vld [tilespmem:s5+$0x40]  }
0xec: {  	v6 =	vld [tilespmem:s5+$0x50]  }
0xed: {  	[tilespmem:s5+$0x10070] =	vst.add.f32.msk $0xffff, v0  }
0xee: {  	v0 =	vld [tilespmem:s5+$0x60]  }
0xef: {  	[tilespmem:s5+$0x10000] =	vst.add.f32.msk $0xffff, v1  }
0xf0: {  	[tilespmem:s5+$0x10010] =	vst.add.f32.msk $0xffff, v2  }
0xf1: {  	[tilespmem:s5+$0x10020] =	vst.add.f32.msk $0xffff, v3  }
0xf2: {  	[tilespmem:s5+$0x10030] =	vst.add.f32.msk $0xffff, v4  }
0xf3: {  	[tilespmem:s5+$0x10040] =	vst.add.f32.msk $0xffff, v5  }
0xf4: {  	s6 =	simm.s32 $0x0;
	s7 =	simm.s32 $0x200;
	[tilespmem:s5+$0x10050] =	vst.add.f32.msk $0xffff, v6  }
.LBB2_6:
0xf5: {  	s6 =	sadd.s32 $0x80, s6;
	[tilespmem:s5+$0x10060] =	vst.add.f32.msk $0xffff, v0;
	s5 =	sshra.s32 s7, $0x2  }
0xf6: {  	v0 =	vld [tilespmem:s5+$0x70];
	p0 =	slt.u32 s6, $0x3F80  }
0xf7: {  	v1 =	vld [tilespmem:s5+$0x0]  }
0xf8: {  	v2 =	vld [tilespmem:s5+$0x10]  }
0xf9: {  	v3 =	vld [tilespmem:s5+$0x20]  }
0xfa: {  	v4 =	vld [tilespmem:s5+$0x30]  }
0xfb: {  	[tilespmem:s5+$0x10070] =	vst.add.f32.msk $0xffff, v0  }
0xfc: {  	v5 =	vld [tilespmem:s5+$0x40]  }
0xfd: {  	v6 =	vld [tilespmem:s5+$0x50]  }
0xfe: {  	v0 =	vld [tilespmem:s5+$0x60]  }
0xff: {  	[tilespmem:s5+$0x10000] =	vst.add.f32.msk $0xffff, v1  }
.Ltmp2:
0x100: {  	[tilespmem:s5+$0x10010] =	vst.add.f32.msk $0xffff, v2;
	(pc) =	sbr.rel @p0 .LBB2_6-.Ltmp2, $4  }
0x101: {  	[tilespmem:s5+$0x10020] =	vst.add.f32.msk $0xffff, v3  }
0x102: {  	[tilespmem:s5+$0x10030] =	vst.add.f32.msk $0xffff, v4  }
0x103: {  	[tilespmem:s5+$0x10040] =	vst.add.f32.msk $0xffff, v5  }
0x104: {  	s7 =	sadd.s32 $0x200, s7;
	[tilespmem:s5+$0x10050] =	vst.add.f32.msk $0xffff, v6  }
0x105: {  	[tilespmem:s5+$0x10060] =	vst.add.f32.msk $0xffff, v0  }
0x106: {  	s5 =	simm.s32 $0x0;
	s6 =	rddreg [dreg:$0xa]  }
0x107: {  	[hbm4b:s6+s5] =	stream.linear.scatter [tilespmem:s23], [sflag:$0x9], $0x4000, $0x38;
	[tilespmem:$0x18000] =	vst v63  }
0x108: {  	_ =	swait.ge [sflag:s30], $0x4000  }
0x109: {  	[sflag:s30] =	ssyncset.done $0x0  }
0x10a: {  	s7 =	rddreg [dreg:$0xb];
	[sflag:s30] =	ssyncadd.s32 $0xFFFFC000  }
0x10b: {  	[tilespmem:s20], [sflag:$0x4] =	stream.linear.gather [hbm4b:s7+s5], $0x4000, $0x38;
	[tilespmem:$0x18000] =	vst v63  }
0x10c: {  	_ =	swait.ge [sflag:s31], $0x4000  }
0x10d: {  	[sflag:s31] =	ssyncset.done $0x0  }
0x10e: {  	s5 =	simm.s32 $0x0;
	[sflag:s31] =	ssyncadd.s32 $0xFFFFC000  }
0x10f: {  	v0 =	vld [tilespmem:s5+$0x70]  }
0x110: {  	v1 =	vld [tilespmem:s5+$0x0]  }
0x111: {  	v2 =	vld [tilespmem:s5+$0x10]  }
0x112: {  	v3 =	vld [tilespmem:s5+$0x20]  }
0x113: {  	v4 =	vld [tilespmem:s5+$0x30]  }
0x114: {  	v5 =	vld [tilespmem:s5+$0x40]  }
0x115: {  	v6 =	vld [tilespmem:s5+$0x50]  }
0x116: {  	[tilespmem:s5+$0x14070] =	vst.add.f32.msk $0xffff, v0  }
0x117: {  	v0 =	vld [tilespmem:s5+$0x60]  }
0x118: {  	[tilespmem:s5+$0x14000] =	vst.add.f32.msk $0xffff, v1  }
0x119: {  	[tilespmem:s5+$0x14010] =	vst.add.f32.msk $0xffff, v2  }
0x11a: {  	[tilespmem:s5+$0x14020] =	vst.add.f32.msk $0xffff, v3  }
0x11b: {  	[tilespmem:s5+$0x14030] =	vst.add.f32.msk $0xffff, v4  }
0x11c: {  	[tilespmem:s5+$0x14040] =	vst.add.f32.msk $0xffff, v5  }
0x11d: {  	s6 =	simm.s32 $0x0;
	s7 =	simm.s32 $0x200;
	[tilespmem:s5+$0x14050] =	vst.add.f32.msk $0xffff, v6  }
.LBB2_8:
0x11e: {  	s6 =	sadd.s32 $0x80, s6;
	[tilespmem:s5+$0x14060] =	vst.add.f32.msk $0xffff, v0;
	s5 =	sshra.s32 s7, $0x2  }
0x11f: {  	v0 =	vld [tilespmem:s5+$0x70];
	p0 =	slt.u32 s6, $0x3F80  }
0x120: {  	v1 =	vld [tilespmem:s5+$0x0]  }
0x121: {  	v2 =	vld [tilespmem:s5+$0x10]  }
0x122: {  	v3 =	vld [tilespmem:s5+$0x20]  }
0x123: {  	v4 =	vld [tilespmem:s5+$0x30]  }
0x124: {  	[tilespmem:s5+$0x14070] =	vst.add.f32.msk $0xffff, v0  }
0x125: {  	v5 =	vld [tilespmem:s5+$0x40]  }
0x126: {  	v6 =	vld [tilespmem:s5+$0x50]  }
0x127: {  	v0 =	vld [tilespmem:s5+$0x60]  }
0x128: {  	[tilespmem:s5+$0x14000] =	vst.add.f32.msk $0xffff, v1  }
.Ltmp3:
0x129: {  	[tilespmem:s5+$0x14010] =	vst.add.f32.msk $0xffff, v2;
	(pc) =	sbr.rel @p0 .LBB2_8-.Ltmp3, $4  }
0x12a: {  	[tilespmem:s5+$0x14020] =	vst.add.f32.msk $0xffff, v3  }
0x12b: {  	[tilespmem:s5+$0x14030] =	vst.add.f32.msk $0xffff, v4  }
0x12c: {  	[tilespmem:s5+$0x14040] =	vst.add.f32.msk $0xffff, v5  }
0x12d: {  	s7 =	sadd.s32 $0x200, s7;
	[tilespmem:s5+$0x14050] =	vst.add.f32.msk $0xffff, v6  }
0x12e: {  	[tilespmem:s5+$0x14060] =	vst.add.f32.msk $0xffff, v0  }
0x12f: {  	s5 =	simm.s32 $0x0;
	s6 =	rddreg [dreg:$0xc]  }
0x130: {  	[hbm4b:s6+s5] =	stream.linear.scatter [tilespmem:s25], [sflag:$0xA], $0x4000, $0x38;
	[tilespmem:$0x18000] =	vst v63  }
0x131: {  	_ =	swait.ge [sflag:s0], $0x4000  }
0x132: {  	[sflag:s0] =	ssyncset.done $0x0  }
0x133: {  	s7 =	rddreg [dreg:$0xd];
	[sflag:s0] =	ssyncadd.s32 $0xFFFFC000  }
0x134: {  	[tilespmem:s23], [sflag:$0x5] =	stream.linear.gather [hbm4b:s7+s5], $0x4000, $0x38;
	[tilespmem:$0x18000] =	vst v63  }
0x135: {  	_ =	swait.ge [sflag:s24], $0x4000  }
0x136: {  	[sflag:s24] =	ssyncset.done $0x0  }
0x137: {  	s5 =	simm.s32 $0x0;
	[sflag:s24] =	ssyncadd.s32 $0xFFFFC000  }
0x138: {  	v0 =	vld [tilespmem:s5+$0x70]  }
0x139: {  	v1 =	vld [tilespmem:s5+$0x0]  }
0x13a: {  	v2 =	vld [tilespmem:s5+$0x10]  }
0x13b: {  	v3 =	vld [tilespmem:s5+$0x20]  }
0x13c: {  	v4 =	vld [tilespmem:s5+$0x30]  }
0x13d: {  	v5 =	vld [tilespmem:s5+$0x40]  }
0x13e: {  	v6 =	vld [tilespmem:s5+$0x50]  }
0x13f: {  	[tilespmem:s5+$0x8070] =	vst.add.f32.msk $0xffff, v0  }
0x140: {  	v0 =	vld [tilespmem:s5+$0x60]  }
0x141: {  	[tilespmem:s5+$0x8000] =	vst.add.f32.msk $0xffff, v1  }
0x142: {  	[tilespmem:s5+$0x8010] =	vst.add.f32.msk $0xffff, v2  }
0x143: {  	[tilespmem:s5+$0x8020] =	vst.add.f32.msk $0xffff, v3  }
0x144: {  	[tilespmem:s5+$0x8030] =	vst.add.f32.msk $0xffff, v4  }
0x145: {  	[tilespmem:s5+$0x8040] =	vst.add.f32.msk $0xffff, v5  }
0x146: {  	s6 =	simm.s32 $0x0;
	s7 =	simm.s32 $0x200;
	[tilespmem:s5+$0x8050] =	vst.add.f32.msk $0xffff, v6  }
.LBB2_10:
0x147: {  	s6 =	sadd.s32 $0x80, s6;
	[tilespmem:s5+$0x8060] =	vst.add.f32.msk $0xffff, v0;
	s5 =	sshra.s32 s7, $0x2  }
0x148: {  	v0 =	vld [tilespmem:s5+$0x70];
	p0 =	slt.u32 s6, $0x3F80  }
0x149: {  	v1 =	vld [tilespmem:s5+$0x0]  }
0x14a: {  	v2 =	vld [tilespmem:s5+$0x10]  }
0x14b: {  	v3 =	vld [tilespmem:s5+$0x20]  }
0x14c: {  	v4 =	vld [tilespmem:s5+$0x30]  }
0x14d: {  	[tilespmem:s5+$0x8070] =	vst.add.f32.msk $0xffff, v0  }
0x14e: {  	v5 =	vld [tilespmem:s5+$0x40]  }
0x14f: {  	v6 =	vld [tilespmem:s5+$0x50]  }
0x150: {  	v0 =	vld [tilespmem:s5+$0x60]  }
0x151: {  	[tilespmem:s5+$0x8000] =	vst.add.f32.msk $0xffff, v1  }
.Ltmp4:
0x152: {  	[tilespmem:s5+$0x8010] =	vst.add.f32.msk $0xffff, v2;
	(pc) =	sbr.rel @p0 .LBB2_10-.Ltmp4, $4  }
0x153: {  	[tilespmem:s5+$0x8020] =	vst.add.f32.msk $0xffff, v3  }
0x154: {  	[tilespmem:s5+$0x8030] =	vst.add.f32.msk $0xffff, v4  }
0x155: {  	[tilespmem:s5+$0x8040] =	vst.add.f32.msk $0xffff, v5  }
0x156: {  	s7 =	sadd.s32 $0x200, s7;
	[tilespmem:s5+$0x8050] =	vst.add.f32.msk $0xffff, v6  }
0x157: {  	[tilespmem:s5+$0x8060] =	vst.add.f32.msk $0xffff, v0  }
0x158: {  	s5 =	simm.s32 $0x0;
	s6 =	rddreg [dreg:$0xe]  }
0x159: {  	[hbm4b:s6+s5] =	stream.linear.scatter [tilespmem:s19], [sflag:$0x7], $0x4000, $0x38;
	[tilespmem:$0x18000] =	vst v63  }
0x15a: {  	_ =	swait.ge [sflag:s2], $0x4000  }
0x15b: {  	[sflag:s2] =	ssyncset.done $0x0  }
0x15c: {  	s7 =	rddreg [dreg:$0xf];
	[sflag:s2] =	ssyncadd.s32 $0xFFFFC000  }
0x15d: {  	[tilespmem:s25], [sflag:$0x6] =	stream.linear.gather [hbm4b:s7+s5], $0x4000, $0x38;
	[tilespmem:$0x18000] =	vst v63  }
0x15e: {  	_ =	swait.ge [sflag:s26], $0x4000  }
0x15f: {  	[sflag:s26] =	ssyncset.done $0x0  }
0x160: {  	s5 =	simm.s32 $0x0;
	[sflag:s26] =	ssyncadd.s32 $0xFFFFC000  }
0x161: {  	v0 =	vld [tilespmem:s5+$0x70]  }
0x162: {  	v1 =	vld [tilespmem:s5+$0x0]  }
0x163: {  	v2 =	vld [tilespmem:s5+$0x10]  }
0x164: {  	v3 =	vld [tilespmem:s5+$0x20]  }
0x165: {  	v4 =	vld [tilespmem:s5+$0x30]  }
0x166: {  	v5 =	vld [tilespmem:s5+$0x40]  }
0x167: {  	v6 =	vld [tilespmem:s5+$0x50]  }
0x168: {  	[tilespmem:s5+$0xC070] =	vst.add.f32.msk $0xffff, v0  }
0x169: {  	v0 =	vld [tilespmem:s5+$0x60]  }
0x16a: {  	[tilespmem:s5+$0xC000] =	vst.add.f32.msk $0xffff, v1  }
0x16b: {  	[tilespmem:s5+$0xC010] =	vst.add.f32.msk $0xffff, v2  }
0x16c: {  	[tilespmem:s5+$0xC020] =	vst.add.f32.msk $0xffff, v3  }
0x16d: {  	[tilespmem:s5+$0xC030] =	vst.add.f32.msk $0xffff, v4  }
0x16e: {  	[tilespmem:s5+$0xC040] =	vst.add.f32.msk $0xffff, v5  }
0x16f: {  	s6 =	simm.s32 $0x0;
	s7 =	simm.s32 $0x200;
	[tilespmem:s5+$0xC050] =	vst.add.f32.msk $0xffff, v6  }
.LBB2_12:
0x170: {  	s6 =	sadd.s32 $0x80, s6;
	[tilespmem:s5+$0xC060] =	vst.add.f32.msk $0xffff, v0;
	s5 =	sshra.s32 s7, $0x2  }
0x171: {  	v0 =	vld [tilespmem:s5+$0x70];
	p0 =	slt.u32 s6, $0x3F80  }
0x172: {  	v1 =	vld [tilespmem:s5+$0x0]  }
0x173: {  	v2 =	vld [tilespmem:s5+$0x10]  }
0x174: {  	v3 =	vld [tilespmem:s5+$0x20]  }
0x175: {  	v4 =	vld [tilespmem:s5+$0x30]  }
0x176: {  	[tilespmem:s5+$0xC070] =	vst.add.f32.msk $0xffff, v0  }
0x177: {  	v5 =	vld [tilespmem:s5+$0x40]  }
0x178: {  	v6 =	vld [tilespmem:s5+$0x50]  }
0x179: {  	v0 =	vld [tilespmem:s5+$0x60]  }
0x17a: {  	[tilespmem:s5+$0xC000] =	vst.add.f32.msk $0xffff, v1  }
.Ltmp5:
0x17b: {  	[tilespmem:s5+$0xC010] =	vst.add.f32.msk $0xffff, v2;
	(pc) =	sbr.rel @p0 .LBB2_12-.Ltmp5, $4  }
0x17c: {  	[tilespmem:s5+$0xC020] =	vst.add.f32.msk $0xffff, v3  }
0x17d: {  	[tilespmem:s5+$0xC030] =	vst.add.f32.msk $0xffff, v4  }
0x17e: {  	[tilespmem:s5+$0xC040] =	vst.add.f32.msk $0xffff, v5  }
0x17f: {  	s7 =	sadd.s32 $0x200, s7;
	[tilespmem:s5+$0xC050] =	vst.add.f32.msk $0xffff, v6  }
0x180: {  	[tilespmem:s5+$0xC060] =	vst.add.f32.msk $0xffff, v0  }
0x181: {  	s5 =	simm.s32 $0x0;
	s6 =	rddreg [dreg:$0x10]  }
0x182: {  	[hbm4b:s6+s5] =	stream.linear.scatter [tilespmem:s20], [sflag:$0x8], $0x4000, $0x38;
	[tilespmem:$0x18000] =	vst v63  }
0x183: {  	_ =	swait.ge [sflag:s28], $0x4000  }
0x184: {  	[sflag:s28] =	ssyncset.done $0x0  }
0x185: {  	s7 =	rddreg [dreg:$0x11];
	[sflag:s28] =	ssyncadd.s32 $0xFFFFC000  }
0x186: {  	[tilespmem:s19], [sflag:$0x3] =	stream.linear.gather [hbm4b:s7+s5], $0x4000, $0x38;
	[tilespmem:$0x18000] =	vst v63  }
0x187: {  	_ =	swait.ge [sflag:s29], $0x4000  }
0x188: {  	[sflag:s29] =	ssyncset.done $0x0  }
0x189: {  	s5 =	simm.s32 $0x0;
	[sflag:s29] =	ssyncadd.s32 $0xFFFFC000  }
0x18a: {  	v0 =	vld [tilespmem:s5+$0x70]  }
0x18b: {  	v1 =	vld [tilespmem:s5+$0x0]  }
0x18c: {  	v2 =	vld [tilespmem:s5+$0x10]  }
0x18d: {  	v3 =	vld [tilespmem:s5+$0x20]  }
0x18e: {  	v4 =	vld [tilespmem:s5+$0x30]  }
0x18f: {  	v5 =	vld [tilespmem:s5+$0x40]  }
0x190: {  	v6 =	vld [tilespmem:s5+$0x50]  }
0x191: {  	[tilespmem:s5+$0x10070] =	vst.add.f32.msk $0xffff, v0  }
0x192: {  	v0 =	vld [tilespmem:s5+$0x60]  }
0x193: {  	[tilespmem:s5+$0x10000] =	vst.add.f32.msk $0xffff, v1  }
0x194: {  	[tilespmem:s5+$0x10010] =	vst.add.f32.msk $0xffff, v2  }
0x195: {  	[tilespmem:s5+$0x10020] =	vst.add.f32.msk $0xffff, v3  }
0x196: {  	[tilespmem:s5+$0x10030] =	vst.add.f32.msk $0xffff, v4  }
0x197: {  	[tilespmem:s5+$0x10040] =	vst.add.f32.msk $0xffff, v5  }
0x198: {  	s6 =	simm.s32 $0x0;
	s7 =	simm.s32 $0x200;
	[tilespmem:s5+$0x10050] =	vst.add.f32.msk $0xffff, v6  }
.LBB2_14:
0x199: {  	s6 =	sadd.s32 $0x80, s6;
	[tilespmem:s5+$0x10060] =	vst.add.f32.msk $0xffff, v0;
	s5 =	sshra.s32 s7, $0x2  }
0x19a: {  	v0 =	vld [tilespmem:s5+$0x70];
	p0 =	slt.u32 s6, $0x3F80  }
0x19b: {  	v1 =	vld [tilespmem:s5+$0x0]  }
0x19c: {  	v2 =	vld [tilespmem:s5+$0x10]  }
0x19d: {  	v3 =	vld [tilespmem:s5+$0x20]  }
0x19e: {  	v4 =	vld [tilespmem:s5+$0x30]  }
0x19f: {  	[tilespmem:s5+$0x10070] =	vst.add.f32.msk $0xffff, v0  }
0x1a0: {  	v5 =	vld [tilespmem:s5+$0x40]  }
0x1a1: {  	v6 =	vld [tilespmem:s5+$0x50]  }
0x1a2: {  	v0 =	vld [tilespmem:s5+$0x60]  }
0x1a3: {  	[tilespmem:s5+$0x10000] =	vst.add.f32.msk $0xffff, v1  }
.Ltmp6:
0x1a4: {  	[tilespmem:s5+$0x10010] =	vst.add.f32.msk $0xffff, v2;
	(pc) =	sbr.rel @p0 .LBB2_14-.Ltmp6, $4  }
0x1a5: {  	[tilespmem:s5+$0x10020] =	vst.add.f32.msk $0xffff, v3  }
0x1a6: {  	[tilespmem:s5+$0x10030] =	vst.add.f32.msk $0xffff, v4  }
0x1a7: {  	[tilespmem:s5+$0x10040] =	vst.add.f32.msk $0xffff, v5  }
0x1a8: {  	s7 =	sadd.s32 $0x200, s7;
	[tilespmem:s5+$0x10050] =	vst.add.f32.msk $0xffff, v6  }
0x1a9: {  	[tilespmem:s5+$0x10060] =	vst.add.f32.msk $0xffff, v0  }
0x1aa: {  	s5 =	simm.s32 $0x0;
	s6 =	rddreg [dreg:$0x12]  }
0x1ab: {  	[hbm4b:s6+s5] =	stream.linear.scatter [tilespmem:s23], [sflag:$0x9], $0x4000, $0x38;
	[tilespmem:$0x18000] =	vst v63  }
0x1ac: {  	_ =	swait.ge [sflag:s30], $0x4000  }
0x1ad: {  	[sflag:s30] =	ssyncset.done $0x0  }
0x1ae: {  	s7 =	rddreg [dreg:$0x13];
	[sflag:s30] =	ssyncadd.s32 $0xFFFFC000  }
0x1af: {  	[tilespmem:s20], [sflag:$0x4] =	stream.linear.gather [hbm4b:s7+s5], $0x4000, $0x38;
	[tilespmem:$0x18000] =	vst v63  }
0x1b0: {  	_ =	swait.ge [sflag:s31], $0x4000  }
0x1b1: {  	[sflag:s31] =	ssyncset.done $0x0  }
0x1b2: {  	s5 =	simm.s32 $0x0;
	[sflag:s31] =	ssyncadd.s32 $0xFFFFC000  }
0x1b3: {  	v0 =	vld [tilespmem:s5+$0x70]  }
0x1b4: {  	v1 =	vld [tilespmem:s5+$0x0]  }
0x1b5: {  	v2 =	vld [tilespmem:s5+$0x10]  }
0x1b6: {  	v3 =	vld [tilespmem:s5+$0x20]  }
0x1b7: {  	v4 =	vld [tilespmem:s5+$0x30]  }
0x1b8: {  	v5 =	vld [tilespmem:s5+$0x40]  }
0x1b9: {  	v6 =	vld [tilespmem:s5+$0x50]  }
0x1ba: {  	[tilespmem:s5+$0x14070] =	vst.add.f32.msk $0xffff, v0  }
0x1bb: {  	v0 =	vld [tilespmem:s5+$0x60]  }
0x1bc: {  	[tilespmem:s5+$0x14000] =	vst.add.f32.msk $0xffff, v1  }
0x1bd: {  	[tilespmem:s5+$0x14010] =	vst.add.f32.msk $0xffff, v2  }
0x1be: {  	[tilespmem:s5+$0x14020] =	vst.add.f32.msk $0xffff, v3  }
0x1bf: {  	[tilespmem:s5+$0x14030] =	vst.add.f32.msk $0xffff, v4  }
0x1c0: {  	[tilespmem:s5+$0x14040] =	vst.add.f32.msk $0xffff, v5  }
0x1c1: {  	s6 =	simm.s32 $0x0;
	s7 =	simm.s32 $0x200;
	[tilespmem:s5+$0x14050] =	vst.add.f32.msk $0xffff, v6  }
.LBB2_16:
0x1c2: {  	s6 =	sadd.s32 $0x80, s6;
	[tilespmem:s5+$0x14060] =	vst.add.f32.msk $0xffff, v0;
	s5 =	sshra.s32 s7, $0x2  }
0x1c3: {  	v0 =	vld [tilespmem:s5+$0x70];
	p0 =	slt.u32 s6, $0x3F80  }
0x1c4: {  	v1 =	vld [tilespmem:s5+$0x0]  }
0x1c5: {  	v2 =	vld [tilespmem:s5+$0x10]  }
0x1c6: {  	v3 =	vld [tilespmem:s5+$0x20]  }
0x1c7: {  	v4 =	vld [tilespmem:s5+$0x30]  }
0x1c8: {  	[tilespmem:s5+$0x14070] =	vst.add.f32.msk $0xffff, v0  }
0x1c9: {  	v5 =	vld [tilespmem:s5+$0x40]  }
0x1ca: {  	v6 =	vld [tilespmem:s5+$0x50]  }
0x1cb: {  	v0 =	vld [tilespmem:s5+$0x60]  }
0x1cc: {  	[tilespmem:s5+$0x14000] =	vst.add.f32.msk $0xffff, v1  }
.Ltmp7:
0x1cd: {  	[tilespmem:s5+$0x14010] =	vst.add.f32.msk $0xffff, v2;
	(pc) =	sbr.rel @p0 .LBB2_16-.Ltmp7, $4  }
0x1ce: {  	[tilespmem:s5+$0x14020] =	vst.add.f32.msk $0xffff, v3  }
0x1cf: {  	[tilespmem:s5+$0x14030] =	vst.add.f32.msk $0xffff, v4  }
0x1d0: {  	[tilespmem:s5+$0x14040] =	vst.add.f32.msk $0xffff, v5  }
0x1d1: {  	s7 =	sadd.s32 $0x200, s7;
	[tilespmem:s5+$0x14050] =	vst.add.f32.msk $0xffff, v6  }
0x1d2: {  	[tilespmem:s5+$0x14060] =	vst.add.f32.msk $0xffff, v0  }
0x1d3: {  	s5 =	simm.s32 $0x0;
	s6 =	rddreg [dreg:$0x14]  }
0x1d4: {  	[hbm4b:s6+s5] =	stream.linear.scatter [tilespmem:s25], [sflag:$0xA], $0x4000, $0x38;
	[tilespmem:$0x18000] =	vst v63  }
0x1d5: {  	_ =	swait.ge [sflag:s3], $0x4000  }
0x1d6: {  	s7 =	sld [smem:$0x79F]  }
0x1d7: {  	[sflag:s3] =	ssyncset.done $0x0  }
0x1d8: {  	[sflag:s3] =	ssyncadd.s32 $0xFFFFC000  }
0x1d9: {  	[tilespmem:s5], [sflag:$0x1] =	stream.linear.gather [hbm4b:s7+s5], $0x4000, $0x38;
	[tilespmem:$0x18000] =	vst v63  }
0x1da: {  	_ =	swait.ge [sflag:s0], $0x4000  }
0x1db: {  	[sflag:s0] =	ssyncset.done $0x0  }
0x1dc: {  	s7 =	rddreg [dreg:$0x17];
	[sflag:s0] =	ssyncadd.s32 $0xFFFFC000  }
0x1dd: {  	[tilespmem:s23], [sflag:$0x5] =	stream.linear.gather [hbm4b:s7+s5], $0x4000, $0x38;
	[tilespmem:$0x18000] =	vst v63  }
0x1de: {  	_ =	swait.ge [sflag:s24], $0x4000  }
0x1df: {  	[sflag:s24] =	ssyncset.done $0x0  }
0x1e0: {  	s5 =	simm.s32 $0x0;
	[sflag:s24] =	ssyncadd.s32 $0xFFFFC000  }
0x1e1: {  	v0 =	vld [tilespmem:s5+$0x4070]  }
0x1e2: {  	v1 =	vld [tilespmem:s5+$0x4000]  }
0x1e3: {  	v2 =	vld [tilespmem:s5+$0x4010]  }
0x1e4: {  	v3 =	vld [tilespmem:s5+$0x4020]  }
0x1e5: {  	v4 =	vld [tilespmem:s5+$0x4030]  }
0x1e6: {  	v5 =	vld [tilespmem:s5+$0x4040]  }
0x1e7: {  	v6 =	vld [tilespmem:s5+$0x4050]  }
0x1e8: {  	[tilespmem:s5+$0x8070] =	vst.add.f32.msk $0xffff, v0  }
0x1e9: {  	v0 =	vld [tilespmem:s5+$0x4060]  }
0x1ea: {  	[tilespmem:s5+$0x8000] =	vst.add.f32.msk $0xffff, v1  }
0x1eb: {  	[tilespmem:s5+$0x8010] =	vst.add.f32.msk $0xffff, v2  }
0x1ec: {  	[tilespmem:s5+$0x8020] =	vst.add.f32.msk $0xffff, v3  }
0x1ed: {  	[tilespmem:s5+$0x8030] =	vst.add.f32.msk $0xffff, v4  }
0x1ee: {  	[tilespmem:s5+$0x8040] =	vst.add.f32.msk $0xffff, v5  }
0x1ef: {  	s6 =	simm.s32 $0x0;
	s7 =	simm.s32 $0x200;
	[tilespmem:s5+$0x8050] =	vst.add.f32.msk $0xffff, v6  }
.LBB2_18:
0x1f0: {  	s6 =	sadd.s32 $0x80, s6;
	[tilespmem:s5+$0x8060] =	vst.add.f32.msk $0xffff, v0;
	s5 =	sshra.s32 s7, $0x2  }
0x1f1: {  	v0 =	vld [tilespmem:s5+$0x4070];
	p0 =	slt.u32 s6, $0x3F80  }
0x1f2: {  	v1 =	vld [tilespmem:s5+$0x4000]  }
0x1f3: {  	v2 =	vld [tilespmem:s5+$0x4010]  }
0x1f4: {  	v3 =	vld [tilespmem:s5+$0x4020]  }
0x1f5: {  	v4 =	vld [tilespmem:s5+$0x4030]  }
0x1f6: {  	[tilespmem:s5+$0x8070] =	vst.add.f32.msk $0xffff, v0  }
0x1f7: {  	v5 =	vld [tilespmem:s5+$0x4040]  }
0x1f8: {  	v6 =	vld [tilespmem:s5+$0x4050]  }
0x1f9: {  	v0 =	vld [tilespmem:s5+$0x4060]  }
0x1fa: {  	[tilespmem:s5+$0x8000] =	vst.add.f32.msk $0xffff, v1  }
.Ltmp8:
0x1fb: {  	[tilespmem:s5+$0x8010] =	vst.add.f32.msk $0xffff, v2;
	(pc) =	sbr.rel @p0 .LBB2_18-.Ltmp8, $4  }
0x1fc: {  	[tilespmem:s5+$0x8020] =	vst.add.f32.msk $0xffff, v3  }
0x1fd: {  	[tilespmem:s5+$0x8030] =	vst.add.f32.msk $0xffff, v4  }
0x1fe: {  	[tilespmem:s5+$0x8040] =	vst.add.f32.msk $0xffff, v5  }
0x1ff: {  	s7 =	sadd.s32 $0x200, s7;
	[tilespmem:s5+$0x8050] =	vst.add.f32.msk $0xffff, v6  }
0x200: {  	[tilespmem:s5+$0x8060] =	vst.add.f32.msk $0xffff, v0  }
0x201: {  	s5 =	simm.s32 $0x0;
	s6 =	rddreg [dreg:$0x15]  }
0x202: {  	[hbm4b:s6+s5] =	stream.linear.scatter [tilespmem:s19], [sflag:$0x7], $0x4000, $0x38;
	[tilespmem:$0x18000] =	vst v63  }
0x203: {  	_ =	swait.ge [sflag:s2], $0x4000  }
0x204: {  	[sflag:s2] =	ssyncset.done $0x0  }
0x205: {  	s7 =	rddreg [dreg:$0x19];
	[sflag:s2] =	ssyncadd.s32 $0xFFFFC000  }
0x206: {  	[tilespmem:s25], [sflag:$0x6] =	stream.linear.gather [hbm4b:s7+s5], $0x4000, $0x38;
	[tilespmem:$0x18000] =	vst v63  }
0x207: {  	_ =	swait.ge [sflag:s26], $0x4000  }
0x208: {  	[sflag:s26] =	ssyncset.done $0x0  }
0x209: {  	s5 =	simm.s32 $0x0;
	[sflag:s26] =	ssyncadd.s32 $0xFFFFC000  }
0x20a: {  	v0 =	vld [tilespmem:s5+$0x4070]  }
0x20b: {  	v1 =	vld [tilespmem:s5+$0x4000]  }
0x20c: {  	v2 =	vld [tilespmem:s5+$0x4010]  }
0x20d: {  	v3 =	vld [tilespmem:s5+$0x4020]  }
0x20e: {  	v4 =	vld [tilespmem:s5+$0x4030]  }
0x20f: {  	v5 =	vld [tilespmem:s5+$0x4040]  }
0x210: {  	v6 =	vld [tilespmem:s5+$0x4050]  }
0x211: {  	[tilespmem:s5+$0xC070] =	vst.add.f32.msk $0xffff, v0  }
0x212: {  	v0 =	vld [tilespmem:s5+$0x4060]  }
0x213: {  	[tilespmem:s5+$0xC000] =	vst.add.f32.msk $0xffff, v1  }
0x214: {  	[tilespmem:s5+$0xC010] =	vst.add.f32.msk $0xffff, v2  }
0x215: {  	[tilespmem:s5+$0xC020] =	vst.add.f32.msk $0xffff, v3  }
0x216: {  	[tilespmem:s5+$0xC030] =	vst.add.f32.msk $0xffff, v4  }
0x217: {  	[tilespmem:s5+$0xC040] =	vst.add.f32.msk $0xffff, v5  }
0x218: {  	s6 =	simm.s32 $0x0;
	s7 =	simm.s32 $0x200;
	[tilespmem:s5+$0xC050] =	vst.add.f32.msk $0xffff, v6  }
.LBB2_20:
0x219: {  	s6 =	sadd.s32 $0x80, s6;
	[tilespmem:s5+$0xC060] =	vst.add.f32.msk $0xffff, v0;
	s5 =	sshra.s32 s7, $0x2  }
0x21a: {  	v0 =	vld [tilespmem:s5+$0x4070];
	p0 =	slt.u32 s6, $0x3F80  }
0x21b: {  	v1 =	vld [tilespmem:s5+$0x4000]  }
0x21c: {  	v2 =	vld [tilespmem:s5+$0x4010]  }
0x21d: {  	v3 =	vld [tilespmem:s5+$0x4020]  }
0x21e: {  	v4 =	vld [tilespmem:s5+$0x4030]  }
0x21f: {  	[tilespmem:s5+$0xC070] =	vst.add.f32.msk $0xffff, v0  }
0x220: {  	v5 =	vld [tilespmem:s5+$0x4040]  }
0x221: {  	v6 =	vld [tilespmem:s5+$0x4050]  }
0x222: {  	v0 =	vld [tilespmem:s5+$0x4060]  }
0x223: {  	[tilespmem:s5+$0xC000] =	vst.add.f32.msk $0xffff, v1  }
.Ltmp9:
0x224: {  	[tilespmem:s5+$0xC010] =	vst.add.f32.msk $0xffff, v2;
	(pc) =	sbr.rel @p0 .LBB2_20-.Ltmp9, $4  }
0x225: {  	[tilespmem:s5+$0xC020] =	vst.add.f32.msk $0xffff, v3  }
0x226: {  	[tilespmem:s5+$0xC030] =	vst.add.f32.msk $0xffff, v4  }
0x227: {  	[tilespmem:s5+$0xC040] =	vst.add.f32.msk $0xffff, v5  }
0x228: {  	s7 =	sadd.s32 $0x200, s7;
	[tilespmem:s5+$0xC050] =	vst.add.f32.msk $0xffff, v6  }
0x229: {  	[tilespmem:s5+$0xC060] =	vst.add.f32.msk $0xffff, v0  }
0x22a: {  	s5 =	simm.s32 $0x0;
	s6 =	rddreg [dreg:$0x16]  }
0x22b: {  	[hbm4b:s6+s5] =	stream.linear.scatter [tilespmem:s20], [sflag:$0x8], $0x4000, $0x38;
	[tilespmem:$0x18000] =	vst v63  }
0x22c: {  	_ =	swait.ge [sflag:s28], $0x4000  }
0x22d: {  	[sflag:s28] =	ssyncset.done $0x0  }
0x22e: {  	s7 =	rddreg [dreg:$0x1b];
	[sflag:s28] =	ssyncadd.s32 $0xFFFFC000  }
0x22f: {  	[tilespmem:s19], [sflag:$0x3] =	stream.linear.gather [hbm4b:s7+s5], $0x4000, $0x38;
	[tilespmem:$0x18000] =	vst v63  }
0x230: {  	_ =	swait.ge [sflag:s29], $0x4000  }
0x231: {  	[sflag:s29] =	ssyncset.done $0x0  }
0x232: {  	s5 =	simm.s32 $0x0;
	[sflag:s29] =	ssyncadd.s32 $0xFFFFC000  }
0x233: {  	v0 =	vld [tilespmem:s5+$0x4070]  }
0x234: {  	v1 =	vld [tilespmem:s5+$0x4000]  }
0x235: {  	v2 =	vld [tilespmem:s5+$0x4010]  }
0x236: {  	v3 =	vld [tilespmem:s5+$0x4020]  }
0x237: {  	v4 =	vld [tilespmem:s5+$0x4030]  }
0x238: {  	v5 =	vld [tilespmem:s5+$0x4040]  }
0x239: {  	v6 =	vld [tilespmem:s5+$0x4050]  }
0x23a: {  	[tilespmem:s5+$0x10070] =	vst.add.f32.msk $0xffff, v0  }
0x23b: {  	v0 =	vld [tilespmem:s5+$0x4060]  }
0x23c: {  	[tilespmem:s5+$0x10000] =	vst.add.f32.msk $0xffff, v1  }
0x23d: {  	[tilespmem:s5+$0x10010] =	vst.add.f32.msk $0xffff, v2  }
0x23e: {  	[tilespmem:s5+$0x10020] =	vst.add.f32.msk $0xffff, v3  }
0x23f: {  	[tilespmem:s5+$0x10030] =	vst.add.f32.msk $0xffff, v4  }
0x240: {  	[tilespmem:s5+$0x10040] =	vst.add.f32.msk $0xffff, v5  }
0x241: {  	s6 =	simm.s32 $0x0;
	s7 =	simm.s32 $0x200;
	[tilespmem:s5+$0x10050] =	vst.add.f32.msk $0xffff, v6  }
.LBB2_22:
0x242: {  	s6 =	sadd.s32 $0x80, s6;
	[tilespmem:s5+$0x10060] =	vst.add.f32.msk $0xffff, v0;
	s5 =	sshra.s32 s7, $0x2  }
0x243: {  	v0 =	vld [tilespmem:s5+$0x4070];
	p0 =	slt.u32 s6, $0x3F80  }
0x244: {  	v1 =	vld [tilespmem:s5+$0x4000]  }
0x245: {  	v2 =	vld [tilespmem:s5+$0x4010]  }
0x246: {  	v3 =	vld [tilespmem:s5+$0x4020]  }
0x247: {  	v4 =	vld [tilespmem:s5+$0x4030]  }
0x248: {  	[tilespmem:s5+$0x10070] =	vst.add.f32.msk $0xffff, v0  }
0x249: {  	v5 =	vld [tilespmem:s5+$0x4040]  }
0x24a: {  	v6 =	vld [tilespmem:s5+$0x4050]  }
0x24b: {  	v0 =	vld [tilespmem:s5+$0x4060]  }
0x24c: {  	[tilespmem:s5+$0x10000] =	vst.add.f32.msk $0xffff, v1  }
.Ltmp10:
0x24d: {  	[tilespmem:s5+$0x10010] =	vst.add.f32.msk $0xffff, v2;
	(pc) =	sbr.rel @p0 .LBB2_22-.Ltmp10, $4  }
0x24e: {  	[tilespmem:s5+$0x10020] =	vst.add.f32.msk $0xffff, v3  }
0x24f: {  	[tilespmem:s5+$0x10030] =	vst.add.f32.msk $0xffff, v4  }
0x250: {  	[tilespmem:s5+$0x10040] =	vst.add.f32.msk $0xffff, v5  }
0x251: {  	s7 =	sadd.s32 $0x200, s7;
	[tilespmem:s5+$0x10050] =	vst.add.f32.msk $0xffff, v6  }
0x252: {  	[tilespmem:s5+$0x10060] =	vst.add.f32.msk $0xffff, v0  }
0x253: {  	s5 =	simm.s32 $0x0;
	s6 =	rddreg [dreg:$0x18]  }
0x254: {  	[hbm4b:s6+s5] =	stream.linear.scatter [tilespmem:s23], [sflag:$0x9], $0x4000, $0x38;
	[tilespmem:$0x18000] =	vst v63  }
0x255: {  	_ =	swait.ge [sflag:s30], $0x4000  }
0x256: {  	[sflag:s30] =	ssyncset.done $0x0  }
0x257: {  	s7 =	rddreg [dreg:$0x1d];
	[sflag:s30] =	ssyncadd.s32 $0xFFFFC000  }
0x258: {  	[tilespmem:s20], [sflag:$0x4] =	stream.linear.gather [hbm4b:s7+s5], $0x4000, $0x38;
	[tilespmem:$0x18000] =	vst v63  }
0x259: {  	_ =	swait.ge [sflag:s31], $0x4000  }
0x25a: {  	[sflag:s31] =	ssyncset.done $0x0  }
0x25b: {  	s5 =	simm.s32 $0x0;
	[sflag:s31] =	ssyncadd.s32 $0xFFFFC000  }
0x25c: {  	v0 =	vld [tilespmem:s5+$0x4070]  }
0x25d: {  	v1 =	vld [tilespmem:s5+$0x4000]  }
0x25e: {  	v2 =	vld [tilespmem:s5+$0x4010]  }
0x25f: {  	v3 =	vld [tilespmem:s5+$0x4020]  }
0x260: {  	v4 =	vld [tilespmem:s5+$0x4030]  }
0x261: {  	v5 =	vld [tilespmem:s5+$0x4040]  }
0x262: {  	v6 =	vld [tilespmem:s5+$0x4050]  }
0x263: {  	[tilespmem:s5+$0x14070] =	vst.add.f32.msk $0xffff, v0  }
0x264: {  	v0 =	vld [tilespmem:s5+$0x4060]  }
0x265: {  	[tilespmem:s5+$0x14000] =	vst.add.f32.msk $0xffff, v1  }
0x266: {  	[tilespmem:s5+$0x14010] =	vst.add.f32.msk $0xffff, v2  }
0x267: {  	[tilespmem:s5+$0x14020] =	vst.add.f32.msk $0xffff, v3  }
0x268: {  	[tilespmem:s5+$0x14030] =	vst.add.f32.msk $0xffff, v4  }
0x269: {  	[tilespmem:s5+$0x14040] =	vst.add.f32.msk $0xffff, v5  }
0x26a: {  	s6 =	simm.s32 $0x0;
	s7 =	simm.s32 $0x200;
	[tilespmem:s5+$0x14050] =	vst.add.f32.msk $0xffff, v6  }
.LBB2_24:
0x26b: {  	s6 =	sadd.s32 $0x80, s6;
	[tilespmem:s5+$0x14060] =	vst.add.f32.msk $0xffff, v0;
	s5 =	sshra.s32 s7, $0x2  }
0x26c: {  	v0 =	vld [tilespmem:s5+$0x4070];
	p0 =	slt.u32 s6, $0x3F80  }
0x26d: {  	v1 =	vld [tilespmem:s5+$0x4000]  }
0x26e: {  	v2 =	vld [tilespmem:s5+$0x4010]  }
0x26f: {  	v3 =	vld [tilespmem:s5+$0x4020]  }
0x270: {  	v4 =	vld [tilespmem:s5+$0x4030]  }
0x271: {  	[tilespmem:s5+$0x14070] =	vst.add.f32.msk $0xffff, v0  }
0x272: {  	v5 =	vld [tilespmem:s5+$0x4040]  }
0x273: {  	v6 =	vld [tilespmem:s5+$0x4050]  }
0x274: {  	v0 =	vld [tilespmem:s5+$0x4060]  }
0x275: {  	[tilespmem:s5+$0x14000] =	vst.add.f32.msk $0xffff, v1  }
.Ltmp11:
0x276: {  	[tilespmem:s5+$0x14010] =	vst.add.f32.msk $0xffff, v2;
	(pc) =	sbr.rel @p0 .LBB2_24-.Ltmp11, $4  }
0x277: {  	[tilespmem:s5+$0x14020] =	vst.add.f32.msk $0xffff, v3  }
0x278: {  	[tilespmem:s5+$0x14030] =	vst.add.f32.msk $0xffff, v4  }
0x279: {  	[tilespmem:s5+$0x14040] =	vst.add.f32.msk $0xffff, v5  }
0x27a: {  	s7 =	sadd.s32 $0x200, s7;
	[tilespmem:s5+$0x14050] =	vst.add.f32.msk $0xffff, v6  }
0x27b: {  	[tilespmem:s5+$0x14060] =	vst.add.f32.msk $0xffff, v0  }
0x27c: {  	s5 =	simm.s32 $0x0;
	s6 =	rddreg [dreg:$0x1a]  }
0x27d: {  	[hbm4b:s6+s5] =	stream.linear.scatter [tilespmem:s25], [sflag:$0xA], $0x4000, $0x38;
	[tilespmem:$0x18000] =	vst v63  }
0x27e: {  	_ =	swait.ge [sflag:s0], $0x4000  }
0x27f: {  	[sflag:s0] =	ssyncset.done $0x0  }
0x280: {  	s7 =	rddreg [dreg:$0x1f];
	[sflag:s0] =	ssyncadd.s32 $0xFFFFC000  }
0x281: {  	[tilespmem:s23], [sflag:$0x5] =	stream.linear.gather [hbm4b:s7+s5], $0x4000, $0x38;
	[tilespmem:$0x18000] =	vst v63  }
0x282: {  	_ =	swait.ge [sflag:s24], $0x4000  }
0x283: {  	[sflag:s24] =	ssyncset.done $0x0  }
0x284: {  	s5 =	simm.s32 $0x0;
	[sflag:s24] =	ssyncadd.s32 $0xFFFFC000  }
0x285: {  	v0 =	vld [tilespmem:s5+$0x4070]  }
0x286: {  	v1 =	vld [tilespmem:s5+$0x4000]  }
0x287: {  	v2 =	vld [tilespmem:s5+$0x4010]  }
0x288: {  	v3 =	vld [tilespmem:s5+$0x4020]  }
0x289: {  	v4 =	vld [tilespmem:s5+$0x4030]  }
0x28a: {  	v5 =	vld [tilespmem:s5+$0x4040]  }
0x28b: {  	v6 =	vld [tilespmem:s5+$0x4050]  }
0x28c: {  	[tilespmem:s5+$0x8070] =	vst.add.f32.msk $0xffff, v0  }
0x28d: {  	v0 =	vld [tilespmem:s5+$0x4060]  }
0x28e: {  	[tilespmem:s5+$0x8000] =	vst.add.f32.msk $0xffff, v1  }
0x28f: {  	[tilespmem:s5+$0x8010] =	vst.add.f32.msk $0xffff, v2  }
0x290: {  	[tilespmem:s5+$0x8020] =	vst.add.f32.msk $0xffff, v3  }
0x291: {  	[tilespmem:s5+$0x8030] =	vst.add.f32.msk $0xffff, v4  }
0x292: {  	[tilespmem:s5+$0x8040] =	vst.add.f32.msk $0xffff, v5  }
0x293: {  	s6 =	simm.s32 $0x0;
	s7 =	simm.s32 $0x200;
	[tilespmem:s5+$0x8050] =	vst.add.f32.msk $0xffff, v6  }
.LBB2_26:
0x294: {  	s6 =	sadd.s32 $0x80, s6;
	[tilespmem:s5+$0x8060] =	vst.add.f32.msk $0xffff, v0;
	s5 =	sshra.s32 s7, $0x2  }
0x295: {  	v0 =	vld [tilespmem:s5+$0x4070];
	p0 =	slt.u32 s6, $0x3F80  }
0x296: {  	v1 =	vld [tilespmem:s5+$0x4000]  }
0x297: {  	v2 =	vld [tilespmem:s5+$0x4010]  }
0x298: {  	v3 =	vld [tilespmem:s5+$0x4020]  }
0x299: {  	v4 =	vld [tilespmem:s5+$0x4030]  }
0x29a: {  	[tilespmem:s5+$0x8070] =	vst.add.f32.msk $0xffff, v0  }
0x29b: {  	v5 =	vld [tilespmem:s5+$0x4040]  }
0x29c: {  	v6 =	vld [tilespmem:s5+$0x4050]  }
0x29d: {  	v0 =	vld [tilespmem:s5+$0x4060]  }
0x29e: {  	[tilespmem:s5+$0x8000] =	vst.add.f32.msk $0xffff, v1  }
.Ltmp12:
0x29f: {  	[tilespmem:s5+$0x8010] =	vst.add.f32.msk $0xffff, v2;
	(pc) =	sbr.rel @p0 .LBB2_26-.Ltmp12, $4  }
0x2a0: {  	[tilespmem:s5+$0x8020] =	vst.add.f32.msk $0xffff, v3  }
0x2a1: {  	[tilespmem:s5+$0x8030] =	vst.add.f32.msk $0xffff, v4  }
0x2a2: {  	[tilespmem:s5+$0x8040] =	vst.add.f32.msk $0xffff, v5  }
0x2a3: {  	s7 =	sadd.s32 $0x200, s7;
	[tilespmem:s5+$0x8050] =	vst.add.f32.msk $0xffff, v6  }
0x2a4: {  	[tilespmem:s5+$0x8060] =	vst.add.f32.msk $0xffff, v0  }
0x2a5: {  	s5 =	simm.s32 $0x0;
	s6 =	rddreg [dreg:$0x1c]  }
0x2a6: {  	[hbm4b:s6+s5] =	stream.linear.scatter [tilespmem:s19], [sflag:$0x7], $0x4000, $0x38;
	[tilespmem:$0x18000] =	vst v63  }
0x2a7: {  	_ =	swait.ge [sflag:s2], $0x4000  }
0x2a8: {  	s7 =	sld [smem:$0x79D]  }
0x2a9: {  	[sflag:s2] =	ssyncset.done $0x0  }
0x2aa: {  	[sflag:s2] =	ssyncadd.s32 $0xFFFFC000  }
0x2ab: {  	[tilespmem:s25], [sflag:$0x6] =	stream.linear.gather [hbm4b:s7+s5], $0x4000, $0x38;
	[tilespmem:$0x18000] =	vst v63  }
0x2ac: {  	_ =	swait.ge [sflag:s26], $0x4000  }
0x2ad: {  	[sflag:s26] =	ssyncset.done $0x0  }
0x2ae: {  	s5 =	simm.s32 $0x0;
	[sflag:s26] =	ssyncadd.s32 $0xFFFFC000  }
0x2af: {  	v0 =	vld [tilespmem:s5+$0x4070]  }
0x2b0: {  	v1 =	vld [tilespmem:s5+$0x4000]  }
0x2b1: {  	v2 =	vld [tilespmem:s5+$0x4010]  }
0x2b2: {  	v3 =	vld [tilespmem:s5+$0x4020]  }
0x2b3: {  	v4 =	vld [tilespmem:s5+$0x4030]  }
0x2b4: {  	v5 =	vld [tilespmem:s5+$0x4040]  }
0x2b5: {  	v6 =	vld [tilespmem:s5+$0x4050]  }
0x2b6: {  	[tilespmem:s5+$0xC070] =	vst.add.f32.msk $0xffff, v0  }
0x2b7: {  	v0 =	vld [tilespmem:s5+$0x4060]  }
0x2b8: {  	[tilespmem:s5+$0xC000] =	vst.add.f32.msk $0xffff, v1  }
0x2b9: {  	[tilespmem:s5+$0xC010] =	vst.add.f32.msk $0xffff, v2  }
0x2ba: {  	[tilespmem:s5+$0xC020] =	vst.add.f32.msk $0xffff, v3  }
0x2bb: {  	[tilespmem:s5+$0xC030] =	vst.add.f32.msk $0xffff, v4  }
0x2bc: {  	[tilespmem:s5+$0xC040] =	vst.add.f32.msk $0xffff, v5  }
0x2bd: {  	s6 =	simm.s32 $0x0;
	s7 =	simm.s32 $0x200;
	[tilespmem:s5+$0xC050] =	vst.add.f32.msk $0xffff, v6  }
.LBB2_28:
0x2be: {  	s6 =	sadd.s32 $0x80, s6;
	[tilespmem:s5+$0xC060] =	vst.add.f32.msk $0xffff, v0;
	s5 =	sshra.s32 s7, $0x2  }
0x2bf: {  	v0 =	vld [tilespmem:s5+$0x4070];
	p0 =	slt.u32 s6, $0x3F80  }
0x2c0: {  	v1 =	vld [tilespmem:s5+$0x4000]  }
0x2c1: {  	v2 =	vld [tilespmem:s5+$0x4010]  }
0x2c2: {  	v3 =	vld [tilespmem:s5+$0x4020]  }
0x2c3: {  	v4 =	vld [tilespmem:s5+$0x4030]  }
0x2c4: {  	[tilespmem:s5+$0xC070] =	vst.add.f32.msk $0xffff, v0  }
0x2c5: {  	v5 =	vld [tilespmem:s5+$0x4040]  }
0x2c6: {  	v6 =	vld [tilespmem:s5+$0x4050]  }
0x2c7: {  	v0 =	vld [tilespmem:s5+$0x4060]  }
0x2c8: {  	[tilespmem:s5+$0xC000] =	vst.add.f32.msk $0xffff, v1  }
.Ltmp13:
0x2c9: {  	[tilespmem:s5+$0xC010] =	vst.add.f32.msk $0xffff, v2;
	(pc) =	sbr.rel @p0 .LBB2_28-.Ltmp13, $4  }
0x2ca: {  	[tilespmem:s5+$0xC020] =	vst.add.f32.msk $0xffff, v3  }
0x2cb: {  	[tilespmem:s5+$0xC030] =	vst.add.f32.msk $0xffff, v4  }
0x2cc: {  	[tilespmem:s5+$0xC040] =	vst.add.f32.msk $0xffff, v5  }
0x2cd: {  	s7 =	sadd.s32 $0x200, s7;
	[tilespmem:s5+$0xC050] =	vst.add.f32.msk $0xffff, v6  }
0x2ce: {  	[tilespmem:s5+$0xC060] =	vst.add.f32.msk $0xffff, v0  }
0x2cf: {  	s5 =	simm.s32 $0x0;
	s6 =	rddreg [dreg:$0x1e]  }
0x2d0: {  	[hbm4b:s6+s5] =	stream.linear.scatter [tilespmem:s20], [sflag:$0x8], $0x4000, $0x38;
	[tilespmem:$0x18000] =	vst v63  }
0x2d1: {  	_ =	swait.ge [sflag:s28], $0x4000  }
0x2d2: {  	s7 =	sld [smem:$0x7A0]  }
0x2d3: {  	[sflag:s28] =	ssyncset.done $0x0  }
0x2d4: {  	[sflag:s28] =	ssyncadd.s32 $0xFFFFC000  }
0x2d5: {  	[tilespmem:s19], [sflag:$0x3] =	stream.linear.gather [hbm4b:s7+s5], $0x4000, $0x38;
	[tilespmem:$0x18000] =	vst v63  }
0x2d6: {  	_ =	swait.ge [sflag:s29], $0x4000  }
0x2d7: {  	[sflag:s29] =	ssyncset.done $0x0  }
0x2d8: {  	s5 =	simm.s32 $0x0;
	[sflag:s29] =	ssyncadd.s32 $0xFFFFC000  }
0x2d9: {  	v0 =	vld [tilespmem:s5+$0x4070]  }
0x2da: {  	v1 =	vld [tilespmem:s5+$0x4000]  }
0x2db: {  	v2 =	vld [tilespmem:s5+$0x4010]  }
0x2dc: {  	v3 =	vld [tilespmem:s5+$0x4020]  }
0x2dd: {  	v4 =	vld [tilespmem:s5+$0x4030]  }
0x2de: {  	v5 =	vld [tilespmem:s5+$0x4040]  }
0x2df: {  	v6 =	vld [tilespmem:s5+$0x4050]  }
0x2e0: {  	[tilespmem:s5+$0x10070] =	vst.add.f32.msk $0xffff, v0  }
0x2e1: {  	v0 =	vld [tilespmem:s5+$0x4060]  }
0x2e2: {  	[tilespmem:s5+$0x10000] =	vst.add.f32.msk $0xffff, v1  }
0x2e3: {  	[tilespmem:s5+$0x10010] =	vst.add.f32.msk $0xffff, v2  }
0x2e4: {  	[tilespmem:s5+$0x10020] =	vst.add.f32.msk $0xffff, v3  }
0x2e5: {  	[tilespmem:s5+$0x10030] =	vst.add.f32.msk $0xffff, v4  }
0x2e6: {  	[tilespmem:s5+$0x10040] =	vst.add.f32.msk $0xffff, v5  }
0x2e7: {  	s6 =	simm.s32 $0x0;
	s7 =	simm.s32 $0x200;
	[tilespmem:s5+$0x10050] =	vst.add.f32.msk $0xffff, v6  }
.LBB2_30:
0x2e8: {  	s6 =	sadd.s32 $0x80, s6;
	[tilespmem:s5+$0x10060] =	vst.add.f32.msk $0xffff, v0;
	s5 =	sshra.s32 s7, $0x2  }
0x2e9: {  	v0 =	vld [tilespmem:s5+$0x4070];
	p0 =	slt.u32 s6, $0x3F80  }
0x2ea: {  	v1 =	vld [tilespmem:s5+$0x4000]  }
0x2eb: {  	v2 =	vld [tilespmem:s5+$0x4010]  }
0x2ec: {  	v3 =	vld [tilespmem:s5+$0x4020]  }
0x2ed: {  	v4 =	vld [tilespmem:s5+$0x4030]  }
0x2ee: {  	[tilespmem:s5+$0x10070] =	vst.add.f32.msk $0xffff, v0  }
0x2ef: {  	v5 =	vld [tilespmem:s5+$0x4040]  }
0x2f0: {  	v6 =	vld [tilespmem:s5+$0x4050]  }
0x2f1: {  	v0 =	vld [tilespmem:s5+$0x4060]  }
0x2f2: {  	[tilespmem:s5+$0x10000] =	vst.add.f32.msk $0xffff, v1  }
.Ltmp14:
0x2f3: {  	[tilespmem:s5+$0x10010] =	vst.add.f32.msk $0xffff, v2;
	(pc) =	sbr.rel @p0 .LBB2_30-.Ltmp14, $4  }
0x2f4: {  	[tilespmem:s5+$0x10020] =	vst.add.f32.msk $0xffff, v3  }
0x2f5: {  	[tilespmem:s5+$0x10030] =	vst.add.f32.msk $0xffff, v4  }
0x2f6: {  	[tilespmem:s5+$0x10040] =	vst.add.f32.msk $0xffff, v5  }
0x2f7: {  	s7 =	sadd.s32 $0x200, s7;
	[tilespmem:s5+$0x10050] =	vst.add.f32.msk $0xffff, v6  }
0x2f8: {  	[tilespmem:s5+$0x10060] =	vst.add.f32.msk $0xffff, v0  }
0x2f9: {  	s6 =	sld [smem:$0x79C];
	_ =	sdelay $0x1  }
0x2fa: {  	s5 =	simm.s32 $0x0  }
0x2fb: {  	[hbm4b:s6+s5] =	stream.linear.scatter [tilespmem:s23], [sflag:$0x9], $0x4000, $0x38;
	[tilespmem:$0x18000] =	vst v63  }
0x2fc: {  	_ =	swait.ge [sflag:s30], $0x4000  }
0x2fd: {  	s7 =	sld [smem:$0x7A2]  }
0x2fe: {  	[sflag:s30] =	ssyncset.done $0x0  }
0x2ff: {  	[sflag:s30] =	ssyncadd.s32 $0xFFFFC000  }
0x300: {  	[tilespmem:s20], [sflag:$0x4] =	stream.linear.gather [hbm4b:s7+s5], $0x4000, $0x38;
	[tilespmem:$0x18000] =	vst v63  }
0x301: {  	_ =	swait.ge [sflag:s31], $0x4000  }
0x302: {  	[sflag:s31] =	ssyncset.done $0x0  }
0x303: {  	s5 =	simm.s32 $0x0;
	[sflag:s31] =	ssyncadd.s32 $0xFFFFC000  }
0x304: {  	v0 =	vld [tilespmem:s5+$0x4070]  }
0x305: {  	v1 =	vld [tilespmem:s5+$0x4000]  }
0x306: {  	v2 =	vld [tilespmem:s5+$0x4010]  }
0x307: {  	v3 =	vld [tilespmem:s5+$0x4020]  }
0x308: {  	v4 =	vld [tilespmem:s5+$0x4030]  }
0x309: {  	v5 =	vld [tilespmem:s5+$0x4040]  }
0x30a: {  	v6 =	vld [tilespmem:s5+$0x4050]  }
0x30b: {  	[tilespmem:s5+$0x14070] =	vst.add.f32.msk $0xffff, v0  }
0x30c: {  	v0 =	vld [tilespmem:s5+$0x4060]  }
0x30d: {  	[tilespmem:s5+$0x14000] =	vst.add.f32.msk $0xffff, v1  }
0x30e: {  	[tilespmem:s5+$0x14010] =	vst.add.f32.msk $0xffff, v2  }
0x30f: {  	[tilespmem:s5+$0x14020] =	vst.add.f32.msk $0xffff, v3  }
0x310: {  	[tilespmem:s5+$0x14030] =	vst.add.f32.msk $0xffff, v4  }
0x311: {  	[tilespmem:s5+$0x14040] =	vst.add.f32.msk $0xffff, v5  }
0x312: {  	s6 =	simm.s32 $0x0;
	s7 =	simm.s32 $0x200;
	[tilespmem:s5+$0x14050] =	vst.add.f32.msk $0xffff, v6  }
.LBB2_32:
0x313: {  	s6 =	sadd.s32 $0x80, s6;
	[tilespmem:s5+$0x14060] =	vst.add.f32.msk $0xffff, v0;
	s5 =	sshra.s32 s7, $0x2  }
0x314: {  	v0 =	vld [tilespmem:s5+$0x4070];
	p0 =	slt.u32 s6, $0x3F80  }
0x315: {  	v1 =	vld [tilespmem:s5+$0x4000]  }
0x316: {  	v2 =	vld [tilespmem:s5+$0x4010]  }
0x317: {  	v3 =	vld [tilespmem:s5+$0x4020]  }
0x318: {  	v4 =	vld [tilespmem:s5+$0x4030]  }
0x319: {  	[tilespmem:s5+$0x14070] =	vst.add.f32.msk $0xffff, v0  }
0x31a: {  	v5 =	vld [tilespmem:s5+$0x4040]  }
0x31b: {  	v6 =	vld [tilespmem:s5+$0x4050]  }
0x31c: {  	v0 =	vld [tilespmem:s5+$0x4060]  }
0x31d: {  	[tilespmem:s5+$0x14000] =	vst.add.f32.msk $0xffff, v1  }
.Ltmp15:
0x31e: {  	[tilespmem:s5+$0x14010] =	vst.add.f32.msk $0xffff, v2;
	(pc) =	sbr.rel @p0 .LBB2_32-.Ltmp15, $4  }
0x31f: {  	[tilespmem:s5+$0x14020] =	vst.add.f32.msk $0xffff, v3  }
0x320: {  	[tilespmem:s5+$0x14030] =	vst.add.f32.msk $0xffff, v4  }
0x321: {  	[tilespmem:s5+$0x14040] =	vst.add.f32.msk $0xffff, v5  }
0x322: {  	s7 =	sadd.s32 $0x200, s7;
	[tilespmem:s5+$0x14050] =	vst.add.f32.msk $0xffff, v6  }
0x323: {  	[tilespmem:s5+$0x14060] =	vst.add.f32.msk $0xffff, v0  }
0x324: {  	s6 =	sld [smem:$0x79E];
	_ =	sdelay $0x1  }
0x325: {  	s5 =	simm.s32 $0x0  }
0x326: {  	[hbm4b:s6+s5] =	stream.linear.scatter [tilespmem:s25], [sflag:$0xA], $0x4000, $0x38;
	[tilespmem:$0x18000] =	vst v63  }
0x327: {  	_ =	swait.ge [sflag:s21], $0x4000  }
0x328: {  	s7 =	sld [smem:$0x7B0]  }
0x329: {  	[sflag:s21] =	ssyncset.done $0x0  }
0x32a: {  	[sflag:s21] =	ssyncadd.s32 $0xFFFFC000  }
0x32b: {  	[tilespmem:s22], [sflag:$0x2] =	stream.linear.gather [hbm4b:s7+s5], $0x4000, $0x38;
	[tilespmem:$0x18000] =	vst v63  }
0x32c: {  	_ =	swait.ge [sflag:s0], $0x4000  }
0x32d: {  	s7 =	sld [smem:$0x7A4]  }
0x32e: {  	[sflag:s0] =	ssyncset.done $0x0  }
0x32f: {  	[sflag:s0] =	ssyncadd.s32 $0xFFFFC000  }
0x330: {  	[tilespmem:s23], [sflag:$0x5] =	stream.linear.gather [hbm4b:s7+s5], $0x4000, $0x38;
	[tilespmem:$0x18000] =	vst v63  }
0x331: {  	_ =	swait.ge [sflag:s24], $0x4000  }
0x332: {  	[sflag:s24] =	ssyncset.done $0x0  }
0x333: {  	s5 =	simm.s32 $0x0;
	[sflag:s24] =	ssyncadd.s32 $0xFFFFC000  }
0x334: {  	v0 =	vld [tilespmem:s5+$0x70]  }
0x335: {  	v1 =	vld [tilespmem:s5+$0x0]  }
0x336: {  	v2 =	vld [tilespmem:s5+$0x10]  }
0x337: {  	v3 =	vld [tilespmem:s5+$0x20]  }
0x338: {  	v4 =	vld [tilespmem:s5+$0x30]  }
0x339: {  	v5 =	vld [tilespmem:s5+$0x40]  }
0x33a: {  	v6 =	vld [tilespmem:s5+$0x50]  }
0x33b: {  	[tilespmem:s5+$0x8070] =	vst.add.f32.msk $0xffff, v0  }
0x33c: {  	v0 =	vld [tilespmem:s5+$0x60]  }
0x33d: {  	[tilespmem:s5+$0x8000] =	vst.add.f32.msk $0xffff, v1  }
0x33e: {  	[tilespmem:s5+$0x8010] =	vst.add.f32.msk $0xffff, v2  }
0x33f: {  	[tilespmem:s5+$0x8020] =	vst.add.f32.msk $0xffff, v3  }
0x340: {  	[tilespmem:s5+$0x8030] =	vst.add.f32.msk $0xffff, v4  }
0x341: {  	[tilespmem:s5+$0x8040] =	vst.add.f32.msk $0xffff, v5  }
0x342: {  	s6 =	simm.s32 $0x0;
	s7 =	simm.s32 $0x200;
	[tilespmem:s5+$0x8050] =	vst.add.f32.msk $0xffff, v6  }
.LBB2_34:
0x343: {  	s6 =	sadd.s32 $0x80, s6;
	[tilespmem:s5+$0x8060] =	vst.add.f32.msk $0xffff, v0;
	s5 =	sshra.s32 s7, $0x2  }
0x344: {  	v0 =	vld [tilespmem:s5+$0x70];
	p0 =	slt.u32 s6, $0x3F80  }
0x345: {  	v1 =	vld [tilespmem:s5+$0x0]  }
0x346: {  	v2 =	vld [tilespmem:s5+$0x10]  }
0x347: {  	v3 =	vld [tilespmem:s5+$0x20]  }
0x348: {  	v4 =	vld [tilespmem:s5+$0x30]  }
0x349: {  	[tilespmem:s5+$0x8070] =	vst.add.f32.msk $0xffff, v0  }
0x34a: {  	v5 =	vld [tilespmem:s5+$0x40]  }
0x34b: {  	v6 =	vld [tilespmem:s5+$0x50]  }
0x34c: {  	v0 =	vld [tilespmem:s5+$0x60]  }
0x34d: {  	[tilespmem:s5+$0x8000] =	vst.add.f32.msk $0xffff, v1  }
.Ltmp16:
0x34e: {  	[tilespmem:s5+$0x8010] =	vst.add.f32.msk $0xffff, v2;
	(pc) =	sbr.rel @p0 .LBB2_34-.Ltmp16, $4  }
0x34f: {  	[tilespmem:s5+$0x8020] =	vst.add.f32.msk $0xffff, v3  }
0x350: {  	[tilespmem:s5+$0x8030] =	vst.add.f32.msk $0xffff, v4  }
0x351: {  	[tilespmem:s5+$0x8040] =	vst.add.f32.msk $0xffff, v5  }
0x352: {  	s7 =	sadd.s32 $0x200, s7;
	[tilespmem:s5+$0x8050] =	vst.add.f32.msk $0xffff, v6  }
0x353: {  	[tilespmem:s5+$0x8060] =	vst.add.f32.msk $0xffff, v0  }
0x354: {  	s6 =	sld [smem:$0x7A1];
	_ =	sdelay $0x1  }
0x355: {  	s5 =	simm.s32 $0x0  }
0x356: {  	[hbm4b:s6+s5] =	stream.linear.scatter [tilespmem:s19], [sflag:$0x7], $0x4000, $0x38;
	[tilespmem:$0x18000] =	vst v63  }
0x357: {  	_ =	swait.ge [sflag:s2], $0x4000  }
0x358: {  	s7 =	sld [smem:$0x7A6]  }
0x359: {  	[sflag:s2] =	ssyncset.done $0x0  }
0x35a: {  	[sflag:s2] =	ssyncadd.s32 $0xFFFFC000  }
0x35b: {  	[tilespmem:s25], [sflag:$0x6] =	stream.linear.gather [hbm4b:s7+s5], $0x4000, $0x38;
	[tilespmem:$0x18000] =	vst v63  }
0x35c: {  	_ =	swait.ge [sflag:s26], $0x4000  }
0x35d: {  	[sflag:s26] =	ssyncset.done $0x0  }
0x35e: {  	s5 =	simm.s32 $0x0;
	[sflag:s26] =	ssyncadd.s32 $0xFFFFC000  }
0x35f: {  	v0 =	vld [tilespmem:s5+$0x70]  }
0x360: {  	v1 =	vld [tilespmem:s5+$0x0]  }
0x361: {  	v2 =	vld [tilespmem:s5+$0x10]  }
0x362: {  	v3 =	vld [tilespmem:s5+$0x20]  }
0x363: {  	v4 =	vld [tilespmem:s5+$0x30]  }
0x364: {  	v5 =	vld [tilespmem:s5+$0x40]  }
0x365: {  	v6 =	vld [tilespmem:s5+$0x50]  }
0x366: {  	[tilespmem:s5+$0xC070] =	vst.add.f32.msk $0xffff, v0  }
0x367: {  	v0 =	vld [tilespmem:s5+$0x60]  }
0x368: {  	[tilespmem:s5+$0xC000] =	vst.add.f32.msk $0xffff, v1  }
0x369: {  	[tilespmem:s5+$0xC010] =	vst.add.f32.msk $0xffff, v2  }
0x36a: {  	[tilespmem:s5+$0xC020] =	vst.add.f32.msk $0xffff, v3  }
0x36b: {  	[tilespmem:s5+$0xC030] =	vst.add.f32.msk $0xffff, v4  }
0x36c: {  	[tilespmem:s5+$0xC040] =	vst.add.f32.msk $0xffff, v5  }
0x36d: {  	s6 =	simm.s32 $0x0;
	s7 =	simm.s32 $0x200;
	[tilespmem:s5+$0xC050] =	vst.add.f32.msk $0xffff, v6  }
.LBB2_36:
0x36e: {  	s6 =	sadd.s32 $0x80, s6;
	[tilespmem:s5+$0xC060] =	vst.add.f32.msk $0xffff, v0;
	s5 =	sshra.s32 s7, $0x2  }
0x36f: {  	v0 =	vld [tilespmem:s5+$0x70];
	p0 =	slt.u32 s6, $0x3F80  }
0x370: {  	v1 =	vld [tilespmem:s5+$0x0]  }
0x371: {  	v2 =	vld [tilespmem:s5+$0x10]  }
0x372: {  	v3 =	vld [tilespmem:s5+$0x20]  }
0x373: {  	v4 =	vld [tilespmem:s5+$0x30]  }
0x374: {  	[tilespmem:s5+$0xC070] =	vst.add.f32.msk $0xffff, v0  }
0x375: {  	v5 =	vld [tilespmem:s5+$0x40]  }
0x376: {  	v6 =	vld [tilespmem:s5+$0x50]  }
0x377: {  	v0 =	vld [tilespmem:s5+$0x60]  }
0x378: {  	[tilespmem:s5+$0xC000] =	vst.add.f32.msk $0xffff, v1  }
.Ltmp17:
0x379: {  	[tilespmem:s5+$0xC010] =	vst.add.f32.msk $0xffff, v2;
	(pc) =	sbr.rel @p0 .LBB2_36-.Ltmp17, $4  }
0x37a: {  	[tilespmem:s5+$0xC020] =	vst.add.f32.msk $0xffff, v3  }
0x37b: {  	[tilespmem:s5+$0xC030] =	vst.add.f32.msk $0xffff, v4  }
0x37c: {  	[tilespmem:s5+$0xC040] =	vst.add.f32.msk $0xffff, v5  }
0x37d: {  	s7 =	sadd.s32 $0x200, s7;
	[tilespmem:s5+$0xC050] =	vst.add.f32.msk $0xffff, v6  }
0x37e: {  	[tilespmem:s5+$0xC060] =	vst.add.f32.msk $0xffff, v0  }
0x37f: {  	s6 =	sld [smem:$0x7A3];
	_ =	sdelay $0x1  }
0x380: {  	s5 =	simm.s32 $0x0  }
0x381: {  	[hbm4b:s6+s5] =	stream.linear.scatter [tilespmem:s20], [sflag:$0x8], $0x4000, $0x38;
	[tilespmem:$0x18000] =	vst v63  }
0x382: {  	_ =	swait.ge [sflag:s28], $0x4000  }
0x383: {  	s7 =	sld [smem:$0x7A8]  }
0x384: {  	[sflag:s28] =	ssyncset.done $0x0  }
0x385: {  	[sflag:s28] =	ssyncadd.s32 $0xFFFFC000  }
0x386: {  	[tilespmem:s19], [sflag:$0x3] =	stream.linear.gather [hbm4b:s7+s5], $0x4000, $0x38;
	[tilespmem:$0x18000] =	vst v63  }
0x387: {  	_ =	swait.ge [sflag:s29], $0x4000  }
0x388: {  	[sflag:s29] =	ssyncset.done $0x0  }
0x389: {  	s5 =	simm.s32 $0x0;
	[sflag:s29] =	ssyncadd.s32 $0xFFFFC000  }
0x38a: {  	v0 =	vld [tilespmem:s5+$0x70]  }
0x38b: {  	v1 =	vld [tilespmem:s5+$0x0]  }
0x38c: {  	v2 =	vld [tilespmem:s5+$0x10]  }
0x38d: {  	v3 =	vld [tilespmem:s5+$0x20]  }
0x38e: {  	v4 =	vld [tilespmem:s5+$0x30]  }
0x38f: {  	v5 =	vld [tilespmem:s5+$0x40]  }
0x390: {  	v6 =	vld [tilespmem:s5+$0x50]  }
0x391: {  	[tilespmem:s5+$0x10070] =	vst.add.f32.msk $0xffff, v0  }
0x392: {  	v0 =	vld [tilespmem:s5+$0x60]  }
0x393: {  	[tilespmem:s5+$0x10000] =	vst.add.f32.msk $0xffff, v1  }
0x394: {  	[tilespmem:s5+$0x10010] =	vst.add.f32.msk $0xffff, v2  }
0x395: {  	[tilespmem:s5+$0x10020] =	vst.add.f32.msk $0xffff, v3  }
0x396: {  	[tilespmem:s5+$0x10030] =	vst.add.f32.msk $0xffff, v4  }
0x397: {  	[tilespmem:s5+$0x10040] =	vst.add.f32.msk $0xffff, v5  }
0x398: {  	s6 =	simm.s32 $0x0;
	s7 =	simm.s32 $0x200;
	[tilespmem:s5+$0x10050] =	vst.add.f32.msk $0xffff, v6  }
.LBB2_38:
0x399: {  	s6 =	sadd.s32 $0x80, s6;
	[tilespmem:s5+$0x10060] =	vst.add.f32.msk $0xffff, v0;
	s5 =	sshra.s32 s7, $0x2  }
0x39a: {  	v0 =	vld [tilespmem:s5+$0x70];
	p0 =	slt.u32 s6, $0x3F80  }
0x39b: {  	v1 =	vld [tilespmem:s5+$0x0]  }
0x39c: {  	v2 =	vld [tilespmem:s5+$0x10]  }
0x39d: {  	v3 =	vld [tilespmem:s5+$0x20]  }
0x39e: {  	v4 =	vld [tilespmem:s5+$0x30]  }
0x39f: {  	[tilespmem:s5+$0x10070] =	vst.add.f32.msk $0xffff, v0  }
0x3a0: {  	v5 =	vld [tilespmem:s5+$0x40]  }
0x3a1: {  	v6 =	vld [tilespmem:s5+$0x50]  }
0x3a2: {  	v0 =	vld [tilespmem:s5+$0x60]  }
0x3a3: {  	[tilespmem:s5+$0x10000] =	vst.add.f32.msk $0xffff, v1  }
.Ltmp18:
0x3a4: {  	[tilespmem:s5+$0x10010] =	vst.add.f32.msk $0xffff, v2;
	(pc) =	sbr.rel @p0 .LBB2_38-.Ltmp18, $4  }
0x3a5: {  	[tilespmem:s5+$0x10020] =	vst.add.f32.msk $0xffff, v3  }
0x3a6: {  	[tilespmem:s5+$0x10030] =	vst.add.f32.msk $0xffff, v4  }
0x3a7: {  	[tilespmem:s5+$0x10040] =	vst.add.f32.msk $0xffff, v5  }
0x3a8: {  	s7 =	sadd.s32 $0x200, s7;
	[tilespmem:s5+$0x10050] =	vst.add.f32.msk $0xffff, v6  }
0x3a9: {  	[tilespmem:s5+$0x10060] =	vst.add.f32.msk $0xffff, v0  }
0x3aa: {  	s6 =	sld [smem:$0x7A5];
	_ =	sdelay $0x1  }
0x3ab: {  	s5 =	simm.s32 $0x0  }
0x3ac: {  	[hbm4b:s6+s5] =	stream.linear.scatter [tilespmem:s23], [sflag:$0x9], $0x4000, $0x38;
	[tilespmem:$0x18000] =	vst v63  }
0x3ad: {  	_ =	swait.ge [sflag:s30], $0x4000  }
0x3ae: {  	s7 =	sld [smem:$0x7AA]  }
0x3af: {  	[sflag:s30] =	ssyncset.done $0x0  }
0x3b0: {  	[sflag:s30] =	ssyncadd.s32 $0xFFFFC000  }
0x3b1: {  	[tilespmem:s20], [sflag:$0x4] =	stream.linear.gather [hbm4b:s7+s5], $0x4000, $0x38;
	[tilespmem:$0x18000] =	vst v63  }
0x3b2: {  	_ =	swait.ge [sflag:s31], $0x4000  }
0x3b3: {  	[sflag:s31] =	ssyncset.done $0x0  }
0x3b4: {  	s5 =	simm.s32 $0x0;
	[sflag:s31] =	ssyncadd.s32 $0xFFFFC000  }
0x3b5: {  	v0 =	vld [tilespmem:s5+$0x70]  }
0x3b6: {  	v1 =	vld [tilespmem:s5+$0x0]  }
0x3b7: {  	v2 =	vld [tilespmem:s5+$0x10]  }
0x3b8: {  	v3 =	vld [tilespmem:s5+$0x20]  }
0x3b9: {  	v4 =	vld [tilespmem:s5+$0x30]  }
0x3ba: {  	v5 =	vld [tilespmem:s5+$0x40]  }
0x3bb: {  	v6 =	vld [tilespmem:s5+$0x50]  }
0x3bc: {  	[tilespmem:s5+$0x14070] =	vst.add.f32.msk $0xffff, v0  }
0x3bd: {  	v0 =	vld [tilespmem:s5+$0x60]  }
0x3be: {  	[tilespmem:s5+$0x14000] =	vst.add.f32.msk $0xffff, v1  }
0x3bf: {  	[tilespmem:s5+$0x14010] =	vst.add.f32.msk $0xffff, v2  }
0x3c0: {  	[tilespmem:s5+$0x14020] =	vst.add.f32.msk $0xffff, v3  }
0x3c1: {  	[tilespmem:s5+$0x14030] =	vst.add.f32.msk $0xffff, v4  }
0x3c2: {  	[tilespmem:s5+$0x14040] =	vst.add.f32.msk $0xffff, v5  }
0x3c3: {  	s6 =	simm.s32 $0x0;
	s7 =	simm.s32 $0x200;
	[tilespmem:s5+$0x14050] =	vst.add.f32.msk $0xffff, v6  }
.LBB2_40:
0x3c4: {  	s6 =	sadd.s32 $0x80, s6;
	[tilespmem:s5+$0x14060] =	vst.add.f32.msk $0xffff, v0;
	s5 =	sshra.s32 s7, $0x2  }
0x3c5: {  	v0 =	vld [tilespmem:s5+$0x70];
	p0 =	slt.u32 s6, $0x3F80  }
0x3c6: {  	v1 =	vld [tilespmem:s5+$0x0]  }
0x3c7: {  	v2 =	vld [tilespmem:s5+$0x10]  }
0x3c8: {  	v3 =	vld [tilespmem:s5+$0x20]  }
0x3c9: {  	v4 =	vld [tilespmem:s5+$0x30]  }
0x3ca: {  	[tilespmem:s5+$0x14070] =	vst.add.f32.msk $0xffff, v0  }
0x3cb: {  	v5 =	vld [tilespmem:s5+$0x40]  }
0x3cc: {  	v6 =	vld [tilespmem:s5+$0x50]  }
0x3cd: {  	v0 =	vld [tilespmem:s5+$0x60]  }
0x3ce: {  	[tilespmem:s5+$0x14000] =	vst.add.f32.msk $0xffff, v1  }
.Ltmp19:
0x3cf: {  	[tilespmem:s5+$0x14010] =	vst.add.f32.msk $0xffff, v2;
	(pc) =	sbr.rel @p0 .LBB2_40-.Ltmp19, $4  }
0x3d0: {  	[tilespmem:s5+$0x14020] =	vst.add.f32.msk $0xffff, v3  }
0x3d1: {  	[tilespmem:s5+$0x14030] =	vst.add.f32.msk $0xffff, v4  }
0x3d2: {  	[tilespmem:s5+$0x14040] =	vst.add.f32.msk $0xffff, v5  }
0x3d3: {  	s7 =	sadd.s32 $0x200, s7;
	[tilespmem:s5+$0x14050] =	vst.add.f32.msk $0xffff, v6  }
0x3d4: {  	[tilespmem:s5+$0x14060] =	vst.add.f32.msk $0xffff, v0  }
0x3d5: {  	s6 =	sld [smem:$0x7A7];
	_ =	sdelay $0x1  }
0x3d6: {  	s5 =	simm.s32 $0x0  }
0x3d7: {  	[hbm4b:s6+s5] =	stream.linear.scatter [tilespmem:s25], [sflag:$0xA], $0x4000, $0x38;
	[tilespmem:$0x18000] =	vst v63  }
0x3d8: {  	_ =	swait.ge [sflag:s0], $0x4000  }
0x3d9: {  	s7 =	sld [smem:$0x7AC]  }
0x3da: {  	[sflag:s0] =	ssyncset.done $0x0  }
0x3db: {  	[sflag:s0] =	ssyncadd.s32 $0xFFFFC000  }
0x3dc: {  	[tilespmem:s23], [sflag:$0x5] =	stream.linear.gather [hbm4b:s7+s5], $0x4000, $0x38;
	[tilespmem:$0x18000] =	vst v63  }
0x3dd: {  	_ =	swait.ge [sflag:s24], $0x4000  }
0x3de: {  	[sflag:s24] =	ssyncset.done $0x0  }
0x3df: {  	s5 =	simm.s32 $0x0;
	[sflag:s24] =	ssyncadd.s32 $0xFFFFC000  }
0x3e0: {  	v0 =	vld [tilespmem:s5+$0x70]  }
0x3e1: {  	v1 =	vld [tilespmem:s5+$0x0]  }
0x3e2: {  	v2 =	vld [tilespmem:s5+$0x10]  }
0x3e3: {  	v3 =	vld [tilespmem:s5+$0x20]  }
0x3e4: {  	v4 =	vld [tilespmem:s5+$0x30]  }
0x3e5: {  	v5 =	vld [tilespmem:s5+$0x40]  }
0x3e6: {  	v6 =	vld [tilespmem:s5+$0x50]  }
0x3e7: {  	[tilespmem:s5+$0x8070] =	vst.add.f32.msk $0xffff, v0  }
0x3e8: {  	v0 =	vld [tilespmem:s5+$0x60]  }
0x3e9: {  	[tilespmem:s5+$0x8000] =	vst.add.f32.msk $0xffff, v1  }
0x3ea: {  	[tilespmem:s5+$0x8010] =	vst.add.f32.msk $0xffff, v2  }
0x3eb: {  	[tilespmem:s5+$0x8020] =	vst.add.f32.msk $0xffff, v3  }
0x3ec: {  	[tilespmem:s5+$0x8030] =	vst.add.f32.msk $0xffff, v4  }
0x3ed: {  	[tilespmem:s5+$0x8040] =	vst.add.f32.msk $0xffff, v5  }
0x3ee: {  	s6 =	simm.s32 $0x0;
	s7 =	simm.s32 $0x200;
	[tilespmem:s5+$0x8050] =	vst.add.f32.msk $0xffff, v6  }
.LBB2_42:
0x3ef: {  	s6 =	sadd.s32 $0x80, s6;
	[tilespmem:s5+$0x8060] =	vst.add.f32.msk $0xffff, v0;
	s5 =	sshra.s32 s7, $0x2  }
0x3f0: {  	v0 =	vld [tilespmem:s5+$0x70];
	p0 =	slt.u32 s6, $0x3F80  }
0x3f1: {  	v1 =	vld [tilespmem:s5+$0x0]  }
0x3f2: {  	v2 =	vld [tilespmem:s5+$0x10]  }
0x3f3: {  	v3 =	vld [tilespmem:s5+$0x20]  }
0x3f4: {  	v4 =	vld [tilespmem:s5+$0x30]  }
0x3f5: {  	[tilespmem:s5+$0x8070] =	vst.add.f32.msk $0xffff, v0  }
0x3f6: {  	v5 =	vld [tilespmem:s5+$0x40]  }
0x3f7: {  	v6 =	vld [tilespmem:s5+$0x50]  }
0x3f8: {  	v0 =	vld [tilespmem:s5+$0x60]  }
0x3f9: {  	[tilespmem:s5+$0x8000] =	vst.add.f32.msk $0xffff, v1  }
.Ltmp20:
0x3fa: {  	[tilespmem:s5+$0x8010] =	vst.add.f32.msk $0xffff, v2;
	(pc) =	sbr.rel @p0 .LBB2_42-.Ltmp20, $4  }
0x3fb: {  	[tilespmem:s5+$0x8020] =	vst.add.f32.msk $0xffff, v3  }
0x3fc: {  	[tilespmem:s5+$0x8030] =	vst.add.f32.msk $0xffff, v4  }
0x3fd: {  	[tilespmem:s5+$0x8040] =	vst.add.f32.msk $0xffff, v5  }
0x3fe: {  	s7 =	sadd.s32 $0x200, s7;
	[tilespmem:s5+$0x8050] =	vst.add.f32.msk $0xffff, v6  }
0x3ff: {  	[tilespmem:s5+$0x8060] =	vst.add.f32.msk $0xffff, v0  }
0x400: {  	s6 =	sld [smem:$0x7A9];
	_ =	sdelay $0x1  }
0x401: {  	s5 =	simm.s32 $0x0  }
0x402: {  	[hbm4b:s6+s5] =	stream.linear.scatter [tilespmem:s19], [sflag:$0x7], $0x4000, $0x38;
	[tilespmem:$0x18000] =	vst v63  }
0x403: {  	_ =	swait.ge [sflag:s2], $0x4000  }
0x404: {  	s7 =	sld [smem:$0x7AE]  }
0x405: {  	[sflag:s2] =	ssyncset.done $0x0  }
0x406: {  	[sflag:s2] =	ssyncadd.s32 $0xFFFFC000  }
0x407: {  	[tilespmem:s25], [sflag:$0x6] =	stream.linear.gather [hbm4b:s7+s5], $0x4000, $0x38;
	[tilespmem:$0x18000] =	vst v63  }
0x408: {  	_ =	swait.ge [sflag:s26], $0x4000  }
0x409: {  	[sflag:s26] =	ssyncset.done $0x0  }
0x40a: {  	s5 =	simm.s32 $0x0;
	[sflag:s26] =	ssyncadd.s32 $0xFFFFC000  }
0x40b: {  	v0 =	vld [tilespmem:s5+$0x70]  }
0x40c: {  	v1 =	vld [tilespmem:s5+$0x0]  }
0x40d: {  	v2 =	vld [tilespmem:s5+$0x10]  }
0x40e: {  	v3 =	vld [tilespmem:s5+$0x20]  }
0x40f: {  	v4 =	vld [tilespmem:s5+$0x30]  }
0x410: {  	v5 =	vld [tilespmem:s5+$0x40]  }
0x411: {  	v6 =	vld [tilespmem:s5+$0x50]  }
0x412: {  	[tilespmem:s5+$0xC070] =	vst.add.f32.msk $0xffff, v0  }
0x413: {  	v0 =	vld [tilespmem:s5+$0x60]  }
0x414: {  	[tilespmem:s5+$0xC000] =	vst.add.f32.msk $0xffff, v1  }
0x415: {  	[tilespmem:s5+$0xC010] =	vst.add.f32.msk $0xffff, v2  }
0x416: {  	[tilespmem:s5+$0xC020] =	vst.add.f32.msk $0xffff, v3  }
0x417: {  	[tilespmem:s5+$0xC030] =	vst.add.f32.msk $0xffff, v4  }
0x418: {  	[tilespmem:s5+$0xC040] =	vst.add.f32.msk $0xffff, v5  }
0x419: {  	s6 =	simm.s32 $0x0;
	s7 =	simm.s32 $0x200;
	[tilespmem:s5+$0xC050] =	vst.add.f32.msk $0xffff, v6  }
.LBB2_44:
0x41a: {  	s6 =	sadd.s32 $0x80, s6;
	[tilespmem:s5+$0xC060] =	vst.add.f32.msk $0xffff, v0;
	s5 =	sshra.s32 s7, $0x2  }
0x41b: {  	v0 =	vld [tilespmem:s5+$0x70];
	p0 =	slt.u32 s6, $0x3F80  }
0x41c: {  	v1 =	vld [tilespmem:s5+$0x0]  }
0x41d: {  	v2 =	vld [tilespmem:s5+$0x10]  }
0x41e: {  	v3 =	vld [tilespmem:s5+$0x20]  }
0x41f: {  	v4 =	vld [tilespmem:s5+$0x30]  }
0x420: {  	[tilespmem:s5+$0xC070] =	vst.add.f32.msk $0xffff, v0  }
0x421: {  	v5 =	vld [tilespmem:s5+$0x40]  }
0x422: {  	v6 =	vld [tilespmem:s5+$0x50]  }
0x423: {  	v0 =	vld [tilespmem:s5+$0x60]  }
0x424: {  	[tilespmem:s5+$0xC000] =	vst.add.f32.msk $0xffff, v1  }
.Ltmp21:
0x425: {  	[tilespmem:s5+$0xC010] =	vst.add.f32.msk $0xffff, v2;
	(pc) =	sbr.rel @p0 .LBB2_44-.Ltmp21, $4  }
0x426: {  	[tilespmem:s5+$0xC020] =	vst.add.f32.msk $0xffff, v3  }
0x427: {  	[tilespmem:s5+$0xC030] =	vst.add.f32.msk $0xffff, v4  }
0x428: {  	[tilespmem:s5+$0xC040] =	vst.add.f32.msk $0xffff, v5  }
0x429: {  	s7 =	sadd.s32 $0x200, s7;
	[tilespmem:s5+$0xC050] =	vst.add.f32.msk $0xffff, v6  }
0x42a: {  	[tilespmem:s5+$0xC060] =	vst.add.f32.msk $0xffff, v0  }
0x42b: {  	s6 =	sld [smem:$0x7AB];
	_ =	sdelay $0x1  }
0x42c: {  	s5 =	simm.s32 $0x0  }
0x42d: {  	[hbm4b:s6+s5] =	stream.linear.scatter [tilespmem:s20], [sflag:$0x8], $0x4000, $0x38;
	[tilespmem:$0x18000] =	vst v63  }
0x42e: {  	_ =	swait.ge [sflag:s28], $0x4000  }
0x42f: {  	s7 =	sld [smem:$0x7B1]  }
0x430: {  	[sflag:s28] =	ssyncset.done $0x0  }
0x431: {  	[sflag:s28] =	ssyncadd.s32 $0xFFFFC000  }
0x432: {  	[tilespmem:s19], [sflag:$0x3] =	stream.linear.gather [hbm4b:s7+s5], $0x4000, $0x38;
	[tilespmem:$0x18000] =	vst v63  }
0x433: {  	_ =	swait.ge [sflag:s29], $0x4000  }
0x434: {  	[sflag:s29] =	ssyncset.done $0x0  }
0x435: {  	s5 =	simm.s32 $0x0;
	[sflag:s29] =	ssyncadd.s32 $0xFFFFC000  }
0x436: {  	v0 =	vld [tilespmem:s5+$0x70]  }
0x437: {  	v1 =	vld [tilespmem:s5+$0x0]  }
0x438: {  	v2 =	vld [tilespmem:s5+$0x10]  }
0x439: {  	v3 =	vld [tilespmem:s5+$0x20]  }
0x43a: {  	v4 =	vld [tilespmem:s5+$0x30]  }
0x43b: {  	v5 =	vld [tilespmem:s5+$0x40]  }
0x43c: {  	v6 =	vld [tilespmem:s5+$0x50]  }
0x43d: {  	[tilespmem:s5+$0x10070] =	vst.add.f32.msk $0xffff, v0  }
0x43e: {  	v0 =	vld [tilespmem:s5+$0x60]  }
0x43f: {  	[tilespmem:s5+$0x10000] =	vst.add.f32.msk $0xffff, v1  }
0x440: {  	[tilespmem:s5+$0x10010] =	vst.add.f32.msk $0xffff, v2  }
0x441: {  	[tilespmem:s5+$0x10020] =	vst.add.f32.msk $0xffff, v3  }
0x442: {  	[tilespmem:s5+$0x10030] =	vst.add.f32.msk $0xffff, v4  }
0x443: {  	[tilespmem:s5+$0x10040] =	vst.add.f32.msk $0xffff, v5  }
0x444: {  	s6 =	simm.s32 $0x0;
	s7 =	simm.s32 $0x200;
	[tilespmem:s5+$0x10050] =	vst.add.f32.msk $0xffff, v6  }
.LBB2_46:
0x445: {  	s6 =	sadd.s32 $0x80, s6;
	[tilespmem:s5+$0x10060] =	vst.add.f32.msk $0xffff, v0;
	s5 =	sshra.s32 s7, $0x2  }
0x446: {  	v0 =	vld [tilespmem:s5+$0x70];
	p0 =	slt.u32 s6, $0x3F80  }
0x447: {  	v1 =	vld [tilespmem:s5+$0x0]  }
0x448: {  	v2 =	vld [tilespmem:s5+$0x10]  }
0x449: {  	v3 =	vld [tilespmem:s5+$0x20]  }
0x44a: {  	v4 =	vld [tilespmem:s5+$0x30]  }
0x44b: {  	[tilespmem:s5+$0x10070] =	vst.add.f32.msk $0xffff, v0  }
0x44c: {  	v5 =	vld [tilespmem:s5+$0x40]  }
0x44d: {  	v6 =	vld [tilespmem:s5+$0x50]  }
0x44e: {  	v0 =	vld [tilespmem:s5+$0x60]  }
0x44f: {  	[tilespmem:s5+$0x10000] =	vst.add.f32.msk $0xffff, v1  }
.Ltmp22:
0x450: {  	[tilespmem:s5+$0x10010] =	vst.add.f32.msk $0xffff, v2;
	(pc) =	sbr.rel @p0 .LBB2_46-.Ltmp22, $4  }
0x451: {  	[tilespmem:s5+$0x10020] =	vst.add.f32.msk $0xffff, v3  }
0x452: {  	[tilespmem:s5+$0x10030] =	vst.add.f32.msk $0xffff, v4  }
0x453: {  	[tilespmem:s5+$0x10040] =	vst.add.f32.msk $0xffff, v5  }
0x454: {  	s7 =	sadd.s32 $0x200, s7;
	[tilespmem:s5+$0x10050] =	vst.add.f32.msk $0xffff, v6  }
0x455: {  	[tilespmem:s5+$0x10060] =	vst.add.f32.msk $0xffff, v0  }
0x456: {  	s6 =	sld [smem:$0x7AD];
	_ =	sdelay $0x1  }
0x457: {  	s5 =	simm.s32 $0x0  }
0x458: {  	[hbm4b:s6+s5] =	stream.linear.scatter [tilespmem:s23], [sflag:$0x9], $0x4000, $0x38;
	[tilespmem:$0x18000] =	vst v63  }
0x459: {  	_ =	swait.ge [sflag:s30], $0x4000  }
0x45a: {  	s7 =	sld [smem:$0x7B3]  }
0x45b: {  	[sflag:s30] =	ssyncset.done $0x0  }
0x45c: {  	[sflag:s30] =	ssyncadd.s32 $0xFFFFC000  }
0x45d: {  	[tilespmem:s20], [sflag:$0x4] =	stream.linear.gather [hbm4b:s7+s5], $0x4000, $0x38;
	[tilespmem:$0x18000] =	vst v63  }
0x45e: {  	_ =	swait.ge [sflag:s31], $0x4000  }
0x45f: {  	[sflag:s31] =	ssyncset.done $0x0  }
0x460: {  	s5 =	simm.s32 $0x0;
	[sflag:s31] =	ssyncadd.s32 $0xFFFFC000  }
0x461: {  	v0 =	vld [tilespmem:s5+$0x70]  }
0x462: {  	v1 =	vld [tilespmem:s5+$0x0]  }
0x463: {  	v2 =	vld [tilespmem:s5+$0x10]  }
0x464: {  	v3 =	vld [tilespmem:s5+$0x20]  }
0x465: {  	v4 =	vld [tilespmem:s5+$0x30]  }
0x466: {  	v5 =	vld [tilespmem:s5+$0x40]  }
0x467: {  	v6 =	vld [tilespmem:s5+$0x50]  }
0x468: {  	[tilespmem:s5+$0x14070] =	vst.add.f32.msk $0xffff, v0  }
0x469: {  	v0 =	vld [tilespmem:s5+$0x60]  }
0x46a: {  	[tilespmem:s5+$0x14000] =	vst.add.f32.msk $0xffff, v1  }
0x46b: {  	[tilespmem:s5+$0x14010] =	vst.add.f32.msk $0xffff, v2  }
0x46c: {  	[tilespmem:s5+$0x14020] =	vst.add.f32.msk $0xffff, v3  }
0x46d: {  	[tilespmem:s5+$0x14030] =	vst.add.f32.msk $0xffff, v4  }
0x46e: {  	[tilespmem:s5+$0x14040] =	vst.add.f32.msk $0xffff, v5  }
0x46f: {  	s6 =	simm.s32 $0x0;
	s7 =	simm.s32 $0x200;
	[tilespmem:s5+$0x14050] =	vst.add.f32.msk $0xffff, v6  }
.LBB2_48:
0x470: {  	s6 =	sadd.s32 $0x80, s6;
	[tilespmem:s5+$0x14060] =	vst.add.f32.msk $0xffff, v0;
	s5 =	sshra.s32 s7, $0x2  }
0x471: {  	v0 =	vld [tilespmem:s5+$0x70];
	p0 =	slt.u32 s6, $0x3F80  }
0x472: {  	v1 =	vld [tilespmem:s5+$0x0]  }
0x473: {  	v2 =	vld [tilespmem:s5+$0x10]  }
0x474: {  	v3 =	vld [tilespmem:s5+$0x20]  }
0x475: {  	v4 =	vld [tilespmem:s5+$0x30]  }
0x476: {  	[tilespmem:s5+$0x14070] =	vst.add.f32.msk $0xffff, v0  }
0x477: {  	v5 =	vld [tilespmem:s5+$0x40]  }
0x478: {  	v6 =	vld [tilespmem:s5+$0x50]  }
0x479: {  	v0 =	vld [tilespmem:s5+$0x60]  }
0x47a: {  	[tilespmem:s5+$0x14000] =	vst.add.f32.msk $0xffff, v1  }
.Ltmp23:
0x47b: {  	[tilespmem:s5+$0x14010] =	vst.add.f32.msk $0xffff, v2;
	(pc) =	sbr.rel @p0 .LBB2_48-.Ltmp23, $4  }
0x47c: {  	[tilespmem:s5+$0x14020] =	vst.add.f32.msk $0xffff, v3  }
0x47d: {  	[tilespmem:s5+$0x14030] =	vst.add.f32.msk $0xffff, v4  }
0x47e: {  	[tilespmem:s5+$0x14040] =	vst.add.f32.msk $0xffff, v5  }
0x47f: {  	s7 =	sadd.s32 $0x200, s7;
	[tilespmem:s5+$0x14050] =	vst.add.f32.msk $0xffff, v6  }
0x480: {  	[tilespmem:s5+$0x14060] =	vst.add.f32.msk $0xffff, v0  }
0x481: {  	s6 =	sld [smem:$0x7AF];
	_ =	sdelay $0x1  }
0x482: {  	s5 =	simm.s32 $0x0  }
0x483: {  	[hbm4b:s6+s5] =	stream.linear.scatter [tilespmem:s25], [sflag:$0xA], $0x4000, $0x38;
	[tilespmem:$0x18000] =	vst v63  }
0x484: {  	_ =	swait.ge [sflag:s3], $0x4000  }
0x485: {  	s7 =	sld [smem:$0x7C1]  }
0x486: {  	[sflag:s3] =	ssyncset.done $0x0  }
0x487: {  	[sflag:s3] =	ssyncadd.s32 $0xFFFFC000  }
0x488: {  	[tilespmem:s5], [sflag:$0x1] =	stream.linear.gather [hbm4b:s7+s5], $0x4000, $0x38;
	[tilespmem:$0x18000] =	vst v63  }
0x489: {  	_ =	swait.ge [sflag:s0], $0x4000  }
0x48a: {  	s7 =	sld [smem:$0x7B5]  }
0x48b: {  	[sflag:s0] =	ssyncset.done $0x0  }
0x48c: {  	[sflag:s0] =	ssyncadd.s32 $0xFFFFC000  }
0x48d: {  	[tilespmem:s23], [sflag:$0x5] =	stream.linear.gather [hbm4b:s7+s5], $0x4000, $0x38;
	[tilespmem:$0x18000] =	vst v63  }
0x48e: {  	_ =	swait.ge [sflag:s24], $0x4000  }
0x48f: {  	[sflag:s24] =	ssyncset.done $0x0  }
0x490: {  	s5 =	simm.s32 $0x0;
	[sflag:s24] =	ssyncadd.s32 $0xFFFFC000  }
0x491: {  	v0 =	vld [tilespmem:s5+$0x4070]  }
0x492: {  	v1 =	vld [tilespmem:s5+$0x4000]  }
0x493: {  	v2 =	vld [tilespmem:s5+$0x4010]  }
0x494: {  	v3 =	vld [tilespmem:s5+$0x4020]  }
0x495: {  	v4 =	vld [tilespmem:s5+$0x4030]  }
0x496: {  	v5 =	vld [tilespmem:s5+$0x4040]  }
0x497: {  	v6 =	vld [tilespmem:s5+$0x4050]  }
0x498: {  	[tilespmem:s5+$0x8070] =	vst.add.f32.msk $0xffff, v0  }
0x499: {  	v0 =	vld [tilespmem:s5+$0x4060]  }
0x49a: {  	[tilespmem:s5+$0x8000] =	vst.add.f32.msk $0xffff, v1  }
0x49b: {  	[tilespmem:s5+$0x8010] =	vst.add.f32.msk $0xffff, v2  }
0x49c: {  	[tilespmem:s5+$0x8020] =	vst.add.f32.msk $0xffff, v3  }
0x49d: {  	[tilespmem:s5+$0x8030] =	vst.add.f32.msk $0xffff, v4  }
0x49e: {  	[tilespmem:s5+$0x8040] =	vst.add.f32.msk $0xffff, v5  }
0x49f: {  	s6 =	simm.s32 $0x0;
	s7 =	simm.s32 $0x200;
	[tilespmem:s5+$0x8050] =	vst.add.f32.msk $0xffff, v6  }
.LBB2_50:
0x4a0: {  	s6 =	sadd.s32 $0x80, s6;
	[tilespmem:s5+$0x8060] =	vst.add.f32.msk $0xffff, v0;
	s5 =	sshra.s32 s7, $0x2  }
0x4a1: {  	v0 =	vld [tilespmem:s5+$0x4070];
	p0 =	slt.u32 s6, $0x3F80  }
0x4a2: {  	v1 =	vld [tilespmem:s5+$0x4000]  }
0x4a3: {  	v2 =	vld [tilespmem:s5+$0x4010]  }
0x4a4: {  	v3 =	vld [tilespmem:s5+$0x4020]  }
0x4a5: {  	v4 =	vld [tilespmem:s5+$0x4030]  }
0x4a6: {  	[tilespmem:s5+$0x8070] =	vst.add.f32.msk $0xffff, v0  }
0x4a7: {  	v5 =	vld [tilespmem:s5+$0x4040]  }
0x4a8: {  	v6 =	vld [tilespmem:s5+$0x4050]  }
0x4a9: {  	v0 =	vld [tilespmem:s5+$0x4060]  }
0x4aa: {  	[tilespmem:s5+$0x8000] =	vst.add.f32.msk $0xffff, v1  }
.Ltmp24:
0x4ab: {  	[tilespmem:s5+$0x8010] =	vst.add.f32.msk $0xffff, v2;
	(pc) =	sbr.rel @p0 .LBB2_50-.Ltmp24, $4  }
0x4ac: {  	[tilespmem:s5+$0x8020] =	vst.add.f32.msk $0xffff, v3  }
0x4ad: {  	[tilespmem:s5+$0x8030] =	vst.add.f32.msk $0xffff, v4  }
0x4ae: {  	[tilespmem:s5+$0x8040] =	vst.add.f32.msk $0xffff, v5  }
0x4af: {  	s7 =	sadd.s32 $0x200, s7;
	[tilespmem:s5+$0x8050] =	vst.add.f32.msk $0xffff, v6  }
0x4b0: {  	[tilespmem:s5+$0x8060] =	vst.add.f32.msk $0xffff, v0  }
0x4b1: {  	s6 =	sld [smem:$0x7B2];
	_ =	sdelay $0x1  }
0x4b2: {  	s5 =	simm.s32 $0x0  }
0x4b3: {  	[hbm4b:s6+s5] =	stream.linear.scatter [tilespmem:s19], [sflag:$0x7], $0x4000, $0x38;
	[tilespmem:$0x18000] =	vst v63  }
0x4b4: {  	_ =	swait.ge [sflag:s2], $0x4000  }
0x4b5: {  	s7 =	sld [smem:$0x7B7]  }
0x4b6: {  	[sflag:s2] =	ssyncset.done $0x0  }
0x4b7: {  	[sflag:s2] =	ssyncadd.s32 $0xFFFFC000  }
0x4b8: {  	[tilespmem:s25], [sflag:$0x6] =	stream.linear.gather [hbm4b:s7+s5], $0x4000, $0x38;
	[tilespmem:$0x18000] =	vst v63  }
0x4b9: {  	_ =	swait.ge [sflag:s26], $0x4000  }
0x4ba: {  	[sflag:s26] =	ssyncset.done $0x0  }
0x4bb: {  	s5 =	simm.s32 $0x0;
	[sflag:s26] =	ssyncadd.s32 $0xFFFFC000  }
0x4bc: {  	v0 =	vld [tilespmem:s5+$0x4070]  }
0x4bd: {  	v1 =	vld [tilespmem:s5+$0x4000]  }
0x4be: {  	v2 =	vld [tilespmem:s5+$0x4010]  }
0x4bf: {  	v3 =	vld [tilespmem:s5+$0x4020]  }
0x4c0: {  	v4 =	vld [tilespmem:s5+$0x4030]  }
0x4c1: {  	v5 =	vld [tilespmem:s5+$0x4040]  }
0x4c2: {  	v6 =	vld [tilespmem:s5+$0x4050]  }
0x4c3: {  	[tilespmem:s5+$0xC070] =	vst.add.f32.msk $0xffff, v0  }
0x4c4: {  	v0 =	vld [tilespmem:s5+$0x4060]  }
0x4c5: {  	[tilespmem:s5+$0xC000] =	vst.add.f32.msk $0xffff, v1  }
0x4c6: {  	[tilespmem:s5+$0xC010] =	vst.add.f32.msk $0xffff, v2  }
0x4c7: {  	[tilespmem:s5+$0xC020] =	vst.add.f32.msk $0xffff, v3  }
0x4c8: {  	[tilespmem:s5+$0xC030] =	vst.add.f32.msk $0xffff, v4  }
0x4c9: {  	[tilespmem:s5+$0xC040] =	vst.add.f32.msk $0xffff, v5  }
0x4ca: {  	s6 =	simm.s32 $0x0;
	s7 =	simm.s32 $0x200;
	[tilespmem:s5+$0xC050] =	vst.add.f32.msk $0xffff, v6  }
.LBB2_52:
0x4cb: {  	s6 =	sadd.s32 $0x80, s6;
	[tilespmem:s5+$0xC060] =	vst.add.f32.msk $0xffff, v0;
	s5 =	sshra.s32 s7, $0x2  }
0x4cc: {  	v0 =	vld [tilespmem:s5+$0x4070];
	p0 =	slt.u32 s6, $0x3F80  }
0x4cd: {  	v1 =	vld [tilespmem:s5+$0x4000]  }
0x4ce: {  	v2 =	vld [tilespmem:s5+$0x4010]  }
0x4cf: {  	v3 =	vld [tilespmem:s5+$0x4020]  }
0x4d0: {  	v4 =	vld [tilespmem:s5+$0x4030]  }
0x4d1: {  	[tilespmem:s5+$0xC070] =	vst.add.f32.msk $0xffff, v0  }
0x4d2: {  	v5 =	vld [tilespmem:s5+$0x4040]  }
0x4d3: {  	v6 =	vld [tilespmem:s5+$0x4050]  }
0x4d4: {  	v0 =	vld [tilespmem:s5+$0x4060]  }
0x4d5: {  	[tilespmem:s5+$0xC000] =	vst.add.f32.msk $0xffff, v1  }
.Ltmp25:
0x4d6: {  	[tilespmem:s5+$0xC010] =	vst.add.f32.msk $0xffff, v2;
	(pc) =	sbr.rel @p0 .LBB2_52-.Ltmp25, $4  }
0x4d7: {  	[tilespmem:s5+$0xC020] =	vst.add.f32.msk $0xffff, v3  }
0x4d8: {  	[tilespmem:s5+$0xC030] =	vst.add.f32.msk $0xffff, v4  }
0x4d9: {  	[tilespmem:s5+$0xC040] =	vst.add.f32.msk $0xffff, v5  }
0x4da: {  	s7 =	sadd.s32 $0x200, s7;
	[tilespmem:s5+$0xC050] =	vst.add.f32.msk $0xffff, v6  }
0x4db: {  	[tilespmem:s5+$0xC060] =	vst.add.f32.msk $0xffff, v0  }
0x4dc: {  	s6 =	sld [smem:$0x7B4];
	_ =	sdelay $0x1  }
0x4dd: {  	s5 =	simm.s32 $0x0  }
0x4de: {  	[hbm4b:s6+s5] =	stream.linear.scatter [tilespmem:s20], [sflag:$0x8], $0x4000, $0x38;
	[tilespmem:$0x18000] =	vst v63  }
0x4df: {  	_ =	swait.ge [sflag:s28], $0x4000  }
0x4e0: {  	s7 =	sld [smem:$0x7B9]  }
0x4e1: {  	[sflag:s28] =	ssyncset.done $0x0  }
0x4e2: {  	[sflag:s28] =	ssyncadd.s32 $0xFFFFC000  }
0x4e3: {  	[tilespmem:s19], [sflag:$0x3] =	stream.linear.gather [hbm4b:s7+s5], $0x4000, $0x38;
	[tilespmem:$0x18000] =	vst v63  }
0x4e4: {  	_ =	swait.ge [sflag:s29], $0x4000  }
0x4e5: {  	[sflag:s29] =	ssyncset.done $0x0  }
0x4e6: {  	s5 =	simm.s32 $0x0;
	[sflag:s29] =	ssyncadd.s32 $0xFFFFC000  }
0x4e7: {  	v0 =	vld [tilespmem:s5+$0x4070]  }
0x4e8: {  	v1 =	vld [tilespmem:s5+$0x4000]  }
0x4e9: {  	v2 =	vld [tilespmem:s5+$0x4010]  }
0x4ea: {  	v3 =	vld [tilespmem:s5+$0x4020]  }
0x4eb: {  	v4 =	vld [tilespmem:s5+$0x4030]  }
0x4ec: {  	v5 =	vld [tilespmem:s5+$0x4040]  }
0x4ed: {  	v6 =	vld [tilespmem:s5+$0x4050]  }
0x4ee: {  	[tilespmem:s5+$0x10070] =	vst.add.f32.msk $0xffff, v0  }
0x4ef: {  	v0 =	vld [tilespmem:s5+$0x4060]  }
0x4f0: {  	[tilespmem:s5+$0x10000] =	vst.add.f32.msk $0xffff, v1  }
0x4f1: {  	[tilespmem:s5+$0x10010] =	vst.add.f32.msk $0xffff, v2  }
0x4f2: {  	[tilespmem:s5+$0x10020] =	vst.add.f32.msk $0xffff, v3  }
0x4f3: {  	[tilespmem:s5+$0x10030] =	vst.add.f32.msk $0xffff, v4  }
0x4f4: {  	[tilespmem:s5+$0x10040] =	vst.add.f32.msk $0xffff, v5  }
0x4f5: {  	s6 =	simm.s32 $0x0;
	s7 =	simm.s32 $0x200;
	[tilespmem:s5+$0x10050] =	vst.add.f32.msk $0xffff, v6  }
.LBB2_54:
0x4f6: {  	s6 =	sadd.s32 $0x80, s6;
	[tilespmem:s5+$0x10060] =	vst.add.f32.msk $0xffff, v0;
	s5 =	sshra.s32 s7, $0x2  }
0x4f7: {  	v0 =	vld [tilespmem:s5+$0x4070];
	p0 =	slt.u32 s6, $0x3F80  }
0x4f8: {  	v1 =	vld [tilespmem:s5+$0x4000]  }
0x4f9: {  	v2 =	vld [tilespmem:s5+$0x4010]  }
0x4fa: {  	v3 =	vld [tilespmem:s5+$0x4020]  }
0x4fb: {  	v4 =	vld [tilespmem:s5+$0x4030]  }
0x4fc: {  	[tilespmem:s5+$0x10070] =	vst.add.f32.msk $0xffff, v0  }
0x4fd: {  	v5 =	vld [tilespmem:s5+$0x4040]  }
0x4fe: {  	v6 =	vld [tilespmem:s5+$0x4050]  }
0x4ff: {  	v0 =	vld [tilespmem:s5+$0x4060]  }
0x500: {  	[tilespmem:s5+$0x10000] =	vst.add.f32.msk $0xffff, v1  }
.Ltmp26:
0x501: {  	[tilespmem:s5+$0x10010] =	vst.add.f32.msk $0xffff, v2;
	(pc) =	sbr.rel @p0 .LBB2_54-.Ltmp26, $4  }
0x502: {  	[tilespmem:s5+$0x10020] =	vst.add.f32.msk $0xffff, v3  }
0x503: {  	[tilespmem:s5+$0x10030] =	vst.add.f32.msk $0xffff, v4  }
0x504: {  	[tilespmem:s5+$0x10040] =	vst.add.f32.msk $0xffff, v5  }
0x505: {  	s7 =	sadd.s32 $0x200, s7;
	[tilespmem:s5+$0x10050] =	vst.add.f32.msk $0xffff, v6  }
0x506: {  	[tilespmem:s5+$0x10060] =	vst.add.f32.msk $0xffff, v0  }
0x507: {  	s6 =	sld [smem:$0x7B6];
	_ =	sdelay $0x1  }
0x508: {  	s5 =	simm.s32 $0x0  }
0x509: {  	[hbm4b:s6+s5] =	stream.linear.scatter [tilespmem:s23], [sflag:$0x9], $0x4000, $0x38;
	[tilespmem:$0x18000] =	vst v63  }
0x50a: {  	_ =	swait.ge [sflag:s30], $0x4000  }
0x50b: {  	s7 =	sld [smem:$0x7BB]  }
0x50c: {  	[sflag:s30] =	ssyncset.done $0x0  }
0x50d: {  	[sflag:s30] =	ssyncadd.s32 $0xFFFFC000  }
0x50e: {  	[tilespmem:s20], [sflag:$0x4] =	stream.linear.gather [hbm4b:s7+s5], $0x4000, $0x38;
	[tilespmem:$0x18000] =	vst v63  }
0x50f: {  	_ =	swait.ge [sflag:s31], $0x4000  }
0x510: {  	[sflag:s31] =	ssyncset.done $0x0  }
0x511: {  	s5 =	simm.s32 $0x0;
	[sflag:s31] =	ssyncadd.s32 $0xFFFFC000  }
0x512: {  	v0 =	vld [tilespmem:s5+$0x4070]  }
0x513: {  	v1 =	vld [tilespmem:s5+$0x4000]  }
0x514: {  	v2 =	vld [tilespmem:s5+$0x4010]  }
0x515: {  	v3 =	vld [tilespmem:s5+$0x4020]  }
0x516: {  	v4 =	vld [tilespmem:s5+$0x4030]  }
0x517: {  	v5 =	vld [tilespmem:s5+$0x4040]  }
0x518: {  	v6 =	vld [tilespmem:s5+$0x4050]  }
0x519: {  	[tilespmem:s5+$0x14070] =	vst.add.f32.msk $0xffff, v0  }
0x51a: {  	v0 =	vld [tilespmem:s5+$0x4060]  }
0x51b: {  	[tilespmem:s5+$0x14000] =	vst.add.f32.msk $0xffff, v1  }
0x51c: {  	[tilespmem:s5+$0x14010] =	vst.add.f32.msk $0xffff, v2  }
0x51d: {  	[tilespmem:s5+$0x14020] =	vst.add.f32.msk $0xffff, v3  }
0x51e: {  	[tilespmem:s5+$0x14030] =	vst.add.f32.msk $0xffff, v4  }
0x51f: {  	[tilespmem:s5+$0x14040] =	vst.add.f32.msk $0xffff, v5  }
0x520: {  	s6 =	simm.s32 $0x0;
	s7 =	simm.s32 $0x200;
	[tilespmem:s5+$0x14050] =	vst.add.f32.msk $0xffff, v6  }
.LBB2_56:
0x521: {  	s6 =	sadd.s32 $0x80, s6;
	[tilespmem:s5+$0x14060] =	vst.add.f32.msk $0xffff, v0;
	s5 =	sshra.s32 s7, $0x2  }
0x522: {  	v0 =	vld [tilespmem:s5+$0x4070];
	p0 =	slt.u32 s6, $0x3F80  }
0x523: {  	v1 =	vld [tilespmem:s5+$0x4000]  }
0x524: {  	v2 =	vld [tilespmem:s5+$0x4010]  }
0x525: {  	v3 =	vld [tilespmem:s5+$0x4020]  }
0x526: {  	v4 =	vld [tilespmem:s5+$0x4030]  }
0x527: {  	[tilespmem:s5+$0x14070] =	vst.add.f32.msk $0xffff, v0  }
0x528: {  	v5 =	vld [tilespmem:s5+$0x4040]  }
0x529: {  	v6 =	vld [tilespmem:s5+$0x4050]  }
0x52a: {  	v0 =	vld [tilespmem:s5+$0x4060]  }
0x52b: {  	[tilespmem:s5+$0x14000] =	vst.add.f32.msk $0xffff, v1  }
.Ltmp27:
0x52c: {  	[tilespmem:s5+$0x14010] =	vst.add.f32.msk $0xffff, v2;
	(pc) =	sbr.rel @p0 .LBB2_56-.Ltmp27, $4  }
0x52d: {  	[tilespmem:s5+$0x14020] =	vst.add.f32.msk $0xffff, v3  }
0x52e: {  	[tilespmem:s5+$0x14030] =	vst.add.f32.msk $0xffff, v4  }
0x52f: {  	[tilespmem:s5+$0x14040] =	vst.add.f32.msk $0xffff, v5  }
0x530: {  	s7 =	sadd.s32 $0x200, s7;
	[tilespmem:s5+$0x14050] =	vst.add.f32.msk $0xffff, v6  }
0x531: {  	[tilespmem:s5+$0x14060] =	vst.add.f32.msk $0xffff, v0  }
0x532: {  	s6 =	sld [smem:$0x7B8];
	_ =	sdelay $0x1  }
0x533: {  	s5 =	simm.s32 $0x0  }
0x534: {  	[hbm4b:s6+s5] =	stream.linear.scatter [tilespmem:s25], [sflag:$0xA], $0x4000, $0x38;
	[tilespmem:$0x18000] =	vst v63  }
0x535: {  	_ =	swait.ge [sflag:s0], $0x4000  }
0x536: {  	s7 =	sld [smem:$0x7BD]  }
0x537: {  	[sflag:s0] =	ssyncset.done $0x0  }
0x538: {  	[sflag:s0] =	ssyncadd.s32 $0xFFFFC000  }
0x539: {  	[tilespmem:s23], [sflag:$0x5] =	stream.linear.gather [hbm4b:s7+s5], $0x4000, $0x38;
	[tilespmem:$0x18000] =	vst v63  }
0x53a: {  	_ =	swait.ge [sflag:s24], $0x4000  }
0x53b: {  	[sflag:s24] =	ssyncset.done $0x0  }
0x53c: {  	s5 =	simm.s32 $0x0;
	[sflag:s24] =	ssyncadd.s32 $0xFFFFC000  }
0x53d: {  	v0 =	vld [tilespmem:s5+$0x4070]  }
0x53e: {  	v1 =	vld [tilespmem:s5+$0x4000]  }
0x53f: {  	v2 =	vld [tilespmem:s5+$0x4010]  }
0x540: {  	v3 =	vld [tilespmem:s5+$0x4020]  }
0x541: {  	v4 =	vld [tilespmem:s5+$0x4030]  }
0x542: {  	v5 =	vld [tilespmem:s5+$0x4040]  }
0x543: {  	v6 =	vld [tilespmem:s5+$0x4050]  }
0x544: {  	[tilespmem:s5+$0x8070] =	vst.add.f32.msk $0xffff, v0  }
0x545: {  	v0 =	vld [tilespmem:s5+$0x4060]  }
0x546: {  	[tilespmem:s5+$0x8000] =	vst.add.f32.msk $0xffff, v1  }
0x547: {  	[tilespmem:s5+$0x8010] =	vst.add.f32.msk $0xffff, v2  }
0x548: {  	[tilespmem:s5+$0x8020] =	vst.add.f32.msk $0xffff, v3  }
0x549: {  	[tilespmem:s5+$0x8030] =	vst.add.f32.msk $0xffff, v4  }
0x54a: {  	[tilespmem:s5+$0x8040] =	vst.add.f32.msk $0xffff, v5  }
0x54b: {  	s6 =	simm.s32 $0x0;
	s7 =	simm.s32 $0x200;
	[tilespmem:s5+$0x8050] =	vst.add.f32.msk $0xffff, v6  }
.LBB2_58:
0x54c: {  	s6 =	sadd.s32 $0x80, s6;
	[tilespmem:s5+$0x8060] =	vst.add.f32.msk $0xffff, v0;
	s5 =	sshra.s32 s7, $0x2  }
0x54d: {  	v0 =	vld [tilespmem:s5+$0x4070];
	p0 =	slt.u32 s6, $0x3F80  }
0x54e: {  	v1 =	vld [tilespmem:s5+$0x4000]  }
0x54f: {  	v2 =	vld [tilespmem:s5+$0x4010]  }
0x550: {  	v3 =	vld [tilespmem:s5+$0x4020]  }
0x551: {  	v4 =	vld [tilespmem:s5+$0x4030]  }
0x552: {  	[tilespmem:s5+$0x8070] =	vst.add.f32.msk $0xffff, v0  }
0x553: {  	v5 =	vld [tilespmem:s5+$0x4040]  }
0x554: {  	v6 =	vld [tilespmem:s5+$0x4050]  }
0x555: {  	v0 =	vld [tilespmem:s5+$0x4060]  }
0x556: {  	[tilespmem:s5+$0x8000] =	vst.add.f32.msk $0xffff, v1  }
.Ltmp28:
0x557: {  	[tilespmem:s5+$0x8010] =	vst.add.f32.msk $0xffff, v2;
	(pc) =	sbr.rel @p0 .LBB2_58-.Ltmp28, $4  }
0x558: {  	[tilespmem:s5+$0x8020] =	vst.add.f32.msk $0xffff, v3  }
0x559: {  	[tilespmem:s5+$0x8030] =	vst.add.f32.msk $0xffff, v4  }
0x55a: {  	[tilespmem:s5+$0x8040] =	vst.add.f32.msk $0xffff, v5  }
0x55b: {  	s7 =	sadd.s32 $0x200, s7;
	[tilespmem:s5+$0x8050] =	vst.add.f32.msk $0xffff, v6  }
0x55c: {  	[tilespmem:s5+$0x8060] =	vst.add.f32.msk $0xffff, v0  }
0x55d: {  	s6 =	sld [smem:$0x7BA];
	_ =	sdelay $0x1  }
0x55e: {  	s5 =	simm.s32 $0x0  }
0x55f: {  	[hbm4b:s6+s5] =	stream.linear.scatter [tilespmem:s19], [sflag:$0x7], $0x4000, $0x38;
	[tilespmem:$0x18000] =	vst v63  }
0x560: {  	_ =	swait.ge [sflag:s2], $0x4000  }
0x561: {  	s7 =	sld [smem:$0x7BF]  }
0x562: {  	[sflag:s2] =	ssyncset.done $0x0  }
0x563: {  	[sflag:s2] =	ssyncadd.s32 $0xFFFFC000  }
0x564: {  	[tilespmem:s25], [sflag:$0x6] =	stream.linear.gather [hbm4b:s7+s5], $0x4000, $0x38;
	[tilespmem:$0x18000] =	vst v63  }
0x565: {  	_ =	swait.ge [sflag:s26], $0x4000  }
0x566: {  	[sflag:s26] =	ssyncset.done $0x0  }
0x567: {  	s5 =	simm.s32 $0x0;
	[sflag:s26] =	ssyncadd.s32 $0xFFFFC000  }
0x568: {  	v0 =	vld [tilespmem:s5+$0x4070]  }
0x569: {  	v1 =	vld [tilespmem:s5+$0x4000]  }
0x56a: {  	v2 =	vld [tilespmem:s5+$0x4010]  }
0x56b: {  	v3 =	vld [tilespmem:s5+$0x4020]  }
0x56c: {  	v4 =	vld [tilespmem:s5+$0x4030]  }
0x56d: {  	v5 =	vld [tilespmem:s5+$0x4040]  }
0x56e: {  	v6 =	vld [tilespmem:s5+$0x4050]  }
0x56f: {  	[tilespmem:s5+$0xC070] =	vst.add.f32.msk $0xffff, v0  }
0x570: {  	v0 =	vld [tilespmem:s5+$0x4060]  }
0x571: {  	[tilespmem:s5+$0xC000] =	vst.add.f32.msk $0xffff, v1  }
0x572: {  	[tilespmem:s5+$0xC010] =	vst.add.f32.msk $0xffff, v2  }
0x573: {  	[tilespmem:s5+$0xC020] =	vst.add.f32.msk $0xffff, v3  }
0x574: {  	[tilespmem:s5+$0xC030] =	vst.add.f32.msk $0xffff, v4  }
0x575: {  	[tilespmem:s5+$0xC040] =	vst.add.f32.msk $0xffff, v5  }
0x576: {  	s6 =	simm.s32 $0x0;
	s7 =	simm.s32 $0x200;
	[tilespmem:s5+$0xC050] =	vst.add.f32.msk $0xffff, v6  }
.LBB2_60:
0x577: {  	s6 =	sadd.s32 $0x80, s6;
	[tilespmem:s5+$0xC060] =	vst.add.f32.msk $0xffff, v0;
	s5 =	sshra.s32 s7, $0x2  }
0x578: {  	v0 =	vld [tilespmem:s5+$0x4070];
	p0 =	slt.u32 s6, $0x3F80  }
0x579: {  	v1 =	vld [tilespmem:s5+$0x4000]  }
0x57a: {  	v2 =	vld [tilespmem:s5+$0x4010]  }
0x57b: {  	v3 =	vld [tilespmem:s5+$0x4020]  }
0x57c: {  	v4 =	vld [tilespmem:s5+$0x4030]  }
0x57d: {  	[tilespmem:s5+$0xC070] =	vst.add.f32.msk $0xffff, v0  }
0x57e: {  	v5 =	vld [tilespmem:s5+$0x4040]  }
0x57f: {  	v6 =	vld [tilespmem:s5+$0x4050]  }
0x580: {  	v0 =	vld [tilespmem:s5+$0x4060]  }
0x581: {  	[tilespmem:s5+$0xC000] =	vst.add.f32.msk $0xffff, v1  }
.Ltmp29:
0x582: {  	[tilespmem:s5+$0xC010] =	vst.add.f32.msk $0xffff, v2;
	(pc) =	sbr.rel @p0 .LBB2_60-.Ltmp29, $4  }
0x583: {  	[tilespmem:s5+$0xC020] =	vst.add.f32.msk $0xffff, v3  }
0x584: {  	[tilespmem:s5+$0xC030] =	vst.add.f32.msk $0xffff, v4  }
0x585: {  	[tilespmem:s5+$0xC040] =	vst.add.f32.msk $0xffff, v5  }
0x586: {  	s7 =	sadd.s32 $0x200, s7;
	[tilespmem:s5+$0xC050] =	vst.add.f32.msk $0xffff, v6  }
0x587: {  	[tilespmem:s5+$0xC060] =	vst.add.f32.msk $0xffff, v0  }
0x588: {  	s6 =	sld [smem:$0x7BC];
	_ =	sdelay $0x1  }
0x589: {  	s5 =	simm.s32 $0x0  }
0x58a: {  	[hbm4b:s6+s5] =	stream.linear.scatter [tilespmem:s20], [sflag:$0x8], $0x4000, $0x38;
	[tilespmem:$0x18000] =	vst v63  }
0x58b: {  	_ =	swait.ge [sflag:s28], $0x4000  }
0x58c: {  	s7 =	sld [smem:$0x7C2]  }
0x58d: {  	[sflag:s28] =	ssyncset.done $0x0  }
0x58e: {  	[sflag:s28] =	ssyncadd.s32 $0xFFFFC000  }
0x58f: {  	[tilespmem:s19], [sflag:$0x3] =	stream.linear.gather [hbm4b:s7+s5], $0x4000, $0x38;
	[tilespmem:$0x18000] =	vst v63  }
0x590: {  	_ =	swait.ge [sflag:s29], $0x4000  }
0x591: {  	[sflag:s29] =	ssyncset.done $0x0  }
0x592: {  	s5 =	simm.s32 $0x0;
	[sflag:s29] =	ssyncadd.s32 $0xFFFFC000  }
0x593: {  	v0 =	vld [tilespmem:s5+$0x4070]  }
0x594: {  	v1 =	vld [tilespmem:s5+$0x4000]  }
0x595: {  	v2 =	vld [tilespmem:s5+$0x4010]  }
0x596: {  	v3 =	vld [tilespmem:s5+$0x4020]  }
0x597: {  	v4 =	vld [tilespmem:s5+$0x4030]  }
0x598: {  	v5 =	vld [tilespmem:s5+$0x4040]  }
0x599: {  	v6 =	vld [tilespmem:s5+$0x4050]  }
0x59a: {  	[tilespmem:s5+$0x10070] =	vst.add.f32.msk $0xffff, v0  }
0x59b: {  	v0 =	vld [tilespmem:s5+$0x4060]  }
0x59c: {  	[tilespmem:s5+$0x10000] =	vst.add.f32.msk $0xffff, v1  }
0x59d: {  	[tilespmem:s5+$0x10010] =	vst.add.f32.msk $0xffff, v2  }
0x59e: {  	[tilespmem:s5+$0x10020] =	vst.add.f32.msk $0xffff, v3  }
0x59f: {  	[tilespmem:s5+$0x10030] =	vst.add.f32.msk $0xffff, v4  }
0x5a0: {  	[tilespmem:s5+$0x10040] =	vst.add.f32.msk $0xffff, v5  }
0x5a1: {  	s6 =	simm.s32 $0x0;
	s7 =	simm.s32 $0x200;
	[tilespmem:s5+$0x10050] =	vst.add.f32.msk $0xffff, v6  }
.LBB2_62:
0x5a2: {  	s6 =	sadd.s32 $0x80, s6;
	[tilespmem:s5+$0x10060] =	vst.add.f32.msk $0xffff, v0;
	s5 =	sshra.s32 s7, $0x2  }
0x5a3: {  	v0 =	vld [tilespmem:s5+$0x4070];
	p0 =	slt.u32 s6, $0x3F80  }
0x5a4: {  	v1 =	vld [tilespmem:s5+$0x4000]  }
0x5a5: {  	v2 =	vld [tilespmem:s5+$0x4010]  }
0x5a6: {  	v3 =	vld [tilespmem:s5+$0x4020]  }
0x5a7: {  	v4 =	vld [tilespmem:s5+$0x4030]  }
0x5a8: {  	[tilespmem:s5+$0x10070] =	vst.add.f32.msk $0xffff, v0  }
0x5a9: {  	v5 =	vld [tilespmem:s5+$0x4040]  }
0x5aa: {  	v6 =	vld [tilespmem:s5+$0x4050]  }
0x5ab: {  	v0 =	vld [tilespmem:s5+$0x4060]  }
0x5ac: {  	[tilespmem:s5+$0x10000] =	vst.add.f32.msk $0xffff, v1  }
.Ltmp30:
0x5ad: {  	[tilespmem:s5+$0x10010] =	vst.add.f32.msk $0xffff, v2;
	(pc) =	sbr.rel @p0 .LBB2_62-.Ltmp30, $4  }
0x5ae: {  	[tilespmem:s5+$0x10020] =	vst.add.f32.msk $0xffff, v3  }
0x5af: {  	[tilespmem:s5+$0x10030] =	vst.add.f32.msk $0xffff, v4  }
0x5b0: {  	[tilespmem:s5+$0x10040] =	vst.add.f32.msk $0xffff, v5  }
0x5b1: {  	s7 =	sadd.s32 $0x200, s7;
	[tilespmem:s5+$0x10050] =	vst.add.f32.msk $0xffff, v6  }
0x5b2: {  	[tilespmem:s5+$0x10060] =	vst.add.f32.msk $0xffff, v0  }
0x5b3: {  	s6 =	sld [smem:$0x7BE];
	_ =	sdelay $0x1  }
0x5b4: {  	s5 =	simm.s32 $0x0  }
0x5b5: {  	[hbm4b:s6+s5] =	stream.linear.scatter [tilespmem:s23], [sflag:$0x9], $0x4000, $0x38;
	[tilespmem:$0x18000] =	vst v63  }
0x5b6: {  	_ =	swait.ge [sflag:s30], $0x4000  }
0x5b7: {  	s7 =	sld [smem:$0x7C4]  }
0x5b8: {  	[sflag:s30] =	ssyncset.done $0x0  }
0x5b9: {  	[sflag:s30] =	ssyncadd.s32 $0xFFFFC000  }
0x5ba: {  	[tilespmem:s20], [sflag:$0x4] =	stream.linear.gather [hbm4b:s7+s5], $0x4000, $0x38;
	[tilespmem:$0x18000] =	vst v63  }
0x5bb: {  	_ =	swait.ge [sflag:s31], $0x4000  }
0x5bc: {  	[sflag:s31] =	ssyncset.done $0x0  }
0x5bd: {  	s5 =	simm.s32 $0x0;
	[sflag:s31] =	ssyncadd.s32 $0xFFFFC000  }
0x5be: {  	v0 =	vld [tilespmem:s5+$0x4070]  }
0x5bf: {  	v1 =	vld [tilespmem:s5+$0x4000]  }
0x5c0: {  	v2 =	vld [tilespmem:s5+$0x4010]  }
0x5c1: {  	v3 =	vld [tilespmem:s5+$0x4020]  }
0x5c2: {  	v4 =	vld [tilespmem:s5+$0x4030]  }
0x5c3: {  	v5 =	vld [tilespmem:s5+$0x4040]  }
0x5c4: {  	v6 =	vld [tilespmem:s5+$0x4050]  }
0x5c5: {  	[tilespmem:s5+$0x14070] =	vst.add.f32.msk $0xffff, v0  }
0x5c6: {  	v0 =	vld [tilespmem:s5+$0x4060]  }
0x5c7: {  	[tilespmem:s5+$0x14000] =	vst.add.f32.msk $0xffff, v1  }
0x5c8: {  	[tilespmem:s5+$0x14010] =	vst.add.f32.msk $0xffff, v2  }
0x5c9: {  	[tilespmem:s5+$0x14020] =	vst.add.f32.msk $0xffff, v3  }
0x5ca: {  	[tilespmem:s5+$0x14030] =	vst.add.f32.msk $0xffff, v4  }
0x5cb: {  	[tilespmem:s5+$0x14040] =	vst.add.f32.msk $0xffff, v5  }
0x5cc: {  	s6 =	simm.s32 $0x0;
	s7 =	simm.s32 $0x200;
	[tilespmem:s5+$0x14050] =	vst.add.f32.msk $0xffff, v6  }
.LBB2_64:
0x5cd: {  	s6 =	sadd.s32 $0x80, s6;
	[tilespmem:s5+$0x14060] =	vst.add.f32.msk $0xffff, v0;
	s5 =	sshra.s32 s7, $0x2  }
0x5ce: {  	v0 =	vld [tilespmem:s5+$0x4070];
	p0 =	slt.u32 s6, $0x3F80  }
0x5cf: {  	v1 =	vld [tilespmem:s5+$0x4000]  }
0x5d0: {  	v2 =	vld [tilespmem:s5+$0x4010]  }
0x5d1: {  	v3 =	vld [tilespmem:s5+$0x4020]  }
0x5d2: {  	v4 =	vld [tilespmem:s5+$0x4030]  }
0x5d3: {  	[tilespmem:s5+$0x14070] =	vst.add.f32.msk $0xffff, v0  }
0x5d4: {  	v5 =	vld [tilespmem:s5+$0x4040]  }
0x5d5: {  	v6 =	vld [tilespmem:s5+$0x4050]  }
0x5d6: {  	v0 =	vld [tilespmem:s5+$0x4060]  }
0x5d7: {  	[tilespmem:s5+$0x14000] =	vst.add.f32.msk $0xffff, v1  }
.Ltmp31:
0x5d8: {  	[tilespmem:s5+$0x14010] =	vst.add.f32.msk $0xffff, v2;
	(pc) =	sbr.rel @p0 .LBB2_64-.Ltmp31, $4  }
0x5d9: {  	[tilespmem:s5+$0x14020] =	vst.add.f32.msk $0xffff, v3  }
0x5da: {  	[tilespmem:s5+$0x14030] =	vst.add.f32.msk $0xffff, v4  }
0x5db: {  	[tilespmem:s5+$0x14040] =	vst.add.f32.msk $0xffff, v5  }
0x5dc: {  	s7 =	sadd.s32 $0x200, s7;
	[tilespmem:s5+$0x14050] =	vst.add.f32.msk $0xffff, v6  }
0x5dd: {  	[tilespmem:s5+$0x14060] =	vst.add.f32.msk $0xffff, v0  }
0x5de: {  	s6 =	sld [smem:$0x7C0];
	_ =	sdelay $0x1  }
0x5df: {  	s5 =	simm.s32 $0x0  }
0x5e0: {  	[hbm4b:s6+s5] =	stream.linear.scatter [tilespmem:s25], [sflag:$0xA], $0x4000, $0x38;
	[tilespmem:$0x18000] =	vst v63  }
0x5e1: {  	_ =	swait.ge [sflag:s21], $0x4000  }
0x5e2: {  	s7 =	sld [smem:$0x7D2]  }
0x5e3: {  	[sflag:s21] =	ssyncset.done $0x0  }
0x5e4: {  	[sflag:s21] =	ssyncadd.s32 $0xFFFFC000  }
0x5e5: {  	[tilespmem:s22], [sflag:$0x2] =	stream.linear.gather [hbm4b:s7+s5], $0x4000, $0x38;
	[tilespmem:$0x18000] =	vst v63  }
0x5e6: {  	_ =	swait.ge [sflag:s0], $0x4000  }
0x5e7: {  	s7 =	sld [smem:$0x7C6]  }
0x5e8: {  	[sflag:s0] =	ssyncset.done $0x0  }
0x5e9: {  	[sflag:s0] =	ssyncadd.s32 $0xFFFFC000  }
0x5ea: {  	[tilespmem:s23], [sflag:$0x5] =	stream.linear.gather [hbm4b:s7+s5], $0x4000, $0x38;
	[tilespmem:$0x18000] =	vst v63  }
0x5eb: {  	_ =	swait.ge [sflag:s24], $0x4000  }
0x5ec: {  	[sflag:s24] =	ssyncset.done $0x0  }
0x5ed: {  	s5 =	simm.s32 $0x0;
	[sflag:s24] =	ssyncadd.s32 $0xFFFFC000  }
0x5ee: {  	v0 =	vld [tilespmem:s5+$0x70]  }
0x5ef: {  	v1 =	vld [tilespmem:s5+$0x0]  }
0x5f0: {  	v2 =	vld [tilespmem:s5+$0x10]  }
0x5f1: {  	v3 =	vld [tilespmem:s5+$0x20]  }
0x5f2: {  	v4 =	vld [tilespmem:s5+$0x30]  }
0x5f3: {  	v5 =	vld [tilespmem:s5+$0x40]  }
0x5f4: {  	v6 =	vld [tilespmem:s5+$0x50]  }
0x5f5: {  	[tilespmem:s5+$0x8070] =	vst.add.f32.msk $0xffff, v0  }
0x5f6: {  	v0 =	vld [tilespmem:s5+$0x60]  }
0x5f7: {  	[tilespmem:s5+$0x8000] =	vst.add.f32.msk $0xffff, v1  }
0x5f8: {  	[tilespmem:s5+$0x8010] =	vst.add.f32.msk $0xffff, v2  }
0x5f9: {  	[tilespmem:s5+$0x8020] =	vst.add.f32.msk $0xffff, v3  }
0x5fa: {  	[tilespmem:s5+$0x8030] =	vst.add.f32.msk $0xffff, v4  }
0x5fb: {  	[tilespmem:s5+$0x8040] =	vst.add.f32.msk $0xffff, v5  }
0x5fc: {  	s6 =	simm.s32 $0x0;
	s7 =	simm.s32 $0x200;
	[tilespmem:s5+$0x8050] =	vst.add.f32.msk $0xffff, v6  }
.LBB2_66:
0x5fd: {  	s6 =	sadd.s32 $0x80, s6;
	[tilespmem:s5+$0x8060] =	vst.add.f32.msk $0xffff, v0;
	s5 =	sshra.s32 s7, $0x2  }
0x5fe: {  	v0 =	vld [tilespmem:s5+$0x70];
	p0 =	slt.u32 s6, $0x3F80  }
0x5ff: {  	v1 =	vld [tilespmem:s5+$0x0]  }
0x600: {  	v2 =	vld [tilespmem:s5+$0x10]  }
0x601: {  	v3 =	vld [tilespmem:s5+$0x20]  }
0x602: {  	v4 =	vld [tilespmem:s5+$0x30]  }
0x603: {  	[tilespmem:s5+$0x8070] =	vst.add.f32.msk $0xffff, v0  }
0x604: {  	v5 =	vld [tilespmem:s5+$0x40]  }
0x605: {  	v6 =	vld [tilespmem:s5+$0x50]  }
0x606: {  	v0 =	vld [tilespmem:s5+$0x60]  }
0x607: {  	[tilespmem:s5+$0x8000] =	vst.add.f32.msk $0xffff, v1  }
.Ltmp32:
0x608: {  	[tilespmem:s5+$0x8010] =	vst.add.f32.msk $0xffff, v2;
	(pc) =	sbr.rel @p0 .LBB2_66-.Ltmp32, $4  }
0x609: {  	[tilespmem:s5+$0x8020] =	vst.add.f32.msk $0xffff, v3  }
0x60a: {  	[tilespmem:s5+$0x8030] =	vst.add.f32.msk $0xffff, v4  }
0x60b: {  	[tilespmem:s5+$0x8040] =	vst.add.f32.msk $0xffff, v5  }
0x60c: {  	s7 =	sadd.s32 $0x200, s7;
	[tilespmem:s5+$0x8050] =	vst.add.f32.msk $0xffff, v6  }
0x60d: {  	[tilespmem:s5+$0x8060] =	vst.add.f32.msk $0xffff, v0  }
0x60e: {  	s6 =	sld [smem:$0x7C3];
	_ =	sdelay $0x1  }
0x60f: {  	s5 =	simm.s32 $0x0  }
0x610: {  	[hbm4b:s6+s5] =	stream.linear.scatter [tilespmem:s19], [sflag:$0x7], $0x4000, $0x38;
	[tilespmem:$0x18000] =	vst v63  }
0x611: {  	_ =	swait.ge [sflag:s2], $0x4000  }
0x612: {  	s7 =	sld [smem:$0x7C8]  }
0x613: {  	[sflag:s2] =	ssyncset.done $0x0  }
0x614: {  	[sflag:s2] =	ssyncadd.s32 $0xFFFFC000  }
0x615: {  	[tilespmem:s25], [sflag:$0x6] =	stream.linear.gather [hbm4b:s7+s5], $0x4000, $0x38;
	[tilespmem:$0x18000] =	vst v63  }
0x616: {  	_ =	swait.ge [sflag:s26], $0x4000  }
0x617: {  	[sflag:s26] =	ssyncset.done $0x0  }
0x618: {  	s5 =	simm.s32 $0x0;
	[sflag:s26] =	ssyncadd.s32 $0xFFFFC000  }
0x619: {  	v0 =	vld [tilespmem:s5+$0x70]  }
0x61a: {  	v1 =	vld [tilespmem:s5+$0x0]  }
0x61b: {  	v2 =	vld [tilespmem:s5+$0x10]  }
0x61c: {  	v3 =	vld [tilespmem:s5+$0x20]  }
0x61d: {  	v4 =	vld [tilespmem:s5+$0x30]  }
0x61e: {  	v5 =	vld [tilespmem:s5+$0x40]  }
0x61f: {  	v6 =	vld [tilespmem:s5+$0x50]  }
0x620: {  	[tilespmem:s5+$0xC070] =	vst.add.f32.msk $0xffff, v0  }
0x621: {  	v0 =	vld [tilespmem:s5+$0x60]  }
0x622: {  	[tilespmem:s5+$0xC000] =	vst.add.f32.msk $0xffff, v1  }
0x623: {  	[tilespmem:s5+$0xC010] =	vst.add.f32.msk $0xffff, v2  }
0x624: {  	[tilespmem:s5+$0xC020] =	vst.add.f32.msk $0xffff, v3  }
0x625: {  	[tilespmem:s5+$0xC030] =	vst.add.f32.msk $0xffff, v4  }
0x626: {  	[tilespmem:s5+$0xC040] =	vst.add.f32.msk $0xffff, v5  }
0x627: {  	s6 =	simm.s32 $0x0;
	s7 =	simm.s32 $0x200;
	[tilespmem:s5+$0xC050] =	vst.add.f32.msk $0xffff, v6  }
.LBB2_68:
0x628: {  	s6 =	sadd.s32 $0x80, s6;
	[tilespmem:s5+$0xC060] =	vst.add.f32.msk $0xffff, v0;
	s5 =	sshra.s32 s7, $0x2  }
0x629: {  	v0 =	vld [tilespmem:s5+$0x70];
	p0 =	slt.u32 s6, $0x3F80  }
0x62a: {  	v1 =	vld [tilespmem:s5+$0x0]  }
0x62b: {  	v2 =	vld [tilespmem:s5+$0x10]  }
0x62c: {  	v3 =	vld [tilespmem:s5+$0x20]  }
0x62d: {  	v4 =	vld [tilespmem:s5+$0x30]  }
0x62e: {  	[tilespmem:s5+$0xC070] =	vst.add.f32.msk $0xffff, v0  }
0x62f: {  	v5 =	vld [tilespmem:s5+$0x40]  }
0x630: {  	v6 =	vld [tilespmem:s5+$0x50]  }
0x631: {  	v0 =	vld [tilespmem:s5+$0x60]  }
0x632: {  	[tilespmem:s5+$0xC000] =	vst.add.f32.msk $0xffff, v1  }
.Ltmp33:
0x633: {  	[tilespmem:s5+$0xC010] =	vst.add.f32.msk $0xffff, v2;
	(pc) =	sbr.rel @p0 .LBB2_68-.Ltmp33, $4  }
0x634: {  	[tilespmem:s5+$0xC020] =	vst.add.f32.msk $0xffff, v3  }
0x635: {  	[tilespmem:s5+$0xC030] =	vst.add.f32.msk $0xffff, v4  }
0x636: {  	[tilespmem:s5+$0xC040] =	vst.add.f32.msk $0xffff, v5  }
0x637: {  	s7 =	sadd.s32 $0x200, s7;
	[tilespmem:s5+$0xC050] =	vst.add.f32.msk $0xffff, v6  }
0x638: {  	[tilespmem:s5+$0xC060] =	vst.add.f32.msk $0xffff, v0  }
0x639: {  	s6 =	sld [smem:$0x7C5];
	_ =	sdelay $0x1  }
0x63a: {  	s5 =	simm.s32 $0x0  }
0x63b: {  	[hbm4b:s6+s5] =	stream.linear.scatter [tilespmem:s20], [sflag:$0x8], $0x4000, $0x38;
	[tilespmem:$0x18000] =	vst v63  }
0x63c: {  	_ =	swait.ge [sflag:s28], $0x4000  }
0x63d: {  	s7 =	sld [smem:$0x7CA]  }
0x63e: {  	[sflag:s28] =	ssyncset.done $0x0  }
0x63f: {  	[sflag:s28] =	ssyncadd.s32 $0xFFFFC000  }
0x640: {  	[tilespmem:s19], [sflag:$0x3] =	stream.linear.gather [hbm4b:s7+s5], $0x4000, $0x38;
	[tilespmem:$0x18000] =	vst v63  }
0x641: {  	_ =	swait.ge [sflag:s29], $0x4000  }
0x642: {  	[sflag:s29] =	ssyncset.done $0x0  }
0x643: {  	s5 =	simm.s32 $0x0;
	[sflag:s29] =	ssyncadd.s32 $0xFFFFC000  }
0x644: {  	v0 =	vld [tilespmem:s5+$0x70]  }
0x645: {  	v1 =	vld [tilespmem:s5+$0x0]  }
0x646: {  	v2 =	vld [tilespmem:s5+$0x10]  }
0x647: {  	v3 =	vld [tilespmem:s5+$0x20]  }
0x648: {  	v4 =	vld [tilespmem:s5+$0x30]  }
0x649: {  	v5 =	vld [tilespmem:s5+$0x40]  }
0x64a: {  	v6 =	vld [tilespmem:s5+$0x50]  }
0x64b: {  	[tilespmem:s5+$0x10070] =	vst.add.f32.msk $0xffff, v0  }
0x64c: {  	v0 =	vld [tilespmem:s5+$0x60]  }
0x64d: {  	[tilespmem:s5+$0x10000] =	vst.add.f32.msk $0xffff, v1  }
0x64e: {  	[tilespmem:s5+$0x10010] =	vst.add.f32.msk $0xffff, v2  }
0x64f: {  	[tilespmem:s5+$0x10020] =	vst.add.f32.msk $0xffff, v3  }
0x650: {  	[tilespmem:s5+$0x10030] =	vst.add.f32.msk $0xffff, v4  }
0x651: {  	[tilespmem:s5+$0x10040] =	vst.add.f32.msk $0xffff, v5  }
0x652: {  	s6 =	simm.s32 $0x0;
	s7 =	simm.s32 $0x200;
	[tilespmem:s5+$0x10050] =	vst.add.f32.msk $0xffff, v6  }
.LBB2_70:
0x653: {  	s6 =	sadd.s32 $0x80, s6;
	[tilespmem:s5+$0x10060] =	vst.add.f32.msk $0xffff, v0;
	s5 =	sshra.s32 s7, $0x2  }
0x654: {  	v0 =	vld [tilespmem:s5+$0x70];
	p0 =	slt.u32 s6, $0x3F80  }
0x655: {  	v1 =	vld [tilespmem:s5+$0x0]  }
0x656: {  	v2 =	vld [tilespmem:s5+$0x10]  }
0x657: {  	v3 =	vld [tilespmem:s5+$0x20]  }
0x658: {  	v4 =	vld [tilespmem:s5+$0x30]  }
0x659: {  	[tilespmem:s5+$0x10070] =	vst.add.f32.msk $0xffff, v0  }
0x65a: {  	v5 =	vld [tilespmem:s5+$0x40]  }
0x65b: {  	v6 =	vld [tilespmem:s5+$0x50]  }
0x65c: {  	v0 =	vld [tilespmem:s5+$0x60]  }
0x65d: {  	[tilespmem:s5+$0x10000] =	vst.add.f32.msk $0xffff, v1  }
.Ltmp34:
0x65e: {  	[tilespmem:s5+$0x10010] =	vst.add.f32.msk $0xffff, v2;
	(pc) =	sbr.rel @p0 .LBB2_70-.Ltmp34, $4  }
0x65f: {  	[tilespmem:s5+$0x10020] =	vst.add.f32.msk $0xffff, v3  }
0x660: {  	[tilespmem:s5+$0x10030] =	vst.add.f32.msk $0xffff, v4  }
0x661: {  	[tilespmem:s5+$0x10040] =	vst.add.f32.msk $0xffff, v5  }
0x662: {  	s7 =	sadd.s32 $0x200, s7;
	[tilespmem:s5+$0x10050] =	vst.add.f32.msk $0xffff, v6  }
0x663: {  	[tilespmem:s5+$0x10060] =	vst.add.f32.msk $0xffff, v0  }
0x664: {  	s6 =	sld [smem:$0x7C7];
	_ =	sdelay $0x1  }
0x665: {  	s5 =	simm.s32 $0x0  }
0x666: {  	[hbm4b:s6+s5] =	stream.linear.scatter [tilespmem:s23], [sflag:$0x9], $0x4000, $0x38;
	[tilespmem:$0x18000] =	vst v63  }
0x667: {  	_ =	swait.ge [sflag:s30], $0x4000  }
0x668: {  	s7 =	sld [smem:$0x7CC]  }
0x669: {  	[sflag:s30] =	ssyncset.done $0x0  }
0x66a: {  	[sflag:s30] =	ssyncadd.s32 $0xFFFFC000  }
0x66b: {  	[tilespmem:s20], [sflag:$0x4] =	stream.linear.gather [hbm4b:s7+s5], $0x4000, $0x38;
	[tilespmem:$0x18000] =	vst v63  }
0x66c: {  	_ =	swait.ge [sflag:s31], $0x4000  }
0x66d: {  	[sflag:s31] =	ssyncset.done $0x0  }
0x66e: {  	s5 =	simm.s32 $0x0;
	[sflag:s31] =	ssyncadd.s32 $0xFFFFC000  }
0x66f: {  	v0 =	vld [tilespmem:s5+$0x70]  }
0x670: {  	v1 =	vld [tilespmem:s5+$0x0]  }
0x671: {  	v2 =	vld [tilespmem:s5+$0x10]  }
0x672: {  	v3 =	vld [tilespmem:s5+$0x20]  }
0x673: {  	v4 =	vld [tilespmem:s5+$0x30]  }
0x674: {  	v5 =	vld [tilespmem:s5+$0x40]  }
0x675: {  	v6 =	vld [tilespmem:s5+$0x50]  }
0x676: {  	[tilespmem:s5+$0x14070] =	vst.add.f32.msk $0xffff, v0  }
0x677: {  	v0 =	vld [tilespmem:s5+$0x60]  }
0x678: {  	[tilespmem:s5+$0x14000] =	vst.add.f32.msk $0xffff, v1  }
0x679: {  	[tilespmem:s5+$0x14010] =	vst.add.f32.msk $0xffff, v2  }
0x67a: {  	[tilespmem:s5+$0x14020] =	vst.add.f32.msk $0xffff, v3  }
0x67b: {  	[tilespmem:s5+$0x14030] =	vst.add.f32.msk $0xffff, v4  }
0x67c: {  	[tilespmem:s5+$0x14040] =	vst.add.f32.msk $0xffff, v5  }
0x67d: {  	s6 =	simm.s32 $0x0;
	s7 =	simm.s32 $0x200;
	[tilespmem:s5+$0x14050] =	vst.add.f32.msk $0xffff, v6  }
.LBB2_72:
0x67e: {  	s6 =	sadd.s32 $0x80, s6;
	[tilespmem:s5+$0x14060] =	vst.add.f32.msk $0xffff, v0;
	s5 =	sshra.s32 s7, $0x2  }
0x67f: {  	v0 =	vld [tilespmem:s5+$0x70];
	p0 =	slt.u32 s6, $0x3F80  }
0x680: {  	v1 =	vld [tilespmem:s5+$0x0]  }
0x681: {  	v2 =	vld [tilespmem:s5+$0x10]  }
0x682: {  	v3 =	vld [tilespmem:s5+$0x20]  }
0x683: {  	v4 =	vld [tilespmem:s5+$0x30]  }
0x684: {  	[tilespmem:s5+$0x14070] =	vst.add.f32.msk $0xffff, v0  }
0x685: {  	v5 =	vld [tilespmem:s5+$0x40]  }
0x686: {  	v6 =	vld [tilespmem:s5+$0x50]  }
0x687: {  	v0 =	vld [tilespmem:s5+$0x60]  }
0x688: {  	[tilespmem:s5+$0x14000] =	vst.add.f32.msk $0xffff, v1  }
.Ltmp35:
0x689: {  	[tilespmem:s5+$0x14010] =	vst.add.f32.msk $0xffff, v2;
	(pc) =	sbr.rel @p0 .LBB2_72-.Ltmp35, $4  }
0x68a: {  	[tilespmem:s5+$0x14020] =	vst.add.f32.msk $0xffff, v3  }
0x68b: {  	[tilespmem:s5+$0x14030] =	vst.add.f32.msk $0xffff, v4  }
0x68c: {  	[tilespmem:s5+$0x14040] =	vst.add.f32.msk $0xffff, v5  }
0x68d: {  	s7 =	sadd.s32 $0x200, s7;
	[tilespmem:s5+$0x14050] =	vst.add.f32.msk $0xffff, v6  }
0x68e: {  	[tilespmem:s5+$0x14060] =	vst.add.f32.msk $0xffff, v0  }
0x68f: {  	s6 =	sld [smem:$0x7C9];
	_ =	sdelay $0x1  }
0x690: {  	s5 =	simm.s32 $0x0  }
0x691: {  	[hbm4b:s6+s5] =	stream.linear.scatter [tilespmem:s25], [sflag:$0xA], $0x4000, $0x38;
	[tilespmem:$0x18000] =	vst v63  }
0x692: {  	_ =	swait.ge [sflag:s0], $0x4000  }
0x693: {  	s7 =	sld [smem:$0x7CE]  }
0x694: {  	[sflag:s0] =	ssyncset.done $0x0  }
0x695: {  	[sflag:s0] =	ssyncadd.s32 $0xFFFFC000  }
0x696: {  	[tilespmem:s23], [sflag:$0x5] =	stream.linear.gather [hbm4b:s7+s5], $0x4000, $0x38;
	[tilespmem:$0x18000] =	vst v63  }
0x697: {  	_ =	swait.ge [sflag:s24], $0x4000  }
0x698: {  	[sflag:s24] =	ssyncset.done $0x0  }
0x699: {  	s5 =	simm.s32 $0x0;
	[sflag:s24] =	ssyncadd.s32 $0xFFFFC000  }
0x69a: {  	v0 =	vld [tilespmem:s5+$0x70]  }
0x69b: {  	v1 =	vld [tilespmem:s5+$0x0]  }
0x69c: {  	v2 =	vld [tilespmem:s5+$0x10]  }
0x69d: {  	v3 =	vld [tilespmem:s5+$0x20]  }
0x69e: {  	v4 =	vld [tilespmem:s5+$0x30]  }
0x69f: {  	v5 =	vld [tilespmem:s5+$0x40]  }
0x6a0: {  	v6 =	vld [tilespmem:s5+$0x50]  }
0x6a1: {  	[tilespmem:s5+$0x8070] =	vst.add.f32.msk $0xffff, v0  }
0x6a2: {  	v0 =	vld [tilespmem:s5+$0x60]  }
0x6a3: {  	[tilespmem:s5+$0x8000] =	vst.add.f32.msk $0xffff, v1  }
0x6a4: {  	[tilespmem:s5+$0x8010] =	vst.add.f32.msk $0xffff, v2  }
0x6a5: {  	[tilespmem:s5+$0x8020] =	vst.add.f32.msk $0xffff, v3  }
0x6a6: {  	[tilespmem:s5+$0x8030] =	vst.add.f32.msk $0xffff, v4  }
0x6a7: {  	[tilespmem:s5+$0x8040] =	vst.add.f32.msk $0xffff, v5  }
0x6a8: {  	s6 =	simm.s32 $0x0;
	s7 =	simm.s32 $0x200;
	[tilespmem:s5+$0x8050] =	vst.add.f32.msk $0xffff, v6  }
.LBB2_74:
0x6a9: {  	s6 =	sadd.s32 $0x80, s6;
	[tilespmem:s5+$0x8060] =	vst.add.f32.msk $0xffff, v0;
	s5 =	sshra.s32 s7, $0x2  }
0x6aa: {  	v0 =	vld [tilespmem:s5+$0x70];
	p0 =	slt.u32 s6, $0x3F80  }
0x6ab: {  	v1 =	vld [tilespmem:s5+$0x0]  }
0x6ac: {  	v2 =	vld [tilespmem:s5+$0x10]  }
0x6ad: {  	v3 =	vld [tilespmem:s5+$0x20]  }
0x6ae: {  	v4 =	vld [tilespmem:s5+$0x30]  }
0x6af: {  	[tilespmem:s5+$0x8070] =	vst.add.f32.msk $0xffff, v0  }
0x6b0: {  	v5 =	vld [tilespmem:s5+$0x40]  }
0x6b1: {  	v6 =	vld [tilespmem:s5+$0x50]  }
0x6b2: {  	v0 =	vld [tilespmem:s5+$0x60]  }
0x6b3: {  	[tilespmem:s5+$0x8000] =	vst.add.f32.msk $0xffff, v1  }
.Ltmp36:
0x6b4: {  	[tilespmem:s5+$0x8010] =	vst.add.f32.msk $0xffff, v2;
	(pc) =	sbr.rel @p0 .LBB2_74-.Ltmp36, $4  }
0x6b5: {  	[tilespmem:s5+$0x8020] =	vst.add.f32.msk $0xffff, v3  }
0x6b6: {  	[tilespmem:s5+$0x8030] =	vst.add.f32.msk $0xffff, v4  }
0x6b7: {  	[tilespmem:s5+$0x8040] =	vst.add.f32.msk $0xffff, v5  }
0x6b8: {  	s7 =	sadd.s32 $0x200, s7;
	[tilespmem:s5+$0x8050] =	vst.add.f32.msk $0xffff, v6  }
0x6b9: {  	[tilespmem:s5+$0x8060] =	vst.add.f32.msk $0xffff, v0  }
0x6ba: {  	s6 =	sld [smem:$0x7CB];
	_ =	sdelay $0x1  }
0x6bb: {  	s5 =	simm.s32 $0x0  }
0x6bc: {  	[hbm4b:s6+s5] =	stream.linear.scatter [tilespmem:s19], [sflag:$0x7], $0x4000, $0x38;
	[tilespmem:$0x18000] =	vst v63  }
0x6bd: {  	_ =	swait.ge [sflag:s2], $0x4000  }
0x6be: {  	s7 =	sld [smem:$0x7D0]  }
0x6bf: {  	[sflag:s2] =	ssyncset.done $0x0  }
0x6c0: {  	[sflag:s2] =	ssyncadd.s32 $0xFFFFC000  }
0x6c1: {  	[tilespmem:s25], [sflag:$0x6] =	stream.linear.gather [hbm4b:s7+s5], $0x4000, $0x38;
	[tilespmem:$0x18000] =	vst v63  }
0x6c2: {  	_ =	swait.ge [sflag:s26], $0x4000  }
0x6c3: {  	[sflag:s26] =	ssyncset.done $0x0  }
0x6c4: {  	s5 =	simm.s32 $0x0;
	[sflag:s26] =	ssyncadd.s32 $0xFFFFC000  }
0x6c5: {  	v0 =	vld [tilespmem:s5+$0x70]  }
0x6c6: {  	v1 =	vld [tilespmem:s5+$0x0]  }
0x6c7: {  	v2 =	vld [tilespmem:s5+$0x10]  }
0x6c8: {  	v3 =	vld [tilespmem:s5+$0x20]  }
0x6c9: {  	v4 =	vld [tilespmem:s5+$0x30]  }
0x6ca: {  	v5 =	vld [tilespmem:s5+$0x40]  }
0x6cb: {  	v6 =	vld [tilespmem:s5+$0x50]  }
0x6cc: {  	[tilespmem:s5+$0xC070] =	vst.add.f32.msk $0xffff, v0  }
0x6cd: {  	v0 =	vld [tilespmem:s5+$0x60]  }
0x6ce: {  	[tilespmem:s5+$0xC000] =	vst.add.f32.msk $0xffff, v1  }
0x6cf: {  	[tilespmem:s5+$0xC010] =	vst.add.f32.msk $0xffff, v2  }
0x6d0: {  	[tilespmem:s5+$0xC020] =	vst.add.f32.msk $0xffff, v3  }
0x6d1: {  	[tilespmem:s5+$0xC030] =	vst.add.f32.msk $0xffff, v4  }
0x6d2: {  	[tilespmem:s5+$0xC040] =	vst.add.f32.msk $0xffff, v5  }
0x6d3: {  	s6 =	simm.s32 $0x0;
	s7 =	simm.s32 $0x200;
	[tilespmem:s5+$0xC050] =	vst.add.f32.msk $0xffff, v6  }
.LBB2_76:
0x6d4: {  	s6 =	sadd.s32 $0x80, s6;
	[tilespmem:s5+$0xC060] =	vst.add.f32.msk $0xffff, v0;
	s5 =	sshra.s32 s7, $0x2  }
0x6d5: {  	v0 =	vld [tilespmem:s5+$0x70];
	p0 =	slt.u32 s6, $0x3F80  }
0x6d6: {  	v1 =	vld [tilespmem:s5+$0x0]  }
0x6d7: {  	v2 =	vld [tilespmem:s5+$0x10]  }
0x6d8: {  	v3 =	vld [tilespmem:s5+$0x20]  }
0x6d9: {  	v4 =	vld [tilespmem:s5+$0x30]  }
0x6da: {  	[tilespmem:s5+$0xC070] =	vst.add.f32.msk $0xffff, v0  }
0x6db: {  	v5 =	vld [tilespmem:s5+$0x40]  }
0x6dc: {  	v6 =	vld [tilespmem:s5+$0x50]  }
0x6dd: {  	v0 =	vld [tilespmem:s5+$0x60]  }
0x6de: {  	[tilespmem:s5+$0xC000] =	vst.add.f32.msk $0xffff, v1  }
.Ltmp37:
0x6df: {  	[tilespmem:s5+$0xC010] =	vst.add.f32.msk $0xffff, v2;
	(pc) =	sbr.rel @p0 .LBB2_76-.Ltmp37, $4  }
0x6e0: {  	[tilespmem:s5+$0xC020] =	vst.add.f32.msk $0xffff, v3  }
0x6e1: {  	[tilespmem:s5+$0xC030] =	vst.add.f32.msk $0xffff, v4  }
0x6e2: {  	[tilespmem:s5+$0xC040] =	vst.add.f32.msk $0xffff, v5  }
0x6e3: {  	s7 =	sadd.s32 $0x200, s7;
	[tilespmem:s5+$0xC050] =	vst.add.f32.msk $0xffff, v6  }
0x6e4: {  	[tilespmem:s5+$0xC060] =	vst.add.f32.msk $0xffff, v0  }
0x6e5: {  	s6 =	sld [smem:$0x7CD];
	_ =	sdelay $0x1  }
0x6e6: {  	s5 =	simm.s32 $0x0  }
0x6e7: {  	[hbm4b:s6+s5] =	stream.linear.scatter [tilespmem:s20], [sflag:$0x8], $0x4000, $0x38;
	[tilespmem:$0x18000] =	vst v63  }
0x6e8: {  	_ =	swait.ge [sflag:s28], $0x4000  }
0x6e9: {  	s7 =	sld [smem:$0x7D3]  }
0x6ea: {  	[sflag:s28] =	ssyncset.done $0x0  }
0x6eb: {  	[sflag:s28] =	ssyncadd.s32 $0xFFFFC000  }
0x6ec: {  	[tilespmem:s19], [sflag:$0x3] =	stream.linear.gather [hbm4b:s7+s5], $0x4000, $0x38;
	[tilespmem:$0x18000] =	vst v63  }
0x6ed: {  	_ =	swait.ge [sflag:s29], $0x4000  }
0x6ee: {  	[sflag:s29] =	ssyncset.done $0x0  }
0x6ef: {  	s5 =	simm.s32 $0x0;
	[sflag:s29] =	ssyncadd.s32 $0xFFFFC000  }
0x6f0: {  	v0 =	vld [tilespmem:s5+$0x70]  }
0x6f1: {  	v1 =	vld [tilespmem:s5+$0x0]  }
0x6f2: {  	v2 =	vld [tilespmem:s5+$0x10]  }
0x6f3: {  	v3 =	vld [tilespmem:s5+$0x20]  }
0x6f4: {  	v4 =	vld [tilespmem:s5+$0x30]  }
0x6f5: {  	v5 =	vld [tilespmem:s5+$0x40]  }
0x6f6: {  	v6 =	vld [tilespmem:s5+$0x50]  }
0x6f7: {  	[tilespmem:s5+$0x10070] =	vst.add.f32.msk $0xffff, v0  }
0x6f8: {  	v0 =	vld [tilespmem:s5+$0x60]  }
0x6f9: {  	[tilespmem:s5+$0x10000] =	vst.add.f32.msk $0xffff, v1  }
0x6fa: {  	[tilespmem:s5+$0x10010] =	vst.add.f32.msk $0xffff, v2  }
0x6fb: {  	[tilespmem:s5+$0x10020] =	vst.add.f32.msk $0xffff, v3  }
0x6fc: {  	[tilespmem:s5+$0x10030] =	vst.add.f32.msk $0xffff, v4  }
0x6fd: {  	[tilespmem:s5+$0x10040] =	vst.add.f32.msk $0xffff, v5  }
0x6fe: {  	s6 =	simm.s32 $0x0;
	s7 =	simm.s32 $0x200;
	[tilespmem:s5+$0x10050] =	vst.add.f32.msk $0xffff, v6  }
.LBB2_78:
0x6ff: {  	s6 =	sadd.s32 $0x80, s6;
	[tilespmem:s5+$0x10060] =	vst.add.f32.msk $0xffff, v0;
	s5 =	sshra.s32 s7, $0x2  }
0x700: {  	v0 =	vld [tilespmem:s5+$0x70];
	p0 =	slt.u32 s6, $0x3F80  }
0x701: {  	v1 =	vld [tilespmem:s5+$0x0]  }
0x702: {  	v2 =	vld [tilespmem:s5+$0x10]  }
0x703: {  	v3 =	vld [tilespmem:s5+$0x20]  }
0x704: {  	v4 =	vld [tilespmem:s5+$0x30]  }
0x705: {  	[tilespmem:s5+$0x10070] =	vst.add.f32.msk $0xffff, v0  }
0x706: {  	v5 =	vld [tilespmem:s5+$0x40]  }
0x707: {  	v6 =	vld [tilespmem:s5+$0x50]  }
0x708: {  	v0 =	vld [tilespmem:s5+$0x60]  }
0x709: {  	[tilespmem:s5+$0x10000] =	vst.add.f32.msk $0xffff, v1  }
.Ltmp38:
0x70a: {  	[tilespmem:s5+$0x10010] =	vst.add.f32.msk $0xffff, v2;
	(pc) =	sbr.rel @p0 .LBB2_78-.Ltmp38, $4  }
0x70b: {  	[tilespmem:s5+$0x10020] =	vst.add.f32.msk $0xffff, v3  }
0x70c: {  	[tilespmem:s5+$0x10030] =	vst.add.f32.msk $0xffff, v4  }
0x70d: {  	[tilespmem:s5+$0x10040] =	vst.add.f32.msk $0xffff, v5  }
0x70e: {  	s7 =	sadd.s32 $0x200, s7;
	[tilespmem:s5+$0x10050] =	vst.add.f32.msk $0xffff, v6  }
0x70f: {  	[tilespmem:s5+$0x10060] =	vst.add.f32.msk $0xffff, v0  }
0x710: {  	s6 =	sld [smem:$0x7CF];
	_ =	sdelay $0x1  }
0x711: {  	s5 =	simm.s32 $0x0  }
0x712: {  	[hbm4b:s6+s5] =	stream.linear.scatter [tilespmem:s23], [sflag:$0x9], $0x4000, $0x38;
	[tilespmem:$0x18000] =	vst v63  }
0x713: {  	_ =	swait.ge [sflag:s30], $0x4000  }
0x714: {  	s7 =	sld [smem:$0x7D5]  }
0x715: {  	[sflag:s30] =	ssyncset.done $0x0  }
0x716: {  	[sflag:s30] =	ssyncadd.s32 $0xFFFFC000  }
0x717: {  	[tilespmem:s20], [sflag:$0x4] =	stream.linear.gather [hbm4b:s7+s5], $0x4000, $0x38;
	[tilespmem:$0x18000] =	vst v63  }
0x718: {  	_ =	swait.ge [sflag:s31], $0x4000  }
0x719: {  	[sflag:s31] =	ssyncset.done $0x0  }
0x71a: {  	s5 =	simm.s32 $0x0;
	[sflag:s31] =	ssyncadd.s32 $0xFFFFC000  }
0x71b: {  	v0 =	vld [tilespmem:s5+$0x70]  }
0x71c: {  	v1 =	vld [tilespmem:s5+$0x0]  }
0x71d: {  	v2 =	vld [tilespmem:s5+$0x10]  }
0x71e: {  	v3 =	vld [tilespmem:s5+$0x20]  }
0x71f: {  	v4 =	vld [tilespmem:s5+$0x30]  }
0x720: {  	v5 =	vld [tilespmem:s5+$0x40]  }
0x721: {  	v6 =	vld [tilespmem:s5+$0x50]  }
0x722: {  	[tilespmem:s5+$0x14070] =	vst.add.f32.msk $0xffff, v0  }
0x723: {  	v0 =	vld [tilespmem:s5+$0x60]  }
0x724: {  	[tilespmem:s5+$0x14000] =	vst.add.f32.msk $0xffff, v1  }
0x725: {  	[tilespmem:s5+$0x14010] =	vst.add.f32.msk $0xffff, v2  }
0x726: {  	[tilespmem:s5+$0x14020] =	vst.add.f32.msk $0xffff, v3  }
0x727: {  	[tilespmem:s5+$0x14030] =	vst.add.f32.msk $0xffff, v4  }
0x728: {  	[tilespmem:s5+$0x14040] =	vst.add.f32.msk $0xffff, v5  }
0x729: {  	s6 =	simm.s32 $0x0;
	s7 =	simm.s32 $0x200;
	[tilespmem:s5+$0x14050] =	vst.add.f32.msk $0xffff, v6  }
.LBB2_80:
0x72a: {  	s6 =	sadd.s32 $0x80, s6;
	[tilespmem:s5+$0x14060] =	vst.add.f32.msk $0xffff, v0;
	s5 =	sshra.s32 s7, $0x2  }
0x72b: {  	v0 =	vld [tilespmem:s5+$0x70];
	p0 =	slt.u32 s6, $0x3F80  }
0x72c: {  	v1 =	vld [tilespmem:s5+$0x0]  }
0x72d: {  	v2 =	vld [tilespmem:s5+$0x10]  }
0x72e: {  	v3 =	vld [tilespmem:s5+$0x20]  }
0x72f: {  	v4 =	vld [tilespmem:s5+$0x30]  }
0x730: {  	[tilespmem:s5+$0x14070] =	vst.add.f32.msk $0xffff, v0  }
0x731: {  	v5 =	vld [tilespmem:s5+$0x40]  }
0x732: {  	v6 =	vld [tilespmem:s5+$0x50]  }
0x733: {  	v0 =	vld [tilespmem:s5+$0x60]  }
0x734: {  	[tilespmem:s5+$0x14000] =	vst.add.f32.msk $0xffff, v1  }
.Ltmp39:
0x735: {  	[tilespmem:s5+$0x14010] =	vst.add.f32.msk $0xffff, v2;
	(pc) =	sbr.rel @p0 .LBB2_80-.Ltmp39, $4  }
0x736: {  	[tilespmem:s5+$0x14020] =	vst.add.f32.msk $0xffff, v3  }
0x737: {  	[tilespmem:s5+$0x14030] =	vst.add.f32.msk $0xffff, v4  }
0x738: {  	[tilespmem:s5+$0x14040] =	vst.add.f32.msk $0xffff, v5  }
0x739: {  	s7 =	sadd.s32 $0x200, s7;
	[tilespmem:s5+$0x14050] =	vst.add.f32.msk $0xffff, v6  }
0x73a: {  	[tilespmem:s5+$0x14060] =	vst.add.f32.msk $0xffff, v0  }
0x73b: {  	s6 =	sld [smem:$0x7D1];
	_ =	sdelay $0x1  }
0x73c: {  	s5 =	simm.s32 $0x0  }
0x73d: {  	[hbm4b:s6+s5] =	stream.linear.scatter [tilespmem:s25], [sflag:$0xA], $0x4000, $0x38;
	[tilespmem:$0x18000] =	vst v63  }
0x73e: {  	_ =	swait.ge [sflag:s3], $0x4000  }
0x73f: {  	s7 =	sld [smem:$0x7E4]  }
0x740: {  	[sflag:s3] =	ssyncset.done $0x0  }
0x741: {  	[sflag:s3] =	ssyncadd.s32 $0xFFFFC000  }
0x742: {  	[tilespmem:s5], [sflag:$0x1] =	stream.linear.gather [hbm4b:s7+s5], $0x4000, $0x38;
	[tilespmem:$0x18000] =	vst v63  }
0x743: {  	_ =	swait.ge [sflag:s0], $0x4000  }
0x744: {  	s7 =	sld [smem:$0x7D7]  }
0x745: {  	[sflag:s0] =	ssyncset.done $0x0  }
0x746: {  	[sflag:s0] =	ssyncadd.s32 $0xFFFFC000  }
0x747: {  	[tilespmem:s23], [sflag:$0x5] =	stream.linear.gather [hbm4b:s7+s5], $0x4000, $0x38;
	[tilespmem:$0x18000] =	vst v63  }
0x748: {  	_ =	swait.ge [sflag:s24], $0x4000  }
0x749: {  	[sflag:s24] =	ssyncset.done $0x0  }
0x74a: {  	s5 =	simm.s32 $0x0;
	[sflag:s24] =	ssyncadd.s32 $0xFFFFC000  }
0x74b: {  	v0 =	vld [tilespmem:s5+$0x4070]  }
0x74c: {  	v1 =	vld [tilespmem:s5+$0x4000]  }
0x74d: {  	v2 =	vld [tilespmem:s5+$0x4010]  }
0x74e: {  	v3 =	vld [tilespmem:s5+$0x4020]  }
0x74f: {  	v4 =	vld [tilespmem:s5+$0x4030]  }
0x750: {  	v5 =	vld [tilespmem:s5+$0x4040]  }
0x751: {  	v6 =	vld [tilespmem:s5+$0x4050]  }
0x752: {  	[tilespmem:s5+$0x8070] =	vst.add.f32.msk $0xffff, v0  }
0x753: {  	v0 =	vld [tilespmem:s5+$0x4060]  }
0x754: {  	[tilespmem:s5+$0x8000] =	vst.add.f32.msk $0xffff, v1  }
0x755: {  	[tilespmem:s5+$0x8010] =	vst.add.f32.msk $0xffff, v2  }
0x756: {  	[tilespmem:s5+$0x8020] =	vst.add.f32.msk $0xffff, v3  }
0x757: {  	[tilespmem:s5+$0x8030] =	vst.add.f32.msk $0xffff, v4  }
0x758: {  	[tilespmem:s5+$0x8040] =	vst.add.f32.msk $0xffff, v5  }
0x759: {  	s6 =	simm.s32 $0x0;
	s7 =	simm.s32 $0x200;
	[tilespmem:s5+$0x8050] =	vst.add.f32.msk $0xffff, v6  }
.LBB2_82:
0x75a: {  	s6 =	sadd.s32 $0x80, s6;
	[tilespmem:s5+$0x8060] =	vst.add.f32.msk $0xffff, v0;
	s5 =	sshra.s32 s7, $0x2  }
0x75b: {  	v0 =	vld [tilespmem:s5+$0x4070];
	p0 =	slt.u32 s6, $0x3F80  }
0x75c: {  	v1 =	vld [tilespmem:s5+$0x4000]  }
0x75d: {  	v2 =	vld [tilespmem:s5+$0x4010]  }
0x75e: {  	v3 =	vld [tilespmem:s5+$0x4020]  }
0x75f: {  	v4 =	vld [tilespmem:s5+$0x4030]  }
0x760: {  	[tilespmem:s5+$0x8070] =	vst.add.f32.msk $0xffff, v0  }
0x761: {  	v5 =	vld [tilespmem:s5+$0x4040]  }
0x762: {  	v6 =	vld [tilespmem:s5+$0x4050]  }
0x763: {  	v0 =	vld [tilespmem:s5+$0x4060]  }
0x764: {  	[tilespmem:s5+$0x8000] =	vst.add.f32.msk $0xffff, v1  }
.Ltmp40:
0x765: {  	[tilespmem:s5+$0x8010] =	vst.add.f32.msk $0xffff, v2;
	(pc) =	sbr.rel @p0 .LBB2_82-.Ltmp40, $4  }
0x766: {  	[tilespmem:s5+$0x8020] =	vst.add.f32.msk $0xffff, v3  }
0x767: {  	[tilespmem:s5+$0x8030] =	vst.add.f32.msk $0xffff, v4  }
0x768: {  	[tilespmem:s5+$0x8040] =	vst.add.f32.msk $0xffff, v5  }
0x769: {  	s7 =	sadd.s32 $0x200, s7;
	[tilespmem:s5+$0x8050] =	vst.add.f32.msk $0xffff, v6  }
0x76a: {  	[tilespmem:s5+$0x8060] =	vst.add.f32.msk $0xffff, v0  }
0x76b: {  	s6 =	sld [smem:$0x7D4];
	_ =	sdelay $0x1  }
0x76c: {  	s5 =	simm.s32 $0x0  }
0x76d: {  	[hbm4b:s6+s5] =	stream.linear.scatter [tilespmem:s19], [sflag:$0x7], $0x4000, $0x38;
	[tilespmem:$0x18000] =	vst v63  }
0x76e: {  	_ =	swait.ge [sflag:s2], $0x4000  }
0x76f: {  	s7 =	sld [smem:$0x7D9]  }
0x770: {  	[sflag:s2] =	ssyncset.done $0x0  }
0x771: {  	[sflag:s2] =	ssyncadd.s32 $0xFFFFC000  }
0x772: {  	[tilespmem:s25], [sflag:$0x6] =	stream.linear.gather [hbm4b:s7+s5], $0x4000, $0x38;
	[tilespmem:$0x18000] =	vst v63  }
0x773: {  	_ =	swait.ge [sflag:s26], $0x4000  }
0x774: {  	[sflag:s26] =	ssyncset.done $0x0  }
0x775: {  	s5 =	simm.s32 $0x0;
	[sflag:s26] =	ssyncadd.s32 $0xFFFFC000  }
0x776: {  	v0 =	vld [tilespmem:s5+$0x4070]  }
0x777: {  	v1 =	vld [tilespmem:s5+$0x4000]  }
0x778: {  	v2 =	vld [tilespmem:s5+$0x4010]  }
0x779: {  	v3 =	vld [tilespmem:s5+$0x4020]  }
0x77a: {  	v4 =	vld [tilespmem:s5+$0x4030]  }
0x77b: {  	v5 =	vld [tilespmem:s5+$0x4040]  }
0x77c: {  	v6 =	vld [tilespmem:s5+$0x4050]  }
0x77d: {  	[tilespmem:s5+$0xC070] =	vst.add.f32.msk $0xffff, v0  }
0x77e: {  	v0 =	vld [tilespmem:s5+$0x4060]  }
0x77f: {  	[tilespmem:s5+$0xC000] =	vst.add.f32.msk $0xffff, v1  }
0x780: {  	[tilespmem:s5+$0xC010] =	vst.add.f32.msk $0xffff, v2  }
0x781: {  	[tilespmem:s5+$0xC020] =	vst.add.f32.msk $0xffff, v3  }
0x782: {  	[tilespmem:s5+$0xC030] =	vst.add.f32.msk $0xffff, v4  }
0x783: {  	[tilespmem:s5+$0xC040] =	vst.add.f32.msk $0xffff, v5  }
0x784: {  	s6 =	simm.s32 $0x0;
	s7 =	simm.s32 $0x200;
	[tilespmem:s5+$0xC050] =	vst.add.f32.msk $0xffff, v6  }
.LBB2_84:
0x785: {  	s6 =	sadd.s32 $0x80, s6;
	[tilespmem:s5+$0xC060] =	vst.add.f32.msk $0xffff, v0;
	s5 =	sshra.s32 s7, $0x2  }
0x786: {  	v0 =	vld [tilespmem:s5+$0x4070];
	p0 =	slt.u32 s6, $0x3F80  }
0x787: {  	v1 =	vld [tilespmem:s5+$0x4000]  }
0x788: {  	v2 =	vld [tilespmem:s5+$0x4010]  }
0x789: {  	v3 =	vld [tilespmem:s5+$0x4020]  }
0x78a: {  	v4 =	vld [tilespmem:s5+$0x4030]  }
0x78b: {  	[tilespmem:s5+$0xC070] =	vst.add.f32.msk $0xffff, v0  }
0x78c: {  	v5 =	vld [tilespmem:s5+$0x4040]  }
0x78d: {  	v6 =	vld [tilespmem:s5+$0x4050]  }
0x78e: {  	v0 =	vld [tilespmem:s5+$0x4060]  }
0x78f: {  	[tilespmem:s5+$0xC000] =	vst.add.f32.msk $0xffff, v1  }
.Ltmp41:
0x790: {  	[tilespmem:s5+$0xC010] =	vst.add.f32.msk $0xffff, v2;
	(pc) =	sbr.rel @p0 .LBB2_84-.Ltmp41, $4  }
0x791: {  	[tilespmem:s5+$0xC020] =	vst.add.f32.msk $0xffff, v3  }
0x792: {  	[tilespmem:s5+$0xC030] =	vst.add.f32.msk $0xffff, v4  }
0x793: {  	[tilespmem:s5+$0xC040] =	vst.add.f32.msk $0xffff, v5  }
0x794: {  	s7 =	sadd.s32 $0x200, s7;
	[tilespmem:s5+$0xC050] =	vst.add.f32.msk $0xffff, v6  }
0x795: {  	[tilespmem:s5+$0xC060] =	vst.add.f32.msk $0xffff, v0  }
0x796: {  	s6 =	sld [smem:$0x7D6];
	_ =	sdelay $0x1  }
0x797: {  	s5 =	simm.s32 $0x0  }
0x798: {  	[hbm4b:s6+s5] =	stream.linear.scatter [tilespmem:s20], [sflag:$0x8], $0x4000, $0x38;
	[tilespmem:$0x18000] =	vst v63  }
0x799: {  	_ =	swait.ge [sflag:s28], $0x4000  }
0x79a: {  	s7 =	sld [smem:$0x7DB]  }
0x79b: {  	[sflag:s28] =	ssyncset.done $0x0  }
0x79c: {  	[sflag:s28] =	ssyncadd.s32 $0xFFFFC000  }
0x79d: {  	[tilespmem:s19], [sflag:$0x3] =	stream.linear.gather [hbm4b:s7+s5], $0x4000, $0x38;
	[tilespmem:$0x18000] =	vst v63  }
0x79e: {  	_ =	swait.ge [sflag:s29], $0x4000  }
0x79f: {  	[sflag:s29] =	ssyncset.done $0x0  }
0x7a0: {  	s5 =	simm.s32 $0x0;
	[sflag:s29] =	ssyncadd.s32 $0xFFFFC000  }
0x7a1: {  	v0 =	vld [tilespmem:s5+$0x4070]  }
0x7a2: {  	v1 =	vld [tilespmem:s5+$0x4000]  }
0x7a3: {  	v2 =	vld [tilespmem:s5+$0x4010]  }
0x7a4: {  	v3 =	vld [tilespmem:s5+$0x4020]  }
0x7a5: {  	v4 =	vld [tilespmem:s5+$0x4030]  }
0x7a6: {  	v5 =	vld [tilespmem:s5+$0x4040]  }
0x7a7: {  	v6 =	vld [tilespmem:s5+$0x4050]  }
0x7a8: {  	[tilespmem:s5+$0x10070] =	vst.add.f32.msk $0xffff, v0  }
0x7a9: {  	v0 =	vld [tilespmem:s5+$0x4060]  }
0x7aa: {  	[tilespmem:s5+$0x10000] =	vst.add.f32.msk $0xffff, v1  }
0x7ab: {  	[tilespmem:s5+$0x10010] =	vst.add.f32.msk $0xffff, v2  }
0x7ac: {  	[tilespmem:s5+$0x10020] =	vst.add.f32.msk $0xffff, v3  }
0x7ad: {  	[tilespmem:s5+$0x10030] =	vst.add.f32.msk $0xffff, v4  }
0x7ae: {  	[tilespmem:s5+$0x10040] =	vst.add.f32.msk $0xffff, v5  }
0x7af: {  	s6 =	simm.s32 $0x0;
	s7 =	simm.s32 $0x200;
	[tilespmem:s5+$0x10050] =	vst.add.f32.msk $0xffff, v6  }
.LBB2_86:
0x7b0: {  	s6 =	sadd.s32 $0x80, s6;
	[tilespmem:s5+$0x10060] =	vst.add.f32.msk $0xffff, v0;
	s5 =	sshra.s32 s7, $0x2  }
0x7b1: {  	v0 =	vld [tilespmem:s5+$0x4070];
	p0 =	slt.u32 s6, $0x3F80  }
0x7b2: {  	v1 =	vld [tilespmem:s5+$0x4000]  }
0x7b3: {  	v2 =	vld [tilespmem:s5+$0x4010]  }
0x7b4: {  	v3 =	vld [tilespmem:s5+$0x4020]  }
0x7b5: {  	v4 =	vld [tilespmem:s5+$0x4030]  }
0x7b6: {  	[tilespmem:s5+$0x10070] =	vst.add.f32.msk $0xffff, v0  }
0x7b7: {  	v5 =	vld [tilespmem:s5+$0x4040]  }
0x7b8: {  	v6 =	vld [tilespmem:s5+$0x4050]  }
0x7b9: {  	v0 =	vld [tilespmem:s5+$0x4060]  }
0x7ba: {  	[tilespmem:s5+$0x10000] =	vst.add.f32.msk $0xffff, v1  }
.Ltmp42:
0x7bb: {  	[tilespmem:s5+$0x10010] =	vst.add.f32.msk $0xffff, v2;
	(pc) =	sbr.rel @p0 .LBB2_86-.Ltmp42, $4  }
0x7bc: {  	[tilespmem:s5+$0x10020] =	vst.add.f32.msk $0xffff, v3  }
0x7bd: {  	[tilespmem:s5+$0x10030] =	vst.add.f32.msk $0xffff, v4  }
0x7be: {  	[tilespmem:s5+$0x10040] =	vst.add.f32.msk $0xffff, v5  }
0x7bf: {  	s7 =	sadd.s32 $0x200, s7;
	[tilespmem:s5+$0x10050] =	vst.add.f32.msk $0xffff, v6  }
0x7c0: {  	[tilespmem:s5+$0x10060] =	vst.add.f32.msk $0xffff, v0  }
0x7c1: {  	s6 =	sld [smem:$0x7D8];
	_ =	sdelay $0x1  }
0x7c2: {  	s5 =	simm.s32 $0x0  }
0x7c3: {  	[hbm4b:s6+s5] =	stream.linear.scatter [tilespmem:s23], [sflag:$0x9], $0x4000, $0x38;
	[tilespmem:$0x18000] =	vst v63  }
0x7c4: {  	_ =	swait.ge [sflag:s30], $0x4000  }
0x7c5: {  	s7 =	sld [smem:$0x7DD]  }
0x7c6: {  	[sflag:s30] =	ssyncset.done $0x0  }
0x7c7: {  	[sflag:s30] =	ssyncadd.s32 $0xFFFFC000  }
0x7c8: {  	[tilespmem:s20], [sflag:$0x4] =	stream.linear.gather [hbm4b:s7+s5], $0x4000, $0x38;
	[tilespmem:$0x18000] =	vst v63  }
0x7c9: {  	_ =	swait.ge [sflag:s31], $0x4000  }
0x7ca: {  	[sflag:s31] =	ssyncset.done $0x0  }
0x7cb: {  	s5 =	simm.s32 $0x0;
	[sflag:s31] =	ssyncadd.s32 $0xFFFFC000  }
0x7cc: {  	v0 =	vld [tilespmem:s5+$0x4070]  }
0x7cd: {  	v1 =	vld [tilespmem:s5+$0x4000]  }
0x7ce: {  	v2 =	vld [tilespmem:s5+$0x4010]  }
0x7cf: {  	v3 =	vld [tilespmem:s5+$0x4020]  }
0x7d0: {  	v4 =	vld [tilespmem:s5+$0x4030]  }
0x7d1: {  	v5 =	vld [tilespmem:s5+$0x4040]  }
0x7d2: {  	v6 =	vld [tilespmem:s5+$0x4050]  }
0x7d3: {  	[tilespmem:s5+$0x14070] =	vst.add.f32.msk $0xffff, v0  }
0x7d4: {  	v0 =	vld [tilespmem:s5+$0x4060]  }
0x7d5: {  	[tilespmem:s5+$0x14000] =	vst.add.f32.msk $0xffff, v1  }
0x7d6: {  	[tilespmem:s5+$0x14010] =	vst.add.f32.msk $0xffff, v2  }
0x7d7: {  	[tilespmem:s5+$0x14020] =	vst.add.f32.msk $0xffff, v3  }
0x7d8: {  	[tilespmem:s5+$0x14030] =	vst.add.f32.msk $0xffff, v4  }
0x7d9: {  	[tilespmem:s5+$0x14040] =	vst.add.f32.msk $0xffff, v5  }
0x7da: {  	s6 =	simm.s32 $0x0;
	s7 =	simm.s32 $0x200;
	[tilespmem:s5+$0x14050] =	vst.add.f32.msk $0xffff, v6  }
.LBB2_88:
0x7db: {  	s6 =	sadd.s32 $0x80, s6;
	[tilespmem:s5+$0x14060] =	vst.add.f32.msk $0xffff, v0;
	s5 =	sshra.s32 s7, $0x2  }
0x7dc: {  	v0 =	vld [tilespmem:s5+$0x4070];
	p0 =	slt.u32 s6, $0x3F80  }
0x7dd: {  	v1 =	vld [tilespmem:s5+$0x4000]  }
0x7de: {  	v2 =	vld [tilespmem:s5+$0x4010]  }
0x7df: {  	v3 =	vld [tilespmem:s5+$0x4020]  }
0x7e0: {  	v4 =	vld [tilespmem:s5+$0x4030]  }
0x7e1: {  	[tilespmem:s5+$0x14070] =	vst.add.f32.msk $0xffff, v0  }
0x7e2: {  	v5 =	vld [tilespmem:s5+$0x4040]  }
0x7e3: {  	v6 =	vld [tilespmem:s5+$0x4050]  }
0x7e4: {  	v0 =	vld [tilespmem:s5+$0x4060]  }
0x7e5: {  	[tilespmem:s5+$0x14000] =	vst.add.f32.msk $0xffff, v1  }
.Ltmp43:
0x7e6: {  	[tilespmem:s5+$0x14010] =	vst.add.f32.msk $0xffff, v2;
	(pc) =	sbr.rel @p0 .LBB2_88-.Ltmp43, $4  }
0x7e7: {  	[tilespmem:s5+$0x14020] =	vst.add.f32.msk $0xffff, v3  }
0x7e8: {  	[tilespmem:s5+$0x14030] =	vst.add.f32.msk $0xffff, v4  }
0x7e9: {  	[tilespmem:s5+$0x14040] =	vst.add.f32.msk $0xffff, v5  }
0x7ea: {  	s7 =	sadd.s32 $0x200, s7;
	[tilespmem:s5+$0x14050] =	vst.add.f32.msk $0xffff, v6  }
0x7eb: {  	[tilespmem:s5+$0x14060] =	vst.add.f32.msk $0xffff, v0  }
0x7ec: {  	s6 =	sld [smem:$0x7DA];
	_ =	sdelay $0x1  }
0x7ed: {  	s5 =	simm.s32 $0x0  }
0x7ee: {  	[hbm4b:s6+s5] =	stream.linear.scatter [tilespmem:s25], [sflag:$0xA], $0x4000, $0x38;
	[tilespmem:$0x18000] =	vst v63  }
0x7ef: {  	_ =	swait.ge [sflag:s0], $0x4000  }
0x7f0: {  	s7 =	sld [smem:$0x7DF]  }
0x7f1: {  	[sflag:s0] =	ssyncset.done $0x0  }
0x7f2: {  	[sflag:s0] =	ssyncadd.s32 $0xFFFFC000  }
0x7f3: {  	[tilespmem:s23], [sflag:$0x5] =	stream.linear.gather [hbm4b:s7+s5], $0x4000, $0x38;
	[tilespmem:$0x18000] =	vst v63  }
0x7f4: {  	_ =	swait.ge [sflag:s24], $0x4000  }
0x7f5: {  	[sflag:s24] =	ssyncset.done $0x0  }
0x7f6: {  	s5 =	simm.s32 $0x0;
	[sflag:s24] =	ssyncadd.s32 $0xFFFFC000  }
0x7f7: {  	v0 =	vld [tilespmem:s5+$0x4070]  }
0x7f8: {  	v1 =	vld [tilespmem:s5+$0x4000]  }
0x7f9: {  	v2 =	vld [tilespmem:s5+$0x4010]  }
0x7fa: {  	v3 =	vld [tilespmem:s5+$0x4020]  }
0x7fb: {  	v4 =	vld [tilespmem:s5+$0x4030]  }
0x7fc: {  	v5 =	vld [tilespmem:s5+$0x4040]  }
0x7fd: {  	v6 =	vld [tilespmem:s5+$0x4050]  }
0x7fe: {  	[tilespmem:s5+$0x8070] =	vst.add.f32.msk $0xffff, v0  }
0x7ff: {  	v0 =	vld [tilespmem:s5+$0x4060]  }
0x800: {  	[tilespmem:s5+$0x8000] =	vst.add.f32.msk $0xffff, v1  }
0x801: {  	[tilespmem:s5+$0x8010] =	vst.add.f32.msk $0xffff, v2  }
0x802: {  	[tilespmem:s5+$0x8020] =	vst.add.f32.msk $0xffff, v3  }
0x803: {  	[tilespmem:s5+$0x8030] =	vst.add.f32.msk $0xffff, v4  }
0x804: {  	[tilespmem:s5+$0x8040] =	vst.add.f32.msk $0xffff, v5  }
0x805: {  	s6 =	simm.s32 $0x0;
	s7 =	simm.s32 $0x200;
	[tilespmem:s5+$0x8050] =	vst.add.f32.msk $0xffff, v6  }
.LBB2_90:
0x806: {  	s6 =	sadd.s32 $0x80, s6;
	[tilespmem:s5+$0x8060] =	vst.add.f32.msk $0xffff, v0;
	s5 =	sshra.s32 s7, $0x2  }
0x807: {  	v0 =	vld [tilespmem:s5+$0x4070];
	p0 =	slt.u32 s6, $0x3F80  }
0x808: {  	v1 =	vld [tilespmem:s5+$0x4000]  }
0x809: {  	v2 =	vld [tilespmem:s5+$0x4010]  }
0x80a: {  	v3 =	vld [tilespmem:s5+$0x4020]  }
0x80b: {  	v4 =	vld [tilespmem:s5+$0x4030]  }
0x80c: {  	[tilespmem:s5+$0x8070] =	vst.add.f32.msk $0xffff, v0  }
0x80d: {  	v5 =	vld [tilespmem:s5+$0x4040]  }
0x80e: {  	v6 =	vld [tilespmem:s5+$0x4050]  }
0x80f: {  	v0 =	vld [tilespmem:s5+$0x4060]  }
0x810: {  	[tilespmem:s5+$0x8000] =	vst.add.f32.msk $0xffff, v1  }
.Ltmp44:
0x811: {  	[tilespmem:s5+$0x8010] =	vst.add.f32.msk $0xffff, v2;
	(pc) =	sbr.rel @p0 .LBB2_90-.Ltmp44, $4  }
0x812: {  	[tilespmem:s5+$0x8020] =	vst.add.f32.msk $0xffff, v3  }
0x813: {  	[tilespmem:s5+$0x8030] =	vst.add.f32.msk $0xffff, v4  }
0x814: {  	[tilespmem:s5+$0x8040] =	vst.add.f32.msk $0xffff, v5  }
0x815: {  	s7 =	sadd.s32 $0x200, s7;
	[tilespmem:s5+$0x8050] =	vst.add.f32.msk $0xffff, v6  }
0x816: {  	[tilespmem:s5+$0x8060] =	vst.add.f32.msk $0xffff, v0  }
0x817: {  	s6 =	sld [smem:$0x7DC];
	_ =	sdelay $0x1  }
0x818: {  	s5 =	simm.s32 $0x0  }
0x819: {  	[hbm4b:s6+s5] =	stream.linear.scatter [tilespmem:s19], [sflag:$0x7], $0x4000, $0x38;
	[tilespmem:$0x18000] =	vst v63  }
0x81a: {  	_ =	swait.ge [sflag:s2], $0x4000  }
0x81b: {  	s7 =	sld [smem:$0x7E1]  }
0x81c: {  	[sflag:s2] =	ssyncset.done $0x0  }
0x81d: {  	[sflag:s2] =	ssyncadd.s32 $0xFFFFC000  }
0x81e: {  	[tilespmem:s25], [sflag:$0x6] =	stream.linear.gather [hbm4b:s7+s5], $0x4000, $0x38;
	[tilespmem:$0x18000] =	vst v63  }
0x81f: {  	_ =	swait.ge [sflag:s26], $0x4000  }
0x820: {  	[sflag:s26] =	ssyncset.done $0x0  }
0x821: {  	s5 =	simm.s32 $0x0;
	[sflag:s26] =	ssyncadd.s32 $0xFFFFC000  }
0x822: {  	v0 =	vld [tilespmem:s5+$0x4070]  }
0x823: {  	v1 =	vld [tilespmem:s5+$0x4000]  }
0x824: {  	v2 =	vld [tilespmem:s5+$0x4010]  }
0x825: {  	v3 =	vld [tilespmem:s5+$0x4020]  }
0x826: {  	v4 =	vld [tilespmem:s5+$0x4030]  }
0x827: {  	v5 =	vld [tilespmem:s5+$0x4040]  }
0x828: {  	v6 =	vld [tilespmem:s5+$0x4050]  }
0x829: {  	[tilespmem:s5+$0xC070] =	vst.add.f32.msk $0xffff, v0  }
0x82a: {  	v0 =	vld [tilespmem:s5+$0x4060]  }
0x82b: {  	[tilespmem:s5+$0xC000] =	vst.add.f32.msk $0xffff, v1  }
0x82c: {  	[tilespmem:s5+$0xC010] =	vst.add.f32.msk $0xffff, v2  }
0x82d: {  	[tilespmem:s5+$0xC020] =	vst.add.f32.msk $0xffff, v3  }
0x82e: {  	[tilespmem:s5+$0xC030] =	vst.add.f32.msk $0xffff, v4  }
0x82f: {  	[tilespmem:s5+$0xC040] =	vst.add.f32.msk $0xffff, v5  }
0x830: {  	s6 =	simm.s32 $0x0;
	s7 =	simm.s32 $0x200;
	[tilespmem:s5+$0xC050] =	vst.add.f32.msk $0xffff, v6  }
.LBB2_92:
0x831: {  	s6 =	sadd.s32 $0x80, s6;
	[tilespmem:s5+$0xC060] =	vst.add.f32.msk $0xffff, v0;
	s5 =	sshra.s32 s7, $0x2  }
0x832: {  	v0 =	vld [tilespmem:s5+$0x4070];
	p0 =	slt.u32 s6, $0x3F80  }
0x833: {  	v1 =	vld [tilespmem:s5+$0x4000]  }
0x834: {  	v2 =	vld [tilespmem:s5+$0x4010]  }
0x835: {  	v3 =	vld [tilespmem:s5+$0x4020]  }
0x836: {  	v4 =	vld [tilespmem:s5+$0x4030]  }
0x837: {  	[tilespmem:s5+$0xC070] =	vst.add.f32.msk $0xffff, v0  }
0x838: {  	v5 =	vld [tilespmem:s5+$0x4040]  }
0x839: {  	v6 =	vld [tilespmem:s5+$0x4050]  }
0x83a: {  	v0 =	vld [tilespmem:s5+$0x4060]  }
0x83b: {  	[tilespmem:s5+$0xC000] =	vst.add.f32.msk $0xffff, v1  }
.Ltmp45:
0x83c: {  	[tilespmem:s5+$0xC010] =	vst.add.f32.msk $0xffff, v2;
	(pc) =	sbr.rel @p0 .LBB2_92-.Ltmp45, $4  }
0x83d: {  	[tilespmem:s5+$0xC020] =	vst.add.f32.msk $0xffff, v3  }
0x83e: {  	[tilespmem:s5+$0xC030] =	vst.add.f32.msk $0xffff, v4  }
0x83f: {  	[tilespmem:s5+$0xC040] =	vst.add.f32.msk $0xffff, v5  }
0x840: {  	s7 =	sadd.s32 $0x200, s7;
	[tilespmem:s5+$0xC050] =	vst.add.f32.msk $0xffff, v6  }
0x841: {  	[tilespmem:s5+$0xC060] =	vst.add.f32.msk $0xffff, v0  }
0x842: {  	s6 =	sld [smem:$0x7DE];
	_ =	sdelay $0x1  }
0x843: {  	s5 =	simm.s32 $0x0  }
0x844: {  	[hbm4b:s6+s5] =	stream.linear.scatter [tilespmem:s20], [sflag:$0x8], $0x4000, $0x38;
	[tilespmem:$0x18000] =	vst v63  }
0x845: {  	_ =	swait.ge [sflag:s28], $0x4000  }
0x846: {  	s7 =	sld [smem:$0x7E6]  }
0x847: {  	[sflag:s28] =	ssyncset.done $0x0  }
0x848: {  	[sflag:s28] =	ssyncadd.s32 $0xFFFFC000  }
0x849: {  	[tilespmem:s19], [sflag:$0x3] =	stream.linear.gather [hbm4b:s7+s5], $0x4000, $0x38;
	[tilespmem:$0x18000] =	vst v63  }
0x84a: {  	_ =	swait.ge [sflag:s29], $0x4000  }
0x84b: {  	[sflag:s29] =	ssyncset.done $0x0  }
0x84c: {  	s5 =	simm.s32 $0x0;
	[sflag:s29] =	ssyncadd.s32 $0xFFFFC000  }
0x84d: {  	v0 =	vld [tilespmem:s5+$0x4070]  }
0x84e: {  	v1 =	vld [tilespmem:s5+$0x4000]  }
0x84f: {  	v2 =	vld [tilespmem:s5+$0x4010]  }
0x850: {  	v3 =	vld [tilespmem:s5+$0x4020]  }
0x851: {  	v4 =	vld [tilespmem:s5+$0x4030]  }
0x852: {  	v5 =	vld [tilespmem:s5+$0x4040]  }
0x853: {  	v6 =	vld [tilespmem:s5+$0x4050]  }
0x854: {  	[tilespmem:s5+$0x10070] =	vst.add.f32.msk $0xffff, v0  }
0x855: {  	v0 =	vld [tilespmem:s5+$0x4060]  }
0x856: {  	[tilespmem:s5+$0x10000] =	vst.add.f32.msk $0xffff, v1  }
0x857: {  	[tilespmem:s5+$0x10010] =	vst.add.f32.msk $0xffff, v2  }
0x858: {  	[tilespmem:s5+$0x10020] =	vst.add.f32.msk $0xffff, v3  }
0x859: {  	[tilespmem:s5+$0x10030] =	vst.add.f32.msk $0xffff, v4  }
0x85a: {  	[tilespmem:s5+$0x10040] =	vst.add.f32.msk $0xffff, v5  }
0x85b: {  	s6 =	simm.s32 $0x0;
	s7 =	simm.s32 $0x200;
	[tilespmem:s5+$0x10050] =	vst.add.f32.msk $0xffff, v6  }
.LBB2_94:
0x85c: {  	s6 =	sadd.s32 $0x80, s6;
	[tilespmem:s5+$0x10060] =	vst.add.f32.msk $0xffff, v0;
	s5 =	sshra.s32 s7, $0x2  }
0x85d: {  	v0 =	vld [tilespmem:s5+$0x4070];
	p0 =	slt.u32 s6, $0x3F80  }
0x85e: {  	v1 =	vld [tilespmem:s5+$0x4000]  }
0x85f: {  	v2 =	vld [tilespmem:s5+$0x4010]  }
0x860: {  	v3 =	vld [tilespmem:s5+$0x4020]  }
0x861: {  	v4 =	vld [tilespmem:s5+$0x4030]  }
0x862: {  	[tilespmem:s5+$0x10070] =	vst.add.f32.msk $0xffff, v0  }
0x863: {  	v5 =	vld [tilespmem:s5+$0x4040]  }
0x864: {  	v6 =	vld [tilespmem:s5+$0x4050]  }
0x865: {  	v0 =	vld [tilespmem:s5+$0x4060]  }
0x866: {  	[tilespmem:s5+$0x10000] =	vst.add.f32.msk $0xffff, v1  }
.Ltmp46:
0x867: {  	[tilespmem:s5+$0x10010] =	vst.add.f32.msk $0xffff, v2;
	(pc) =	sbr.rel @p0 .LBB2_94-.Ltmp46, $4  }
0x868: {  	[tilespmem:s5+$0x10020] =	vst.add.f32.msk $0xffff, v3  }
0x869: {  	[tilespmem:s5+$0x10030] =	vst.add.f32.msk $0xffff, v4  }
0x86a: {  	[tilespmem:s5+$0x10040] =	vst.add.f32.msk $0xffff, v5  }
0x86b: {  	s7 =	sadd.s32 $0x200, s7;
	[tilespmem:s5+$0x10050] =	vst.add.f32.msk $0xffff, v6  }
0x86c: {  	[tilespmem:s5+$0x10060] =	vst.add.f32.msk $0xffff, v0  }
0x86d: {  	s6 =	sld [smem:$0x7E0];
	_ =	sdelay $0x1  }
0x86e: {  	s5 =	simm.s32 $0x0  }
0x86f: {  	[hbm4b:s6+s5] =	stream.linear.scatter [tilespmem:s23], [sflag:$0x9], $0x4000, $0x38;
	[tilespmem:$0x18000] =	vst v63  }
0x870: {  	_ =	swait.ge [sflag:s30], $0x4000  }
0x871: {  	s7 =	sld [smem:$0x7E8]  }
0x872: {  	[sflag:s30] =	ssyncset.done $0x0  }
0x873: {  	[sflag:s30] =	ssyncadd.s32 $0xFFFFC000  }
0x874: {  	[tilespmem:s20], [sflag:$0x4] =	stream.linear.gather [hbm4b:s7+s5], $0x4000, $0x38;
	[tilespmem:$0x18000] =	vst v63  }
0x875: {  	_ =	swait.ge [sflag:s31], $0x4000  }
0x876: {  	[sflag:s31] =	ssyncset.done $0x0  }
0x877: {  	s5 =	simm.s32 $0x0;
	[sflag:s31] =	ssyncadd.s32 $0xFFFFC000  }
0x878: {  	v0 =	vld [tilespmem:s5+$0x4070]  }
0x879: {  	v1 =	vld [tilespmem:s5+$0x4000]  }
0x87a: {  	v2 =	vld [tilespmem:s5+$0x4010]  }
0x87b: {  	v3 =	vld [tilespmem:s5+$0x4020]  }
0x87c: {  	v4 =	vld [tilespmem:s5+$0x4030]  }
0x87d: {  	v5 =	vld [tilespmem:s5+$0x4040]  }
0x87e: {  	v6 =	vld [tilespmem:s5+$0x4050]  }
0x87f: {  	[tilespmem:s5+$0x14070] =	vst.add.f32.msk $0xffff, v0  }
0x880: {  	v0 =	vld [tilespmem:s5+$0x4060]  }
0x881: {  	[tilespmem:s5+$0x14000] =	vst.add.f32.msk $0xffff, v1  }
0x882: {  	[tilespmem:s5+$0x14010] =	vst.add.f32.msk $0xffff, v2  }
0x883: {  	[tilespmem:s5+$0x14020] =	vst.add.f32.msk $0xffff, v3  }
0x884: {  	[tilespmem:s5+$0x14030] =	vst.add.f32.msk $0xffff, v4  }
0x885: {  	[tilespmem:s5+$0x14040] =	vst.add.f32.msk $0xffff, v5  }
0x886: {  	s6 =	simm.s32 $0x0;
	s7 =	simm.s32 $0x200;
	[tilespmem:s5+$0x14050] =	vst.add.f32.msk $0xffff, v6  }
.LBB2_96:
0x887: {  	s6 =	sadd.s32 $0x80, s6;
	[tilespmem:s5+$0x14060] =	vst.add.f32.msk $0xffff, v0;
	s5 =	sshra.s32 s7, $0x2  }
0x888: {  	v0 =	vld [tilespmem:s5+$0x4070];
	p0 =	slt.u32 s6, $0x3F80  }
0x889: {  	v1 =	vld [tilespmem:s5+$0x4000]  }
0x88a: {  	v2 =	vld [tilespmem:s5+$0x4010]  }
0x88b: {  	v3 =	vld [tilespmem:s5+$0x4020]  }
0x88c: {  	v4 =	vld [tilespmem:s5+$0x4030]  }
0x88d: {  	[tilespmem:s5+$0x14070] =	vst.add.f32.msk $0xffff, v0  }
0x88e: {  	v5 =	vld [tilespmem:s5+$0x4040]  }
0x88f: {  	v6 =	vld [tilespmem:s5+$0x4050]  }
0x890: {  	v0 =	vld [tilespmem:s5+$0x4060]  }
0x891: {  	[tilespmem:s5+$0x14000] =	vst.add.f32.msk $0xffff, v1  }
.Ltmp47:
0x892: {  	[tilespmem:s5+$0x14010] =	vst.add.f32.msk $0xffff, v2;
	(pc) =	sbr.rel @p0 .LBB2_96-.Ltmp47, $4  }
0x893: {  	[tilespmem:s5+$0x14020] =	vst.add.f32.msk $0xffff, v3  }
0x894: {  	[tilespmem:s5+$0x14030] =	vst.add.f32.msk $0xffff, v4  }
0x895: {  	[tilespmem:s5+$0x14040] =	vst.add.f32.msk $0xffff, v5  }
0x896: {  	s7 =	sadd.s32 $0x200, s7;
	[tilespmem:s5+$0x14050] =	vst.add.f32.msk $0xffff, v6  }
0x897: {  	[tilespmem:s5+$0x14060] =	vst.add.f32.msk $0xffff, v0  }
0x898: {  	s6 =	sld [smem:$0x7E2];
	_ =	sdelay $0x1  }
0x899: {  	s5 =	simm.s32 $0x0  }
0x89a: {  	[hbm4b:s6+s5] =	stream.linear.scatter [tilespmem:s25], [sflag:$0xA], $0x4000, $0x38;
	[tilespmem:$0x18000] =	vst v63  }
0x89b: {  	_ =	swait.ge [sflag:s21], $0x4000  }
0x89c: {  	s7 =	sld [smem:$0x7E5]  }
0x89d: {  	[sflag:s21] =	ssyncset.done $0x0  }
0x89e: {  	[sflag:s21] =	ssyncadd.s32 $0xFFFFC000  }
0x89f: {  	[tilespmem:s22], [sflag:$0x2] =	stream.linear.gather [hbm4b:s7+s5], $0x4000, $0x38;
	[tilespmem:$0x18000] =	vst v63  }
0x8a0: {  	_ =	swait.ge [sflag:s0], $0x4000  }
0x8a1: {  	s7 =	sld [smem:$0x7EA]  }
0x8a2: {  	[sflag:s0] =	ssyncset.done $0x0  }
0x8a3: {  	[sflag:s0] =	ssyncadd.s32 $0xFFFFC000  }
0x8a4: {  	[tilespmem:s23], [sflag:$0x5] =	stream.linear.gather [hbm4b:s7+s5], $0x4000, $0x38;
	[tilespmem:$0x18000] =	vst v63  }
0x8a5: {  	_ =	swait.ge [sflag:s24], $0x4000  }
0x8a6: {  	[sflag:s24] =	ssyncset.done $0x0  }
0x8a7: {  	s5 =	simm.s32 $0x0;
	[sflag:s24] =	ssyncadd.s32 $0xFFFFC000  }
0x8a8: {  	v0 =	vld [tilespmem:s5+$0x70]  }
0x8a9: {  	v1 =	vld [tilespmem:s5+$0x0]  }
0x8aa: {  	v2 =	vld [tilespmem:s5+$0x10]  }
0x8ab: {  	v3 =	vld [tilespmem:s5+$0x20]  }
0x8ac: {  	v4 =	vld [tilespmem:s5+$0x30]  }
0x8ad: {  	v5 =	vld [tilespmem:s5+$0x40]  }
0x8ae: {  	v6 =	vld [tilespmem:s5+$0x50]  }
0x8af: {  	[tilespmem:s5+$0x8070] =	vst.add.f32.msk $0xffff, v0  }
0x8b0: {  	v0 =	vld [tilespmem:s5+$0x60]  }
0x8b1: {  	[tilespmem:s5+$0x8000] =	vst.add.f32.msk $0xffff, v1  }
0x8b2: {  	[tilespmem:s5+$0x8010] =	vst.add.f32.msk $0xffff, v2  }
0x8b3: {  	[tilespmem:s5+$0x8020] =	vst.add.f32.msk $0xffff, v3  }
0x8b4: {  	[tilespmem:s5+$0x8030] =	vst.add.f32.msk $0xffff, v4  }
0x8b5: {  	[tilespmem:s5+$0x8040] =	vst.add.f32.msk $0xffff, v5  }
0x8b6: {  	s6 =	simm.s32 $0x0;
	s7 =	simm.s32 $0x200;
	[tilespmem:s5+$0x8050] =	vst.add.f32.msk $0xffff, v6  }
.LBB2_98:
0x8b7: {  	s6 =	sadd.s32 $0x80, s6;
	[tilespmem:s5+$0x8060] =	vst.add.f32.msk $0xffff, v0;
	s5 =	sshra.s32 s7, $0x2  }
0x8b8: {  	v0 =	vld [tilespmem:s5+$0x70];
	p0 =	slt.u32 s6, $0x3F80  }
0x8b9: {  	v1 =	vld [tilespmem:s5+$0x0]  }
0x8ba: {  	v2 =	vld [tilespmem:s5+$0x10]  }
0x8bb: {  	v3 =	vld [tilespmem:s5+$0x20]  }
0x8bc: {  	v4 =	vld [tilespmem:s5+$0x30]  }
0x8bd: {  	[tilespmem:s5+$0x8070] =	vst.add.f32.msk $0xffff, v0  }
0x8be: {  	v5 =	vld [tilespmem:s5+$0x40]  }
0x8bf: {  	v6 =	vld [tilespmem:s5+$0x50]  }
0x8c0: {  	v0 =	vld [tilespmem:s5+$0x60]  }
0x8c1: {  	[tilespmem:s5+$0x8000] =	vst.add.f32.msk $0xffff, v1  }
.Ltmp48:
0x8c2: {  	[tilespmem:s5+$0x8010] =	vst.add.f32.msk $0xffff, v2;
	(pc) =	sbr.rel @p0 .LBB2_98-.Ltmp48, $4  }
0x8c3: {  	[tilespmem:s5+$0x8020] =	vst.add.f32.msk $0xffff, v3  }
0x8c4: {  	[tilespmem:s5+$0x8030] =	vst.add.f32.msk $0xffff, v4  }
0x8c5: {  	[tilespmem:s5+$0x8040] =	vst.add.f32.msk $0xffff, v5  }
0x8c6: {  	s7 =	sadd.s32 $0x200, s7;
	[tilespmem:s5+$0x8050] =	vst.add.f32.msk $0xffff, v6  }
0x8c7: {  	[tilespmem:s5+$0x8060] =	vst.add.f32.msk $0xffff, v0  }
0x8c8: {  	s6 =	sld [smem:$0x7E7];
	_ =	sdelay $0x1  }
0x8c9: {  	s5 =	simm.s32 $0x0  }
0x8ca: {  	[hbm4b:s6+s5] =	stream.linear.scatter [tilespmem:s19], [sflag:$0x7], $0x4000, $0x38;
	[tilespmem:$0x18000] =	vst v63  }
0x8cb: {  	_ =	swait.ge [sflag:s2], $0x4000  }
0x8cc: {  	s7 =	sld [smem:$0x7EC]  }
0x8cd: {  	[sflag:s2] =	ssyncset.done $0x0  }
0x8ce: {  	[sflag:s2] =	ssyncadd.s32 $0xFFFFC000  }
0x8cf: {  	[tilespmem:s25], [sflag:$0x6] =	stream.linear.gather [hbm4b:s7+s5], $0x4000, $0x38;
	[tilespmem:$0x18000] =	vst v63  }
0x8d0: {  	_ =	swait.ge [sflag:s26], $0x4000  }
0x8d1: {  	[sflag:s26] =	ssyncset.done $0x0  }
0x8d2: {  	s5 =	simm.s32 $0x0;
	[sflag:s26] =	ssyncadd.s32 $0xFFFFC000  }
0x8d3: {  	v0 =	vld [tilespmem:s5+$0x70]  }
0x8d4: {  	v1 =	vld [tilespmem:s5+$0x0]  }
0x8d5: {  	v2 =	vld [tilespmem:s5+$0x10]  }
0x8d6: {  	v3 =	vld [tilespmem:s5+$0x20]  }
0x8d7: {  	v4 =	vld [tilespmem:s5+$0x30]  }
0x8d8: {  	v5 =	vld [tilespmem:s5+$0x40]  }
0x8d9: {  	v6 =	vld [tilespmem:s5+$0x50]  }
0x8da: {  	[tilespmem:s5+$0xC070] =	vst.add.f32.msk $0xffff, v0  }
0x8db: {  	v0 =	vld [tilespmem:s5+$0x60]  }
0x8dc: {  	[tilespmem:s5+$0xC000] =	vst.add.f32.msk $0xffff, v1  }
0x8dd: {  	[tilespmem:s5+$0xC010] =	vst.add.f32.msk $0xffff, v2  }
0x8de: {  	[tilespmem:s5+$0xC020] =	vst.add.f32.msk $0xffff, v3  }
0x8df: {  	[tilespmem:s5+$0xC030] =	vst.add.f32.msk $0xffff, v4  }
0x8e0: {  	[tilespmem:s5+$0xC040] =	vst.add.f32.msk $0xffff, v5  }
0x8e1: {  	s6 =	simm.s32 $0x0;
	s7 =	simm.s32 $0x200;
	[tilespmem:s5+$0xC050] =	vst.add.f32.msk $0xffff, v6  }
.LBB2_100:
0x8e2: {  	s6 =	sadd.s32 $0x80, s6;
	[tilespmem:s5+$0xC060] =	vst.add.f32.msk $0xffff, v0;
	s5 =	sshra.s32 s7, $0x2  }
0x8e3: {  	v0 =	vld [tilespmem:s5+$0x70];
	p0 =	slt.u32 s6, $0x3F80  }
0x8e4: {  	v1 =	vld [tilespmem:s5+$0x0]  }
0x8e5: {  	v2 =	vld [tilespmem:s5+$0x10]  }
0x8e6: {  	v3 =	vld [tilespmem:s5+$0x20]  }
0x8e7: {  	v4 =	vld [tilespmem:s5+$0x30]  }
0x8e8: {  	[tilespmem:s5+$0xC070] =	vst.add.f32.msk $0xffff, v0  }
0x8e9: {  	v5 =	vld [tilespmem:s5+$0x40]  }
0x8ea: {  	v6 =	vld [tilespmem:s5+$0x50]  }
0x8eb: {  	v0 =	vld [tilespmem:s5+$0x60]  }
0x8ec: {  	[tilespmem:s5+$0xC000] =	vst.add.f32.msk $0xffff, v1  }
.Ltmp49:
0x8ed: {  	[tilespmem:s5+$0xC010] =	vst.add.f32.msk $0xffff, v2;
	(pc) =	sbr.rel @p0 .LBB2_100-.Ltmp49, $4  }
0x8ee: {  	[tilespmem:s5+$0xC020] =	vst.add.f32.msk $0xffff, v3  }
0x8ef: {  	[tilespmem:s5+$0xC030] =	vst.add.f32.msk $0xffff, v4  }
0x8f0: {  	[tilespmem:s5+$0xC040] =	vst.add.f32.msk $0xffff, v5  }
0x8f1: {  	s7 =	sadd.s32 $0x200, s7;
	[tilespmem:s5+$0xC050] =	vst.add.f32.msk $0xffff, v6  }
0x8f2: {  	[tilespmem:s5+$0xC060] =	vst.add.f32.msk $0xffff, v0  }
0x8f3: {  	s6 =	sld [smem:$0x7E9];
	_ =	sdelay $0x1  }
0x8f4: {  	s5 =	simm.s32 $0x0  }
0x8f5: {  	[hbm4b:s6+s5] =	stream.linear.scatter [tilespmem:s20], [sflag:$0x8], $0x4000, $0x38;
	[tilespmem:$0x18000] =	vst v63  }
0x8f6: {  	_ =	swait.ge [sflag:s28], $0x4000  }
0x8f7: {  	s7 =	sld [smem:$0x7EE]  }
0x8f8: {  	[sflag:s28] =	ssyncset.done $0x0  }
0x8f9: {  	[sflag:s28] =	ssyncadd.s32 $0xFFFFC000  }
0x8fa: {  	[tilespmem:s19], [sflag:$0x3] =	stream.linear.gather [hbm4b:s7+s5], $0x4000, $0x38;
	[tilespmem:$0x18000] =	vst v63  }
0x8fb: {  	_ =	swait.ge [sflag:s29], $0x4000  }
0x8fc: {  	[sflag:s29] =	ssyncset.done $0x0  }
0x8fd: {  	s5 =	simm.s32 $0x0;
	[sflag:s29] =	ssyncadd.s32 $0xFFFFC000  }
0x8fe: {  	v0 =	vld [tilespmem:s5+$0x70]  }
0x8ff: {  	v1 =	vld [tilespmem:s5+$0x0]  }
0x900: {  	v2 =	vld [tilespmem:s5+$0x10]  }
0x901: {  	v3 =	vld [tilespmem:s5+$0x20]  }
0x902: {  	v4 =	vld [tilespmem:s5+$0x30]  }
0x903: {  	v5 =	vld [tilespmem:s5+$0x40]  }
0x904: {  	v6 =	vld [tilespmem:s5+$0x50]  }
0x905: {  	[tilespmem:s5+$0x10070] =	vst.add.f32.msk $0xffff, v0  }
0x906: {  	v0 =	vld [tilespmem:s5+$0x60]  }
0x907: {  	[tilespmem:s5+$0x10000] =	vst.add.f32.msk $0xffff, v1  }
0x908: {  	[tilespmem:s5+$0x10010] =	vst.add.f32.msk $0xffff, v2  }
0x909: {  	[tilespmem:s5+$0x10020] =	vst.add.f32.msk $0xffff, v3  }
0x90a: {  	[tilespmem:s5+$0x10030] =	vst.add.f32.msk $0xffff, v4  }
0x90b: {  	[tilespmem:s5+$0x10040] =	vst.add.f32.msk $0xffff, v5  }
0x90c: {  	s6 =	simm.s32 $0x0;
	s7 =	simm.s32 $0x200;
	[tilespmem:s5+$0x10050] =	vst.add.f32.msk $0xffff, v6  }
.LBB2_102:
0x90d: {  	s6 =	sadd.s32 $0x80, s6;
	[tilespmem:s5+$0x10060] =	vst.add.f32.msk $0xffff, v0;
	s5 =	sshra.s32 s7, $0x2  }
0x90e: {  	v0 =	vld [tilespmem:s5+$0x70];
	p0 =	slt.u32 s6, $0x3F80  }
0x90f: {  	v1 =	vld [tilespmem:s5+$0x0]  }
0x910: {  	v2 =	vld [tilespmem:s5+$0x10]  }
0x911: {  	v3 =	vld [tilespmem:s5+$0x20]  }
0x912: {  	v4 =	vld [tilespmem:s5+$0x30]  }
0x913: {  	[tilespmem:s5+$0x10070] =	vst.add.f32.msk $0xffff, v0  }
0x914: {  	v5 =	vld [tilespmem:s5+$0x40]  }
0x915: {  	v6 =	vld [tilespmem:s5+$0x50]  }
0x916: {  	v0 =	vld [tilespmem:s5+$0x60]  }
0x917: {  	[tilespmem:s5+$0x10000] =	vst.add.f32.msk $0xffff, v1  }
.Ltmp50:
0x918: {  	[tilespmem:s5+$0x10010] =	vst.add.f32.msk $0xffff, v2;
	(pc) =	sbr.rel @p0 .LBB2_102-.Ltmp50, $4  }
0x919: {  	[tilespmem:s5+$0x10020] =	vst.add.f32.msk $0xffff, v3  }
0x91a: {  	[tilespmem:s5+$0x10030] =	vst.add.f32.msk $0xffff, v4  }
0x91b: {  	[tilespmem:s5+$0x10040] =	vst.add.f32.msk $0xffff, v5  }
0x91c: {  	s7 =	sadd.s32 $0x200, s7;
	[tilespmem:s5+$0x10050] =	vst.add.f32.msk $0xffff, v6  }
0x91d: {  	[tilespmem:s5+$0x10060] =	vst.add.f32.msk $0xffff, v0  }
0x91e: {  	s6 =	sld [smem:$0x7EB];
	_ =	sdelay $0x1  }
0x91f: {  	s5 =	simm.s32 $0x0  }
0x920: {  	[hbm4b:s6+s5] =	stream.linear.scatter [tilespmem:s23], [sflag:$0x9], $0x4000, $0x38;
	[tilespmem:$0x18000] =	vst v63  }
0x921: {  	_ =	swait.ge [sflag:s30], $0x4000  }
0x922: {  	s7 =	sld [smem:$0x7F0]  }
0x923: {  	[sflag:s30] =	ssyncset.done $0x0  }
0x924: {  	[sflag:s30] =	ssyncadd.s32 $0xFFFFC000  }
0x925: {  	[tilespmem:s20], [sflag:$0x4] =	stream.linear.gather [hbm4b:s7+s5], $0x4000, $0x38;
	[tilespmem:$0x18000] =	vst v63  }
0x926: {  	_ =	swait.ge [sflag:s31], $0x4000  }
0x927: {  	[sflag:s31] =	ssyncset.done $0x0  }
0x928: {  	s5 =	simm.s32 $0x0;
	[sflag:s31] =	ssyncadd.s32 $0xFFFFC000  }
0x929: {  	v0 =	vld [tilespmem:s5+$0x70]  }
0x92a: {  	v1 =	vld [tilespmem:s5+$0x0]  }
0x92b: {  	v2 =	vld [tilespmem:s5+$0x10]  }
0x92c: {  	v3 =	vld [tilespmem:s5+$0x20]  }
0x92d: {  	v4 =	vld [tilespmem:s5+$0x30]  }
0x92e: {  	v5 =	vld [tilespmem:s5+$0x40]  }
0x92f: {  	v6 =	vld [tilespmem:s5+$0x50]  }
0x930: {  	[tilespmem:s5+$0x14070] =	vst.add.f32.msk $0xffff, v0  }
0x931: {  	v0 =	vld [tilespmem:s5+$0x60]  }
0x932: {  	[tilespmem:s5+$0x14000] =	vst.add.f32.msk $0xffff, v1  }
0x933: {  	[tilespmem:s5+$0x14010] =	vst.add.f32.msk $0xffff, v2  }
0x934: {  	[tilespmem:s5+$0x14020] =	vst.add.f32.msk $0xffff, v3  }
0x935: {  	[tilespmem:s5+$0x14030] =	vst.add.f32.msk $0xffff, v4  }
0x936: {  	[tilespmem:s5+$0x14040] =	vst.add.f32.msk $0xffff, v5  }
0x937: {  	s6 =	simm.s32 $0x0;
	s7 =	simm.s32 $0x200;
	[tilespmem:s5+$0x14050] =	vst.add.f32.msk $0xffff, v6  }
.LBB2_104:
0x938: {  	s6 =	sadd.s32 $0x80, s6;
	[tilespmem:s5+$0x14060] =	vst.add.f32.msk $0xffff, v0;
	s5 =	sshra.s32 s7, $0x2  }
0x939: {  	v0 =	vld [tilespmem:s5+$0x70];
	p0 =	slt.u32 s6, $0x3F80  }
0x93a: {  	v1 =	vld [tilespmem:s5+$0x0]  }
0x93b: {  	v2 =	vld [tilespmem:s5+$0x10]  }
0x93c: {  	v3 =	vld [tilespmem:s5+$0x20]  }
0x93d: {  	v4 =	vld [tilespmem:s5+$0x30]  }
0x93e: {  	[tilespmem:s5+$0x14070] =	vst.add.f32.msk $0xffff, v0  }
0x93f: {  	v5 =	vld [tilespmem:s5+$0x40]  }
0x940: {  	v6 =	vld [tilespmem:s5+$0x50]  }
0x941: {  	v0 =	vld [tilespmem:s5+$0x60]  }
0x942: {  	[tilespmem:s5+$0x14000] =	vst.add.f32.msk $0xffff, v1  }
.Ltmp51:
0x943: {  	[tilespmem:s5+$0x14010] =	vst.add.f32.msk $0xffff, v2;
	(pc) =	sbr.rel @p0 .LBB2_104-.Ltmp51, $4  }
0x944: {  	[tilespmem:s5+$0x14020] =	vst.add.f32.msk $0xffff, v3  }
0x945: {  	[tilespmem:s5+$0x14030] =	vst.add.f32.msk $0xffff, v4  }
0x946: {  	[tilespmem:s5+$0x14040] =	vst.add.f32.msk $0xffff, v5  }
0x947: {  	s7 =	sadd.s32 $0x200, s7;
	[tilespmem:s5+$0x14050] =	vst.add.f32.msk $0xffff, v6  }
0x948: {  	[tilespmem:s5+$0x14060] =	vst.add.f32.msk $0xffff, v0  }
0x949: {  	s6 =	sld [smem:$0x7ED];
	_ =	sdelay $0x1  }
0x94a: {  	s5 =	simm.s32 $0x0  }
0x94b: {  	[hbm4b:s6+s5] =	stream.linear.scatter [tilespmem:s25], [sflag:$0xA], $0x4000, $0x38;
	[tilespmem:$0x18000] =	vst v63  }
0x94c: {  	_ =	swait.ge [sflag:s0], $0x4000  }
0x94d: {  	s7 =	sld [smem:$0x7F2]  }
0x94e: {  	[sflag:s0] =	ssyncset.done $0x0  }
0x94f: {  	[sflag:s0] =	ssyncadd.s32 $0xFFFFC000  }
0x950: {  	[tilespmem:s23], [sflag:$0x5] =	stream.linear.gather [hbm4b:s7+s5], $0x4000, $0x38;
	[tilespmem:$0x18000] =	vst v63  }
0x951: {  	_ =	swait.ge [sflag:s24], $0x4000  }
0x952: {  	[sflag:s24] =	ssyncset.done $0x0  }
0x953: {  	s5 =	simm.s32 $0x0;
	[sflag:s24] =	ssyncadd.s32 $0xFFFFC000  }
0x954: {  	v0 =	vld [tilespmem:s5+$0x70]  }
0x955: {  	v1 =	vld [tilespmem:s5+$0x0]  }
0x956: {  	v2 =	vld [tilespmem:s5+$0x10]  }
0x957: {  	v3 =	vld [tilespmem:s5+$0x20]  }
0x958: {  	v4 =	vld [tilespmem:s5+$0x30]  }
0x959: {  	v5 =	vld [tilespmem:s5+$0x40]  }
0x95a: {  	v6 =	vld [tilespmem:s5+$0x50]  }
0x95b: {  	[tilespmem:s5+$0x8070] =	vst.add.f32.msk $0xffff, v0  }
0x95c: {  	v0 =	vld [tilespmem:s5+$0x60]  }
0x95d: {  	[tilespmem:s5+$0x8000] =	vst.add.f32.msk $0xffff, v1  }
0x95e: {  	[tilespmem:s5+$0x8010] =	vst.add.f32.msk $0xffff, v2  }
0x95f: {  	[tilespmem:s5+$0x8020] =	vst.add.f32.msk $0xffff, v3  }
0x960: {  	[tilespmem:s5+$0x8030] =	vst.add.f32.msk $0xffff, v4  }
0x961: {  	[tilespmem:s5+$0x8040] =	vst.add.f32.msk $0xffff, v5  }
0x962: {  	s6 =	simm.s32 $0x0;
	s7 =	simm.s32 $0x200;
	[tilespmem:s5+$0x8050] =	vst.add.f32.msk $0xffff, v6  }
.LBB2_106:
0x963: {  	s6 =	sadd.s32 $0x80, s6;
	[tilespmem:s5+$0x8060] =	vst.add.f32.msk $0xffff, v0;
	s5 =	sshra.s32 s7, $0x2  }
0x964: {  	v0 =	vld [tilespmem:s5+$0x70];
	p0 =	slt.u32 s6, $0x3F80  }
0x965: {  	v1 =	vld [tilespmem:s5+$0x0]  }
0x966: {  	v2 =	vld [tilespmem:s5+$0x10]  }
0x967: {  	v3 =	vld [tilespmem:s5+$0x20]  }
0x968: {  	v4 =	vld [tilespmem:s5+$0x30]  }
0x969: {  	[tilespmem:s5+$0x8070] =	vst.add.f32.msk $0xffff, v0  }
0x96a: {  	v5 =	vld [tilespmem:s5+$0x40]  }
0x96b: {  	v6 =	vld [tilespmem:s5+$0x50]  }
0x96c: {  	v0 =	vld [tilespmem:s5+$0x60]  }
0x96d: {  	[tilespmem:s5+$0x8000] =	vst.add.f32.msk $0xffff, v1  }
.Ltmp52:
0x96e: {  	[tilespmem:s5+$0x8010] =	vst.add.f32.msk $0xffff, v2;
	(pc) =	sbr.rel @p0 .LBB2_106-.Ltmp52, $4  }
0x96f: {  	[tilespmem:s5+$0x8020] =	vst.add.f32.msk $0xffff, v3  }
0x970: {  	[tilespmem:s5+$0x8030] =	vst.add.f32.msk $0xffff, v4  }
0x971: {  	[tilespmem:s5+$0x8040] =	vst.add.f32.msk $0xffff, v5  }
0x972: {  	s7 =	sadd.s32 $0x200, s7;
	[tilespmem:s5+$0x8050] =	vst.add.f32.msk $0xffff, v6  }
0x973: {  	[tilespmem:s5+$0x8060] =	vst.add.f32.msk $0xffff, v0  }
0x974: {  	s6 =	sld [smem:$0x7EF];
	_ =	sdelay $0x1  }
0x975: {  	s5 =	simm.s32 $0x0  }
0x976: {  	[hbm4b:s6+s5] =	stream.linear.scatter [tilespmem:s19], [sflag:$0x7], $0x4000, $0x38;
	[tilespmem:$0x18000] =	vst v63  }
0x977: {  	_ =	swait.ge [sflag:s2], $0x4000  }
0x978: {  	s7 =	sld [smem:$0x7F4]  }
0x979: {  	[sflag:s2] =	ssyncset.done $0x0  }
0x97a: {  	[sflag:s2] =	ssyncadd.s32 $0xFFFFC000  }
0x97b: {  	[tilespmem:s25], [sflag:$0x6] =	stream.linear.gather [hbm4b:s7+s5], $0x4000, $0x38;
	[tilespmem:$0x18000] =	vst v63  }
0x97c: {  	_ =	swait.ge [sflag:s26], $0x4000  }
0x97d: {  	[sflag:s26] =	ssyncset.done $0x0  }
0x97e: {  	s5 =	simm.s32 $0x0;
	[sflag:s26] =	ssyncadd.s32 $0xFFFFC000  }
0x97f: {  	v0 =	vld [tilespmem:s5+$0x70]  }
0x980: {  	v1 =	vld [tilespmem:s5+$0x0]  }
0x981: {  	v2 =	vld [tilespmem:s5+$0x10]  }
0x982: {  	v3 =	vld [tilespmem:s5+$0x20]  }
0x983: {  	v4 =	vld [tilespmem:s5+$0x30]  }
0x984: {  	v5 =	vld [tilespmem:s5+$0x40]  }
0x985: {  	v6 =	vld [tilespmem:s5+$0x50]  }
0x986: {  	[tilespmem:s5+$0xC070] =	vst.add.f32.msk $0xffff, v0  }
0x987: {  	v0 =	vld [tilespmem:s5+$0x60]  }
0x988: {  	[tilespmem:s5+$0xC000] =	vst.add.f32.msk $0xffff, v1  }
0x989: {  	[tilespmem:s5+$0xC010] =	vst.add.f32.msk $0xffff, v2  }
0x98a: {  	[tilespmem:s5+$0xC020] =	vst.add.f32.msk $0xffff, v3  }
0x98b: {  	[tilespmem:s5+$0xC030] =	vst.add.f32.msk $0xffff, v4  }
0x98c: {  	[tilespmem:s5+$0xC040] =	vst.add.f32.msk $0xffff, v5  }
0x98d: {  	s6 =	simm.s32 $0x0;
	s7 =	simm.s32 $0x200;
	[tilespmem:s5+$0xC050] =	vst.add.f32.msk $0xffff, v6  }
.LBB2_108:
0x98e: {  	s6 =	sadd.s32 $0x80, s6;
	[tilespmem:s5+$0xC060] =	vst.add.f32.msk $0xffff, v0;
	s5 =	sshra.s32 s7, $0x2  }
0x98f: {  	v0 =	vld [tilespmem:s5+$0x70];
	p0 =	slt.u32 s6, $0x3F80  }
0x990: {  	v1 =	vld [tilespmem:s5+$0x0]  }
0x991: {  	v2 =	vld [tilespmem:s5+$0x10]  }
0x992: {  	v3 =	vld [tilespmem:s5+$0x20]  }
0x993: {  	v4 =	vld [tilespmem:s5+$0x30]  }
0x994: {  	[tilespmem:s5+$0xC070] =	vst.add.f32.msk $0xffff, v0  }
0x995: {  	v5 =	vld [tilespmem:s5+$0x40]  }
0x996: {  	v6 =	vld [tilespmem:s5+$0x50]  }
0x997: {  	v0 =	vld [tilespmem:s5+$0x60]  }
0x998: {  	[tilespmem:s5+$0xC000] =	vst.add.f32.msk $0xffff, v1  }
.Ltmp53:
0x999: {  	[tilespmem:s5+$0xC010] =	vst.add.f32.msk $0xffff, v2;
	(pc) =	sbr.rel @p0 .LBB2_108-.Ltmp53, $4  }
0x99a: {  	[tilespmem:s5+$0xC020] =	vst.add.f32.msk $0xffff, v3  }
0x99b: {  	[tilespmem:s5+$0xC030] =	vst.add.f32.msk $0xffff, v4  }
0x99c: {  	[tilespmem:s5+$0xC040] =	vst.add.f32.msk $0xffff, v5  }
0x99d: {  	s7 =	sadd.s32 $0x200, s7;
	[tilespmem:s5+$0xC050] =	vst.add.f32.msk $0xffff, v6  }
0x99e: {  	[tilespmem:s5+$0xC060] =	vst.add.f32.msk $0xffff, v0  }
0x99f: {  	s6 =	sld [smem:$0x7F1];
	_ =	sdelay $0x1  }
0x9a0: {  	s5 =	simm.s32 $0x0  }
0x9a1: {  	[hbm4b:s6+s5] =	stream.linear.scatter [tilespmem:s20], [sflag:$0x8], $0x4000, $0x38;
	[tilespmem:$0x18000] =	vst v63  }
0x9a2: {  	_ =	swait.ge [sflag:s28], $0x4000  }
0x9a3: {  	s7 =	sld [smem:$0x7F6]  }
0x9a4: {  	[sflag:s28] =	ssyncset.done $0x0  }
0x9a5: {  	[sflag:s28] =	ssyncadd.s32 $0xFFFFC000  }
0x9a6: {  	[tilespmem:s19], [sflag:$0x3] =	stream.linear.gather [hbm4b:s7+s5], $0x4000, $0x38;
	[tilespmem:$0x18000] =	vst v63  }
0x9a7: {  	_ =	swait.ge [sflag:s29], $0x4000  }
0x9a8: {  	[sflag:s29] =	ssyncset.done $0x0  }
0x9a9: {  	s5 =	simm.s32 $0x0;
	[sflag:s29] =	ssyncadd.s32 $0xFFFFC000  }
0x9aa: {  	v0 =	vld [tilespmem:s5+$0x70]  }
0x9ab: {  	v1 =	vld [tilespmem:s5+$0x0]  }
0x9ac: {  	v2 =	vld [tilespmem:s5+$0x10]  }
0x9ad: {  	v3 =	vld [tilespmem:s5+$0x20]  }
0x9ae: {  	v4 =	vld [tilespmem:s5+$0x30]  }
0x9af: {  	v5 =	vld [tilespmem:s5+$0x40]  }
0x9b0: {  	v6 =	vld [tilespmem:s5+$0x50]  }
0x9b1: {  	[tilespmem:s5+$0x10070] =	vst.add.f32.msk $0xffff, v0  }
0x9b2: {  	v0 =	vld [tilespmem:s5+$0x60]  }
0x9b3: {  	[tilespmem:s5+$0x10000] =	vst.add.f32.msk $0xffff, v1  }
0x9b4: {  	[tilespmem:s5+$0x10010] =	vst.add.f32.msk $0xffff, v2  }
0x9b5: {  	[tilespmem:s5+$0x10020] =	vst.add.f32.msk $0xffff, v3  }
0x9b6: {  	[tilespmem:s5+$0x10030] =	vst.add.f32.msk $0xffff, v4  }
0x9b7: {  	[tilespmem:s5+$0x10040] =	vst.add.f32.msk $0xffff, v5  }
0x9b8: {  	s6 =	simm.s32 $0x0;
	s7 =	simm.s32 $0x200;
	[tilespmem:s5+$0x10050] =	vst.add.f32.msk $0xffff, v6  }
.LBB2_110:
0x9b9: {  	s6 =	sadd.s32 $0x80, s6;
	[tilespmem:s5+$0x10060] =	vst.add.f32.msk $0xffff, v0;
	s5 =	sshra.s32 s7, $0x2  }
0x9ba: {  	v0 =	vld [tilespmem:s5+$0x70];
	p0 =	slt.u32 s6, $0x3F80  }
0x9bb: {  	v1 =	vld [tilespmem:s5+$0x0]  }
0x9bc: {  	v2 =	vld [tilespmem:s5+$0x10]  }
0x9bd: {  	v3 =	vld [tilespmem:s5+$0x20]  }
0x9be: {  	v4 =	vld [tilespmem:s5+$0x30]  }
0x9bf: {  	[tilespmem:s5+$0x10070] =	vst.add.f32.msk $0xffff, v0  }
0x9c0: {  	v5 =	vld [tilespmem:s5+$0x40]  }
0x9c1: {  	v6 =	vld [tilespmem:s5+$0x50]  }
0x9c2: {  	v0 =	vld [tilespmem:s5+$0x60]  }
0x9c3: {  	[tilespmem:s5+$0x10000] =	vst.add.f32.msk $0xffff, v1  }
.Ltmp54:
0x9c4: {  	[tilespmem:s5+$0x10010] =	vst.add.f32.msk $0xffff, v2;
	(pc) =	sbr.rel @p0 .LBB2_110-.Ltmp54, $4  }
0x9c5: {  	[tilespmem:s5+$0x10020] =	vst.add.f32.msk $0xffff, v3  }
0x9c6: {  	[tilespmem:s5+$0x10030] =	vst.add.f32.msk $0xffff, v4  }
0x9c7: {  	[tilespmem:s5+$0x10040] =	vst.add.f32.msk $0xffff, v5  }
0x9c8: {  	s7 =	sadd.s32 $0x200, s7;
	[tilespmem:s5+$0x10050] =	vst.add.f32.msk $0xffff, v6  }
0x9c9: {  	[tilespmem:s5+$0x10060] =	vst.add.f32.msk $0xffff, v0  }
0x9ca: {  	s6 =	sld [smem:$0x7F3];
	_ =	sdelay $0x1  }
0x9cb: {  	s5 =	simm.s32 $0x0  }
0x9cc: {  	[hbm4b:s6+s5] =	stream.linear.scatter [tilespmem:s23], [sflag:$0x9], $0x4000, $0x38;
	[tilespmem:$0x18000] =	vst v63  }
0x9cd: {  	_ =	swait.ge [sflag:s30], $0x4000  }
0x9ce: {  	s7 =	sld [smem:$0x7F8]  }
0x9cf: {  	[sflag:s30] =	ssyncset.done $0x0  }
0x9d0: {  	[sflag:s30] =	ssyncadd.s32 $0xFFFFC000  }
0x9d1: {  	[tilespmem:s20], [sflag:$0x4] =	stream.linear.gather [hbm4b:s7+s5], $0x4000, $0x38;
	[tilespmem:$0x18000] =	vst v63  }
0x9d2: {  	_ =	swait.ge [sflag:s31], $0x4000  }
0x9d3: {  	[sflag:s31] =	ssyncset.done $0x0  }
0x9d4: {  	s5 =	simm.s32 $0x0;
	[sflag:s31] =	ssyncadd.s32 $0xFFFFC000  }
0x9d5: {  	v0 =	vld [tilespmem:s5+$0x70]  }
0x9d6: {  	v1 =	vld [tilespmem:s5+$0x0]  }
0x9d7: {  	v2 =	vld [tilespmem:s5+$0x10]  }
0x9d8: {  	v3 =	vld [tilespmem:s5+$0x20]  }
0x9d9: {  	v4 =	vld [tilespmem:s5+$0x30]  }
0x9da: {  	v5 =	vld [tilespmem:s5+$0x40]  }
0x9db: {  	v6 =	vld [tilespmem:s5+$0x50]  }
0x9dc: {  	[tilespmem:s5+$0x14070] =	vst.add.f32.msk $0xffff, v0  }
0x9dd: {  	v0 =	vld [tilespmem:s5+$0x60]  }
0x9de: {  	[tilespmem:s5+$0x14000] =	vst.add.f32.msk $0xffff, v1  }
0x9df: {  	[tilespmem:s5+$0x14010] =	vst.add.f32.msk $0xffff, v2  }
0x9e0: {  	[tilespmem:s5+$0x14020] =	vst.add.f32.msk $0xffff, v3  }
0x9e1: {  	[tilespmem:s5+$0x14030] =	vst.add.f32.msk $0xffff, v4  }
0x9e2: {  	[tilespmem:s5+$0x14040] =	vst.add.f32.msk $0xffff, v5  }
0x9e3: {  	s6 =	simm.s32 $0x0;
	s7 =	simm.s32 $0x200;
	[tilespmem:s5+$0x14050] =	vst.add.f32.msk $0xffff, v6  }
.LBB2_112:
0x9e4: {  	s6 =	sadd.s32 $0x80, s6;
	[tilespmem:s5+$0x14060] =	vst.add.f32.msk $0xffff, v0;
	s5 =	sshra.s32 s7, $0x2  }
0x9e5: {  	v0 =	vld [tilespmem:s5+$0x70];
	p0 =	slt.u32 s6, $0x3F80  }
0x9e6: {  	v1 =	vld [tilespmem:s5+$0x0]  }
0x9e7: {  	v2 =	vld [tilespmem:s5+$0x10]  }
0x9e8: {  	v3 =	vld [tilespmem:s5+$0x20]  }
0x9e9: {  	v4 =	vld [tilespmem:s5+$0x30]  }
0x9ea: {  	[tilespmem:s5+$0x14070] =	vst.add.f32.msk $0xffff, v0  }
0x9eb: {  	v5 =	vld [tilespmem:s5+$0x40]  }
0x9ec: {  	v6 =	vld [tilespmem:s5+$0x50]  }
0x9ed: {  	v0 =	vld [tilespmem:s5+$0x60]  }
0x9ee: {  	[tilespmem:s5+$0x14000] =	vst.add.f32.msk $0xffff, v1  }
.Ltmp55:
0x9ef: {  	[tilespmem:s5+$0x14010] =	vst.add.f32.msk $0xffff, v2;
	(pc) =	sbr.rel @p0 .LBB2_112-.Ltmp55, $4  }
0x9f0: {  	[tilespmem:s5+$0x14020] =	vst.add.f32.msk $0xffff, v3  }
0x9f1: {  	[tilespmem:s5+$0x14030] =	vst.add.f32.msk $0xffff, v4  }
0x9f2: {  	[tilespmem:s5+$0x14040] =	vst.add.f32.msk $0xffff, v5  }
0x9f3: {  	s7 =	sadd.s32 $0x200, s7;
	[tilespmem:s5+$0x14050] =	vst.add.f32.msk $0xffff, v6  }
0x9f4: {  	[tilespmem:s5+$0x14060] =	vst.add.f32.msk $0xffff, v0  }
0x9f5: {  	s6 =	sld [smem:$0x7F5];
	_ =	sdelay $0x1  }
0x9f6: {  	s5 =	simm.s32 $0x0  }
0x9f7: {  	[hbm4b:s6+s5] =	stream.linear.scatter [tilespmem:s25], [sflag:$0xA], $0x4000, $0x38;
	[tilespmem:$0x18000] =	vst v63  }
0x9f8: {  	_ =	swait.ge [sflag:s3], $0x4000  }
0x9f9: {  	[sflag:s3] =	ssyncset.done $0x0  }
0x9fa: {  	[sflag:s3] =	ssyncadd.s32 $0xFFFFC000  }
0x9fb: {  	_ =	swait.ge [sflag:s0], $0x4000  }
0x9fc: {  	s7 =	sld [smem:$0x7FA]  }
0x9fd: {  	[sflag:s0] =	ssyncset.done $0x0  }
0x9fe: {  	[sflag:s0] =	ssyncadd.s32 $0xFFFFC000  }
0x9ff: {  	[tilespmem:s23], [sflag:$0x5] =	stream.linear.gather [hbm4b:s7+s5], $0x4000, $0x38;
	[tilespmem:$0x18000] =	vst v63  }
0xa00: {  	_ =	swait.ge [sflag:s24], $0x4000  }
0xa01: {  	[sflag:s24] =	ssyncset.done $0x0  }
0xa02: {  	s5 =	simm.s32 $0x0;
	[sflag:s24] =	ssyncadd.s32 $0xFFFFC000  }
0xa03: {  	v0 =	vld [tilespmem:s5+$0x4070]  }
0xa04: {  	v1 =	vld [tilespmem:s5+$0x4000]  }
0xa05: {  	v2 =	vld [tilespmem:s5+$0x4010]  }
0xa06: {  	v3 =	vld [tilespmem:s5+$0x4020]  }
0xa07: {  	v4 =	vld [tilespmem:s5+$0x4030]  }
0xa08: {  	v5 =	vld [tilespmem:s5+$0x4040]  }
0xa09: {  	v6 =	vld [tilespmem:s5+$0x4050]  }
0xa0a: {  	[tilespmem:s5+$0x8070] =	vst.add.f32.msk $0xffff, v0  }
0xa0b: {  	v0 =	vld [tilespmem:s5+$0x4060]  }
0xa0c: {  	[tilespmem:s5+$0x8000] =	vst.add.f32.msk $0xffff, v1  }
0xa0d: {  	[tilespmem:s5+$0x8010] =	vst.add.f32.msk $0xffff, v2  }
0xa0e: {  	[tilespmem:s5+$0x8020] =	vst.add.f32.msk $0xffff, v3  }
0xa0f: {  	[tilespmem:s5+$0x8030] =	vst.add.f32.msk $0xffff, v4  }
0xa10: {  	[tilespmem:s5+$0x8040] =	vst.add.f32.msk $0xffff, v5  }
0xa11: {  	s6 =	simm.s32 $0x0;
	s7 =	simm.s32 $0x200;
	[tilespmem:s5+$0x8050] =	vst.add.f32.msk $0xffff, v6  }
.LBB2_114:
0xa12: {  	s6 =	sadd.s32 $0x80, s6;
	[tilespmem:s5+$0x8060] =	vst.add.f32.msk $0xffff, v0;
	s5 =	sshra.s32 s7, $0x2  }
0xa13: {  	v0 =	vld [tilespmem:s5+$0x4070];
	p0 =	slt.u32 s6, $0x3F80  }
0xa14: {  	v1 =	vld [tilespmem:s5+$0x4000]  }
0xa15: {  	v2 =	vld [tilespmem:s5+$0x4010]  }
0xa16: {  	v3 =	vld [tilespmem:s5+$0x4020]  }
0xa17: {  	v4 =	vld [tilespmem:s5+$0x4030]  }
0xa18: {  	[tilespmem:s5+$0x8070] =	vst.add.f32.msk $0xffff, v0  }
0xa19: {  	v5 =	vld [tilespmem:s5+$0x4040]  }
0xa1a: {  	v6 =	vld [tilespmem:s5+$0x4050]  }
0xa1b: {  	v0 =	vld [tilespmem:s5+$0x4060]  }
0xa1c: {  	[tilespmem:s5+$0x8000] =	vst.add.f32.msk $0xffff, v1  }
.Ltmp56:
0xa1d: {  	[tilespmem:s5+$0x8010] =	vst.add.f32.msk $0xffff, v2;
	(pc) =	sbr.rel @p0 .LBB2_114-.Ltmp56, $4  }
0xa1e: {  	[tilespmem:s5+$0x8020] =	vst.add.f32.msk $0xffff, v3  }
0xa1f: {  	[tilespmem:s5+$0x8030] =	vst.add.f32.msk $0xffff, v4  }
0xa20: {  	[tilespmem:s5+$0x8040] =	vst.add.f32.msk $0xffff, v5  }
0xa21: {  	s7 =	sadd.s32 $0x200, s7;
	[tilespmem:s5+$0x8050] =	vst.add.f32.msk $0xffff, v6  }
0xa22: {  	[tilespmem:s5+$0x8060] =	vst.add.f32.msk $0xffff, v0  }
0xa23: {  	s6 =	sld [smem:$0x7F7];
	_ =	sdelay $0x1  }
0xa24: {  	s5 =	simm.s32 $0x0  }
0xa25: {  	[hbm4b:s6+s5] =	stream.linear.scatter [tilespmem:s19], [sflag:$0x7], $0x4000, $0x38;
	[tilespmem:$0x18000] =	vst v63  }
0xa26: {  	_ =	swait.ge [sflag:s2], $0x4000  }
0xa27: {  	s7 =	sld [smem:$0x7FC]  }
0xa28: {  	[sflag:s2] =	ssyncset.done $0x0  }
0xa29: {  	[sflag:s2] =	ssyncadd.s32 $0xFFFFC000  }
0xa2a: {  	[tilespmem:s25], [sflag:$0x6] =	stream.linear.gather [hbm4b:s7+s5], $0x4000, $0x38;
	[tilespmem:$0x18000] =	vst v63  }
0xa2b: {  	_ =	swait.ge [sflag:s26], $0x4000  }
0xa2c: {  	[sflag:s26] =	ssyncset.done $0x0  }
0xa2d: {  	s5 =	simm.s32 $0x0;
	[sflag:s26] =	ssyncadd.s32 $0xFFFFC000  }
0xa2e: {  	v0 =	vld [tilespmem:s5+$0x4070]  }
0xa2f: {  	v1 =	vld [tilespmem:s5+$0x4000]  }
0xa30: {  	v2 =	vld [tilespmem:s5+$0x4010]  }
0xa31: {  	v3 =	vld [tilespmem:s5+$0x4020]  }
0xa32: {  	v4 =	vld [tilespmem:s5+$0x4030]  }
0xa33: {  	v5 =	vld [tilespmem:s5+$0x4040]  }
0xa34: {  	v6 =	vld [tilespmem:s5+$0x4050]  }
0xa35: {  	[tilespmem:s5+$0xC070] =	vst.add.f32.msk $0xffff, v0  }
0xa36: {  	v0 =	vld [tilespmem:s5+$0x4060]  }
0xa37: {  	[tilespmem:s5+$0xC000] =	vst.add.f32.msk $0xffff, v1  }
0xa38: {  	[tilespmem:s5+$0xC010] =	vst.add.f32.msk $0xffff, v2  }
0xa39: {  	[tilespmem:s5+$0xC020] =	vst.add.f32.msk $0xffff, v3  }
0xa3a: {  	[tilespmem:s5+$0xC030] =	vst.add.f32.msk $0xffff, v4  }
0xa3b: {  	[tilespmem:s5+$0xC040] =	vst.add.f32.msk $0xffff, v5  }
0xa3c: {  	s6 =	simm.s32 $0x0;
	s7 =	simm.s32 $0x200;
	[tilespmem:s5+$0xC050] =	vst.add.f32.msk $0xffff, v6  }
.LBB2_116:
0xa3d: {  	s6 =	sadd.s32 $0x80, s6;
	[tilespmem:s5+$0xC060] =	vst.add.f32.msk $0xffff, v0;
	s5 =	sshra.s32 s7, $0x2  }
0xa3e: {  	v0 =	vld [tilespmem:s5+$0x4070];
	p0 =	slt.u32 s6, $0x3F80  }
0xa3f: {  	v1 =	vld [tilespmem:s5+$0x4000]  }
0xa40: {  	v2 =	vld [tilespmem:s5+$0x4010]  }
0xa41: {  	v3 =	vld [tilespmem:s5+$0x4020]  }
0xa42: {  	v4 =	vld [tilespmem:s5+$0x4030]  }
0xa43: {  	[tilespmem:s5+$0xC070] =	vst.add.f32.msk $0xffff, v0  }
0xa44: {  	v5 =	vld [tilespmem:s5+$0x4040]  }
0xa45: {  	v6 =	vld [tilespmem:s5+$0x4050]  }
0xa46: {  	v0 =	vld [tilespmem:s5+$0x4060]  }
0xa47: {  	[tilespmem:s5+$0xC000] =	vst.add.f32.msk $0xffff, v1  }
.Ltmp57:
0xa48: {  	[tilespmem:s5+$0xC010] =	vst.add.f32.msk $0xffff, v2;
	(pc) =	sbr.rel @p0 .LBB2_116-.Ltmp57, $4  }
0xa49: {  	[tilespmem:s5+$0xC020] =	vst.add.f32.msk $0xffff, v3  }
0xa4a: {  	[tilespmem:s5+$0xC030] =	vst.add.f32.msk $0xffff, v4  }
0xa4b: {  	[tilespmem:s5+$0xC040] =	vst.add.f32.msk $0xffff, v5  }
0xa4c: {  	s7 =	sadd.s32 $0x200, s7;
	[tilespmem:s5+$0xC050] =	vst.add.f32.msk $0xffff, v6  }
0xa4d: {  	[tilespmem:s5+$0xC060] =	vst.add.f32.msk $0xffff, v0  }
0xa4e: {  	s6 =	sld [smem:$0x7F9];
	_ =	sdelay $0x1  }
0xa4f: {  	s7 =	simm.s32 $0x0  }
0xa50: {  	[hbm4b:s6+s7] =	stream.linear.scatter [tilespmem:s20], [sflag:$0x8], $0x4000, $0x38;
	[tilespmem:$0x18000] =	vst v63  }
0xa51: {  	_ =	swait.ge [sflag:s28], $0x4000  }
0xa52: {  	[sflag:s28] =	ssyncset.done $0x0  }
0xa53: {  	[sflag:s28] =	ssyncadd.s32 $0xFFFFC000  }
0xa54: {  	[tilespmem:s19], [sflag:$0x3] =	stream.linear.gather [hbm4b:s8+s7], $0x4000, $0x38;
	[tilespmem:$0x18000] =	vst v63  }
0xa55: {  	_ =	swait.ge [sflag:s29], $0x4000  }
0xa56: {  	[sflag:s29] =	ssyncset.done $0x0  }
0xa57: {  	s5 =	simm.s32 $0x0;
	[sflag:s29] =	ssyncadd.s32 $0xFFFFC000  }
0xa58: {  	v0 =	vld [tilespmem:s5+$0x4070]  }
0xa59: {  	v1 =	vld [tilespmem:s5+$0x4000]  }
0xa5a: {  	v2 =	vld [tilespmem:s5+$0x4010]  }
0xa5b: {  	v3 =	vld [tilespmem:s5+$0x4020]  }
0xa5c: {  	v4 =	vld [tilespmem:s5+$0x4030]  }
0xa5d: {  	v5 =	vld [tilespmem:s5+$0x4040]  }
0xa5e: {  	v6 =	vld [tilespmem:s5+$0x4050]  }
0xa5f: {  	[tilespmem:s5+$0x10070] =	vst.add.f32.msk $0xffff, v0  }
0xa60: {  	v0 =	vld [tilespmem:s5+$0x4060]  }
0xa61: {  	[tilespmem:s5+$0x10000] =	vst.add.f32.msk $0xffff, v1  }
0xa62: {  	[tilespmem:s5+$0x10010] =	vst.add.f32.msk $0xffff, v2  }
0xa63: {  	[tilespmem:s5+$0x10020] =	vst.add.f32.msk $0xffff, v3  }
0xa64: {  	[tilespmem:s5+$0x10030] =	vst.add.f32.msk $0xffff, v4  }
0xa65: {  	[tilespmem:s5+$0x10040] =	vst.add.f32.msk $0xffff, v5  }
0xa66: {  	s6 =	simm.s32 $0x0;
	s7 =	simm.s32 $0x200;
	[tilespmem:s5+$0x10050] =	vst.add.f32.msk $0xffff, v6  }
.LBB2_118:
0xa67: {  	s6 =	sadd.s32 $0x80, s6;
	[tilespmem:s5+$0x10060] =	vst.add.f32.msk $0xffff, v0;
	s5 =	sshra.s32 s7, $0x2  }
0xa68: {  	v0 =	vld [tilespmem:s5+$0x4070];
	p0 =	slt.u32 s6, $0x3F80  }
0xa69: {  	v1 =	vld [tilespmem:s5+$0x4000]  }
0xa6a: {  	v2 =	vld [tilespmem:s5+$0x4010]  }
0xa6b: {  	v3 =	vld [tilespmem:s5+$0x4020]  }
0xa6c: {  	v4 =	vld [tilespmem:s5+$0x4030]  }
0xa6d: {  	[tilespmem:s5+$0x10070] =	vst.add.f32.msk $0xffff, v0  }
0xa6e: {  	v5 =	vld [tilespmem:s5+$0x4040]  }
0xa6f: {  	v6 =	vld [tilespmem:s5+$0x4050]  }
0xa70: {  	v0 =	vld [tilespmem:s5+$0x4060]  }
0xa71: {  	[tilespmem:s5+$0x10000] =	vst.add.f32.msk $0xffff, v1  }
.Ltmp58:
0xa72: {  	[tilespmem:s5+$0x10010] =	vst.add.f32.msk $0xffff, v2;
	(pc) =	sbr.rel @p0 .LBB2_118-.Ltmp58, $4  }
0xa73: {  	[tilespmem:s5+$0x10020] =	vst.add.f32.msk $0xffff, v3  }
0xa74: {  	[tilespmem:s5+$0x10030] =	vst.add.f32.msk $0xffff, v4  }
0xa75: {  	[tilespmem:s5+$0x10040] =	vst.add.f32.msk $0xffff, v5  }
0xa76: {  	s7 =	sadd.s32 $0x200, s7;
	[tilespmem:s5+$0x10050] =	vst.add.f32.msk $0xffff, v6  }
0xa77: {  	[tilespmem:s5+$0x10060] =	vst.add.f32.msk $0xffff, v0  }
0xa78: {  	s6 =	sld [smem:$0x7FB];
	_ =	sdelay $0x1  }
0xa79: {  	s7 =	simm.s32 $0x0  }
0xa7a: {  	[hbm4b:s6+s7] =	stream.linear.scatter [tilespmem:s23], [sflag:$0x9], $0x4000, $0x38;
	[tilespmem:$0x18000] =	vst v63  }
0xa7b: {  	_ =	swait.ge [sflag:s30], $0x4000  }
0xa7c: {  	[sflag:s30] =	ssyncset.done $0x0  }
0xa7d: {  	[sflag:s30] =	ssyncadd.s32 $0xFFFFC000  }
0xa7e: {  	[tilespmem:s20], [sflag:$0x4] =	stream.linear.gather [hbm4b:s12+s7], $0x4000, $0x38;
	[tilespmem:$0x18000] =	vst v63  }
0xa7f: {  	_ =	swait.ge [sflag:s31], $0x4000  }
0xa80: {  	[sflag:s31] =	ssyncset.done $0x0  }
0xa81: {  	s5 =	simm.s32 $0x0;
	[sflag:s31] =	ssyncadd.s32 $0xFFFFC000  }
0xa82: {  	v0 =	vld [tilespmem:s5+$0x4070]  }
0xa83: {  	v1 =	vld [tilespmem:s5+$0x4000]  }
0xa84: {  	v2 =	vld [tilespmem:s5+$0x4010]  }
0xa85: {  	v3 =	vld [tilespmem:s5+$0x4020]  }
0xa86: {  	v4 =	vld [tilespmem:s5+$0x4030]  }
0xa87: {  	v5 =	vld [tilespmem:s5+$0x4040]  }
0xa88: {  	v6 =	vld [tilespmem:s5+$0x4050]  }
0xa89: {  	[tilespmem:s5+$0x14070] =	vst.add.f32.msk $0xffff, v0  }
0xa8a: {  	v0 =	vld [tilespmem:s5+$0x4060]  }
0xa8b: {  	[tilespmem:s5+$0x14000] =	vst.add.f32.msk $0xffff, v1  }
0xa8c: {  	[tilespmem:s5+$0x14010] =	vst.add.f32.msk $0xffff, v2  }
0xa8d: {  	[tilespmem:s5+$0x14020] =	vst.add.f32.msk $0xffff, v3  }
0xa8e: {  	[tilespmem:s5+$0x14030] =	vst.add.f32.msk $0xffff, v4  }
0xa8f: {  	[tilespmem:s5+$0x14040] =	vst.add.f32.msk $0xffff, v5  }
0xa90: {  	s6 =	simm.s32 $0x0;
	s7 =	simm.s32 $0x200;
	[tilespmem:s5+$0x14050] =	vst.add.f32.msk $0xffff, v6  }
.LBB2_120:
0xa91: {  	s6 =	sadd.s32 $0x80, s6;
	[tilespmem:s5+$0x14060] =	vst.add.f32.msk $0xffff, v0;
	s5 =	sshra.s32 s7, $0x2  }
0xa92: {  	v0 =	vld [tilespmem:s5+$0x4070];
	p0 =	slt.u32 s6, $0x3F80  }
0xa93: {  	v1 =	vld [tilespmem:s5+$0x4000]  }
0xa94: {  	v2 =	vld [tilespmem:s5+$0x4010]  }
0xa95: {  	v3 =	vld [tilespmem:s5+$0x4020]  }
0xa96: {  	v4 =	vld [tilespmem:s5+$0x4030]  }
0xa97: {  	[tilespmem:s5+$0x14070] =	vst.add.f32.msk $0xffff, v0  }
0xa98: {  	v5 =	vld [tilespmem:s5+$0x4040]  }
0xa99: {  	v6 =	vld [tilespmem:s5+$0x4050]  }
0xa9a: {  	v0 =	vld [tilespmem:s5+$0x4060]  }
0xa9b: {  	[tilespmem:s5+$0x14000] =	vst.add.f32.msk $0xffff, v1  }
.Ltmp59:
0xa9c: {  	[tilespmem:s5+$0x14010] =	vst.add.f32.msk $0xffff, v2;
	(pc) =	sbr.rel @p0 .LBB2_120-.Ltmp59, $4  }
0xa9d: {  	[tilespmem:s5+$0x14020] =	vst.add.f32.msk $0xffff, v3  }
0xa9e: {  	[tilespmem:s5+$0x14030] =	vst.add.f32.msk $0xffff, v4  }
0xa9f: {  	[tilespmem:s5+$0x14040] =	vst.add.f32.msk $0xffff, v5  }
0xaa0: {  	s7 =	sadd.s32 $0x200, s7;
	[tilespmem:s5+$0x14050] =	vst.add.f32.msk $0xffff, v6  }
0xaa1: {  	[tilespmem:s5+$0x14060] =	vst.add.f32.msk $0xffff, v0  }
0xaa2: {  	s6 =	sld [smem:$0x7FD];
	_ =	sdelay $0x1  }
0xaa3: {  	s7 =	simm.s32 $0x0  }
0xaa4: {  	[hbm4b:s6+s7] =	stream.linear.scatter [tilespmem:s25], [sflag:$0xA], $0x4000, $0x38;
	[tilespmem:$0x18000] =	vst v63  }
0xaa5: {  	_ =	swait.ge [sflag:s0], $0x4000  }
0xaa6: {  	[sflag:s0] =	ssyncset.done $0x0  }
0xaa7: {  	[sflag:s0] =	ssyncadd.s32 $0xFFFFC000  }
0xaa8: {  	[tilespmem:s23], [sflag:$0x5] =	stream.linear.gather [hbm4b:s13+s7], $0x4000, $0x38;
	[tilespmem:$0x18000] =	vst v63  }
0xaa9: {  	_ =	swait.ge [sflag:s24], $0x4000  }
0xaaa: {  	[sflag:s24] =	ssyncset.done $0x0  }
0xaab: {  	s5 =	simm.s32 $0x0;
	[sflag:s24] =	ssyncadd.s32 $0xFFFFC000  }
0xaac: {  	v0 =	vld [tilespmem:s5+$0x4070]  }
0xaad: {  	v1 =	vld [tilespmem:s5+$0x4000]  }
0xaae: {  	v2 =	vld [tilespmem:s5+$0x4010]  }
0xaaf: {  	v3 =	vld [tilespmem:s5+$0x4020]  }
0xab0: {  	v4 =	vld [tilespmem:s5+$0x4030]  }
0xab1: {  	v5 =	vld [tilespmem:s5+$0x4040]  }
0xab2: {  	v6 =	vld [tilespmem:s5+$0x4050]  }
0xab3: {  	[tilespmem:s5+$0x8070] =	vst.add.f32.msk $0xffff, v0  }
0xab4: {  	v0 =	vld [tilespmem:s5+$0x4060]  }
0xab5: {  	[tilespmem:s5+$0x8000] =	vst.add.f32.msk $0xffff, v1  }
0xab6: {  	[tilespmem:s5+$0x8010] =	vst.add.f32.msk $0xffff, v2  }
0xab7: {  	[tilespmem:s5+$0x8020] =	vst.add.f32.msk $0xffff, v3  }
0xab8: {  	[tilespmem:s5+$0x8030] =	vst.add.f32.msk $0xffff, v4  }
0xab9: {  	[tilespmem:s5+$0x8040] =	vst.add.f32.msk $0xffff, v5  }
0xaba: {  	s6 =	simm.s32 $0x0;
	s7 =	simm.s32 $0x200;
	[tilespmem:s5+$0x8050] =	vst.add.f32.msk $0xffff, v6  }
.LBB2_122:
0xabb: {  	s6 =	sadd.s32 $0x80, s6;
	[tilespmem:s5+$0x8060] =	vst.add.f32.msk $0xffff, v0;
	s5 =	sshra.s32 s7, $0x2  }
0xabc: {  	v0 =	vld [tilespmem:s5+$0x4070];
	p0 =	slt.u32 s6, $0x3F80  }
0xabd: {  	v1 =	vld [tilespmem:s5+$0x4000]  }
0xabe: {  	v2 =	vld [tilespmem:s5+$0x4010]  }
0xabf: {  	v3 =	vld [tilespmem:s5+$0x4020]  }
0xac0: {  	v4 =	vld [tilespmem:s5+$0x4030]  }
0xac1: {  	[tilespmem:s5+$0x8070] =	vst.add.f32.msk $0xffff, v0  }
0xac2: {  	v5 =	vld [tilespmem:s5+$0x4040]  }
0xac3: {  	v6 =	vld [tilespmem:s5+$0x4050]  }
0xac4: {  	v0 =	vld [tilespmem:s5+$0x4060]  }
0xac5: {  	[tilespmem:s5+$0x8000] =	vst.add.f32.msk $0xffff, v1  }
.Ltmp60:
0xac6: {  	[tilespmem:s5+$0x8010] =	vst.add.f32.msk $0xffff, v2;
	(pc) =	sbr.rel @p0 .LBB2_122-.Ltmp60, $4  }
0xac7: {  	[tilespmem:s5+$0x8020] =	vst.add.f32.msk $0xffff, v3  }
0xac8: {  	[tilespmem:s5+$0x8030] =	vst.add.f32.msk $0xffff, v4  }
0xac9: {  	[tilespmem:s5+$0x8040] =	vst.add.f32.msk $0xffff, v5  }
0xaca: {  	s7 =	sadd.s32 $0x200, s7;
	[tilespmem:s5+$0x8050] =	vst.add.f32.msk $0xffff, v6  }
0xacb: {  	[tilespmem:s5+$0x8060] =	vst.add.f32.msk $0xffff, v0;
	s7 =	simm.s32 $0x0  }
0xacc: {  	[hbm4b:s9+s7] =	stream.linear.scatter [tilespmem:s19], [sflag:$0x7], $0x4000, $0x38;
	[tilespmem:$0x18000] =	vst v63  }
0xacd: {  	_ =	swait.ge [sflag:s2], $0x4000  }
0xace: {  	[sflag:s2] =	ssyncset.done $0x0  }
0xacf: {  	[sflag:s2] =	ssyncadd.s32 $0xFFFFC000  }
0xad0: {  	[tilespmem:s25], [sflag:$0x6] =	stream.linear.gather [hbm4b:s14+s7], $0x4000, $0x38;
	[tilespmem:$0x18000] =	vst v63  }
0xad1: {  	_ =	swait.ge [sflag:s26], $0x4000  }
0xad2: {  	[sflag:s26] =	ssyncset.done $0x0  }
0xad3: {  	s5 =	simm.s32 $0x0;
	[sflag:s26] =	ssyncadd.s32 $0xFFFFC000  }
0xad4: {  	v0 =	vld [tilespmem:s5+$0x4070]  }
0xad5: {  	v1 =	vld [tilespmem:s5+$0x4000]  }
0xad6: {  	v2 =	vld [tilespmem:s5+$0x4010]  }
0xad7: {  	v3 =	vld [tilespmem:s5+$0x4020]  }
0xad8: {  	v4 =	vld [tilespmem:s5+$0x4030]  }
0xad9: {  	v5 =	vld [tilespmem:s5+$0x4040]  }
0xada: {  	v6 =	vld [tilespmem:s5+$0x4050]  }
0xadb: {  	[tilespmem:s5+$0xC070] =	vst.add.f32.msk $0xffff, v0  }
0xadc: {  	v0 =	vld [tilespmem:s5+$0x4060]  }
0xadd: {  	[tilespmem:s5+$0xC000] =	vst.add.f32.msk $0xffff, v1  }
0xade: {  	[tilespmem:s5+$0xC010] =	vst.add.f32.msk $0xffff, v2  }
0xadf: {  	[tilespmem:s5+$0xC020] =	vst.add.f32.msk $0xffff, v3  }
0xae0: {  	[tilespmem:s5+$0xC030] =	vst.add.f32.msk $0xffff, v4  }
0xae1: {  	[tilespmem:s5+$0xC040] =	vst.add.f32.msk $0xffff, v5  }
0xae2: {  	s6 =	simm.s32 $0x0;
	s7 =	simm.s32 $0x200;
	[tilespmem:s5+$0xC050] =	vst.add.f32.msk $0xffff, v6  }
.LBB2_124:
0xae3: {  	s6 =	sadd.s32 $0x80, s6;
	[tilespmem:s5+$0xC060] =	vst.add.f32.msk $0xffff, v0;
	s5 =	sshra.s32 s7, $0x2  }
0xae4: {  	v0 =	vld [tilespmem:s5+$0x4070];
	p0 =	slt.u32 s6, $0x3F80  }
0xae5: {  	v1 =	vld [tilespmem:s5+$0x4000]  }
0xae6: {  	v2 =	vld [tilespmem:s5+$0x4010]  }
0xae7: {  	v3 =	vld [tilespmem:s5+$0x4020]  }
0xae8: {  	v4 =	vld [tilespmem:s5+$0x4030]  }
0xae9: {  	[tilespmem:s5+$0xC070] =	vst.add.f32.msk $0xffff, v0  }
0xaea: {  	v5 =	vld [tilespmem:s5+$0x4040]  }
0xaeb: {  	v6 =	vld [tilespmem:s5+$0x4050]  }
0xaec: {  	v0 =	vld [tilespmem:s5+$0x4060]  }
0xaed: {  	[tilespmem:s5+$0xC000] =	vst.add.f32.msk $0xffff, v1  }
.Ltmp61:
0xaee: {  	[tilespmem:s5+$0xC010] =	vst.add.f32.msk $0xffff, v2;
	(pc) =	sbr.rel @p0 .LBB2_124-.Ltmp61, $4  }
0xaef: {  	[tilespmem:s5+$0xC020] =	vst.add.f32.msk $0xffff, v3  }
0xaf0: {  	[tilespmem:s5+$0xC030] =	vst.add.f32.msk $0xffff, v4  }
0xaf1: {  	[tilespmem:s5+$0xC040] =	vst.add.f32.msk $0xffff, v5  }
0xaf2: {  	s7 =	sadd.s32 $0x200, s7;
	[tilespmem:s5+$0xC050] =	vst.add.f32.msk $0xffff, v6  }
0xaf3: {  	[tilespmem:s5+$0xC060] =	vst.add.f32.msk $0xffff, v0;
	s7 =	simm.s32 $0x0  }
0xaf4: {  	[hbm4b:s15+s7] =	stream.linear.scatter [tilespmem:s20], [sflag:$0x8], $0x4000, $0x38;
	[tilespmem:$0x18000] =	vst v63  }
0xaf5: {  	_ =	swait.ge [sflag:s29], $0x4000  }
0xaf6: {  	[sflag:s29] =	ssyncset.done $0x0  }
0xaf7: {  	s5 =	simm.s32 $0x0;
	[sflag:s29] =	ssyncadd.s32 $0xFFFFC000  }
0xaf8: {  	v0 =	vld [tilespmem:s5+$0x4070]  }
0xaf9: {  	v1 =	vld [tilespmem:s5+$0x4000]  }
0xafa: {  	v2 =	vld [tilespmem:s5+$0x4010]  }
0xafb: {  	v3 =	vld [tilespmem:s5+$0x4020]  }
0xafc: {  	v4 =	vld [tilespmem:s5+$0x4030]  }
0xafd: {  	v5 =	vld [tilespmem:s5+$0x4040]  }
0xafe: {  	v6 =	vld [tilespmem:s5+$0x4050]  }
0xaff: {  	[tilespmem:s5+$0x10070] =	vst.add.f32.msk $0xffff, v0  }
0xb00: {  	v0 =	vld [tilespmem:s5+$0x4060]  }
0xb01: {  	[tilespmem:s5+$0x10000] =	vst.add.f32.msk $0xffff, v1  }
0xb02: {  	[tilespmem:s5+$0x10010] =	vst.add.f32.msk $0xffff, v2  }
0xb03: {  	[tilespmem:s5+$0x10020] =	vst.add.f32.msk $0xffff, v3  }
0xb04: {  	[tilespmem:s5+$0x10030] =	vst.add.f32.msk $0xffff, v4  }
0xb05: {  	[tilespmem:s5+$0x10040] =	vst.add.f32.msk $0xffff, v5  }
0xb06: {  	s6 =	simm.s32 $0x0;
	s7 =	simm.s32 $0x200;
	[tilespmem:s5+$0x10050] =	vst.add.f32.msk $0xffff, v6  }
.LBB2_126:
0xb07: {  	s6 =	sadd.s32 $0x80, s6;
	[tilespmem:s5+$0x10060] =	vst.add.f32.msk $0xffff, v0;
	s5 =	sshra.s32 s7, $0x2  }
0xb08: {  	v0 =	vld [tilespmem:s5+$0x4070];
	p0 =	slt.u32 s6, $0x3F80  }
0xb09: {  	v1 =	vld [tilespmem:s5+$0x4000]  }
0xb0a: {  	v2 =	vld [tilespmem:s5+$0x4010]  }
0xb0b: {  	v3 =	vld [tilespmem:s5+$0x4020]  }
0xb0c: {  	v4 =	vld [tilespmem:s5+$0x4030]  }
0xb0d: {  	[tilespmem:s5+$0x10070] =	vst.add.f32.msk $0xffff, v0  }
0xb0e: {  	v5 =	vld [tilespmem:s5+$0x4040]  }
0xb0f: {  	v6 =	vld [tilespmem:s5+$0x4050]  }
0xb10: {  	v0 =	vld [tilespmem:s5+$0x4060]  }
0xb11: {  	[tilespmem:s5+$0x10000] =	vst.add.f32.msk $0xffff, v1  }
.Ltmp62:
0xb12: {  	[tilespmem:s5+$0x10010] =	vst.add.f32.msk $0xffff, v2;
	(pc) =	sbr.rel @p0 .LBB2_126-.Ltmp62, $4  }
0xb13: {  	[tilespmem:s5+$0x10020] =	vst.add.f32.msk $0xffff, v3  }
0xb14: {  	[tilespmem:s5+$0x10030] =	vst.add.f32.msk $0xffff, v4  }
0xb15: {  	[tilespmem:s5+$0x10040] =	vst.add.f32.msk $0xffff, v5  }
0xb16: {  	s7 =	sadd.s32 $0x200, s7;
	[tilespmem:s5+$0x10050] =	vst.add.f32.msk $0xffff, v6  }
0xb17: {  	[tilespmem:s5+$0x10060] =	vst.add.f32.msk $0xffff, v0;
	s7 =	simm.s32 $0x0  }
0xb18: {  	[hbm4b:s16+s7] =	stream.linear.scatter [tilespmem:s23], [sflag:$0x9], $0x4000, $0x38;
	[tilespmem:$0x18000] =	vst v63  }
0xb19: {  	_ =	swait.ge [sflag:s31], $0x4000  }
0xb1a: {  	[sflag:s31] =	ssyncset.done $0x0  }
0xb1b: {  	s5 =	simm.s32 $0x0;
	[sflag:s31] =	ssyncadd.s32 $0xFFFFC000  }
0xb1c: {  	v0 =	vld [tilespmem:s5+$0x4070]  }
0xb1d: {  	v1 =	vld [tilespmem:s5+$0x4000]  }
0xb1e: {  	v2 =	vld [tilespmem:s5+$0x4010]  }
0xb1f: {  	v3 =	vld [tilespmem:s5+$0x4020]  }
0xb20: {  	v4 =	vld [tilespmem:s5+$0x4030]  }
0xb21: {  	v5 =	vld [tilespmem:s5+$0x4040]  }
0xb22: {  	v6 =	vld [tilespmem:s5+$0x4050]  }
0xb23: {  	[tilespmem:s5+$0x14070] =	vst.add.f32.msk $0xffff, v0  }
0xb24: {  	v0 =	vld [tilespmem:s5+$0x4060]  }
0xb25: {  	[tilespmem:s5+$0x14000] =	vst.add.f32.msk $0xffff, v1  }
0xb26: {  	[tilespmem:s5+$0x14010] =	vst.add.f32.msk $0xffff, v2  }
0xb27: {  	[tilespmem:s5+$0x14020] =	vst.add.f32.msk $0xffff, v3  }
0xb28: {  	[tilespmem:s5+$0x14030] =	vst.add.f32.msk $0xffff, v4  }
0xb29: {  	[tilespmem:s5+$0x14040] =	vst.add.f32.msk $0xffff, v5  }
0xb2a: {  	s6 =	simm.s32 $0x0;
	s7 =	simm.s32 $0x200;
	[tilespmem:s5+$0x14050] =	vst.add.f32.msk $0xffff, v6  }
.LBB2_128:
0xb2b: {  	s6 =	sadd.s32 $0x80, s6;
	[tilespmem:s5+$0x14060] =	vst.add.f32.msk $0xffff, v0;
	s5 =	sshra.s32 s7, $0x2  }
0xb2c: {  	v0 =	vld [tilespmem:s5+$0x4070];
	p0 =	slt.u32 s6, $0x3F80  }
0xb2d: {  	v1 =	vld [tilespmem:s5+$0x4000]  }
0xb2e: {  	v2 =	vld [tilespmem:s5+$0x4010]  }
0xb2f: {  	v3 =	vld [tilespmem:s5+$0x4020]  }
0xb30: {  	v4 =	vld [tilespmem:s5+$0x4030]  }
0xb31: {  	[tilespmem:s5+$0x14070] =	vst.add.f32.msk $0xffff, v0  }
0xb32: {  	v5 =	vld [tilespmem:s5+$0x4040]  }
0xb33: {  	v6 =	vld [tilespmem:s5+$0x4050]  }
0xb34: {  	v0 =	vld [tilespmem:s5+$0x4060]  }
0xb35: {  	[tilespmem:s5+$0x14000] =	vst.add.f32.msk $0xffff, v1  }
.Ltmp63:
0xb36: {  	[tilespmem:s5+$0x14010] =	vst.add.f32.msk $0xffff, v2;
	(pc) =	sbr.rel @p0 .LBB2_128-.Ltmp63, $4  }
0xb37: {  	[tilespmem:s5+$0x14020] =	vst.add.f32.msk $0xffff, v3  }
0xb38: {  	[tilespmem:s5+$0x14030] =	vst.add.f32.msk $0xffff, v4  }
0xb39: {  	[tilespmem:s5+$0x14040] =	vst.add.f32.msk $0xffff, v5  }
0xb3a: {  	s7 =	sadd.s32 $0x200, s7;
	[tilespmem:s5+$0x14050] =	vst.add.f32.msk $0xffff, v6  }
0xb3b: {  	[tilespmem:s5+$0x14060] =	vst.add.f32.msk $0xffff, v0  }
0xb3c: {  	[hbm4b:s17+s1] =	stream.linear.scatter [tilespmem:s25], [sflag:$0xA], $0x4000, $0x38;
	[tilespmem:$0x18000] =	vst v63  }
0xb3d: {  	_ =	swait.ge [sflag:s28], $0x4000  }
0xb3e: {  	[sflag:s28] =	ssyncset.done $0x0  }
0xb3f: {  	[sflag:s28] =	ssyncadd.s32 $0xFFFFC000  }
0xb40: {  	_ =	swait.ge [sflag:s30], $0x4000  }
0xb41: {  	[sflag:s30] =	ssyncset.done $0x0  }
0xb42: {  	s4 =	sadd.s32 $0x1, s4;
	[sflag:s30] =	ssyncadd.s32 $0xFFFFC000  }
0xb43: {  	p0 =	sne.s32 s4, s18;
	_ =	swait.ge [sflag:s0], $0x4000  }
.Ltmp64:
0xb44: {  	[sflag:s0] =	ssyncset.done $0x0;
	(pc) =	sbr.rel @p0 .LBB2_1-.Ltmp64, $4  }
0xb45: {  	[sflag:s0] =	ssyncadd.s32 $0xFFFFC000  }
0xb46: {  	_ =	swait.ge [sflag:s2], $0x4000  }
0xb47: {  	[sflag:s2] =	ssyncset.done $0x0  }
0xb48: {  	[sflag:s2] =	ssyncadd.s32 $0xFFFFC000  }
0xb49: {  	_ =	sfence.sel $0x180000  }
0xb4a: {  	[bflag:$0x0] =	sbarrier.arrive $0xFFFF  }
0xb4b: {  	_ =	strace $0x90000047  }
0xb4c: {  	s0 =	stileid.u32;
	[bflag:$0x2] =	sbarrier.arrive $0xFFFF  }
0xb4d: {  	p0 =	sne.s32 s0, $0x0;
	s0 =	rddreg [dreg:$0x3]  }
0xb4e: {  	s0 =	sadd.s32 @!p0 $0x100000, s0  }
0xb4f: {  	[sflag:s0] =	ssyncadd.tile.s32 @!p0 $0x1;
	_ =	shalt  }
.Lfunc_end2:
_tile_overlayer_lowered:
.L_overlay_start_2:
0xb50: {  	(tag) =	ssettag $0x2  }
0xb51: {  	s0 =	rddreg [dreg:$0x0];
	s2 =	stileid.u32  }
0xb52: {  	s1 =	rddreg [dreg:$0x1];
	p0 =	sne.s32 s2, $0x0  }
0xb53: {  	s3 =	rddreg [dreg:$0x2];
	[bflag:$0x3] =	sbarrier.arrive $0xFFFF;
	s2 =	simm.s32 @!p0 $0x1C0B  }
0xb54: {  	[timem:s3], [sflag:s2] =	dma.local @!p0 [hbm:s0], s1  }
0xb55: {  	s0 =	simm.s32 @!p0 $0xB  }
0xb56: {  	_ =	swait.ge @!p0 [sflag:s0], s1  }
0xb57: {  	s1 =	ssub.s32 @!p0 $0x0, s1;
	[sflag:s0] =	ssyncset.done @!p0 $0x0  }
0xb58: {  	[sflag:s0] =	ssyncadd.s32 @!p0 s1  }
0xb59: {  	[bflag:$0x3] =	sbarrier.arrive $0xFFFF  }
0xb5a: {  	_ =	shalt  }

</sc_bundles>
